<compile_context>
chip_gen: v7x
topology: tpu7x:2x2x1
jax: 0.10.2.dev20260603
libtpu: 0.0.44.dev20260713+nightly
codegen_flags: <defaults>
</compile_context>

<pallas_src>
import functools

import jax
import jax.numpy as jnp
from jax import lax
from jax.experimental import pallas as pl
from jax.experimental.pallas import tpu as pltpu
from jax.experimental.pallas import tpu_sc as plsc

N = 10000
E = 320000
D_IN = 128
EMB = 64
H = 8
C = 8
L = 4
HP = 16

BN = 1000
BE = 4000

NC = 2
NS = 16
EPT = E // (NC * NS)
CK = 80
NCH = EPT // CK
RZ = 80
NRCH = N // RZ



def _pre_kernel(x, lin_W, lin_b, W0, Ms, Md):
  def body(x_r, W_r, b_r, W0_r, Ms_r, Md_r, nt_o):
    h = jnp.dot(x_r[...], W_r[...], preferred_element_type=jnp.float32)
    h = h + b_r[...]
    hl = jnp.dot(h, W0_r[...], preferred_element_type=jnp.float32)
    a_s = jnp.dot(hl, Ms_r[...], preferred_element_type=jnp.float32)
    a_d = jnp.dot(hl, Md_r[...], preferred_element_type=jnp.float32)
    nt_o[...] = jnp.concatenate([hl, a_s, a_d], axis=1)

  return pl.pallas_call(
      body,
      grid=(N // BN,),
      in_specs=[
          pl.BlockSpec((BN, D_IN), lambda i: (i, 0)),
          pl.BlockSpec((D_IN, EMB), lambda i: (0, 0)),
          pl.BlockSpec((1, EMB), lambda i: (0, 0)),
          pl.BlockSpec((EMB, EMB), lambda i: (0, 0)),
          pl.BlockSpec((EMB, HP), lambda i: (0, 0)),
          pl.BlockSpec((EMB, HP), lambda i: (0, 0)),
      ],
      out_specs=pl.BlockSpec((BN, 96), lambda i: (i, 0)),
      out_shape=jax.ShapeDtypeStruct((N, 96), jnp.float32),
  )(x, lin_W, lin_b, W0, Ms, Md)


def _aedge_kernel(edge_attr, Wae):
  def body(ea_r, W_r, o_r):
    o_r[...] = jnp.dot(ea_r[...], W_r[...], preferred_element_type=jnp.float32)

  return pl.pallas_call(
      body,
      grid=(E // BE,),
      in_specs=[
          pl.BlockSpec((BE, 16), lambda i: (i, 0)),
          pl.BlockSpec((16, L * HP), lambda i: (0, 0)),
      ],
      out_specs=pl.BlockSpec((BE, L * HP), lambda i: (i, 0)),
      out_shape=jax.ShapeDtypeStruct((E, L * HP), jnp.float32),
  )(edge_attr, Wae)


def _mid_kernel(p0, p1, ExpM, cb, Wn, Ms, Md):
  def body(p0_r, p1_r, E_r, cb_r, Wn_r, Ms_r, Md_r, nt_o):
    a0_r = p0_r[:, 0:64]
    a1_r = p1_r[:, 0:64]
    den = p0_r[:, 64:80] + p1_r[:, 64:80]
    rden = 1.0 / (den + 1e-16)
    rex = jnp.dot(rden, E_r[...], preferred_element_type=jnp.float32)
    h = (a0_r + a1_r) * rex + cb_r[...]
    hl = jnp.dot(h, Wn_r[...], preferred_element_type=jnp.float32)
    a_s = jnp.dot(hl, Ms_r[...], preferred_element_type=jnp.float32)
    a_d = jnp.dot(hl, Md_r[...], preferred_element_type=jnp.float32)
    nt_o[...] = jnp.concatenate([hl, a_s, a_d], axis=1)

  return pl.pallas_call(
      body,
      grid=(N // BN,),
      in_specs=[
          pl.BlockSpec((BN, 80), lambda i: (i, 0)),
          pl.BlockSpec((BN, 80), lambda i: (i, 0)),
          pl.BlockSpec((HP, EMB), lambda i: (0, 0)),
          pl.BlockSpec((1, EMB), lambda i: (0, 0)),
          pl.BlockSpec((EMB, EMB), lambda i: (0, 0)),
          pl.BlockSpec((EMB, HP), lambda i: (0, 0)),
          pl.BlockSpec((EMB, HP), lambda i: (0, 0)),
      ],
      out_specs=pl.BlockSpec((BN, 96), lambda i: (i, 0)),
      out_shape=jax.ShapeDtypeStruct((N, 96), jnp.float32),
  )(p0, p1, ExpM, cb, Wn, Ms, Md)


def _final_kernel(p0, p1, ExpM, cb, pW, pb):
  def body(p0_r, p1_r, E_r, cb_r, pW_r, pb_r, o_r):
    den = p0_r[:, 64:80] + p1_r[:, 64:80]
    rden = 1.0 / (den + 1e-16)
    rex = jnp.dot(rden, E_r[...], preferred_element_type=jnp.float32)
    h = (p0_r[:, 0:64] + p1_r[:, 0:64]) * rex + cb_r[...]
    o_r[...] = jnp.dot(h, pW_r[...], preferred_element_type=jnp.float32) + pb_r[...]

  return pl.pallas_call(
      body,
      grid=(N // BN,),
      in_specs=[
          pl.BlockSpec((BN, 80), lambda i: (i, 0)),
          pl.BlockSpec((BN, 80), lambda i: (i, 0)),
          pl.BlockSpec((HP, EMB), lambda i: (0, 0)),
          pl.BlockSpec((1, EMB), lambda i: (0, 0)),
          pl.BlockSpec((EMB, 8), lambda i: (0, 0)),
          pl.BlockSpec((1, 8), lambda i: (0, 0)),
      ],
      out_specs=pl.BlockSpec((BN, 8), lambda i: (i, 0)),
      out_shape=jax.ShapeDtypeStruct((N, 8), jnp.float32),
  )(p0, p1, ExpM, cb, pW, pb)



def _edge_tc(srar, drar, ae, ExpM):
  def body(s_r, d_r, ae_r, E_r, o_r):
    v = s_r[:, 64:80] + d_r[:, 80:96] + ae_r[...]
    v = jnp.where(v > 0.0, v, 0.2 * v)
    ev = jnp.exp(v)
    rep = jnp.dot(ev, E_r[...], preferred_element_type=jnp.float32)
    o_r[...] = jnp.concatenate([s_r[:, 0:64] * rep, ev], axis=1)

  return pl.pallas_call(
      body,
      grid=(E // BE,),
      in_specs=[
          pl.BlockSpec((BE, 96), lambda i: (i, 0)),
          pl.BlockSpec((BE, 96), lambda i: (i, 0)),
          pl.BlockSpec((BE, HP), lambda i: (i, 0)),
          pl.BlockSpec((HP, EMB), lambda i: (0, 0)),
      ],
      out_specs=pl.BlockSpec((BE, 80), lambda i: (i, 0)),
      out_shape=jax.ShapeDtypeStruct((E, 80), jnp.float32),
  )(srar, drar, ae, ExpM)



NTC = N // RZ


def _sc_gather_body(nt_h, src_h, dst_h, sr_o, dr_o,
                    srcidx, dstidx, srows, drows, nt_sh, sem):
  c = lax.axis_index("c")
  s = lax.axis_index("s")
  wid = c * NS + s

  for k in range((NTC + NS - 1) // NS):
    cid = s + NS * k
    if (k + 1) * NS <= NTC:
      pltpu.sync_copy(nt_h.at[pl.ds(cid * RZ, RZ)],
                      nt_sh.at[pl.ds(cid * RZ, RZ)])
    else:
      @pl.when(cid < NTC)
      def _():
        pltpu.sync_copy(nt_h.at[pl.ds(cid * RZ, RZ)],
                        nt_sh.at[pl.ds(cid * RZ, RZ)])
  plsc.subcore_barrier()

  ebase = wid * EPT

  def chunk(i, carry):
    b0 = ebase + i * CK
    pltpu.sync_copy(src_h.at[pl.ds(b0, CK)], srcidx)
    pltpu.sync_copy(dst_h.at[pl.ds(b0, CK)], dstidx)
    cp1 = pltpu.async_copy(nt_sh.at[srcidx], srows, sem)
    cp2 = pltpu.async_copy(nt_sh.at[dstidx], drows, sem)
    cp1.wait()
    cp2.wait()
    pltpu.sync_copy(srows, sr_o.at[pl.ds(b0, CK)])
    pltpu.sync_copy(drows, dr_o.at[pl.ds(b0, CK)])
    return carry
  lax.fori_loop(0, NCH, chunk, None)


@functools.cache
def _sc_gather_call():
  return pl.kernel(
      _sc_gather_body,
      out_type=[
          jax.ShapeDtypeStruct((E, 96), jnp.float32),
          jax.ShapeDtypeStruct((E, 96), jnp.float32),
      ],
      mesh=plsc.VectorSubcoreMesh(core_axis_name="c", subcore_axis_name="s",
                                  num_cores=NC, num_subcores=NS),
      scratch_types=[
          pltpu.VMEM((CK,), jnp.int32),
          pltpu.VMEM((CK,), jnp.int32),
          pltpu.VMEM((CK, 96), jnp.float32),
          pltpu.VMEM((CK, 96), jnp.float32),
          pltpu.VMEM_SHARED((N, 96), jnp.float32),
          pltpu.SemaphoreType.DMA,
      ],
  )


def _sc_scatter_body(msg_h, dst_h, zr_h, acc_o,
                     dstidx, msgb, acc_sh, sem):
  c = lax.axis_index("c")
  s = lax.axis_index("s")
  wid = c * NS + s

  for k in range((NTC + NS - 1) // NS):
    cid = s + NS * k
    if (k + 1) * NS <= NTC:
      pltpu.sync_copy(zr_h, acc_sh.at[pl.ds(cid * RZ, RZ)])
    else:
      @pl.when(cid < NTC)
      def _():
        pltpu.sync_copy(zr_h, acc_sh.at[pl.ds(cid * RZ, RZ)])
  plsc.subcore_barrier()

  ebase = wid * EPT

  def chunk(i, carry):
    b0 = ebase + i * CK
    pltpu.sync_copy(dst_h.at[pl.ds(b0, CK)], dstidx)
    pltpu.sync_copy(msg_h.at[pl.ds(b0, CK)], msgb)
    pltpu.sync_copy(msgb, acc_sh.at[dstidx], add=True)
    return carry
  lax.fori_loop(0, NCH, chunk, None)

  plsc.subcore_barrier()
  for k in range((NTC + NS - 1) // NS):
    cid = s + NS * k
    if (k + 1) * NS <= NTC:
      rr = cid * RZ
      pltpu.sync_copy(acc_sh.at[pl.ds(rr, RZ)], acc_o.at[c, pl.ds(rr, RZ)])
    else:
      @pl.when(cid < NTC)
      def _():
        rr = cid * RZ
        pltpu.sync_copy(acc_sh.at[pl.ds(rr, RZ)], acc_o.at[c, pl.ds(rr, RZ)])


@functools.cache
def _sc_scatter_call():
  return pl.kernel(
      _sc_scatter_body,
      out_type=jax.ShapeDtypeStruct((NC, N, 80), jnp.float32),
      mesh=plsc.VectorSubcoreMesh(core_axis_name="c", subcore_axis_name="s",
                                  num_cores=NC, num_subcores=NS),
      scratch_types=[
          pltpu.VMEM((CK,), jnp.int32),
          pltpu.VMEM((CK, 80), jnp.float32),
          pltpu.VMEM_SHARED((N, 80), jnp.float32),
          pltpu.SemaphoreType.DMA,
      ],
  )


def _sc_edge(nt, ae_l, src32, dst32, zr):
  sr, dr = _sc_gather_call()(nt, src32, dst32)
  msg = _edge_tc(sr, dr, ae_l, jnp.concatenate(
      [jnp.kron(jnp.eye(H, dtype=jnp.float32), jnp.ones((1, C), jnp.float32)),
       jnp.zeros((H, EMB), jnp.float32)], axis=0))
  return _sc_scatter_call()(msg, dst32, zr)



def kernel(x, edge_index, edge_attr, lin_in_W, lin_in_b, conv_W, att_src,
           att_dst, edge_W, att_edge, conv_b, pred_W, pred_b):
  f32 = jnp.float32
  src32 = edge_index[0].astype(jnp.int32)
  dst32 = edge_index[1].astype(jnp.int32)

  blk = jnp.kron(jnp.eye(H, dtype=f32), jnp.ones((C, 1), f32))
  pad8 = jnp.zeros((EMB, H), f32)
  Ms = [jnp.concatenate([att_src[l].reshape(EMB, 1) * blk, pad8], axis=1)
        for l in range(L)]
  Md = [jnp.concatenate([att_dst[l].reshape(EMB, 1) * blk, pad8], axis=1)
        for l in range(L)]
  Wae = (edge_W.reshape(L, 16, H, C) * att_edge[:, None]).sum(-1)
  Wae = jnp.concatenate([Wae, jnp.zeros((L, 16, H), f32)], axis=2)
  Wae = Wae.transpose(1, 0, 2).reshape(16, L * HP)
  ExpM = jnp.concatenate(
      [jnp.kron(jnp.eye(H, dtype=f32), jnp.ones((1, C), f32)),
       jnp.zeros((H, EMB), f32)], axis=0)

  lin_b2 = lin_in_b.reshape(1, EMB)
  cbs = [conv_b[l].reshape(1, EMB) for l in range(L)]
  pW = jnp.concatenate([pred_W, jnp.zeros((EMB, 7), f32)], axis=1)
  pb = jnp.concatenate([pred_b, jnp.zeros((7,), f32)]).reshape(1, 8)

  aedge_all = _aedge_kernel(edge_attr, Wae)
  zr = jnp.zeros((RZ, 80), f32)

  nt = _pre_kernel(x, lin_in_W, lin_b2, conv_W[0], Ms[0], Md[0])

  for l in range(L):
    ae_l = lax.slice_in_dim(aedge_all, l * HP, (l + 1) * HP, axis=1)
    acc = _sc_edge(nt, ae_l, src32, dst32, zr)
    if l + 1 < L:
      nt = _mid_kernel(acc[0], acc[1], ExpM,
                       cbs[l], conv_W[l + 1], Ms[l + 1], Md[l + 1])
    else:
      out = _final_kernel(acc[0], acc[1], ExpM, cbs[l], pW, pb)
  return out[:, 0]

# --- scband reference (transcript-rebuilt; emitter-appended) ---
"""Pipeline reference for scband-gatmodel-12463995093411 (READ-ONLY COPY).

The authoritative reference and input builder live on the scoring server;
editing this copy changes nothing except your own understanding.
"""

import jax, jax.numpy as jnp
import numpy as np

N = 10000
E = 320000
D_IN = 128
D_EDGE = 16
EMB = 64
H = 8
C = EMB // H
L = 4


def setup_inputs(seed: int = 0) -> dict:
    key = jax.random.key(seed)
    ks = jax.random.split(key, 16)
    x = jax.random.normal(ks[0], (N, D_IN), dtype=jnp.float32)
    edge_index = jax.random.randint(ks[1], (2, E), 0, N, dtype=jnp.int64)
    edge_attr = jax.random.normal(ks[2], (E, D_EDGE), dtype=jnp.float32)
    lin_in_W = jax.random.normal(ks[3], (D_IN, EMB), dtype=jnp.float32) * 0.05
    lin_in_b = jnp.zeros((EMB,), dtype=jnp.float32)
    conv_W = jax.random.normal(ks[4], (L, EMB, EMB), dtype=jnp.float32) * 0.1
    att_src = jax.random.normal(ks[5], (L, H, C), dtype=jnp.float32) * 0.1
    att_dst = jax.random.normal(ks[6], (L, H, C), dtype=jnp.float32) * 0.1
    edge_W = jax.random.normal(ks[7], (L, D_EDGE, EMB), dtype=jnp.float32) * 0.1
    att_edge = jax.random.normal(ks[8], (L, H, C), dtype=jnp.float32) * 0.1
    conv_b = jnp.zeros((L, EMB), dtype=jnp.float32)
    pred_W = jax.random.normal(ks[9], (EMB, 1), dtype=jnp.float32) * 0.1
    pred_b = jnp.zeros((1,), dtype=jnp.float32)
    return {"x": x, "edge_index": edge_index, "edge_attr": edge_attr,
            "lin_in_W": lin_in_W, "lin_in_b": lin_in_b, "conv_W": conv_W,
            "att_src": att_src, "att_dst": att_dst, "edge_W": edge_W,
            "att_edge": att_edge, "conv_b": conv_b, "pred_W": pred_W, "pred_b": pred_b}


def reference(x, edge_index, edge_attr, lin_in_W, lin_in_b, conv_W, att_src,
              att_dst, edge_W, att_edge, conv_b, pred_W, pred_b):
    src = edge_index[0]
    dst = edge_index[1]
    h = x @ lin_in_W + lin_in_b
    for l in range(L):
        hl = (h @ conv_W[l]).reshape(N, H, C)
        a_src = (hl * att_src[l][None]).sum(-1)  # [N, H]
        a_dst = (hl * att_dst[l][None]).sum(-1)  # [N, H]
        el = (edge_attr @ edge_W[l]).reshape(E, H, C)
        a_edge = (el * att_edge[l][None]).sum(-1)  # [E, H]
        alpha = a_src[src] + a_dst[dst] + a_edge
        alpha = jax.nn.leaky_relu(alpha, negative_slope=0.2)
        amax = jax.ops.segment_max(alpha, dst, num_segments=N)
        amax = jnp.where(jnp.isfinite(amax), amax, 0.0)
        amax = jax.lax.stop_gradient(amax)
        ex = jnp.exp(alpha - amax[dst])
        denom = jax.ops.segment_sum(ex, dst, num_segments=N)
        alpha = ex / (denom[dst] + 1e-16)
        msg = hl[src] * alpha[:, :, None]  # [E, H, C]
        agg = jax.ops.segment_sum(msg, dst, num_segments=N)
        h = agg.reshape(N, H * C) + conv_b[l]
    out = h @ pred_W + pred_b
    return out.squeeze(1)

if __name__ == "__main__":
    import jax
    _d = setup_inputs()
    print(jax.jit(kernel)(*tuple(_d.values())))

</pallas_src>

<mosaic_0001>
#map = affine_map<(d0, d1) -> (0, 0)>
#map1 = affine_map<(d0, d1) -> (0)>
#map2 = affine_map<(d0, d1) -> (0, 0, 0)>
module attributes {stable_mosaic.version = 14 : i64} {
  func.func @_sc_scatter_body(%arg0: i32, %arg1: i32, %arg2: memref<320000x80xf32, #tpu.memory_space<hbm>>, %arg3: memref<320000xi32, #tpu.memory_space<hbm>>, %arg4: memref<80x80xf32, #tpu.memory_space<hbm>>, %arg5: memref<2x10000x80xf32, #tpu.memory_space<hbm>>, %arg6: memref<80xi32, #tpu.memory_space<vmem>>, %arg7: memref<80x80xf32, #tpu.memory_space<vmem>>, %arg8: memref<10000x80xf32, #tpu.memory_space<vmem_shared>>, %arg9: memref<!tpu.dma_semaphore, #tpu.memory_space<semaphore_mem>>) attributes {dimension_semantics = [#tpu.dimension_semantics<core_parallel>, #tpu.dimension_semantics<subcore_parallel>], iteration_bounds = array<i64: 2, 16>, scalar_prefetch = 0 : i64, scratch_operands = 4 : i64, tpu.core_type = #tpu.core_type<sc_vector_subcore>, window_params = [{transform_indices = #map}, {transform_indices = #map1}, {transform_indices = #map}, {transform_indices = #map2}]} {
    %mul3A = arith.constant 16 : i32
    %mul3A_0 = arith.muli %arg0, %mul3A : i32
    %add3A = arith.addi %mul3A_0, %arg1 : i32
    %add3A_1 = arith.constant 0 : i32
    %add3A_2 = arith.addi %arg1, %add3A_1 : i32
    %mul3A_3 = arith.constant 80 : i32
    %mul3A_4 = arith.muli %add3A_2, %mul3A_3 : i32
    "tpu.region"() ({
      %run_scoped3A = tpu.sem_alloc : memref<!tpu.dma_semaphore, #tpu.memory_space<semaphore_mem>>
      %dma_start3A = arith.constant 0 : i32
      %dma_start3A_75 = tpu.memref_slice %arg8[%mul3A_4, %dma_start3A] : memref<10000x80xf32, #tpu.memory_space<vmem_shared>> -> memref<80x80xf32, #tpu.memory_space<vmem_shared>>
      tpu.enqueue_dma source(%arg4 : memref<80x80xf32, #tpu.memory_space<hbm>>) target(%dma_start3A_75 : memref<80x80xf32, #tpu.memory_space<vmem_shared>>) target_semaphore(%run_scoped3A : memref<!tpu.dma_semaphore, #tpu.memory_space<semaphore_mem>>)
      %dma_wait3A = arith.constant 0 : i32
      %dma_wait3A_76 = tpu.memref_slice %arg8[%mul3A_4, %dma_wait3A] : memref<10000x80xf32, #tpu.memory_space<vmem_shared>> -> memref<80x80xf32, #tpu.memory_space<vmem_shared>>
      tpu.wait_dma2 semaphore(%run_scoped3A : memref<!tpu.dma_semaphore, #tpu.memory_space<semaphore_mem>>) src(%arg4 : memref<80x80xf32, #tpu.memory_space<hbm>>) dst(%dma_wait3A_76 : memref<80x80xf32, #tpu.memory_space<vmem_shared>>)
      tpu.yield
    }) : () -> ()
    %add3A_5 = arith.constant 16 : i32
    %add3A_6 = arith.addi %arg1, %add3A_5 : i32
    %mul3A_7 = arith.constant 80 : i32
    %mul3A_8 = arith.muli %add3A_6, %mul3A_7 : i32
    "tpu.region"() ({
      %run_scoped3A = tpu.sem_alloc : memref<!tpu.dma_semaphore, #tpu.memory_space<semaphore_mem>>
      %dma_start3A = arith.constant 0 : i32
      %dma_start3A_75 = tpu.memref_slice %arg8[%mul3A_8, %dma_start3A] : memref<10000x80xf32, #tpu.memory_space<vmem_shared>> -> memref<80x80xf32, #tpu.memory_space<vmem_shared>>
      tpu.enqueue_dma source(%arg4 : memref<80x80xf32, #tpu.memory_space<hbm>>) target(%dma_start3A_75 : memref<80x80xf32, #tpu.memory_space<vmem_shared>>) target_semaphore(%run_scoped3A : memref<!tpu.dma_semaphore, #tpu.memory_space<semaphore_mem>>)
      %dma_wait3A = arith.constant 0 : i32
      %dma_wait3A_76 = tpu.memref_slice %arg8[%mul3A_8, %dma_wait3A] : memref<10000x80xf32, #tpu.memory_space<vmem_shared>> -> memref<80x80xf32, #tpu.memory_space<vmem_shared>>
      tpu.wait_dma2 semaphore(%run_scoped3A : memref<!tpu.dma_semaphore, #tpu.memory_space<semaphore_mem>>) src(%arg4 : memref<80x80xf32, #tpu.memory_space<hbm>>) dst(%dma_wait3A_76 : memref<80x80xf32, #tpu.memory_space<vmem_shared>>)
      tpu.yield
    }) : () -> ()
    %add3A_9 = arith.constant 32 : i32
    %add3A_10 = arith.addi %arg1, %add3A_9 : i32
    %mul3A_11 = arith.constant 80 : i32
    %mul3A_12 = arith.muli %add3A_10, %mul3A_11 : i32
    "tpu.region"() ({
      %run_scoped3A = tpu.sem_alloc : memref<!tpu.dma_semaphore, #tpu.memory_space<semaphore_mem>>
      %dma_start3A = arith.constant 0 : i32
      %dma_start3A_75 = tpu.memref_slice %arg8[%mul3A_12, %dma_start3A] : memref<10000x80xf32, #tpu.memory_space<vmem_shared>> -> memref<80x80xf32, #tpu.memory_space<vmem_shared>>
      tpu.enqueue_dma source(%arg4 : memref<80x80xf32, #tpu.memory_space<hbm>>) target(%dma_start3A_75 : memref<80x80xf32, #tpu.memory_space<vmem_shared>>) target_semaphore(%run_scoped3A : memref<!tpu.dma_semaphore, #tpu.memory_space<semaphore_mem>>)
      %dma_wait3A = arith.constant 0 : i32
      %dma_wait3A_76 = tpu.memref_slice %arg8[%mul3A_12, %dma_wait3A] : memref<10000x80xf32, #tpu.memory_space<vmem_shared>> -> memref<80x80xf32, #tpu.memory_space<vmem_shared>>
      tpu.wait_dma2 semaphore(%run_scoped3A : memref<!tpu.dma_semaphore, #tpu.memory_space<semaphore_mem>>) src(%arg4 : memref<80x80xf32, #tpu.memory_space<hbm>>) dst(%dma_wait3A_76 : memref<80x80xf32, #tpu.memory_space<vmem_shared>>)
      tpu.yield
    }) : () -> ()
    %add3A_13 = arith.constant 48 : i32
    %add3A_14 = arith.addi %arg1, %add3A_13 : i32
    %mul3A_15 = arith.constant 80 : i32
    %mul3A_16 = arith.muli %add3A_14, %mul3A_15 : i32
    "tpu.region"() ({
      %run_scoped3A = tpu.sem_alloc : memref<!tpu.dma_semaphore, #tpu.memory_space<semaphore_mem>>
      %dma_start3A = arith.constant 0 : i32
      %dma_start3A_75 = tpu.memref_slice %arg8[%mul3A_16, %dma_start3A] : memref<10000x80xf32, #tpu.memory_space<vmem_shared>> -> memref<80x80xf32, #tpu.memory_space<vmem_shared>>
      tpu.enqueue_dma source(%arg4 : memref<80x80xf32, #tpu.memory_space<hbm>>) target(%dma_start3A_75 : memref<80x80xf32, #tpu.memory_space<vmem_shared>>) target_semaphore(%run_scoped3A : memref<!tpu.dma_semaphore, #tpu.memory_space<semaphore_mem>>)
      %dma_wait3A = arith.constant 0 : i32
      %dma_wait3A_76 = tpu.memref_slice %arg8[%mul3A_16, %dma_wait3A] : memref<10000x80xf32, #tpu.memory_space<vmem_shared>> -> memref<80x80xf32, #tpu.memory_space<vmem_shared>>
      tpu.wait_dma2 semaphore(%run_scoped3A : memref<!tpu.dma_semaphore, #tpu.memory_space<semaphore_mem>>) src(%arg4 : memref<80x80xf32, #tpu.memory_space<hbm>>) dst(%dma_wait3A_76 : memref<80x80xf32, #tpu.memory_space<vmem_shared>>)
      tpu.yield
    }) : () -> ()
    %add3A_17 = arith.constant 64 : i32
    %add3A_18 = arith.addi %arg1, %add3A_17 : i32
    %mul3A_19 = arith.constant 80 : i32
    %mul3A_20 = arith.muli %add3A_18, %mul3A_19 : i32
    "tpu.region"() ({
      %run_scoped3A = tpu.sem_alloc : memref<!tpu.dma_semaphore, #tpu.memory_space<semaphore_mem>>
      %dma_start3A = arith.constant 0 : i32
      %dma_start3A_75 = tpu.memref_slice %arg8[%mul3A_20, %dma_start3A] : memref<10000x80xf32, #tpu.memory_space<vmem_shared>> -> memref<80x80xf32, #tpu.memory_space<vmem_shared>>
      tpu.enqueue_dma source(%arg4 : memref<80x80xf32, #tpu.memory_space<hbm>>) target(%dma_start3A_75 : memref<80x80xf32, #tpu.memory_space<vmem_shared>>) target_semaphore(%run_scoped3A : memref<!tpu.dma_semaphore, #tpu.memory_space<semaphore_mem>>)
      %dma_wait3A = arith.constant 0 : i32
      %dma_wait3A_76 = tpu.memref_slice %arg8[%mul3A_20, %dma_wait3A] : memref<10000x80xf32, #tpu.memory_space<vmem_shared>> -> memref<80x80xf32, #tpu.memory_space<vmem_shared>>
      tpu.wait_dma2 semaphore(%run_scoped3A : memref<!tpu.dma_semaphore, #tpu.memory_space<semaphore_mem>>) src(%arg4 : memref<80x80xf32, #tpu.memory_space<hbm>>) dst(%dma_wait3A_76 : memref<80x80xf32, #tpu.memory_space<vmem_shared>>)
      tpu.yield
    }) : () -> ()
    %add3A_21 = arith.constant 80 : i32
    %add3A_22 = arith.addi %arg1, %add3A_21 : i32
    %mul3A_23 = arith.constant 80 : i32
    %mul3A_24 = arith.muli %add3A_22, %mul3A_23 : i32
    "tpu.region"() ({
      %run_scoped3A = tpu.sem_alloc : memref<!tpu.dma_semaphore, #tpu.memory_space<semaphore_mem>>
      %dma_start3A = arith.constant 0 : i32
      %dma_start3A_75 = tpu.memref_slice %arg8[%mul3A_24, %dma_start3A] : memref<10000x80xf32, #tpu.memory_space<vmem_shared>> -> memref<80x80xf32, #tpu.memory_space<vmem_shared>>
      tpu.enqueue_dma source(%arg4 : memref<80x80xf32, #tpu.memory_space<hbm>>) target(%dma_start3A_75 : memref<80x80xf32, #tpu.memory_space<vmem_shared>>) target_semaphore(%run_scoped3A : memref<!tpu.dma_semaphore, #tpu.memory_space<semaphore_mem>>)
      %dma_wait3A = arith.constant 0 : i32
      %dma_wait3A_76 = tpu.memref_slice %arg8[%mul3A_24, %dma_wait3A] : memref<10000x80xf32, #tpu.memory_space<vmem_shared>> -> memref<80x80xf32, #tpu.memory_space<vmem_shared>>
      tpu.wait_dma2 semaphore(%run_scoped3A : memref<!tpu.dma_semaphore, #tpu.memory_space<semaphore_mem>>) src(%arg4 : memref<80x80xf32, #tpu.memory_space<hbm>>) dst(%dma_wait3A_76 : memref<80x80xf32, #tpu.memory_space<vmem_shared>>)
      tpu.yield
    }) : () -> ()
    %add3A_25 = arith.constant 96 : i32
    %add3A_26 = arith.addi %arg1, %add3A_25 : i32
    %mul3A_27 = arith.constant 80 : i32
    %mul3A_28 = arith.muli %add3A_26, %mul3A_27 : i32
    "tpu.region"() ({
      %run_scoped3A = tpu.sem_alloc : memref<!tpu.dma_semaphore, #tpu.memory_space<semaphore_mem>>
      %dma_start3A = arith.constant 0 : i32
      %dma_start3A_75 = tpu.memref_slice %arg8[%mul3A_28, %dma_start3A] : memref<10000x80xf32, #tpu.memory_space<vmem_shared>> -> memref<80x80xf32, #tpu.memory_space<vmem_shared>>
      tpu.enqueue_dma source(%arg4 : memref<80x80xf32, #tpu.memory_space<hbm>>) target(%dma_start3A_75 : memref<80x80xf32, #tpu.memory_space<vmem_shared>>) target_semaphore(%run_scoped3A : memref<!tpu.dma_semaphore, #tpu.memory_space<semaphore_mem>>)
      %dma_wait3A = arith.constant 0 : i32
      %dma_wait3A_76 = tpu.memref_slice %arg8[%mul3A_28, %dma_wait3A] : memref<10000x80xf32, #tpu.memory_space<vmem_shared>> -> memref<80x80xf32, #tpu.memory_space<vmem_shared>>
      tpu.wait_dma2 semaphore(%run_scoped3A : memref<!tpu.dma_semaphore, #tpu.memory_space<semaphore_mem>>) src(%arg4 : memref<80x80xf32, #tpu.memory_space<hbm>>) dst(%dma_wait3A_76 : memref<80x80xf32, #tpu.memory_space<vmem_shared>>)
      tpu.yield
    }) : () -> ()
    %add3A_29 = arith.constant 112 : i32
    %add3A_30 = arith.addi %arg1, %add3A_29 : i32
    %lt3A = arith.constant 125 : i32
    %lt3A_31 = arith.cmpi slt, %add3A_30, %lt3A : i32
    %convert_element_type3A = arith.extui %lt3A_31 : i1 to i32
    %cond3A = arith.constant 0 : i32
    %cond3A_32 = arith.cmpi ne, %convert_element_type3A, %cond3A : i32
    scf.if %cond3A_32 {
      %mul3A_75 = arith.constant 80 : i32
      %mul3A_76 = arith.muli %add3A_30, %mul3A_75 : i32
      "tpu.region"() ({
        %run_scoped3A = tpu.sem_alloc : memref<!tpu.dma_semaphore, #tpu.memory_space<semaphore_mem>>
        %dma_start3A = arith.constant 0 : i32
        %dma_start3A_77 = tpu.memref_slice %arg8[%mul3A_76, %dma_start3A] : memref<10000x80xf32, #tpu.memory_space<vmem_shared>> -> memref<80x80xf32, #tpu.memory_space<vmem_shared>>
        tpu.enqueue_dma source(%arg4 : memref<80x80xf32, #tpu.memory_space<hbm>>) target(%dma_start3A_77 : memref<80x80xf32, #tpu.memory_space<vmem_shared>>) target_semaphore(%run_scoped3A : memref<!tpu.dma_semaphore, #tpu.memory_space<semaphore_mem>>)
        %dma_wait3A = arith.constant 0 : i32
        %dma_wait3A_78 = tpu.memref_slice %arg8[%mul3A_76, %dma_wait3A] : memref<10000x80xf32, #tpu.memory_space<vmem_shared>> -> memref<80x80xf32, #tpu.memory_space<vmem_shared>>
        tpu.wait_dma2 semaphore(%run_scoped3A : memref<!tpu.dma_semaphore, #tpu.memory_space<semaphore_mem>>) src(%arg4 : memref<80x80xf32, #tpu.memory_space<hbm>>) dst(%dma_wait3A_78 : memref<80x80xf32, #tpu.memory_space<vmem_shared>>)
        tpu.yield
      }) : () -> ()
    } else {
    }
    %barrier3A = arith.constant 0 : index
    tpu.barrier barrier_id(%barrier3A)
    %mul3A_33 = arith.constant 10000 : i32
    %mul3A_34 = arith.muli %add3A, %mul3A_33 : i32
    %scan3A = arith.constant 0 : i32
    %scan3A_35 = arith.constant 125 : i32
    %scan3A_36 = arith.addi %scan3A, %scan3A_35 : i32
    %scan3A_37 = arith.constant 1 : i32
    scf.for %scan3A_75 = %scan3A to %scan3A_36 step %scan3A_37  : i32 {
      %mul3A_76 = arith.constant 80 : i32
      %mul3A_77 = arith.muli %scan3A_75, %mul3A_76 : i32
      %add3A_78 = arith.addi %mul3A_34, %mul3A_77 : i32
      "tpu.region"() ({
        %run_scoped3A = tpu.sem_alloc : memref<!tpu.dma_semaphore, #tpu.memory_space<semaphore_mem>>
        %dma_start3A = tpu.memref_slice %arg3[%add3A_78] : memref<320000xi32, #tpu.memory_space<hbm>> -> memref<80xi32, #tpu.memory_space<hbm>>
        %dma_start3A_79 = tpu.memref_slice %arg3[%add3A_78] : memref<320000xi32, #tpu.memory_space<hbm>> -> memref<80xi32, #tpu.memory_space<hbm>>
        tpu.enqueue_dma source(%dma_start3A_79 : memref<80xi32, #tpu.memory_space<hbm>>) target(%arg6 : memref<80xi32, #tpu.memory_space<vmem>>) target_semaphore(%run_scoped3A : memref<!tpu.dma_semaphore, #tpu.memory_space<semaphore_mem>>)
        %dma_wait3A = tpu.memref_slice %arg3[%add3A_78] : memref<320000xi32, #tpu.memory_space<hbm>> -> memref<80xi32, #tpu.memory_space<hbm>>
        %dma_wait3A_80 = tpu.memref_slice %arg3[%add3A_78] : memref<320000xi32, #tpu.memory_space<hbm>> -> memref<80xi32, #tpu.memory_space<hbm>>
        tpu.wait_dma2 semaphore(%run_scoped3A : memref<!tpu.dma_semaphore, #tpu.memory_space<semaphore_mem>>) src(%dma_wait3A_80 : memref<80xi32, #tpu.memory_space<hbm>>) dst(%arg6 : memref<80xi32, #tpu.memory_space<vmem>>)
        tpu.yield
      }) : () -> ()
      "tpu.region"() ({
        %run_scoped3A = tpu.sem_alloc : memref<!tpu.dma_semaphore, #tpu.memory_space<semaphore_mem>>
        %dma_start3A = arith.constant 0 : i32
        %dma_start3A_79 = tpu.memref_slice %arg2[%add3A_78, %dma_start3A] : memref<320000x80xf32, #tpu.memory_space<hbm>> -> memref<80x80xf32, #tpu.memory_space<hbm>>
        %dma_start3A_80 = arith.constant 0 : i32
        %dma_start3A_81 = tpu.memref_slice %arg2[%add3A_78, %dma_start3A_80] : memref<320000x80xf32, #tpu.memory_space<hbm>> -> memref<80x80xf32, #tpu.memory_space<hbm>>
        tpu.enqueue_dma source(%dma_start3A_81 : memref<80x80xf32, #tpu.memory_space<hbm>>) target(%arg7 : memref<80x80xf32, #tpu.memory_space<vmem>>) target_semaphore(%run_scoped3A : memref<!tpu.dma_semaphore, #tpu.memory_space<semaphore_mem>>)
        %dma_wait3A = arith.constant 0 : i32
        %dma_wait3A_82 = tpu.memref_slice %arg2[%add3A_78, %dma_wait3A] : memref<320000x80xf32, #tpu.memory_space<hbm>> -> memref<80x80xf32, #tpu.memory_space<hbm>>
        %dma_wait3A_83 = arith.constant 0 : i32
        %dma_wait3A_84 = tpu.memref_slice %arg2[%add3A_78, %dma_wait3A_83] : memref<320000x80xf32, #tpu.memory_space<hbm>> -> memref<80x80xf32, #tpu.memory_space<hbm>>
        tpu.wait_dma2 semaphore(%run_scoped3A : memref<!tpu.dma_semaphore, #tpu.memory_space<semaphore_mem>>) src(%dma_wait3A_84 : memref<80x80xf32, #tpu.memory_space<hbm>>) dst(%arg7 : memref<80x80xf32, #tpu.memory_space<vmem>>)
        tpu.yield
      }) : () -> ()
      "tpu.region"() ({
        %run_scoped3A = tpu.sem_alloc : memref<!tpu.dma_semaphore, #tpu.memory_space<semaphore_mem>>
        %dma_start3A = arith.constant 0 : i32
        %dma_start3A_79 = arith.constant 0 : i32
        %dma_start3A_80 = tpu.memref_slice %arg8[%dma_start3A, %dma_start3A_79] : memref<10000x80xf32, #tpu.memory_space<vmem_shared>> -> memref<10000x80xf32, #tpu.memory_space<vmem_shared>>
        tpu.enqueue_indirect_dma source(%arg7 : memref<80x80xf32, #tpu.memory_space<vmem>>) target(%dma_start3A_80 : memref<10000x80xf32, #tpu.memory_space<vmem_shared>>) offsets(%arg6 : memref<80xi32, #tpu.memory_space<vmem>>) semaphore(%run_scoped3A : memref<!tpu.dma_semaphore, #tpu.memory_space<semaphore_mem>>) {add = true}
        %dma_wait3A = arith.constant 0 : i32
        %dma_wait3A_81 = arith.constant 0 : i32
        %dma_wait3A_82 = tpu.memref_slice %arg8[%dma_wait3A, %dma_wait3A_81] : memref<10000x80xf32, #tpu.memory_space<vmem_shared>> -> memref<10000x80xf32, #tpu.memory_space<vmem_shared>>
        tpu.wait_indirect_dma semaphore(%run_scoped3A : memref<!tpu.dma_semaphore, #tpu.memory_space<semaphore_mem>>) src(%arg7 : memref<80x80xf32, #tpu.memory_space<vmem>>) dst(%dma_wait3A_82 : memref<10000x80xf32, #tpu.memory_space<vmem_shared>>)
        tpu.yield
      }) : () -> ()
    }
    %scan3A_38 = arith.constant 125 : i32
    %barrier3A_39 = arith.constant 0 : index
    tpu.barrier barrier_id(%barrier3A_39)
    %add3A_40 = arith.constant 0 : i32
    %add3A_41 = arith.addi %arg1, %add3A_40 : i32
    %mul3A_42 = arith.constant 80 : i32
    %mul3A_43 = arith.muli %add3A_41, %mul3A_42 : i32
    "tpu.region"() ({
      %run_scoped3A = tpu.sem_alloc : memref<!tpu.dma_semaphore, #tpu.memory_space<semaphore_mem>>
      %dma_start3A = arith.constant 0 : i32
      %dma_start3A_75 = tpu.memref_slice %arg5[%arg0, %mul3A_43, %dma_start3A] : memref<2x10000x80xf32, #tpu.memory_space<hbm>> -> memref<1x80x80xf32, #tpu.memory_space<hbm>>
      %dma_start3A_76 = tpu.memref_squeeze %dma_start3A_75 : memref<1x80x80xf32, #tpu.memory_space<hbm>> -> memref<80x80xf32, #tpu.memory_space<hbm>>
      %dma_start3A_77 = arith.constant 0 : i32
      %dma_start3A_78 = tpu.memref_slice %arg8[%mul3A_43, %dma_start3A_77] : memref<10000x80xf32, #tpu.memory_space<vmem_shared>> -> memref<80x80xf32, #tpu.memory_space<vmem_shared>>
      tpu.enqueue_dma source(%dma_start3A_78 : memref<80x80xf32, #tpu.memory_space<vmem_shared>>) target(%dma_start3A_76 : memref<80x80xf32, #tpu.memory_space<hbm>>) target_semaphore(%run_scoped3A : memref<!tpu.dma_semaphore, #tpu.memory_space<semaphore_mem>>)
      %dma_wait3A = arith.constant 0 : i32
      %dma_wait3A_79 = tpu.memref_slice %arg5[%arg0, %mul3A_43, %dma_wait3A] : memref<2x10000x80xf32, #tpu.memory_space<hbm>> -> memref<1x80x80xf32, #tpu.memory_space<hbm>>
      %dma_wait3A_80 = tpu.memref_squeeze %dma_wait3A_79 : memref<1x80x80xf32, #tpu.memory_space<hbm>> -> memref<80x80xf32, #tpu.memory_space<hbm>>
      %dma_wait3A_81 = arith.constant 0 : i32
      %dma_wait3A_82 = tpu.memref_slice %arg8[%mul3A_43, %dma_wait3A_81] : memref<10000x80xf32, #tpu.memory_space<vmem_shared>> -> memref<80x80xf32, #tpu.memory_space<vmem_shared>>
      tpu.wait_dma2 semaphore(%run_scoped3A : memref<!tpu.dma_semaphore, #tpu.memory_space<semaphore_mem>>) src(%dma_wait3A_82 : memref<80x80xf32, #tpu.memory_space<vmem_shared>>) dst(%dma_wait3A_80 : memref<80x80xf32, #tpu.memory_space<hbm>>)
      tpu.yield
    }) : () -> ()
    %add3A_44 = arith.constant 16 : i32
    %add3A_45 = arith.addi %arg1, %add3A_44 : i32
    %mul3A_46 = arith.constant 80 : i32
    %mul3A_47 = arith.muli %add3A_45, %mul3A_46 : i32
    "tpu.region"() ({
      %run_scoped3A = tpu.sem_alloc : memref<!tpu.dma_semaphore, #tpu.memory_space<semaphore_mem>>
      %dma_start3A = arith.constant 0 : i32
      %dma_start3A_75 = tpu.memref_slice %arg5[%arg0, %mul3A_47, %dma_start3A] : memref<2x10000x80xf32, #tpu.memory_space<hbm>> -> memref<1x80x80xf32, #tpu.memory_space<hbm>>
      %dma_start3A_76 = tpu.memref_squeeze %dma_start3A_75 : memref<1x80x80xf32, #tpu.memory_space<hbm>> -> memref<80x80xf32, #tpu.memory_space<hbm>>
      %dma_start3A_77 = arith.constant 0 : i32
      %dma_start3A_78 = tpu.memref_slice %arg8[%mul3A_47, %dma_start3A_77] : memref<10000x80xf32, #tpu.memory_space<vmem_shared>> -> memref<80x80xf32, #tpu.memory_space<vmem_shared>>
      tpu.enqueue_dma source(%dma_start3A_78 : memref<80x80xf32, #tpu.memory_space<vmem_shared>>) target(%dma_start3A_76 : memref<80x80xf32, #tpu.memory_space<hbm>>) target_semaphore(%run_scoped3A : memref<!tpu.dma_semaphore, #tpu.memory_space<semaphore_mem>>)
      %dma_wait3A = arith.constant 0 : i32
      %dma_wait3A_79 = tpu.memref_slice %arg5[%arg0, %mul3A_47, %dma_wait3A] : memref<2x10000x80xf32, #tpu.memory_space<hbm>> -> memref<1x80x80xf32, #tpu.memory_space<hbm>>
      %dma_wait3A_80 = tpu.memref_squeeze %dma_wait3A_79 : memref<1x80x80xf32, #tpu.memory_space<hbm>> -> memref<80x80xf32, #tpu.memory_space<hbm>>
      %dma_wait3A_81 = arith.constant 0 : i32
      %dma_wait3A_82 = tpu.memref_slice %arg8[%mul3A_47, %dma_wait3A_81] : memref<10000x80xf32, #tpu.memory_space<vmem_shared>> -> memref<80x80xf32, #tpu.memory_space<vmem_shared>>
      tpu.wait_dma2 semaphore(%run_scoped3A : memref<!tpu.dma_semaphore, #tpu.memory_space<semaphore_mem>>) src(%dma_wait3A_82 : memref<80x80xf32, #tpu.memory_space<vmem_shared>>) dst(%dma_wait3A_80 : memref<80x80xf32, #tpu.memory_space<hbm>>)
      tpu.yield
    }) : () -> ()
    %add3A_48 = arith.constant 32 : i32
    %add3A_49 = arith.addi %arg1, %add3A_48 : i32
    %mul3A_50 = arith.constant 80 : i32
    %mul3A_51 = arith.muli %add3A_49, %mul3A_50 : i32
    "tpu.region"() ({
      %run_scoped3A = tpu.sem_alloc : memref<!tpu.dma_semaphore, #tpu.memory_space<semaphore_mem>>
      %dma_start3A = arith.constant 0 : i32
      %dma_start3A_75 = tpu.memref_slice %arg5[%arg0, %mul3A_51, %dma_start3A] : memref<2x10000x80xf32, #tpu.memory_space<hbm>> -> memref<1x80x80xf32, #tpu.memory_space<hbm>>
      %dma_start3A_76 = tpu.memref_squeeze %dma_start3A_75 : memref<1x80x80xf32, #tpu.memory_space<hbm>> -> memref<80x80xf32, #tpu.memory_space<hbm>>
      %dma_start3A_77 = arith.constant 0 : i32
      %dma_start3A_78 = tpu.memref_slice %arg8[%mul3A_51, %dma_start3A_77] : memref<10000x80xf32, #tpu.memory_space<vmem_shared>> -> memref<80x80xf32, #tpu.memory_space<vmem_shared>>
      tpu.enqueue_dma source(%dma_start3A_78 : memref<80x80xf32, #tpu.memory_space<vmem_shared>>) target(%dma_start3A_76 : memref<80x80xf32, #tpu.memory_space<hbm>>) target_semaphore(%run_scoped3A : memref<!tpu.dma_semaphore, #tpu.memory_space<semaphore_mem>>)
      %dma_wait3A = arith.constant 0 : i32
      %dma_wait3A_79 = tpu.memref_slice %arg5[%arg0, %mul3A_51, %dma_wait3A] : memref<2x10000x80xf32, #tpu.memory_space<hbm>> -> memref<1x80x80xf32, #tpu.memory_space<hbm>>
      %dma_wait3A_80 = tpu.memref_squeeze %dma_wait3A_79 : memref<1x80x80xf32, #tpu.memory_space<hbm>> -> memref<80x80xf32, #tpu.memory_space<hbm>>
      %dma_wait3A_81 = arith.constant 0 : i32
      %dma_wait3A_82 = tpu.memref_slice %arg8[%mul3A_51, %dma_wait3A_81] : memref<10000x80xf32, #tpu.memory_space<vmem_shared>> -> memref<80x80xf32, #tpu.memory_space<vmem_shared>>
      tpu.wait_dma2 semaphore(%run_scoped3A : memref<!tpu.dma_semaphore, #tpu.memory_space<semaphore_mem>>) src(%dma_wait3A_82 : memref<80x80xf32, #tpu.memory_space<vmem_shared>>) dst(%dma_wait3A_80 : memref<80x80xf32, #tpu.memory_space<hbm>>)
      tpu.yield
    }) : () -> ()
    %add3A_52 = arith.constant 48 : i32
    %add3A_53 = arith.addi %arg1, %add3A_52 : i32
    %mul3A_54 = arith.constant 80 : i32
    %mul3A_55 = arith.muli %add3A_53, %mul3A_54 : i32
    "tpu.region"() ({
      %run_scoped3A = tpu.sem_alloc : memref<!tpu.dma_semaphore, #tpu.memory_space<semaphore_mem>>
      %dma_start3A = arith.constant 0 : i32
      %dma_start3A_75 = tpu.memref_slice %arg5[%arg0, %mul3A_55, %dma_start3A] : memref<2x10000x80xf32, #tpu.memory_space<hbm>> -> memref<1x80x80xf32, #tpu.memory_space<hbm>>
      %dma_start3A_76 = tpu.memref_squeeze %dma_start3A_75 : memref<1x80x80xf32, #tpu.memory_space<hbm>> -> memref<80x80xf32, #tpu.memory_space<hbm>>
      %dma_start3A_77 = arith.constant 0 : i32
      %dma_start3A_78 = tpu.memref_slice %arg8[%mul3A_55, %dma_start3A_77] : memref<10000x80xf32, #tpu.memory_space<vmem_shared>> -> memref<80x80xf32, #tpu.memory_space<vmem_shared>>
      tpu.enqueue_dma source(%dma_start3A_78 : memref<80x80xf32, #tpu.memory_space<vmem_shared>>) target(%dma_start3A_76 : memref<80x80xf32, #tpu.memory_space<hbm>>) target_semaphore(%run_scoped3A : memref<!tpu.dma_semaphore, #tpu.memory_space<semaphore_mem>>)
      %dma_wait3A = arith.constant 0 : i32
      %dma_wait3A_79 = tpu.memref_slice %arg5[%arg0, %mul3A_55, %dma_wait3A] : memref<2x10000x80xf32, #tpu.memory_space<hbm>> -> memref<1x80x80xf32, #tpu.memory_space<hbm>>
      %dma_wait3A_80 = tpu.memref_squeeze %dma_wait3A_79 : memref<1x80x80xf32, #tpu.memory_space<hbm>> -> memref<80x80xf32, #tpu.memory_space<hbm>>
      %dma_wait3A_81 = arith.constant 0 : i32
      %dma_wait3A_82 = tpu.memref_slice %arg8[%mul3A_55, %dma_wait3A_81] : memref<10000x80xf32, #tpu.memory_space<vmem_shared>> -> memref<80x80xf32, #tpu.memory_space<vmem_shared>>
      tpu.wait_dma2 semaphore(%run_scoped3A : memref<!tpu.dma_semaphore, #tpu.memory_space<semaphore_mem>>) src(%dma_wait3A_82 : memref<80x80xf32, #tpu.memory_space<vmem_shared>>) dst(%dma_wait3A_80 : memref<80x80xf32, #tpu.memory_space<hbm>>)
      tpu.yield
    }) : () -> ()
    %add3A_56 = arith.constant 64 : i32
    %add3A_57 = arith.addi %arg1, %add3A_56 : i32
    %mul3A_58 = arith.constant 80 : i32
    %mul3A_59 = arith.muli %add3A_57, %mul3A_58 : i32
    "tpu.region"() ({
      %run_scoped3A = tpu.sem_alloc : memref<!tpu.dma_semaphore, #tpu.memory_space<semaphore_mem>>
      %dma_start3A = arith.constant 0 : i32
      %dma_start3A_75 = tpu.memref_slice %arg5[%arg0, %mul3A_59, %dma_start3A] : memref<2x10000x80xf32, #tpu.memory_space<hbm>> -> memref<1x80x80xf32, #tpu.memory_space<hbm>>
      %dma_start3A_76 = tpu.memref_squeeze %dma_start3A_75 : memref<1x80x80xf32, #tpu.memory_space<hbm>> -> memref<80x80xf32, #tpu.memory_space<hbm>>
      %dma_start3A_77 = arith.constant 0 : i32
      %dma_start3A_78 = tpu.memref_slice %arg8[%mul3A_59, %dma_start3A_77] : memref<10000x80xf32, #tpu.memory_space<vmem_shared>> -> memref<80x80xf32, #tpu.memory_space<vmem_shared>>
      tpu.enqueue_dma source(%dma_start3A_78 : memref<80x80xf32, #tpu.memory_space<vmem_shared>>) target(%dma_start3A_76 : memref<80x80xf32, #tpu.memory_space<hbm>>) target_semaphore(%run_scoped3A : memref<!tpu.dma_semaphore, #tpu.memory_space<semaphore_mem>>)
      %dma_wait3A = arith.constant 0 : i32
      %dma_wait3A_79 = tpu.memref_slice %arg5[%arg0, %mul3A_59, %dma_wait3A] : memref<2x10000x80xf32, #tpu.memory_space<hbm>> -> memref<1x80x80xf32, #tpu.memory_space<hbm>>
      %dma_wait3A_80 = tpu.memref_squeeze %dma_wait3A_79 : memref<1x80x80xf32, #tpu.memory_space<hbm>> -> memref<80x80xf32, #tpu.memory_space<hbm>>
      %dma_wait3A_81 = arith.constant 0 : i32
      %dma_wait3A_82 = tpu.memref_slice %arg8[%mul3A_59, %dma_wait3A_81] : memref<10000x80xf32, #tpu.memory_space<vmem_shared>> -> memref<80x80xf32, #tpu.memory_space<vmem_shared>>
      tpu.wait_dma2 semaphore(%run_scoped3A : memref<!tpu.dma_semaphore, #tpu.memory_space<semaphore_mem>>) src(%dma_wait3A_82 : memref<80x80xf32, #tpu.memory_space<vmem_shared>>) dst(%dma_wait3A_80 : memref<80x80xf32, #tpu.memory_space<hbm>>)
      tpu.yield
    }) : () -> ()
    %add3A_60 = arith.constant 80 : i32
    %add3A_61 = arith.addi %arg1, %add3A_60 : i32
    %mul3A_62 = arith.constant 80 : i32
    %mul3A_63 = arith.muli %add3A_61, %mul3A_62 : i32
    "tpu.region"() ({
      %run_scoped3A = tpu.sem_alloc : memref<!tpu.dma_semaphore, #tpu.memory_space<semaphore_mem>>
      %dma_start3A = arith.constant 0 : i32
      %dma_start3A_75 = tpu.memref_slice %arg5[%arg0, %mul3A_63, %dma_start3A] : memref<2x10000x80xf32, #tpu.memory_space<hbm>> -> memref<1x80x80xf32, #tpu.memory_space<hbm>>
      %dma_start3A_76 = tpu.memref_squeeze %dma_start3A_75 : memref<1x80x80xf32, #tpu.memory_space<hbm>> -> memref<80x80xf32, #tpu.memory_space<hbm>>
      %dma_start3A_77 = arith.constant 0 : i32
      %dma_start3A_78 = tpu.memref_slice %arg8[%mul3A_63, %dma_start3A_77] : memref<10000x80xf32, #tpu.memory_space<vmem_shared>> -> memref<80x80xf32, #tpu.memory_space<vmem_shared>>
      tpu.enqueue_dma source(%dma_start3A_78 : memref<80x80xf32, #tpu.memory_space<vmem_shared>>) target(%dma_start3A_76 : memref<80x80xf32, #tpu.memory_space<hbm>>) target_semaphore(%run_scoped3A : memref<!tpu.dma_semaphore, #tpu.memory_space<semaphore_mem>>)
      %dma_wait3A = arith.constant 0 : i32
      %dma_wait3A_79 = tpu.memref_slice %arg5[%arg0, %mul3A_63, %dma_wait3A] : memref<2x10000x80xf32, #tpu.memory_space<hbm>> -> memref<1x80x80xf32, #tpu.memory_space<hbm>>
      %dma_wait3A_80 = tpu.memref_squeeze %dma_wait3A_79 : memref<1x80x80xf32, #tpu.memory_space<hbm>> -> memref<80x80xf32, #tpu.memory_space<hbm>>
      %dma_wait3A_81 = arith.constant 0 : i32
      %dma_wait3A_82 = tpu.memref_slice %arg8[%mul3A_63, %dma_wait3A_81] : memref<10000x80xf32, #tpu.memory_space<vmem_shared>> -> memref<80x80xf32, #tpu.memory_space<vmem_shared>>
      tpu.wait_dma2 semaphore(%run_scoped3A : memref<!tpu.dma_semaphore, #tpu.memory_space<semaphore_mem>>) src(%dma_wait3A_82 : memref<80x80xf32, #tpu.memory_space<vmem_shared>>) dst(%dma_wait3A_80 : memref<80x80xf32, #tpu.memory_space<hbm>>)
      tpu.yield
    }) : () -> ()
    %add3A_64 = arith.constant 96 : i32
    %add3A_65 = arith.addi %arg1, %add3A_64 : i32
    %mul3A_66 = arith.constant 80 : i32
    %mul3A_67 = arith.muli %add3A_65, %mul3A_66 : i32
    "tpu.region"() ({
      %run_scoped3A = tpu.sem_alloc : memref<!tpu.dma_semaphore, #tpu.memory_space<semaphore_mem>>
      %dma_start3A = arith.constant 0 : i32
      %dma_start3A_75 = tpu.memref_slice %arg5[%arg0, %mul3A_67, %dma_start3A] : memref<2x10000x80xf32, #tpu.memory_space<hbm>> -> memref<1x80x80xf32, #tpu.memory_space<hbm>>
      %dma_start3A_76 = tpu.memref_squeeze %dma_start3A_75 : memref<1x80x80xf32, #tpu.memory_space<hbm>> -> memref<80x80xf32, #tpu.memory_space<hbm>>
      %dma_start3A_77 = arith.constant 0 : i32
      %dma_start3A_78 = tpu.memref_slice %arg8[%mul3A_67, %dma_start3A_77] : memref<10000x80xf32, #tpu.memory_space<vmem_shared>> -> memref<80x80xf32, #tpu.memory_space<vmem_shared>>
      tpu.enqueue_dma source(%dma_start3A_78 : memref<80x80xf32, #tpu.memory_space<vmem_shared>>) target(%dma_start3A_76 : memref<80x80xf32, #tpu.memory_space<hbm>>) target_semaphore(%run_scoped3A : memref<!tpu.dma_semaphore, #tpu.memory_space<semaphore_mem>>)
      %dma_wait3A = arith.constant 0 : i32
      %dma_wait3A_79 = tpu.memref_slice %arg5[%arg0, %mul3A_67, %dma_wait3A] : memref<2x10000x80xf32, #tpu.memory_space<hbm>> -> memref<1x80x80xf32, #tpu.memory_space<hbm>>
      %dma_wait3A_80 = tpu.memref_squeeze %dma_wait3A_79 : memref<1x80x80xf32, #tpu.memory_space<hbm>> -> memref<80x80xf32, #tpu.memory_space<hbm>>
      %dma_wait3A_81 = arith.constant 0 : i32
      %dma_wait3A_82 = tpu.memref_slice %arg8[%mul3A_67, %dma_wait3A_81] : memref<10000x80xf32, #tpu.memory_space<vmem_shared>> -> memref<80x80xf32, #tpu.memory_space<vmem_shared>>
      tpu.wait_dma2 semaphore(%run_scoped3A : memref<!tpu.dma_semaphore, #tpu.memory_space<semaphore_mem>>) src(%dma_wait3A_82 : memref<80x80xf32, #tpu.memory_space<vmem_shared>>) dst(%dma_wait3A_80 : memref<80x80xf32, #tpu.memory_space<hbm>>)
      tpu.yield
    }) : () -> ()
    %add3A_68 = arith.constant 112 : i32
    %add3A_69 = arith.addi %arg1, %add3A_68 : i32
    %lt3A_70 = arith.constant 125 : i32
    %lt3A_71 = arith.cmpi slt, %add3A_69, %lt3A_70 : i32
    %convert_element_type3A_72 = arith.extui %lt3A_71 : i1 to i32
    %cond3A_73 = arith.constant 0 : i32
    %cond3A_74 = arith.cmpi ne, %convert_element_type3A_72, %cond3A_73 : i32
    scf.if %cond3A_74 {
      %mul3A_75 = arith.constant 80 : i32
      %mul3A_76 = arith.muli %add3A_69, %mul3A_75 : i32
      "tpu.region"() ({
        %run_scoped3A = tpu.sem_alloc : memref<!tpu.dma_semaphore, #tpu.memory_space<semaphore_mem>>
        %dma_start3A = arith.constant 0 : i32
        %dma_start3A_77 = tpu.memref_slice %arg5[%arg0, %mul3A_76, %dma_start3A] : memref<2x10000x80xf32, #tpu.memory_space<hbm>> -> memref<1x80x80xf32, #tpu.memory_space<hbm>>
        %dma_start3A_78 = tpu.memref_squeeze %dma_start3A_77 : memref<1x80x80xf32, #tpu.memory_space<hbm>> -> memref<80x80xf32, #tpu.memory_space<hbm>>
        %dma_start3A_79 = arith.constant 0 : i32
        %dma_start3A_80 = tpu.memref_slice %arg8[%mul3A_76, %dma_start3A_79] : memref<10000x80xf32, #tpu.memory_space<vmem_shared>> -> memref<80x80xf32, #tpu.memory_space<vmem_shared>>
        tpu.enqueue_dma source(%dma_start3A_80 : memref<80x80xf32, #tpu.memory_space<vmem_shared>>) target(%dma_start3A_78 : memref<80x80xf32, #tpu.memory_space<hbm>>) target_semaphore(%run_scoped3A : memref<!tpu.dma_semaphore, #tpu.memory_space<semaphore_mem>>)
        %dma_wait3A = arith.constant 0 : i32
        %dma_wait3A_81 = tpu.memref_slice %arg5[%arg0, %mul3A_76, %dma_wait3A] : memref<2x10000x80xf32, #tpu.memory_space<hbm>> -> memref<1x80x80xf32, #tpu.memory_space<hbm>>
        %dma_wait3A_82 = tpu.memref_squeeze %dma_wait3A_81 : memref<1x80x80xf32, #tpu.memory_space<hbm>> -> memref<80x80xf32, #tpu.memory_space<hbm>>
        %dma_wait3A_83 = arith.constant 0 : i32
        %dma_wait3A_84 = tpu.memref_slice %arg8[%mul3A_76, %dma_wait3A_83] : memref<10000x80xf32, #tpu.memory_space<vmem_shared>> -> memref<80x80xf32, #tpu.memory_space<vmem_shared>>
        tpu.wait_dma2 semaphore(%run_scoped3A : memref<!tpu.dma_semaphore, #tpu.memory_space<semaphore_mem>>) src(%dma_wait3A_84 : memref<80x80xf32, #tpu.memory_space<vmem_shared>>) dst(%dma_wait3A_82 : memref<80x80xf32, #tpu.memory_space<hbm>>)
        tpu.yield
      }) : () -> ()
    } else {
    }
    return
  }
}

#map = affine_map<(d0, d1) -> (0, 0)>
#map1 = affine_map<(d0, d1) -> (0)>
module attributes {stable_mosaic.version = 14 : i64} {
  func.func @_sc_gather_body(%arg0: i32, %arg1: i32, %arg2: memref<10000x96xf32, #tpu.memory_space<hbm>>, %arg3: memref<320000xi32, #tpu.memory_space<hbm>>, %arg4: memref<320000xi32, #tpu.memory_space<hbm>>, %arg5: memref<320000x96xf32, #tpu.memory_space<hbm>>, %arg6: memref<320000x96xf32, #tpu.memory_space<hbm>>, %arg7: memref<80xi32, #tpu.memory_space<vmem>>, %arg8: memref<80xi32, #tpu.memory_space<vmem>>, %arg9: memref<80x96xf32, #tpu.memory_space<vmem>>, %arg10: memref<80x96xf32, #tpu.memory_space<vmem>>, %arg11: memref<10000x96xf32, #tpu.memory_space<vmem_shared>>, %arg12: memref<!tpu.dma_semaphore, #tpu.memory_space<semaphore_mem>>) attributes {dimension_semantics = [#tpu.dimension_semantics<core_parallel>, #tpu.dimension_semantics<subcore_parallel>], iteration_bounds = array<i64: 2, 16>, scalar_prefetch = 0 : i64, scratch_operands = 6 : i64, tpu.core_type = #tpu.core_type<sc_vector_subcore>, window_params = [{transform_indices = #map}, {transform_indices = #map1}, {transform_indices = #map1}, {transform_indices = #map}, {transform_indices = #map}]} {
    %mul3A = arith.constant 16 : i32
    %mul3A_0 = arith.muli %arg0, %mul3A : i32
    %add3A = arith.addi %mul3A_0, %arg1 : i32
    %add3A_1 = arith.constant 0 : i32
    %add3A_2 = arith.addi %arg1, %add3A_1 : i32
    %mul3A_3 = arith.constant 80 : i32
    %mul3A_4 = arith.muli %add3A_2, %mul3A_3 : i32
    %mul3A_5 = arith.constant 80 : i32
    %mul3A_6 = arith.muli %add3A_2, %mul3A_5 : i32
    "tpu.region"() ({
      %run_scoped3A = tpu.sem_alloc : memref<!tpu.dma_semaphore, #tpu.memory_space<semaphore_mem>>
      %dma_start3A = arith.constant 0 : i32
      %dma_start3A_53 = tpu.memref_slice %arg11[%mul3A_6, %dma_start3A] : memref<10000x96xf32, #tpu.memory_space<vmem_shared>> -> memref<80x96xf32, #tpu.memory_space<vmem_shared>>
      %dma_start3A_54 = arith.constant 0 : i32
      %dma_start3A_55 = tpu.memref_slice %arg2[%mul3A_4, %dma_start3A_54] : memref<10000x96xf32, #tpu.memory_space<hbm>> -> memref<80x96xf32, #tpu.memory_space<hbm>>
      tpu.enqueue_dma source(%dma_start3A_55 : memref<80x96xf32, #tpu.memory_space<hbm>>) target(%dma_start3A_53 : memref<80x96xf32, #tpu.memory_space<vmem_shared>>) target_semaphore(%run_scoped3A : memref<!tpu.dma_semaphore, #tpu.memory_space<semaphore_mem>>)
      %dma_wait3A = arith.constant 0 : i32
      %dma_wait3A_56 = tpu.memref_slice %arg11[%mul3A_6, %dma_wait3A] : memref<10000x96xf32, #tpu.memory_space<vmem_shared>> -> memref<80x96xf32, #tpu.memory_space<vmem_shared>>
      %dma_wait3A_57 = arith.constant 0 : i32
      %dma_wait3A_58 = tpu.memref_slice %arg2[%mul3A_4, %dma_wait3A_57] : memref<10000x96xf32, #tpu.memory_space<hbm>> -> memref<80x96xf32, #tpu.memory_space<hbm>>
      tpu.wait_dma2 semaphore(%run_scoped3A : memref<!tpu.dma_semaphore, #tpu.memory_space<semaphore_mem>>) src(%dma_wait3A_58 : memref<80x96xf32, #tpu.memory_space<hbm>>) dst(%dma_wait3A_56 : memref<80x96xf32, #tpu.memory_space<vmem_shared>>)
      tpu.yield
    }) : () -> ()
    %add3A_7 = arith.constant 16 : i32
    %add3A_8 = arith.addi %arg1, %add3A_7 : i32
    %mul3A_9 = arith.constant 80 : i32
    %mul3A_10 = arith.muli %add3A_8, %mul3A_9 : i32
    %mul3A_11 = arith.constant 80 : i32
    %mul3A_12 = arith.muli %add3A_8, %mul3A_11 : i32
    "tpu.region"() ({
      %run_scoped3A = tpu.sem_alloc : memref<!tpu.dma_semaphore, #tpu.memory_space<semaphore_mem>>
      %dma_start3A = arith.constant 0 : i32
      %dma_start3A_53 = tpu.memref_slice %arg11[%mul3A_12, %dma_start3A] : memref<10000x96xf32, #tpu.memory_space<vmem_shared>> -> memref<80x96xf32, #tpu.memory_space<vmem_shared>>
      %dma_start3A_54 = arith.constant 0 : i32
      %dma_start3A_55 = tpu.memref_slice %arg2[%mul3A_10, %dma_start3A_54] : memref<10000x96xf32, #tpu.memory_space<hbm>> -> memref<80x96xf32, #tpu.memory_space<hbm>>
      tpu.enqueue_dma source(%dma_start3A_55 : memref<80x96xf32, #tpu.memory_space<hbm>>) target(%dma_start3A_53 : memref<80x96xf32, #tpu.memory_space<vmem_shared>>) target_semaphore(%run_scoped3A : memref<!tpu.dma_semaphore, #tpu.memory_space<semaphore_mem>>)
      %dma_wait3A = arith.constant 0 : i32
      %dma_wait3A_56 = tpu.memref_slice %arg11[%mul3A_12, %dma_wait3A] : memref<10000x96xf32, #tpu.memory_space<vmem_shared>> -> memref<80x96xf32, #tpu.memory_space<vmem_shared>>
      %dma_wait3A_57 = arith.constant 0 : i32
      %dma_wait3A_58 = tpu.memref_slice %arg2[%mul3A_10, %dma_wait3A_57] : memref<10000x96xf32, #tpu.memory_space<hbm>> -> memref<80x96xf32, #tpu.memory_space<hbm>>
      tpu.wait_dma2 semaphore(%run_scoped3A : memref<!tpu.dma_semaphore, #tpu.memory_space<semaphore_mem>>) src(%dma_wait3A_58 : memref<80x96xf32, #tpu.memory_space<hbm>>) dst(%dma_wait3A_56 : memref<80x96xf32, #tpu.memory_space<vmem_shared>>)
      tpu.yield
    }) : () -> ()
    %add3A_13 = arith.constant 32 : i32
    %add3A_14 = arith.addi %arg1, %add3A_13 : i32
    %mul3A_15 = arith.constant 80 : i32
    %mul3A_16 = arith.muli %add3A_14, %mul3A_15 : i32
    %mul3A_17 = arith.constant 80 : i32
    %mul3A_18 = arith.muli %add3A_14, %mul3A_17 : i32
    "tpu.region"() ({
      %run_scoped3A = tpu.sem_alloc : memref<!tpu.dma_semaphore, #tpu.memory_space<semaphore_mem>>
      %dma_start3A = arith.constant 0 : i32
      %dma_start3A_53 = tpu.memref_slice %arg11[%mul3A_18, %dma_start3A] : memref<10000x96xf32, #tpu.memory_space<vmem_shared>> -> memref<80x96xf32, #tpu.memory_space<vmem_shared>>
      %dma_start3A_54 = arith.constant 0 : i32
      %dma_start3A_55 = tpu.memref_slice %arg2[%mul3A_16, %dma_start3A_54] : memref<10000x96xf32, #tpu.memory_space<hbm>> -> memref<80x96xf32, #tpu.memory_space<hbm>>
      tpu.enqueue_dma source(%dma_start3A_55 : memref<80x96xf32, #tpu.memory_space<hbm>>) target(%dma_start3A_53 : memref<80x96xf32, #tpu.memory_space<vmem_shared>>) target_semaphore(%run_scoped3A : memref<!tpu.dma_semaphore, #tpu.memory_space<semaphore_mem>>)
      %dma_wait3A = arith.constant 0 : i32
      %dma_wait3A_56 = tpu.memref_slice %arg11[%mul3A_18, %dma_wait3A] : memref<10000x96xf32, #tpu.memory_space<vmem_shared>> -> memref<80x96xf32, #tpu.memory_space<vmem_shared>>
      %dma_wait3A_57 = arith.constant 0 : i32
      %dma_wait3A_58 = tpu.memref_slice %arg2[%mul3A_16, %dma_wait3A_57] : memref<10000x96xf32, #tpu.memory_space<hbm>> -> memref<80x96xf32, #tpu.memory_space<hbm>>
      tpu.wait_dma2 semaphore(%run_scoped3A : memref<!tpu.dma_semaphore, #tpu.memory_space<semaphore_mem>>) src(%dma_wait3A_58 : memref<80x96xf32, #tpu.memory_space<hbm>>) dst(%dma_wait3A_56 : memref<80x96xf32, #tpu.memory_space<vmem_shared>>)
      tpu.yield
    }) : () -> ()
    %add3A_19 = arith.constant 48 : i32
    %add3A_20 = arith.addi %arg1, %add3A_19 : i32
    %mul3A_21 = arith.constant 80 : i32
    %mul3A_22 = arith.muli %add3A_20, %mul3A_21 : i32
    %mul3A_23 = arith.constant 80 : i32
    %mul3A_24 = arith.muli %add3A_20, %mul3A_23 : i32
    "tpu.region"() ({
      %run_scoped3A = tpu.sem_alloc : memref<!tpu.dma_semaphore, #tpu.memory_space<semaphore_mem>>
      %dma_start3A = arith.constant 0 : i32
      %dma_start3A_53 = tpu.memref_slice %arg11[%mul3A_24, %dma_start3A] : memref<10000x96xf32, #tpu.memory_space<vmem_shared>> -> memref<80x96xf32, #tpu.memory_space<vmem_shared>>
      %dma_start3A_54 = arith.constant 0 : i32
      %dma_start3A_55 = tpu.memref_slice %arg2[%mul3A_22, %dma_start3A_54] : memref<10000x96xf32, #tpu.memory_space<hbm>> -> memref<80x96xf32, #tpu.memory_space<hbm>>
      tpu.enqueue_dma source(%dma_start3A_55 : memref<80x96xf32, #tpu.memory_space<hbm>>) target(%dma_start3A_53 : memref<80x96xf32, #tpu.memory_space<vmem_shared>>) target_semaphore(%run_scoped3A : memref<!tpu.dma_semaphore, #tpu.memory_space<semaphore_mem>>)
      %dma_wait3A = arith.constant 0 : i32
      %dma_wait3A_56 = tpu.memref_slice %arg11[%mul3A_24, %dma_wait3A] : memref<10000x96xf32, #tpu.memory_space<vmem_shared>> -> memref<80x96xf32, #tpu.memory_space<vmem_shared>>
      %dma_wait3A_57 = arith.constant 0 : i32
      %dma_wait3A_58 = tpu.memref_slice %arg2[%mul3A_22, %dma_wait3A_57] : memref<10000x96xf32, #tpu.memory_space<hbm>> -> memref<80x96xf32, #tpu.memory_space<hbm>>
      tpu.wait_dma2 semaphore(%run_scoped3A : memref<!tpu.dma_semaphore, #tpu.memory_space<semaphore_mem>>) src(%dma_wait3A_58 : memref<80x96xf32, #tpu.memory_space<hbm>>) dst(%dma_wait3A_56 : memref<80x96xf32, #tpu.memory_space<vmem_shared>>)
      tpu.yield
    }) : () -> ()
    %add3A_25 = arith.constant 64 : i32
    %add3A_26 = arith.addi %arg1, %add3A_25 : i32
    %mul3A_27 = arith.constant 80 : i32
    %mul3A_28 = arith.muli %add3A_26, %mul3A_27 : i32
    %mul3A_29 = arith.constant 80 : i32
    %mul3A_30 = arith.muli %add3A_26, %mul3A_29 : i32
    "tpu.region"() ({
      %run_scoped3A = tpu.sem_alloc : memref<!tpu.dma_semaphore, #tpu.memory_space<semaphore_mem>>
      %dma_start3A = arith.constant 0 : i32
      %dma_start3A_53 = tpu.memref_slice %arg11[%mul3A_30, %dma_start3A] : memref<10000x96xf32, #tpu.memory_space<vmem_shared>> -> memref<80x96xf32, #tpu.memory_space<vmem_shared>>
      %dma_start3A_54 = arith.constant 0 : i32
      %dma_start3A_55 = tpu.memref_slice %arg2[%mul3A_28, %dma_start3A_54] : memref<10000x96xf32, #tpu.memory_space<hbm>> -> memref<80x96xf32, #tpu.memory_space<hbm>>
      tpu.enqueue_dma source(%dma_start3A_55 : memref<80x96xf32, #tpu.memory_space<hbm>>) target(%dma_start3A_53 : memref<80x96xf32, #tpu.memory_space<vmem_shared>>) target_semaphore(%run_scoped3A : memref<!tpu.dma_semaphore, #tpu.memory_space<semaphore_mem>>)
      %dma_wait3A = arith.constant 0 : i32
      %dma_wait3A_56 = tpu.memref_slice %arg11[%mul3A_30, %dma_wait3A] : memref<10000x96xf32, #tpu.memory_space<vmem_shared>> -> memref<80x96xf32, #tpu.memory_space<vmem_shared>>
      %dma_wait3A_57 = arith.constant 0 : i32
      %dma_wait3A_58 = tpu.memref_slice %arg2[%mul3A_28, %dma_wait3A_57] : memref<10000x96xf32, #tpu.memory_space<hbm>> -> memref<80x96xf32, #tpu.memory_space<hbm>>
      tpu.wait_dma2 semaphore(%run_scoped3A : memref<!tpu.dma_semaphore, #tpu.memory_space<semaphore_mem>>) src(%dma_wait3A_58 : memref<80x96xf32, #tpu.memory_space<hbm>>) dst(%dma_wait3A_56 : memref<80x96xf32, #tpu.memory_space<vmem_shared>>)
      tpu.yield
    }) : () -> ()
    %add3A_31 = arith.constant 80 : i32
    %add3A_32 = arith.addi %arg1, %add3A_31 : i32
    %mul3A_33 = arith.constant 80 : i32
    %mul3A_34 = arith.muli %add3A_32, %mul3A_33 : i32
    %mul3A_35 = arith.constant 80 : i32
    %mul3A_36 = arith.muli %add3A_32, %mul3A_35 : i32
    "tpu.region"() ({
      %run_scoped3A = tpu.sem_alloc : memref<!tpu.dma_semaphore, #tpu.memory_space<semaphore_mem>>
      %dma_start3A = arith.constant 0 : i32
      %dma_start3A_53 = tpu.memref_slice %arg11[%mul3A_36, %dma_start3A] : memref<10000x96xf32, #tpu.memory_space<vmem_shared>> -> memref<80x96xf32, #tpu.memory_space<vmem_shared>>
      %dma_start3A_54 = arith.constant 0 : i32
      %dma_start3A_55 = tpu.memref_slice %arg2[%mul3A_34, %dma_start3A_54] : memref<10000x96xf32, #tpu.memory_space<hbm>> -> memref<80x96xf32, #tpu.memory_space<hbm>>
      tpu.enqueue_dma source(%dma_start3A_55 : memref<80x96xf32, #tpu.memory_space<hbm>>) target(%dma_start3A_53 : memref<80x96xf32, #tpu.memory_space<vmem_shared>>) target_semaphore(%run_scoped3A : memref<!tpu.dma_semaphore, #tpu.memory_space<semaphore_mem>>)
      %dma_wait3A = arith.constant 0 : i32
      %dma_wait3A_56 = tpu.memref_slice %arg11[%mul3A_36, %dma_wait3A] : memref<10000x96xf32, #tpu.memory_space<vmem_shared>> -> memref<80x96xf32, #tpu.memory_space<vmem_shared>>
      %dma_wait3A_57 = arith.constant 0 : i32
      %dma_wait3A_58 = tpu.memref_slice %arg2[%mul3A_34, %dma_wait3A_57] : memref<10000x96xf32, #tpu.memory_space<hbm>> -> memref<80x96xf32, #tpu.memory_space<hbm>>
      tpu.wait_dma2 semaphore(%run_scoped3A : memref<!tpu.dma_semaphore, #tpu.memory_space<semaphore_mem>>) src(%dma_wait3A_58 : memref<80x96xf32, #tpu.memory_space<hbm>>) dst(%dma_wait3A_56 : memref<80x96xf32, #tpu.memory_space<vmem_shared>>)
      tpu.yield
    }) : () -> ()
    %add3A_37 = arith.constant 96 : i32
    %add3A_38 = arith.addi %arg1, %add3A_37 : i32
    %mul3A_39 = arith.constant 80 : i32
    %mul3A_40 = arith.muli %add3A_38, %mul3A_39 : i32
    %mul3A_41 = arith.constant 80 : i32
    %mul3A_42 = arith.muli %add3A_38, %mul3A_41 : i32
    "tpu.region"() ({
      %run_scoped3A = tpu.sem_alloc : memref<!tpu.dma_semaphore, #tpu.memory_space<semaphore_mem>>
      %dma_start3A = arith.constant 0 : i32
      %dma_start3A_53 = tpu.memref_slice %arg11[%mul3A_42, %dma_start3A] : memref<10000x96xf32, #tpu.memory_space<vmem_shared>> -> memref<80x96xf32, #tpu.memory_space<vmem_shared>>
      %dma_start3A_54 = arith.constant 0 : i32
      %dma_start3A_55 = tpu.memref_slice %arg2[%mul3A_40, %dma_start3A_54] : memref<10000x96xf32, #tpu.memory_space<hbm>> -> memref<80x96xf32, #tpu.memory_space<hbm>>
      tpu.enqueue_dma source(%dma_start3A_55 : memref<80x96xf32, #tpu.memory_space<hbm>>) target(%dma_start3A_53 : memref<80x96xf32, #tpu.memory_space<vmem_shared>>) target_semaphore(%run_scoped3A : memref<!tpu.dma_semaphore, #tpu.memory_space<semaphore_mem>>)
      %dma_wait3A = arith.constant 0 : i32
      %dma_wait3A_56 = tpu.memref_slice %arg11[%mul3A_42, %dma_wait3A] : memref<10000x96xf32, #tpu.memory_space<vmem_shared>> -> memref<80x96xf32, #tpu.memory_space<vmem_shared>>
      %dma_wait3A_57 = arith.constant 0 : i32
      %dma_wait3A_58 = tpu.memref_slice %arg2[%mul3A_40, %dma_wait3A_57] : memref<10000x96xf32, #tpu.memory_space<hbm>> -> memref<80x96xf32, #tpu.memory_space<hbm>>
      tpu.wait_dma2 semaphore(%run_scoped3A : memref<!tpu.dma_semaphore, #tpu.memory_space<semaphore_mem>>) src(%dma_wait3A_58 : memref<80x96xf32, #tpu.memory_space<hbm>>) dst(%dma_wait3A_56 : memref<80x96xf32, #tpu.memory_space<vmem_shared>>)
      tpu.yield
    }) : () -> ()
    %add3A_43 = arith.constant 112 : i32
    %add3A_44 = arith.addi %arg1, %add3A_43 : i32
    %lt3A = arith.constant 125 : i32
    %lt3A_45 = arith.cmpi slt, %add3A_44, %lt3A : i32
    %convert_element_type3A = arith.extui %lt3A_45 : i1 to i32
    %cond3A = arith.constant 0 : i32
    %cond3A_46 = arith.cmpi ne, %convert_element_type3A, %cond3A : i32
    scf.if %cond3A_46 {
      %mul3A_53 = arith.constant 80 : i32
      %mul3A_54 = arith.muli %add3A_44, %mul3A_53 : i32
      %mul3A_55 = arith.constant 80 : i32
      %mul3A_56 = arith.muli %add3A_44, %mul3A_55 : i32
      "tpu.region"() ({
        %run_scoped3A = tpu.sem_alloc : memref<!tpu.dma_semaphore, #tpu.memory_space<semaphore_mem>>
        %dma_start3A = arith.constant 0 : i32
        %dma_start3A_57 = tpu.memref_slice %arg11[%mul3A_56, %dma_start3A] : memref<10000x96xf32, #tpu.memory_space<vmem_shared>> -> memref<80x96xf32, #tpu.memory_space<vmem_shared>>
        %dma_start3A_58 = arith.constant 0 : i32
        %dma_start3A_59 = tpu.memref_slice %arg2[%mul3A_54, %dma_start3A_58] : memref<10000x96xf32, #tpu.memory_space<hbm>> -> memref<80x96xf32, #tpu.memory_space<hbm>>
        tpu.enqueue_dma source(%dma_start3A_59 : memref<80x96xf32, #tpu.memory_space<hbm>>) target(%dma_start3A_57 : memref<80x96xf32, #tpu.memory_space<vmem_shared>>) target_semaphore(%run_scoped3A : memref<!tpu.dma_semaphore, #tpu.memory_space<semaphore_mem>>)
        %dma_wait3A = arith.constant 0 : i32
        %dma_wait3A_60 = tpu.memref_slice %arg11[%mul3A_56, %dma_wait3A] : memref<10000x96xf32, #tpu.memory_space<vmem_shared>> -> memref<80x96xf32, #tpu.memory_space<vmem_shared>>
        %dma_wait3A_61 = arith.constant 0 : i32
        %dma_wait3A_62 = tpu.memref_slice %arg2[%mul3A_54, %dma_wait3A_61] : memref<10000x96xf32, #tpu.memory_space<hbm>> -> memref<80x96xf32, #tpu.memory_space<hbm>>
        tpu.wait_dma2 semaphore(%run_scoped3A : memref<!tpu.dma_semaphore, #tpu.memory_space<semaphore_mem>>) src(%dma_wait3A_62 : memref<80x96xf32, #tpu.memory_space<hbm>>) dst(%dma_wait3A_60 : memref<80x96xf32, #tpu.memory_space<vmem_shared>>)
        tpu.yield
      }) : () -> ()
    } else {
    }
    %barrier3A = arith.constant 0 : index
    tpu.barrier barrier_id(%barrier3A)
    %mul3A_47 = arith.constant 10000 : i32
    %mul3A_48 = arith.muli %add3A, %mul3A_47 : i32
    %scan3A = arith.constant 0 : i32
    %scan3A_49 = arith.constant 125 : i32
    %scan3A_50 = arith.addi %scan3A, %scan3A_49 : i32
    %scan3A_51 = arith.constant 1 : i32
    scf.for %scan3A_53 = %scan3A to %scan3A_50 step %scan3A_51  : i32 {
      %mul3A_54 = arith.constant 80 : i32
      %mul3A_55 = arith.muli %scan3A_53, %mul3A_54 : i32
      %add3A_56 = arith.addi %mul3A_48, %mul3A_55 : i32
      "tpu.region"() ({
        %run_scoped3A = tpu.sem_alloc : memref<!tpu.dma_semaphore, #tpu.memory_space<semaphore_mem>>
        %dma_start3A_67 = tpu.memref_slice %arg3[%add3A_56] : memref<320000xi32, #tpu.memory_space<hbm>> -> memref<80xi32, #tpu.memory_space<hbm>>
        %dma_start3A_68 = tpu.memref_slice %arg3[%add3A_56] : memref<320000xi32, #tpu.memory_space<hbm>> -> memref<80xi32, #tpu.memory_space<hbm>>
        tpu.enqueue_dma source(%dma_start3A_68 : memref<80xi32, #tpu.memory_space<hbm>>) target(%arg7 : memref<80xi32, #tpu.memory_space<vmem>>) target_semaphore(%run_scoped3A : memref<!tpu.dma_semaphore, #tpu.memory_space<semaphore_mem>>)
        %dma_wait3A_69 = tpu.memref_slice %arg3[%add3A_56] : memref<320000xi32, #tpu.memory_space<hbm>> -> memref<80xi32, #tpu.memory_space<hbm>>
        %dma_wait3A_70 = tpu.memref_slice %arg3[%add3A_56] : memref<320000xi32, #tpu.memory_space<hbm>> -> memref<80xi32, #tpu.memory_space<hbm>>
        tpu.wait_dma2 semaphore(%run_scoped3A : memref<!tpu.dma_semaphore, #tpu.memory_space<semaphore_mem>>) src(%dma_wait3A_70 : memref<80xi32, #tpu.memory_space<hbm>>) dst(%arg7 : memref<80xi32, #tpu.memory_space<vmem>>)
        tpu.yield
      }) : () -> ()
      "tpu.region"() ({
        %run_scoped3A = tpu.sem_alloc : memref<!tpu.dma_semaphore, #tpu.memory_space<semaphore_mem>>
        %dma_start3A_67 = tpu.memref_slice %arg4[%add3A_56] : memref<320000xi32, #tpu.memory_space<hbm>> -> memref<80xi32, #tpu.memory_space<hbm>>
        %dma_start3A_68 = tpu.memref_slice %arg4[%add3A_56] : memref<320000xi32, #tpu.memory_space<hbm>> -> memref<80xi32, #tpu.memory_space<hbm>>
        tpu.enqueue_dma source(%dma_start3A_68 : memref<80xi32, #tpu.memory_space<hbm>>) target(%arg8 : memref<80xi32, #tpu.memory_space<vmem>>) target_semaphore(%run_scoped3A : memref<!tpu.dma_semaphore, #tpu.memory_space<semaphore_mem>>)
        %dma_wait3A_69 = tpu.memref_slice %arg4[%add3A_56] : memref<320000xi32, #tpu.memory_space<hbm>> -> memref<80xi32, #tpu.memory_space<hbm>>
        %dma_wait3A_70 = tpu.memref_slice %arg4[%add3A_56] : memref<320000xi32, #tpu.memory_space<hbm>> -> memref<80xi32, #tpu.memory_space<hbm>>
        tpu.wait_dma2 semaphore(%run_scoped3A : memref<!tpu.dma_semaphore, #tpu.memory_space<semaphore_mem>>) src(%dma_wait3A_70 : memref<80xi32, #tpu.memory_space<hbm>>) dst(%arg8 : memref<80xi32, #tpu.memory_space<vmem>>)
        tpu.yield
      }) : () -> ()
      %dma_start3A = arith.constant 0 : i32
      %dma_start3A_57 = arith.constant 0 : i32
      %dma_start3A_58 = tpu.memref_slice %arg11[%dma_start3A, %dma_start3A_57] : memref<10000x96xf32, #tpu.memory_space<vmem_shared>> -> memref<10000x96xf32, #tpu.memory_space<vmem_shared>>
      tpu.enqueue_indirect_dma source(%dma_start3A_58 : memref<10000x96xf32, #tpu.memory_space<vmem_shared>>) target(%arg9 : memref<80x96xf32, #tpu.memory_space<vmem>>) offsets(%arg7 : memref<80xi32, #tpu.memory_space<vmem>>) semaphore(%arg12 : memref<!tpu.dma_semaphore, #tpu.memory_space<semaphore_mem>>)
      %dma_start3A_59 = arith.constant 0 : i32
      %dma_start3A_60 = arith.constant 0 : i32
      %dma_start3A_61 = tpu.memref_slice %arg11[%dma_start3A_59, %dma_start3A_60] : memref<10000x96xf32, #tpu.memory_space<vmem_shared>> -> memref<10000x96xf32, #tpu.memory_space<vmem_shared>>
      tpu.enqueue_indirect_dma source(%dma_start3A_61 : memref<10000x96xf32, #tpu.memory_space<vmem_shared>>) target(%arg10 : memref<80x96xf32, #tpu.memory_space<vmem>>) offsets(%arg8 : memref<80xi32, #tpu.memory_space<vmem>>) semaphore(%arg12 : memref<!tpu.dma_semaphore, #tpu.memory_space<semaphore_mem>>)
      %dma_wait3A = arith.constant 0 : i32
      %dma_wait3A_62 = arith.constant 0 : i32
      %dma_wait3A_63 = tpu.memref_slice %arg11[%dma_wait3A, %dma_wait3A_62] : memref<10000x96xf32, #tpu.memory_space<vmem_shared>> -> memref<10000x96xf32, #tpu.memory_space<vmem_shared>>
      tpu.wait_indirect_dma semaphore(%arg12 : memref<!tpu.dma_semaphore, #tpu.memory_space<semaphore_mem>>) src(%dma_wait3A_63 : memref<10000x96xf32, #tpu.memory_space<vmem_shared>>) dst(%arg9 : memref<80x96xf32, #tpu.memory_space<vmem>>)
      %dma_wait3A_64 = arith.constant 0 : i32
      %dma_wait3A_65 = arith.constant 0 : i32
      %dma_wait3A_66 = tpu.memref_slice %arg11[%dma_wait3A_64, %dma_wait3A_65] : memref<10000x96xf32, #tpu.memory_space<vmem_shared>> -> memref<10000x96xf32, #tpu.memory_space<vmem_shared>>
      tpu.wait_indirect_dma semaphore(%arg12 : memref<!tpu.dma_semaphore, #tpu.memory_space<semaphore_mem>>) src(%dma_wait3A_66 : memref<10000x96xf32, #tpu.memory_space<vmem_shared>>) dst(%arg10 : memref<80x96xf32, #tpu.memory_space<vmem>>)
      "tpu.region"() ({
        %run_scoped3A = tpu.sem_alloc : memref<!tpu.dma_semaphore, #tpu.memory_space<semaphore_mem>>
        %dma_start3A_67 = arith.constant 0 : i32
        %dma_start3A_68 = tpu.memref_slice %arg5[%add3A_56, %dma_start3A_67] : memref<320000x96xf32, #tpu.memory_space<hbm>> -> memref<80x96xf32, #tpu.memory_space<hbm>>
        %dma_start3A_69 = arith.constant 0 : i32
        %dma_start3A_70 = tpu.memref_slice %arg5[%add3A_56, %dma_start3A_69] : memref<320000x96xf32, #tpu.memory_space<hbm>> -> memref<80x96xf32, #tpu.memory_space<hbm>>
        tpu.enqueue_dma source(%arg9 : memref<80x96xf32, #tpu.memory_space<vmem>>) target(%dma_start3A_70 : memref<80x96xf32, #tpu.memory_space<hbm>>) target_semaphore(%run_scoped3A : memref<!tpu.dma_semaphore, #tpu.memory_space<semaphore_mem>>)
        %dma_wait3A_71 = arith.constant 0 : i32
        %dma_wait3A_72 = tpu.memref_slice %arg5[%add3A_56, %dma_wait3A_71] : memref<320000x96xf32, #tpu.memory_space<hbm>> -> memref<80x96xf32, #tpu.memory_space<hbm>>
        %dma_wait3A_73 = arith.constant 0 : i32
        %dma_wait3A_74 = tpu.memref_slice %arg5[%add3A_56, %dma_wait3A_73] : memref<320000x96xf32, #tpu.memory_space<hbm>> -> memref<80x96xf32, #tpu.memory_space<hbm>>
        tpu.wait_dma2 semaphore(%run_scoped3A : memref<!tpu.dma_semaphore, #tpu.memory_space<semaphore_mem>>) src(%arg9 : memref<80x96xf32, #tpu.memory_space<vmem>>) dst(%dma_wait3A_74 : memref<80x96xf32, #tpu.memory_space<hbm>>)
        tpu.yield
      }) : () -> ()
      "tpu.region"() ({
        %run_scoped3A = tpu.sem_alloc : memref<!tpu.dma_semaphore, #tpu.memory_space<semaphore_mem>>
        %dma_start3A_67 = arith.constant 0 : i32
        %dma_start3A_68 = tpu.memref_slice %arg6[%add3A_56, %dma_start3A_67] : memref<320000x96xf32, #tpu.memory_space<hbm>> -> memref<80x96xf32, #tpu.memory_space<hbm>>
        %dma_start3A_69 = arith.constant 0 : i32
        %dma_start3A_70 = tpu.memref_slice %arg6[%add3A_56, %dma_start3A_69] : memref<320000x96xf32, #tpu.memory_space<hbm>> -> memref<80x96xf32, #tpu.memory_space<hbm>>
        tpu.enqueue_dma source(%arg10 : memref<80x96xf32, #tpu.memory_space<vmem>>) target(%dma_start3A_70 : memref<80x96xf32, #tpu.memory_space<hbm>>) target_semaphore(%run_scoped3A : memref<!tpu.dma_semaphore, #tpu.memory_space<semaphore_mem>>)
        %dma_wait3A_71 = arith.constant 0 : i32
        %dma_wait3A_72 = tpu.memref_slice %arg6[%add3A_56, %dma_wait3A_71] : memref<320000x96xf32, #tpu.memory_space<hbm>> -> memref<80x96xf32, #tpu.memory_space<hbm>>
        %dma_wait3A_73 = arith.constant 0 : i32
        %dma_wait3A_74 = tpu.memref_slice %arg6[%add3A_56, %dma_wait3A_73] : memref<320000x96xf32, #tpu.memory_space<hbm>> -> memref<80x96xf32, #tpu.memory_space<hbm>>
        tpu.wait_dma2 semaphore(%run_scoped3A : memref<!tpu.dma_semaphore, #tpu.memory_space<semaphore_mem>>) src(%arg10 : memref<80x96xf32, #tpu.memory_space<vmem>>) dst(%dma_wait3A_74 : memref<80x96xf32, #tpu.memory_space<hbm>>)
        tpu.yield
      }) : () -> ()
    }
    %scan3A_52 = arith.constant 125 : i32
    return
  }
}

#map = affine_map<(d0, d1) -> (0, 0)>
#map1 = affine_map<(d0, d1) -> (0)>
#map2 = affine_map<(d0, d1) -> (0, 0, 0)>
module attributes {stable_mosaic.version = 14 : i64} {
  func.func @_sc_scatter_body(%arg0: i32, %arg1: i32, %arg2: memref<320000x80xf32, #tpu.memory_space<hbm>>, %arg3: memref<320000xi32, #tpu.memory_space<hbm>>, %arg4: memref<80x80xf32, #tpu.memory_space<hbm>>, %arg5: memref<2x10000x80xf32, #tpu.memory_space<hbm>>, %arg6: memref<80xi32, #tpu.memory_space<vmem>>, %arg7: memref<80x80xf32, #tpu.memory_space<vmem>>, %arg8: memref<10000x80xf32, #tpu.memory_space<vmem_shared>>, %arg9: memref<!tpu.dma_semaphore, #tpu.memory_space<semaphore_mem>>) attributes {dimension_semantics = [#tpu.dimension_semantics<core_parallel>, #tpu.dimension_semantics<subcore_parallel>], iteration_bounds = array<i64: 2, 16>, scalar_prefetch = 0 : i64, scratch_operands = 4 : i64, tpu.core_type = #tpu.core_type<sc_vector_subcore>, window_params = [{transform_indices = #map}, {transform_indices = #map1}, {transform_indices = #map}, {transform_indices = #map2}]} {
    %mul3A = arith.constant 16 : i32
    %mul3A_0 = arith.muli %arg0, %mul3A : i32
    %add3A = arith.addi %mul3A_0, %arg1 : i32
    %add3A_1 = arith.constant 0 : i32
    %add3A_2 = arith.addi %arg1, %add3A_1 : i32
    %mul3A_3 = arith.constant 80 : i32
    %mul3A_4 = arith.muli %add3A_2, %mul3A_3 : i32
    "tpu.region"() ({
      %run_scoped3A = tpu.sem_alloc : memref<!tpu.dma_semaphore, #tpu.memory_space<semaphore_mem>>
      %dma_start3A = arith.constant 0 : i32
      %dma_start3A_75 = tpu.memref_slice %arg8[%mul3A_4, %dma_start3A] : memref<10000x80xf32, #tpu.memory_space<vmem_shared>> -> memref<80x80xf32, #tpu.memory_space<vmem_shared>>
      tpu.enqueue_dma source(%arg4 : memref<80x80xf32, #tpu.memory_space<hbm>>) target(%dma_start3A_75 : memref<80x80xf32, #tpu.memory_space<vmem_shared>>) target_semaphore(%run_scoped3A : memref<!tpu.dma_semaphore, #tpu.memory_space<semaphore_mem>>)
      %dma_wait3A = arith.constant 0 : i32
      %dma_wait3A_76 = tpu.memref_slice %arg8[%mul3A_4, %dma_wait3A] : memref<10000x80xf32, #tpu.memory_space<vmem_shared>> -> memref<80x80xf32, #tpu.memory_space<vmem_shared>>
      tpu.wait_dma2 semaphore(%run_scoped3A : memref<!tpu.dma_semaphore, #tpu.memory_space<semaphore_mem>>) src(%arg4 : memref<80x80xf32, #tpu.memory_space<hbm>>) dst(%dma_wait3A_76 : memref<80x80xf32, #tpu.memory_space<vmem_shared>>)
      tpu.yield
    }) : () -> ()
    %add3A_5 = arith.constant 16 : i32
    %add3A_6 = arith.addi %arg1, %add3A_5 : i32
    %mul3A_7 = arith.constant 80 : i32
    %mul3A_8 = arith.muli %add3A_6, %mul3A_7 : i32
    "tpu.region"() ({
      %run_scoped3A = tpu.sem_alloc : memref<!tpu.dma_semaphore, #tpu.memory_space<semaphore_mem>>
      %dma_start3A = arith.constant 0 : i32
      %dma_start3A_75 = tpu.memref_slice %arg8[%mul3A_8, %dma_start3A] : memref<10000x80xf32, #tpu.memory_space<vmem_shared>> -> memref<80x80xf32, #tpu.memory_space<vmem_shared>>
      tpu.enqueue_dma source(%arg4 : memref<80x80xf32, #tpu.memory_space<hbm>>) target(%dma_start3A_75 : memref<80x80xf32, #tpu.memory_space<vmem_shared>>) target_semaphore(%run_scoped3A : memref<!tpu.dma_semaphore, #tpu.memory_space<semaphore_mem>>)
      %dma_wait3A = arith.constant 0 : i32
      %dma_wait3A_76 = tpu.memref_slice %arg8[%mul3A_8, %dma_wait3A] : memref<10000x80xf32, #tpu.memory_space<vmem_shared>> -> memref<80x80xf32, #tpu.memory_space<vmem_shared>>
      tpu.wait_dma2 semaphore(%run_scoped3A : memref<!tpu.dma_semaphore, #tpu.memory_space<semaphore_mem>>) src(%arg4 : memref<80x80xf32, #tpu.memory_space<hbm>>) dst(%dma_wait3A_76 : memref<80x80xf32, #tpu.memory_space<vmem_shared>>)
      tpu.yield
    }) : () -> ()
    %add3A_9 = arith.constant 32 : i32
    %add3A_10 = arith.addi %arg1, %add3A_9 : i32
    %mul3A_11 = arith.constant 80 : i32
    %mul3A_12 = arith.muli %add3A_10, %mul3A_11 : i32
    "tpu.region"() ({
      %run_scoped3A = tpu.sem_alloc : memref<!tpu.dma_semaphore, #tpu.memory_space<semaphore_mem>>
      %dma_start3A = arith.constant 0 : i32
      %dma_start3A_75 = tpu.memref_slice %arg8[%mul3A_12, %dma_start3A] : memref<10000x80xf32, #tpu.memory_space<vmem_shared>> -> memref<80x80xf32, #tpu.memory_space<vmem_shared>>
      tpu.enqueue_dma source(%arg4 : memref<80x80xf32, #tpu.memory_space<hbm>>) target(%dma_start3A_75 : memref<80x80xf32, #tpu.memory_space<vmem_shared>>) target_semaphore(%run_scoped3A : memref<!tpu.dma_semaphore, #tpu.memory_space<semaphore_mem>>)
      %dma_wait3A = arith.constant 0 : i32
      %dma_wait3A_76 = tpu.memref_slice %arg8[%mul3A_12, %dma_wait3A] : memref<10000x80xf32, #tpu.memory_space<vmem_shared>> -> memref<80x80xf32, #tpu.memory_space<vmem_shared>>
      tpu.wait_dma2 semaphore(%run_scoped3A : memref<!tpu.dma_semaphore, #tpu.memory_space<semaphore_mem>>) src(%arg4 : memref<80x80xf32, #tpu.memory_space<hbm>>) dst(%dma_wait3A_76 : memref<80x80xf32, #tpu.memory_space<vmem_shared>>)
      tpu.yield
    }) : () -> ()
    %add3A_13 = arith.constant 48 : i32
    %add3A_14 = arith.addi %arg1, %add3A_13 : i32
    %mul3A_15 = arith.constant 80 : i32
    %mul3A_16 = arith.muli %add3A_14, %mul3A_15 : i32
    "tpu.region"() ({
      %run_scoped3A = tpu.sem_alloc : memref<!tpu.dma_semaphore, #tpu.memory_space<semaphore_mem>>
      %dma_start3A = arith.constant 0 : i32
      %dma_start3A_75 = tpu.memref_slice %arg8[%mul3A_16, %dma_start3A] : memref<10000x80xf32, #tpu.memory_space<vmem_shared>> -> memref<80x80xf32, #tpu.memory_space<vmem_shared>>
      tpu.enqueue_dma source(%arg4 : memref<80x80xf32, #tpu.memory_space<hbm>>) target(%dma_start3A_75 : memref<80x80xf32, #tpu.memory_space<vmem_shared>>) target_semaphore(%run_scoped3A : memref<!tpu.dma_semaphore, #tpu.memory_space<semaphore_mem>>)
      %dma_wait3A = arith.constant 0 : i32
      %dma_wait3A_76 = tpu.memref_slice %arg8[%mul3A_16, %dma_wait3A] : memref<10000x80xf32, #tpu.memory_space<vmem_shared>> -> memref<80x80xf32, #tpu.memory_space<vmem_shared>>
      tpu.wait_dma2 semaphore(%run_scoped3A : memref<!tpu.dma_semaphore, #tpu.memory_space<semaphore_mem>>) src(%arg4 : memref<80x80xf32, #tpu.memory_space<hbm>>) dst(%dma_wait3A_76 : memref<80x80xf32, #tpu.memory_space<vmem_shared>>)
      tpu.yield
    }) : () -> ()
    %add3A_17 = arith.constant 64 : i32
    %add3A_18 = arith.addi %arg1, %add3A_17 : i32
    %mul3A_19 = arith.constant 80 : i32
    %mul3A_20 = arith.muli %add3A_18, %mul3A_19 : i32
    "tpu.region"() ({
      %run_scoped3A = tpu.sem_alloc : memref<!tpu.dma_semaphore, #tpu.memory_space<semaphore_mem>>
      %dma_start3A = arith.constant 0 : i32
      %dma_start3A_75 = tpu.memref_slice %arg8[%mul3A_20, %dma_start3A] : memref<10000x80xf32, #tpu.memory_space<vmem_shared>> -> memref<80x80xf32, #tpu.memory_space<vmem_shared>>
      tpu.enqueue_dma source(%arg4 : memref<80x80xf32, #tpu.memory_space<hbm>>) target(%dma_start3A_75 : memref<80x80xf32, #tpu.memory_space<vmem_shared>>) target_semaphore(%run_scoped3A : memref<!tpu.dma_semaphore, #tpu.memory_space<semaphore_mem>>)
      %dma_wait3A = arith.constant 0 : i32
      %dma_wait3A_76 = tpu.memref_slice %arg8[%mul3A_20, %dma_wait3A] : memref<10000x80xf32, #tpu.memory_space<vmem_shared>> -> memref<80x80xf32, #tpu.memory_space<vmem_shared>>
      tpu.wait_dma2 semaphore(%run_scoped3A : memref<!tpu.dma_semaphore, #tpu.memory_space<semaphore_mem>>) src(%arg4 : memref<80x80xf32, #tpu.memory_space<hbm>>) dst(%dma_wait3A_76 : memref<80x80xf32, #tpu.memory_space<vmem_shared>>)
      tpu.yield
    }) : () -> ()
    %add3A_21 = arith.constant 80 : i32
    %add3A_22 = arith.addi %arg1, %add3A_21 : i32
    %mul3A_23 = arith.constant 80 : i32
    %mul3A_24 = arith.muli %add3A_22, %mul3A_23 : i32
    "tpu.region"() ({
      %run_scoped3A = tpu.sem_alloc : memref<!tpu.dma_semaphore, #tpu.memory_space<semaphore_mem>>
      %dma_start3A = arith.constant 0 : i32
      %dma_start3A_75 = tpu.memref_slice %arg8[%mul3A_24, %dma_start3A] : memref<10000x80xf32, #tpu.memory_space<vmem_shared>> -> memref<80x80xf32, #tpu.memory_space<vmem_shared>>
      tpu.enqueue_dma source(%arg4 : memref<80x80xf32, #tpu.memory_space<hbm>>) target(%dma_start3A_75 : memref<80x80xf32, #tpu.memory_space<vmem_shared>>) target_semaphore(%run_scoped3A : memref<!tpu.dma_semaphore, #tpu.memory_space<semaphore_mem>>)
      %dma_wait3A = arith.constant 0 : i32
      %dma_wait3A_76 = tpu.memref_slice %arg8[%mul3A_24, %dma_wait3A] : memref<10000x80xf32, #tpu.memory_space<vmem_shared>> -> memref<80x80xf32, #tpu.memory_space<vmem_shared>>
      tpu.wait_dma2 semaphore(%run_scoped3A : memref<!tpu.dma_semaphore, #tpu.memory_space<semaphore_mem>>) src(%arg4 : memref<80x80xf32, #tpu.memory_space<hbm>>) dst(%dma_wait3A_76 : memref<80x80xf32, #tpu.memory_space<vmem_shared>>)
      tpu.yield
    }) : () -> ()
    %add3A_25 = arith.constant 96 : i32
    %add3A_26 = arith.addi %arg1, %add3A_25 : i32
    %mul3A_27 = arith.constant 80 : i32
    %mul3A_28 = arith.muli %add3A_26, %mul3A_27 : i32
    "tpu.region"() ({
      %run_scoped3A = tpu.sem_alloc : memref<!tpu.dma_semaphore, #tpu.memory_space<semaphore_mem>>
      %dma_start3A = arith.constant 0 : i32
      %dma_start3A_75 = tpu.memref_slice %arg8[%mul3A_28, %dma_start3A] : memref<10000x80xf32, #tpu.memory_space<vmem_shared>> -> memref<80x80xf32, #tpu.memory_space<vmem_shared>>
      tpu.enqueue_dma source(%arg4 : memref<80x80xf32, #tpu.memory_space<hbm>>) target(%dma_start3A_75 : memref<80x80xf32, #tpu.memory_space<vmem_shared>>) target_semaphore(%run_scoped3A : memref<!tpu.dma_semaphore, #tpu.memory_space<semaphore_mem>>)
      %dma_wait3A = arith.constant 0 : i32
      %dma_wait3A_76 = tpu.memref_slice %arg8[%mul3A_28, %dma_wait3A] : memref<10000x80xf32, #tpu.memory_space<vmem_shared>> -> memref<80x80xf32, #tpu.memory_space<vmem_shared>>
      tpu.wait_dma2 semaphore(%run_scoped3A : memref<!tpu.dma_semaphore, #tpu.memory_space<semaphore_mem>>) src(%arg4 : memref<80x80xf32, #tpu.memory_space<hbm>>) dst(%dma_wait3A_76 : memref<80x80xf32, #tpu.memory_space<vmem_shared>>)
      tpu.yield
    }) : () -> ()
    %add3A_29 = arith.constant 112 : i32
    %add3A_30 = arith.addi %arg1, %add3A_29 : i32
    %lt3A = arith.constant 125 : i32
    %lt3A_31 = arith.cmpi slt, %add3A_30, %lt3A : i32
    %convert_element_type3A = arith.extui %lt3A_31 : i1 to i32
    %cond3A = arith.constant 0 : i32
    %cond3A_32 = arith.cmpi ne, %convert_element_type3A, %cond3A : i32
    scf.if %cond3A_32 {
      %mul3A_75 = arith.constant 80 : i32
      %mul3A_76 = arith.muli %add3A_30, %mul3A_75 : i32
      "tpu.region"() ({
        %run_scoped3A = tpu.sem_alloc : memref<!tpu.dma_semaphore, #tpu.memory_space<semaphore_mem>>
        %dma_start3A = arith.constant 0 : i32
        %dma_start3A_77 = tpu.memref_slice %arg8[%mul3A_76, %dma_start3A] : memref<10000x80xf32, #tpu.memory_space<vmem_shared>> -> memref<80x80xf32, #tpu.memory_space<vmem_shared>>
        tpu.enqueue_dma source(%arg4 : memref<80x80xf32, #tpu.memory_space<hbm>>) target(%dma_start3A_77 : memref<80x80xf32, #tpu.memory_space<vmem_shared>>) target_semaphore(%run_scoped3A : memref<!tpu.dma_semaphore, #tpu.memory_space<semaphore_mem>>)
        %dma_wait3A = arith.constant 0 : i32
        %dma_wait3A_78 = tpu.memref_slice %arg8[%mul3A_76, %dma_wait3A] : memref<10000x80xf32, #tpu.memory_space<vmem_shared>> -> memref<80x80xf32, #tpu.memory_space<vmem_shared>>
        tpu.wait_dma2 semaphore(%run_scoped3A : memref<!tpu.dma_semaphore, #tpu.memory_space<semaphore_mem>>) src(%arg4 : memref<80x80xf32, #tpu.memory_space<hbm>>) dst(%dma_wait3A_78 : memref<80x80xf32, #tpu.memory_space<vmem_shared>>)
        tpu.yield
      }) : () -> ()
    } else {
    }
    %barrier3A = arith.constant 0 : index
    tpu.barrier barrier_id(%barrier3A)
    %mul3A_33 = arith.constant 10000 : i32
    %mul3A_34 = arith.muli %add3A, %mul3A_33 : i32
    %scan3A = arith.constant 0 : i32
    %scan3A_35 = arith.constant 125 : i32
    %scan3A_36 = arith.addi %scan3A, %scan3A_35 : i32
    %scan3A_37 = arith.constant 1 : i32
    scf.for %scan3A_75 = %scan3A to %scan3A_36 step %scan3A_37  : i32 {
      %mul3A_76 = arith.constant 80 : i32
      %mul3A_77 = arith.muli %scan3A_75, %mul3A_76 : i32
      %add3A_78 = arith.addi %mul3A_34, %mul3A_77 : i32
      "tpu.region"() ({
        %run_scoped3A = tpu.sem_alloc : memref<!tpu.dma_semaphore, #tpu.memory_space<semaphore_mem>>
        %dma_start3A = tpu.memref_slice %arg3[%add3A_78] : memref<320000xi32, #tpu.memory_space<hbm>> -> memref<80xi32, #tpu.memory_space<hbm>>
        %dma_start3A_79 = tpu.memref_slice %arg3[%add3A_78] : memref<320000xi32, #tpu.memory_space<hbm>> -> memref<80xi32, #tpu.memory_space<hbm>>
        tpu.enqueue_dma source(%dma_start3A_79 : memref<80xi32, #tpu.memory_space<hbm>>) target(%arg6 : memref<80xi32, #tpu.memory_space<vmem>>) target_semaphore(%run_scoped3A : memref<!tpu.dma_semaphore, #tpu.memory_space<semaphore_mem>>)
        %dma_wait3A = tpu.memref_slice %arg3[%add3A_78] : memref<320000xi32, #tpu.memory_space<hbm>> -> memref<80xi32, #tpu.memory_space<hbm>>
        %dma_wait3A_80 = tpu.memref_slice %arg3[%add3A_78] : memref<320000xi32, #tpu.memory_space<hbm>> -> memref<80xi32, #tpu.memory_space<hbm>>
        tpu.wait_dma2 semaphore(%run_scoped3A : memref<!tpu.dma_semaphore, #tpu.memory_space<semaphore_mem>>) src(%dma_wait3A_80 : memref<80xi32, #tpu.memory_space<hbm>>) dst(%arg6 : memref<80xi32, #tpu.memory_space<vmem>>)
        tpu.yield
      }) : () -> ()
      "tpu.region"() ({
        %run_scoped3A = tpu.sem_alloc : memref<!tpu.dma_semaphore, #tpu.memory_space<semaphore_mem>>
        %dma_start3A = arith.constant 0 : i32
        %dma_start3A_79 = tpu.memref_slice %arg2[%add3A_78, %dma_start3A] : memref<320000x80xf32, #tpu.memory_space<hbm>> -> memref<80x80xf32, #tpu.memory_space<hbm>>
        %dma_start3A_80 = arith.constant 0 : i32
        %dma_start3A_81 = tpu.memref_slice %arg2[%add3A_78, %dma_start3A_80] : memref<320000x80xf32, #tpu.memory_space<hbm>> -> memref<80x80xf32, #tpu.memory_space<hbm>>
        tpu.enqueue_dma source(%dma_start3A_81 : memref<80x80xf32, #tpu.memory_space<hbm>>) target(%arg7 : memref<80x80xf32, #tpu.memory_space<vmem>>) target_semaphore(%run_scoped3A : memref<!tpu.dma_semaphore, #tpu.memory_space<semaphore_mem>>)
        %dma_wait3A = arith.constant 0 : i32
        %dma_wait3A_82 = tpu.memref_slice %arg2[%add3A_78, %dma_wait3A] : memref<320000x80xf32, #tpu.memory_space<hbm>> -> memref<80x80xf32, #tpu.memory_space<hbm>>
        %dma_wait3A_83 = arith.constant 0 : i32
        %dma_wait3A_84 = tpu.memref_slice %arg2[%add3A_78, %dma_wait3A_83] : memref<320000x80xf32, #tpu.memory_space<hbm>> -> memref<80x80xf32, #tpu.memory_space<hbm>>
        tpu.wait_dma2 semaphore(%run_scoped3A : memref<!tpu.dma_semaphore, #tpu.memory_space<semaphore_mem>>) src(%dma_wait3A_84 : memref<80x80xf32, #tpu.memory_space<hbm>>) dst(%arg7 : memref<80x80xf32, #tpu.memory_space<vmem>>)
        tpu.yield
      }) : () -> ()
      "tpu.region"() ({
        %run_scoped3A = tpu.sem_alloc : memref<!tpu.dma_semaphore, #tpu.memory_space<semaphore_mem>>
        %dma_start3A = arith.constant 0 : i32
        %dma_start3A_79 = arith.constant 0 : i32
        %dma_start3A_80 = tpu.memref_slice %arg8[%dma_start3A, %dma_start3A_79] : memref<10000x80xf32, #tpu.memory_space<vmem_shared>> -> memref<10000x80xf32, #tpu.memory_space<vmem_shared>>
        tpu.enqueue_indirect_dma source(%arg7 : memref<80x80xf32, #tpu.memory_space<vmem>>) target(%dma_start3A_80 : memref<10000x80xf32, #tpu.memory_space<vmem_shared>>) offsets(%arg6 : memref<80xi32, #tpu.memory_space<vmem>>) semaphore(%run_scoped3A : memref<!tpu.dma_semaphore, #tpu.memory_space<semaphore_mem>>) {add = true}
        %dma_wait3A = arith.constant 0 : i32
        %dma_wait3A_81 = arith.constant 0 : i32
        %dma_wait3A_82 = tpu.memref_slice %arg8[%dma_wait3A, %dma_wait3A_81] : memref<10000x80xf32, #tpu.memory_space<vmem_shared>> -> memref<10000x80xf32, #tpu.memory_space<vmem_shared>>
        tpu.wait_indirect_dma semaphore(%run_scoped3A : memref<!tpu.dma_semaphore, #tpu.memory_space<semaphore_mem>>) src(%arg7 : memref<80x80xf32, #tpu.memory_space<vmem>>) dst(%dma_wait3A_82 : memref<10000x80xf32, #tpu.memory_space<vmem_shared>>)
        tpu.yield
      }) : () -> ()
    }
    %scan3A_38 = arith.constant 125 : i32
    %barrier3A_39 = arith.constant 0 : index
    tpu.barrier barrier_id(%barrier3A_39)
    %add3A_40 = arith.constant 0 : i32
    %add3A_41 = arith.addi %arg1, %add3A_40 : i32
    %mul3A_42 = arith.constant 80 : i32
    %mul3A_43 = arith.muli %add3A_41, %mul3A_42 : i32
    "tpu.region"() ({
      %run_scoped3A = tpu.sem_alloc : memref<!tpu.dma_semaphore, #tpu.memory_space<semaphore_mem>>
      %dma_start3A = arith.constant 0 : i32
      %dma_start3A_75 = tpu.memref_slice %arg5[%arg0, %mul3A_43, %dma_start3A] : memref<2x10000x80xf32, #tpu.memory_space<hbm>> -> memref<1x80x80xf32, #tpu.memory_space<hbm>>
      %dma_start3A_76 = tpu.memref_squeeze %dma_start3A_75 : memref<1x80x80xf32, #tpu.memory_space<hbm>> -> memref<80x80xf32, #tpu.memory_space<hbm>>
      %dma_start3A_77 = arith.constant 0 : i32
      %dma_start3A_78 = tpu.memref_slice %arg8[%mul3A_43, %dma_start3A_77] : memref<10000x80xf32, #tpu.memory_space<vmem_shared>> -> memref<80x80xf32, #tpu.memory_space<vmem_shared>>
      tpu.enqueue_dma source(%dma_start3A_78 : memref<80x80xf32, #tpu.memory_space<vmem_shared>>) target(%dma_start3A_76 : memref<80x80xf32, #tpu.memory_space<hbm>>) target_semaphore(%run_scoped3A : memref<!tpu.dma_semaphore, #tpu.memory_space<semaphore_mem>>)
      %dma_wait3A = arith.constant 0 : i32
      %dma_wait3A_79 = tpu.memref_slice %arg5[%arg0, %mul3A_43, %dma_wait3A] : memref<2x10000x80xf32, #tpu.memory_space<hbm>> -> memref<1x80x80xf32, #tpu.memory_space<hbm>>
      %dma_wait3A_80 = tpu.memref_squeeze %dma_wait3A_79 : memref<1x80x80xf32, #tpu.memory_space<hbm>> -> memref<80x80xf32, #tpu.memory_space<hbm>>
      %dma_wait3A_81 = arith.constant 0 : i32
      %dma_wait3A_82 = tpu.memref_slice %arg8[%mul3A_43, %dma_wait3A_81] : memref<10000x80xf32, #tpu.memory_space<vmem_shared>> -> memref<80x80xf32, #tpu.memory_space<vmem_shared>>
      tpu.wait_dma2 semaphore(%run_scoped3A : memref<!tpu.dma_semaphore, #tpu.memory_space<semaphore_mem>>) src(%dma_wait3A_82 : memref<80x80xf32, #tpu.memory_space<vmem_shared>>) dst(%dma_wait3A_80 : memref<80x80xf32, #tpu.memory_space<hbm>>)
      tpu.yield
    }) : () -> ()
    %add3A_44 = arith.constant 16 : i32
    %add3A_45 = arith.addi %arg1, %add3A_44 : i32
    %mul3A_46 = arith.constant 80 : i32
    %mul3A_47 = arith.muli %add3A_45, %mul3A_46 : i32
    "tpu.region"() ({
      %run_scoped3A = tpu.sem_alloc : memref<!tpu.dma_semaphore, #tpu.memory_space<semaphore_mem>>
      %dma_start3A = arith.constant 0 : i32
      %dma_start3A_75 = tpu.memref_slice %arg5[%arg0, %mul3A_47, %dma_start3A] : memref<2x10000x80xf32, #tpu.memory_space<hbm>> -> memref<1x80x80xf32, #tpu.memory_space<hbm>>
      %dma_start3A_76 = tpu.memref_squeeze %dma_start3A_75 : memref<1x80x80xf32, #tpu.memory_space<hbm>> -> memref<80x80xf32, #tpu.memory_space<hbm>>
      %dma_start3A_77 = arith.constant 0 : i32
      %dma_start3A_78 = tpu.memref_slice %arg8[%mul3A_47, %dma_start3A_77] : memref<10000x80xf32, #tpu.memory_space<vmem_shared>> -> memref<80x80xf32, #tpu.memory_space<vmem_shared>>
      tpu.enqueue_dma source(%dma_start3A_78 : memref<80x80xf32, #tpu.memory_space<vmem_shared>>) target(%dma_start3A_76 : memref<80x80xf32, #tpu.memory_space<hbm>>) target_semaphore(%run_scoped3A : memref<!tpu.dma_semaphore, #tpu.memory_space<semaphore_mem>>)
      %dma_wait3A = arith.constant 0 : i32
      %dma_wait3A_79 = tpu.memref_slice %arg5[%arg0, %mul3A_47, %dma_wait3A] : memref<2x10000x80xf32, #tpu.memory_space<hbm>> -> memref<1x80x80xf32, #tpu.memory_space<hbm>>
      %dma_wait3A_80 = tpu.memref_squeeze %dma_wait3A_79 : memref<1x80x80xf32, #tpu.memory_space<hbm>> -> memref<80x80xf32, #tpu.memory_space<hbm>>
      %dma_wait3A_81 = arith.constant 0 : i32
      %dma_wait3A_82 = tpu.memref_slice %arg8[%mul3A_47, %dma_wait3A_81] : memref<10000x80xf32, #tpu.memory_space<vmem_shared>> -> memref<80x80xf32, #tpu.memory_space<vmem_shared>>
      tpu.wait_dma2 semaphore(%run_scoped3A : memref<!tpu.dma_semaphore, #tpu.memory_space<semaphore_mem>>) src(%dma_wait3A_82 : memref<80x80xf32, #tpu.memory_space<vmem_shared>>) dst(%dma_wait3A_80 : memref<80x80xf32, #tpu.memory_space<hbm>>)
      tpu.yield
    }) : () -> ()
    %add3A_48 = arith.constant 32 : i32
    %add3A_49 = arith.addi %arg1, %add3A_48 : i32
    %mul3A_50 = arith.constant 80 : i32
    %mul3A_51 = arith.muli %add3A_49, %mul3A_50 : i32
    "tpu.region"() ({
      %run_scoped3A = tpu.sem_alloc : memref<!tpu.dma_semaphore, #tpu.memory_space<semaphore_mem>>
      %dma_start3A = arith.constant 0 : i32
      %dma_start3A_75 = tpu.memref_slice %arg5[%arg0, %mul3A_51, %dma_start3A] : memref<2x10000x80xf32, #tpu.memory_space<hbm>> -> memref<1x80x80xf32, #tpu.memory_space<hbm>>
      %dma_start3A_76 = tpu.memref_squeeze %dma_start3A_75 : memref<1x80x80xf32, #tpu.memory_space<hbm>> -> memref<80x80xf32, #tpu.memory_space<hbm>>
      %dma_start3A_77 = arith.constant 0 : i32
      %dma_start3A_78 = tpu.memref_slice %arg8[%mul3A_51, %dma_start3A_77] : memref<10000x80xf32, #tpu.memory_space<vmem_shared>> -> memref<80x80xf32, #tpu.memory_space<vmem_shared>>
      tpu.enqueue_dma source(%dma_start3A_78 : memref<80x80xf32, #tpu.memory_space<vmem_shared>>) target(%dma_start3A_76 : memref<80x80xf32, #tpu.memory_space<hbm>>) target_semaphore(%run_scoped3A : memref<!tpu.dma_semaphore, #tpu.memory_space<semaphore_mem>>)
      %dma_wait3A = arith.constant 0 : i32
      %dma_wait3A_79 = tpu.memref_slice %arg5[%arg0, %mul3A_51, %dma_wait3A] : memref<2x10000x80xf32, #tpu.memory_space<hbm>> -> memref<1x80x80xf32, #tpu.memory_space<hbm>>
      %dma_wait3A_80 = tpu.memref_squeeze %dma_wait3A_79 : memref<1x80x80xf32, #tpu.memory_space<hbm>> -> memref<80x80xf32, #tpu.memory_space<hbm>>
      %dma_wait3A_81 = arith.constant 0 : i32
      %dma_wait3A_82 = tpu.memref_slice %arg8[%mul3A_51, %dma_wait3A_81] : memref<10000x80xf32, #tpu.memory_space<vmem_shared>> -> memref<80x80xf32, #tpu.memory_space<vmem_shared>>
      tpu.wait_dma2 semaphore(%run_scoped3A : memref<!tpu.dma_semaphore, #tpu.memory_space<semaphore_mem>>) src(%dma_wait3A_82 : memref<80x80xf32, #tpu.memory_space<vmem_shared>>) dst(%dma_wait3A_80 : memref<80x80xf32, #tpu.memory_space<hbm>>)
      tpu.yield
    }) : () -> ()
    %add3A_52 = arith.constant 48 : i32
    %add3A_53 = arith.addi %arg1, %add3A_52 : i32
    %mul3A_54 = arith.constant 80 : i32
    %mul3A_55 = arith.muli %add3A_53, %mul3A_54 : i32
    "tpu.region"() ({
      %run_scoped3A = tpu.sem_alloc : memref<!tpu.dma_semaphore, #tpu.memory_space<semaphore_mem>>
      %dma_start3A = arith.constant 0 : i32
      %dma_start3A_75 = tpu.memref_slice %arg5[%arg0, %mul3A_55, %dma_start3A] : memref<2x10000x80xf32, #tpu.memory_space<hbm>> -> memref<1x80x80xf32, #tpu.memory_space<hbm>>
      %dma_start3A_76 = tpu.memref_squeeze %dma_start3A_75 : memref<1x80x80xf32, #tpu.memory_space<hbm>> -> memref<80x80xf32, #tpu.memory_space<hbm>>
      %dma_start3A_77 = arith.constant 0 : i32
      %dma_start3A_78 = tpu.memref_slice %arg8[%mul3A_55, %dma_start3A_77] : memref<10000x80xf32, #tpu.memory_space<vmem_shared>> -> memref<80x80xf32, #tpu.memory_space<vmem_shared>>
      tpu.enqueue_dma source(%dma_start3A_78 : memref<80x80xf32, #tpu.memory_space<vmem_shared>>) target(%dma_start3A_76 : memref<80x80xf32, #tpu.memory_space<hbm>>) target_semaphore(%run_scoped3A : memref<!tpu.dma_semaphore, #tpu.memory_space<semaphore_mem>>)
      %dma_wait3A = arith.constant 0 : i32
      %dma_wait3A_79 = tpu.memref_slice %arg5[%arg0, %mul3A_55, %dma_wait3A] : memref<2x10000x80xf32, #tpu.memory_space<hbm>> -> memref<1x80x80xf32, #tpu.memory_space<hbm>>
      %dma_wait3A_80 = tpu.memref_squeeze %dma_wait3A_79 : memref<1x80x80xf32, #tpu.memory_space<hbm>> -> memref<80x80xf32, #tpu.memory_space<hbm>>
      %dma_wait3A_81 = arith.constant 0 : i32
      %dma_wait3A_82 = tpu.memref_slice %arg8[%mul3A_55, %dma_wait3A_81] : memref<10000x80xf32, #tpu.memory_space<vmem_shared>> -> memref<80x80xf32, #tpu.memory_space<vmem_shared>>
      tpu.wait_dma2 semaphore(%run_scoped3A : memref<!tpu.dma_semaphore, #tpu.memory_space<semaphore_mem>>) src(%dma_wait3A_82 : memref<80x80xf32, #tpu.memory_space<vmem_shared>>) dst(%dma_wait3A_80 : memref<80x80xf32, #tpu.memory_space<hbm>>)
      tpu.yield
    }) : () -> ()
    %add3A_56 = arith.constant 64 : i32
    %add3A_57 = arith.addi %arg1, %add3A_56 : i32
    %mul3A_58 = arith.constant 80 : i32
    %mul3A_59 = arith.muli %add3A_57, %mul3A_58 : i32
    "tpu.region"() ({
      %run_scoped3A = tpu.sem_alloc : memref<!tpu.dma_semaphore, #tpu.memory_space<semaphore_mem>>
      %dma_start3A = arith.constant 0 : i32
      %dma_start3A_75 = tpu.memref_slice %arg5[%arg0, %mul3A_59, %dma_start3A] : memref<2x10000x80xf32, #tpu.memory_space<hbm>> -> memref<1x80x80xf32, #tpu.memory_space<hbm>>
      %dma_start3A_76 = tpu.memref_squeeze %dma_start3A_75 : memref<1x80x80xf32, #tpu.memory_space<hbm>> -> memref<80x80xf32, #tpu.memory_space<hbm>>
      %dma_start3A_77 = arith.constant 0 : i32
      %dma_start3A_78 = tpu.memref_slice %arg8[%mul3A_59, %dma_start3A_77] : memref<10000x80xf32, #tpu.memory_space<vmem_shared>> -> memref<80x80xf32, #tpu.memory_space<vmem_shared>>
      tpu.enqueue_dma source(%dma_start3A_78 : memref<80x80xf32, #tpu.memory_space<vmem_shared>>) target(%dma_start3A_76 : memref<80x80xf32, #tpu.memory_space<hbm>>) target_semaphore(%run_scoped3A : memref<!tpu.dma_semaphore, #tpu.memory_space<semaphore_mem>>)
      %dma_wait3A = arith.constant 0 : i32
      %dma_wait3A_79 = tpu.memref_slice %arg5[%arg0, %mul3A_59, %dma_wait3A] : memref<2x10000x80xf32, #tpu.memory_space<hbm>> -> memref<1x80x80xf32, #tpu.memory_space<hbm>>
      %dma_wait3A_80 = tpu.memref_squeeze %dma_wait3A_79 : memref<1x80x80xf32, #tpu.memory_space<hbm>> -> memref<80x80xf32, #tpu.memory_space<hbm>>
      %dma_wait3A_81 = arith.constant 0 : i32
      %dma_wait3A_82 = tpu.memref_slice %arg8[%mul3A_59, %dma_wait3A_81] : memref<10000x80xf32, #tpu.memory_space<vmem_shared>> -> memref<80x80xf32, #tpu.memory_space<vmem_shared>>
      tpu.wait_dma2 semaphore(%run_scoped3A : memref<!tpu.dma_semaphore, #tpu.memory_space<semaphore_mem>>) src(%dma_wait3A_82 : memref<80x80xf32, #tpu.memory_space<vmem_shared>>) dst(%dma_wait3A_80 : memref<80x80xf32, #tpu.memory_space<hbm>>)
      tpu.yield
    }) : () -> ()
    %add3A_60 = arith.constant 80 : i32
    %add3A_61 = arith.addi %arg1, %add3A_60 : i32
    %mul3A_62 = arith.constant 80 : i32
    %mul3A_63 = arith.muli %add3A_61, %mul3A_62 : i32
    "tpu.region"() ({
      %run_scoped3A = tpu.sem_alloc : memref<!tpu.dma_semaphore, #tpu.memory_space<semaphore_mem>>
      %dma_start3A = arith.constant 0 : i32
      %dma_start3A_75 = tpu.memref_slice %arg5[%arg0, %mul3A_63, %dma_start3A] : memref<2x10000x80xf32, #tpu.memory_space<hbm>> -> memref<1x80x80xf32, #tpu.memory_space<hbm>>
      %dma_start3A_76 = tpu.memref_squeeze %dma_start3A_75 : memref<1x80x80xf32, #tpu.memory_space<hbm>> -> memref<80x80xf32, #tpu.memory_space<hbm>>
      %dma_start3A_77 = arith.constant 0 : i32
      %dma_start3A_78 = tpu.memref_slice %arg8[%mul3A_63, %dma_start3A_77] : memref<10000x80xf32, #tpu.memory_space<vmem_shared>> -> memref<80x80xf32, #tpu.memory_space<vmem_shared>>
      tpu.enqueue_dma source(%dma_start3A_78 : memref<80x80xf32, #tpu.memory_space<vmem_shared>>) target(%dma_start3A_76 : memref<80x80xf32, #tpu.memory_space<hbm>>) target_semaphore(%run_scoped3A : memref<!tpu.dma_semaphore, #tpu.memory_space<semaphore_mem>>)
      %dma_wait3A = arith.constant 0 : i32
      %dma_wait3A_79 = tpu.memref_slice %arg5[%arg0, %mul3A_63, %dma_wait3A] : memref<2x10000x80xf32, #tpu.memory_space<hbm>> -> memref<1x80x80xf32, #tpu.memory_space<hbm>>
      %dma_wait3A_80 = tpu.memref_squeeze %dma_wait3A_79 : memref<1x80x80xf32, #tpu.memory_space<hbm>> -> memref<80x80xf32, #tpu.memory_space<hbm>>
      %dma_wait3A_81 = arith.constant 0 : i32
      %dma_wait3A_82 = tpu.memref_slice %arg8[%mul3A_63, %dma_wait3A_81] : memref<10000x80xf32, #tpu.memory_space<vmem_shared>> -> memref<80x80xf32, #tpu.memory_space<vmem_shared>>
      tpu.wait_dma2 semaphore(%run_scoped3A : memref<!tpu.dma_semaphore, #tpu.memory_space<semaphore_mem>>) src(%dma_wait3A_82 : memref<80x80xf32, #tpu.memory_space<vmem_shared>>) dst(%dma_wait3A_80 : memref<80x80xf32, #tpu.memory_space<hbm>>)
      tpu.yield
    }) : () -> ()
    %add3A_64 = arith.constant 96 : i32
    %add3A_65 = arith.addi %arg1, %add3A_64 : i32
    %mul3A_66 = arith.constant 80 : i32
    %mul3A_67 = arith.muli %add3A_65, %mul3A_66 : i32
    "tpu.region"() ({
      %run_scoped3A = tpu.sem_alloc : memref<!tpu.dma_semaphore, #tpu.memory_space<semaphore_mem>>
      %dma_start3A = arith.constant 0 : i32
      %dma_start3A_75 = tpu.memref_slice %arg5[%arg0, %mul3A_67, %dma_start3A] : memref<2x10000x80xf32, #tpu.memory_space<hbm>> -> memref<1x80x80xf32, #tpu.memory_space<hbm>>
      %dma_start3A_76 = tpu.memref_squeeze %dma_start3A_75 : memref<1x80x80xf32, #tpu.memory_space<hbm>> -> memref<80x80xf32, #tpu.memory_space<hbm>>
      %dma_start3A_77 = arith.constant 0 : i32
      %dma_start3A_78 = tpu.memref_slice %arg8[%mul3A_67, %dma_start3A_77] : memref<10000x80xf32, #tpu.memory_space<vmem_shared>> -> memref<80x80xf32, #tpu.memory_space<vmem_shared>>
      tpu.enqueue_dma source(%dma_start3A_78 : memref<80x80xf32, #tpu.memory_space<vmem_shared>>) target(%dma_start3A_76 : memref<80x80xf32, #tpu.memory_space<hbm>>) target_semaphore(%run_scoped3A : memref<!tpu.dma_semaphore, #tpu.memory_space<semaphore_mem>>)
      %dma_wait3A = arith.constant 0 : i32
      %dma_wait3A_79 = tpu.memref_slice %arg5[%arg0, %mul3A_67, %dma_wait3A] : memref<2x10000x80xf32, #tpu.memory_space<hbm>> -> memref<1x80x80xf32, #tpu.memory_space<hbm>>
      %dma_wait3A_80 = tpu.memref_squeeze %dma_wait3A_79 : memref<1x80x80xf32, #tpu.memory_space<hbm>> -> memref<80x80xf32, #tpu.memory_space<hbm>>
      %dma_wait3A_81 = arith.constant 0 : i32
      %dma_wait3A_82 = tpu.memref_slice %arg8[%mul3A_67, %dma_wait3A_81] : memref<10000x80xf32, #tpu.memory_space<vmem_shared>> -> memref<80x80xf32, #tpu.memory_space<vmem_shared>>
      tpu.wait_dma2 semaphore(%run_scoped3A : memref<!tpu.dma_semaphore, #tpu.memory_space<semaphore_mem>>) src(%dma_wait3A_82 : memref<80x80xf32, #tpu.memory_space<vmem_shared>>) dst(%dma_wait3A_80 : memref<80x80xf32, #tpu.memory_space<hbm>>)
      tpu.yield
    }) : () -> ()
    %add3A_68 = arith.constant 112 : i32
    %add3A_69 = arith.addi %arg1, %add3A_68 : i32
    %lt3A_70 = arith.constant 125 : i32
    %lt3A_71 = arith.cmpi slt, %add3A_69, %lt3A_70 : i32
    %convert_element_type3A_72 = arith.extui %lt3A_71 : i1 to i32
    %cond3A_73 = arith.constant 0 : i32
    %cond3A_74 = arith.cmpi ne, %convert_element_type3A_72, %cond3A_73 : i32
    scf.if %cond3A_74 {
      %mul3A_75 = arith.constant 80 : i32
      %mul3A_76 = arith.muli %add3A_69, %mul3A_75 : i32
      "tpu.region"() ({
        %run_scoped3A = tpu.sem_alloc : memref<!tpu.dma_semaphore, #tpu.memory_space<semaphore_mem>>
        %dma_start3A = arith.constant 0 : i32
        %dma_start3A_77 = tpu.memref_slice %arg5[%arg0, %mul3A_76, %dma_start3A] : memref<2x10000x80xf32, #tpu.memory_space<hbm>> -> memref<1x80x80xf32, #tpu.memory_space<hbm>>
        %dma_start3A_78 = tpu.memref_squeeze %dma_start3A_77 : memref<1x80x80xf32, #tpu.memory_space<hbm>> -> memref<80x80xf32, #tpu.memory_space<hbm>>
        %dma_start3A_79 = arith.constant 0 : i32
        %dma_start3A_80 = tpu.memref_slice %arg8[%mul3A_76, %dma_start3A_79] : memref<10000x80xf32, #tpu.memory_space<vmem_shared>> -> memref<80x80xf32, #tpu.memory_space<vmem_shared>>
        tpu.enqueue_dma source(%dma_start3A_80 : memref<80x80xf32, #tpu.memory_space<vmem_shared>>) target(%dma_start3A_78 : memref<80x80xf32, #tpu.memory_space<hbm>>) target_semaphore(%run_scoped3A : memref<!tpu.dma_semaphore, #tpu.memory_space<semaphore_mem>>)
        %dma_wait3A = arith.constant 0 : i32
        %dma_wait3A_81 = tpu.memref_slice %arg5[%arg0, %mul3A_76, %dma_wait3A] : memref<2x10000x80xf32, #tpu.memory_space<hbm>> -> memref<1x80x80xf32, #tpu.memory_space<hbm>>
        %dma_wait3A_82 = tpu.memref_squeeze %dma_wait3A_81 : memref<1x80x80xf32, #tpu.memory_space<hbm>> -> memref<80x80xf32, #tpu.memory_space<hbm>>
        %dma_wait3A_83 = arith.constant 0 : i32
        %dma_wait3A_84 = tpu.memref_slice %arg8[%mul3A_76, %dma_wait3A_83] : memref<10000x80xf32, #tpu.memory_space<vmem_shared>> -> memref<80x80xf32, #tpu.memory_space<vmem_shared>>
        tpu.wait_dma2 semaphore(%run_scoped3A : memref<!tpu.dma_semaphore, #tpu.memory_space<semaphore_mem>>) src(%dma_wait3A_84 : memref<80x80xf32, #tpu.memory_space<vmem_shared>>) dst(%dma_wait3A_82 : memref<80x80xf32, #tpu.memory_space<hbm>>)
        tpu.yield
      }) : () -> ()
    } else {
    }
    return
  }
}

#map = affine_map<(d0, d1) -> (0, 0)>
#map1 = affine_map<(d0, d1) -> (0)>
module attributes {stable_mosaic.version = 14 : i64} {
  func.func @_sc_gather_body(%arg0: i32, %arg1: i32, %arg2: memref<10000x96xf32, #tpu.memory_space<hbm>>, %arg3: memref<320000xi32, #tpu.memory_space<hbm>>, %arg4: memref<320000xi32, #tpu.memory_space<hbm>>, %arg5: memref<320000x96xf32, #tpu.memory_space<hbm>>, %arg6: memref<320000x96xf32, #tpu.memory_space<hbm>>, %arg7: memref<80xi32, #tpu.memory_space<vmem>>, %arg8: memref<80xi32, #tpu.memory_space<vmem>>, %arg9: memref<80x96xf32, #tpu.memory_space<vmem>>, %arg10: memref<80x96xf32, #tpu.memory_space<vmem>>, %arg11: memref<10000x96xf32, #tpu.memory_space<vmem_shared>>, %arg12: memref<!tpu.dma_semaphore, #tpu.memory_space<semaphore_mem>>) attributes {dimension_semantics = [#tpu.dimension_semantics<core_parallel>, #tpu.dimension_semantics<subcore_parallel>], iteration_bounds = array<i64: 2, 16>, scalar_prefetch = 0 : i64, scratch_operands = 6 : i64, tpu.core_type = #tpu.core_type<sc_vector_subcore>, window_params = [{transform_indices = #map}, {transform_indices = #map1}, {transform_indices = #map1}, {transform_indices = #map}, {transform_indices = #map}]} {
    %mul3A = arith.constant 16 : i32
    %mul3A_0 = arith.muli %arg0, %mul3A : i32
    %add3A = arith.addi %mul3A_0, %arg1 : i32
    %add3A_1 = arith.constant 0 : i32
    %add3A_2 = arith.addi %arg1, %add3A_1 : i32
    %mul3A_3 = arith.constant 80 : i32
    %mul3A_4 = arith.muli %add3A_2, %mul3A_3 : i32
    %mul3A_5 = arith.constant 80 : i32
    %mul3A_6 = arith.muli %add3A_2, %mul3A_5 : i32
    "tpu.region"() ({
      %run_scoped3A = tpu.sem_alloc : memref<!tpu.dma_semaphore, #tpu.memory_space<semaphore_mem>>
      %dma_start3A = arith.constant 0 : i32
      %dma_start3A_53 = tpu.memref_slice %arg11[%mul3A_6, %dma_start3A] : memref<10000x96xf32, #tpu.memory_space<vmem_shared>> -> memref<80x96xf32, #tpu.memory_space<vmem_shared>>
      %dma_start3A_54 = arith.constant 0 : i32
      %dma_start3A_55 = tpu.memref_slice %arg2[%mul3A_4, %dma_start3A_54] : memref<10000x96xf32, #tpu.memory_space<hbm>> -> memref<80x96xf32, #tpu.memory_space<hbm>>
      tpu.enqueue_dma source(%dma_start3A_55 : memref<80x96xf32, #tpu.memory_space<hbm>>) target(%dma_start3A_53 : memref<80x96xf32, #tpu.memory_space<vmem_shared>>) target_semaphore(%run_scoped3A : memref<!tpu.dma_semaphore, #tpu.memory_space<semaphore_mem>>)
      %dma_wait3A = arith.constant 0 : i32
      %dma_wait3A_56 = tpu.memref_slice %arg11[%mul3A_6, %dma_wait3A] : memref<10000x96xf32, #tpu.memory_space<vmem_shared>> -> memref<80x96xf32, #tpu.memory_space<vmem_shared>>
      %dma_wait3A_57 = arith.constant 0 : i32
      %dma_wait3A_58 = tpu.memref_slice %arg2[%mul3A_4, %dma_wait3A_57] : memref<10000x96xf32, #tpu.memory_space<hbm>> -> memref<80x96xf32, #tpu.memory_space<hbm>>
      tpu.wait_dma2 semaphore(%run_scoped3A : memref<!tpu.dma_semaphore, #tpu.memory_space<semaphore_mem>>) src(%dma_wait3A_58 : memref<80x96xf32, #tpu.memory_space<hbm>>) dst(%dma_wait3A_56 : memref<80x96xf32, #tpu.memory_space<vmem_shared>>)
      tpu.yield
    }) : () -> ()
    %add3A_7 = arith.constant 16 : i32
    %add3A_8 = arith.addi %arg1, %add3A_7 : i32
    %mul3A_9 = arith.constant 80 : i32
    %mul3A_10 = arith.muli %add3A_8, %mul3A_9 : i32
    %mul3A_11 = arith.constant 80 : i32
    %mul3A_12 = arith.muli %add3A_8, %mul3A_11 : i32
    "tpu.region"() ({
      %run_scoped3A = tpu.sem_alloc : memref<!tpu.dma_semaphore, #tpu.memory_space<semaphore_mem>>
      %dma_start3A = arith.constant 0 : i32
      %dma_start3A_53 = tpu.memref_slice %arg11[%mul3A_12, %dma_start3A] : memref<10000x96xf32, #tpu.memory_space<vmem_shared>> -> memref<80x96xf32, #tpu.memory_space<vmem_shared>>
      %dma_start3A_54 = arith.constant 0 : i32
      %dma_start3A_55 = tpu.memref_slice %arg2[%mul3A_10, %dma_start3A_54] : memref<10000x96xf32, #tpu.memory_space<hbm>> -> memref<80x96xf32, #tpu.memory_space<hbm>>
      tpu.enqueue_dma source(%dma_start3A_55 : memref<80x96xf32, #tpu.memory_space<hbm>>) target(%dma_start3A_53 : memref<80x96xf32, #tpu.memory_space<vmem_shared>>) target_semaphore(%run_scoped3A : memref<!tpu.dma_semaphore, #tpu.memory_space<semaphore_mem>>)
      %dma_wait3A = arith.constant 0 : i32
      %dma_wait3A_56 = tpu.memref_slice %arg11[%mul3A_12, %dma_wait3A] : memref<10000x96xf32, #tpu.memory_space<vmem_shared>> -> memref<80x96xf32, #tpu.memory_space<vmem_shared>>
      %dma_wait3A_57 = arith.constant 0 : i32
      %dma_wait3A_58 = tpu.memref_slice %arg2[%mul3A_10, %dma_wait3A_57] : memref<10000x96xf32, #tpu.memory_space<hbm>> -> memref<80x96xf32, #tpu.memory_space<hbm>>
      tpu.wait_dma2 semaphore(%run_scoped3A : memref<!tpu.dma_semaphore, #tpu.memory_space<semaphore_mem>>) src(%dma_wait3A_58 : memref<80x96xf32, #tpu.memory_space<hbm>>) dst(%dma_wait3A_56 : memref<80x96xf32, #tpu.memory_space<vmem_shared>>)
      tpu.yield
    }) : () -> ()
    %add3A_13 = arith.constant 32 : i32
    %add3A_14 = arith.addi %arg1, %add3A_13 : i32
    %mul3A_15 = arith.constant 80 : i32
    %mul3A_16 = arith.muli %add3A_14, %mul3A_15 : i32
    %mul3A_17 = arith.constant 80 : i32
    %mul3A_18 = arith.muli %add3A_14, %mul3A_17 : i32
    "tpu.region"() ({
      %run_scoped3A = tpu.sem_alloc : memref<!tpu.dma_semaphore, #tpu.memory_space<semaphore_mem>>
      %dma_start3A = arith.constant 0 : i32
      %dma_start3A_53 = tpu.memref_slice %arg11[%mul3A_18, %dma_start3A] : memref<10000x96xf32, #tpu.memory_space<vmem_shared>> -> memref<80x96xf32, #tpu.memory_space<vmem_shared>>
      %dma_start3A_54 = arith.constant 0 : i32
      %dma_start3A_55 = tpu.memref_slice %arg2[%mul3A_16, %dma_start3A_54] : memref<10000x96xf32, #tpu.memory_space<hbm>> -> memref<80x96xf32, #tpu.memory_space<hbm>>
      tpu.enqueue_dma source(%dma_start3A_55 : memref<80x96xf32, #tpu.memory_space<hbm>>) target(%dma_start3A_53 : memref<80x96xf32, #tpu.memory_space<vmem_shared>>) target_semaphore(%run_scoped3A : memref<!tpu.dma_semaphore, #tpu.memory_space<semaphore_mem>>)
      %dma_wait3A = arith.constant 0 : i32
      %dma_wait3A_56 = tpu.memref_slice %arg11[%mul3A_18, %dma_wait3A] : memref<10000x96xf32, #tpu.memory_space<vmem_shared>> -> memref<80x96xf32, #tpu.memory_space<vmem_shared>>
      %dma_wait3A_57 = arith.constant 0 : i32
      %dma_wait3A_58 = tpu.memref_slice %arg2[%mul3A_16, %dma_wait3A_57] : memref<10000x96xf32, #tpu.memory_space<hbm>> -> memref<80x96xf32, #tpu.memory_space<hbm>>
      tpu.wait_dma2 semaphore(%run_scoped3A : memref<!tpu.dma_semaphore, #tpu.memory_space<semaphore_mem>>) src(%dma_wait3A_58 : memref<80x96xf32, #tpu.memory_space<hbm>>) dst(%dma_wait3A_56 : memref<80x96xf32, #tpu.memory_space<vmem_shared>>)
      tpu.yield
    }) : () -> ()
    %add3A_19 = arith.constant 48 : i32
    %add3A_20 = arith.addi %arg1, %add3A_19 : i32
    %mul3A_21 = arith.constant 80 : i32
    %mul3A_22 = arith.muli %add3A_20, %mul3A_21 : i32
    %mul3A_23 = arith.constant 80 : i32
    %mul3A_24 = arith.muli %add3A_20, %mul3A_23 : i32
    "tpu.region"() ({
      %run_scoped3A = tpu.sem_alloc : memref<!tpu.dma_semaphore, #tpu.memory_space<semaphore_mem>>
      %dma_start3A = arith.constant 0 : i32
      %dma_start3A_53 = tpu.memref_slice %arg11[%mul3A_24, %dma_start3A] : memref<10000x96xf32, #tpu.memory_space<vmem_shared>> -> memref<80x96xf32, #tpu.memory_space<vmem_shared>>
      %dma_start3A_54 = arith.constant 0 : i32
      %dma_start3A_55 = tpu.memref_slice %arg2[%mul3A_22, %dma_start3A_54] : memref<10000x96xf32, #tpu.memory_space<hbm>> -> memref<80x96xf32, #tpu.memory_space<hbm>>
      tpu.enqueue_dma source(%dma_start3A_55 : memref<80x96xf32, #tpu.memory_space<hbm>>) target(%dma_start3A_53 : memref<80x96xf32, #tpu.memory_space<vmem_shared>>) target_semaphore(%run_scoped3A : memref<!tpu.dma_semaphore, #tpu.memory_space<semaphore_mem>>)
      %dma_wait3A = arith.constant 0 : i32
      %dma_wait3A_56 = tpu.memref_slice %arg11[%mul3A_24, %dma_wait3A] : memref<10000x96xf32, #tpu.memory_space<vmem_shared>> -> memref<80x96xf32, #tpu.memory_space<vmem_shared>>
      %dma_wait3A_57 = arith.constant 0 : i32
      %dma_wait3A_58 = tpu.memref_slice %arg2[%mul3A_22, %dma_wait3A_57] : memref<10000x96xf32, #tpu.memory_space<hbm>> -> memref<80x96xf32, #tpu.memory_space<hbm>>
      tpu.wait_dma2 semaphore(%run_scoped3A : memref<!tpu.dma_semaphore, #tpu.memory_space<semaphore_mem>>) src(%dma_wait3A_58 : memref<80x96xf32, #tpu.memory_space<hbm>>) dst(%dma_wait3A_56 : memref<80x96xf32, #tpu.memory_space<vmem_shared>>)
      tpu.yield
    }) : () -> ()
    %add3A_25 = arith.constant 64 : i32
    %add3A_26 = arith.addi %arg1, %add3A_25 : i32
    %mul3A_27 = arith.constant 80 : i32
    %mul3A_28 = arith.muli %add3A_26, %mul3A_27 : i32
    %mul3A_29 = arith.constant 80 : i32
    %mul3A_30 = arith.muli %add3A_26, %mul3A_29 : i32
    "tpu.region"() ({
      %run_scoped3A = tpu.sem_alloc : memref<!tpu.dma_semaphore, #tpu.memory_space<semaphore_mem>>
      %dma_start3A = arith.constant 0 : i32
      %dma_start3A_53 = tpu.memref_slice %arg11[%mul3A_30, %dma_start3A] : memref<10000x96xf32, #tpu.memory_space<vmem_shared>> -> memref<80x96xf32, #tpu.memory_space<vmem_shared>>
      %dma_start3A_54 = arith.constant 0 : i32
      %dma_start3A_55 = tpu.memref_slice %arg2[%mul3A_28, %dma_start3A_54] : memref<10000x96xf32, #tpu.memory_space<hbm>> -> memref<80x96xf32, #tpu.memory_space<hbm>>
      tpu.enqueue_dma source(%dma_start3A_55 : memref<80x96xf32, #tpu.memory_space<hbm>>) target(%dma_start3A_53 : memref<80x96xf32, #tpu.memory_space<vmem_shared>>) target_semaphore(%run_scoped3A : memref<!tpu.dma_semaphore, #tpu.memory_space<semaphore_mem>>)
      %dma_wait3A = arith.constant 0 : i32
      %dma_wait3A_56 = tpu.memref_slice %arg11[%mul3A_30, %dma_wait3A] : memref<10000x96xf32, #tpu.memory_space<vmem_shared>> -> memref<80x96xf32, #tpu.memory_space<vmem_shared>>
      %dma_wait3A_57 = arith.constant 0 : i32
      %dma_wait3A_58 = tpu.memref_slice %arg2[%mul3A_28, %dma_wait3A_57] : memref<10000x96xf32, #tpu.memory_space<hbm>> -> memref<80x96xf32, #tpu.memory_space<hbm>>
      tpu.wait_dma2 semaphore(%run_scoped3A : memref<!tpu.dma_semaphore, #tpu.memory_space<semaphore_mem>>) src(%dma_wait3A_58 : memref<80x96xf32, #tpu.memory_space<hbm>>) dst(%dma_wait3A_56 : memref<80x96xf32, #tpu.memory_space<vmem_shared>>)
      tpu.yield
    }) : () -> ()
    %add3A_31 = arith.constant 80 : i32
    %add3A_32 = arith.addi %arg1, %add3A_31 : i32
    %mul3A_33 = arith.constant 80 : i32
    %mul3A_34 = arith.muli %add3A_32, %mul3A_33 : i32
    %mul3A_35 = arith.constant 80 : i32
    %mul3A_36 = arith.muli %add3A_32, %mul3A_35 : i32
    "tpu.region"() ({
      %run_scoped3A = tpu.sem_alloc : memref<!tpu.dma_semaphore, #tpu.memory_space<semaphore_mem>>
      %dma_start3A = arith.constant 0 : i32
      %dma_start3A_53 = tpu.memref_slice %arg11[%mul3A_36, %dma_start3A] : memref<10000x96xf32, #tpu.memory_space<vmem_shared>> -> memref<80x96xf32, #tpu.memory_space<vmem_shared>>
      %dma_start3A_54 = arith.constant 0 : i32
      %dma_start3A_55 = tpu.memref_slice %arg2[%mul3A_34, %dma_start3A_54] : memref<10000x96xf32, #tpu.memory_space<hbm>> -> memref<80x96xf32, #tpu.memory_space<hbm>>
      tpu.enqueue_dma source(%dma_start3A_55 : memref<80x96xf32, #tpu.memory_space<hbm>>) target(%dma_start3A_53 : memref<80x96xf32, #tpu.memory_space<vmem_shared>>) target_semaphore(%run_scoped3A : memref<!tpu.dma_semaphore, #tpu.memory_space<semaphore_mem>>)
      %dma_wait3A = arith.constant 0 : i32
      %dma_wait3A_56 = tpu.memref_slice %arg11[%mul3A_36, %dma_wait3A] : memref<10000x96xf32, #tpu.memory_space<vmem_shared>> -> memref<80x96xf32, #tpu.memory_space<vmem_shared>>
      %dma_wait3A_57 = arith.constant 0 : i32
      %dma_wait3A_58 = tpu.memref_slice %arg2[%mul3A_34, %dma_wait3A_57] : memref<10000x96xf32, #tpu.memory_space<hbm>> -> memref<80x96xf32, #tpu.memory_space<hbm>>
      tpu.wait_dma2 semaphore(%run_scoped3A : memref<!tpu.dma_semaphore, #tpu.memory_space<semaphore_mem>>) src(%dma_wait3A_58 : memref<80x96xf32, #tpu.memory_space<hbm>>) dst(%dma_wait3A_56 : memref<80x96xf32, #tpu.memory_space<vmem_shared>>)
      tpu.yield
    }) : () -> ()
    %add3A_37 = arith.constant 96 : i32
    %add3A_38 = arith.addi %arg1, %add3A_37 : i32
    %mul3A_39 = arith.constant 80 : i32
    %mul3A_40 = arith.muli %add3A_38, %mul3A_39 : i32
    %mul3A_41 = arith.constant 80 : i32
    %mul3A_42 = arith.muli %add3A_38, %mul3A_41 : i32
    "tpu.region"() ({
      %run_scoped3A = tpu.sem_alloc : memref<!tpu.dma_semaphore, #tpu.memory_space<semaphore_mem>>
      %dma_start3A = arith.constant 0 : i32
      %dma_start3A_53 = tpu.memref_slice %arg11[%mul3A_42, %dma_start3A] : memref<10000x96xf32, #tpu.memory_space<vmem_shared>> -> memref<80x96xf32, #tpu.memory_space<vmem_shared>>
      %dma_start3A_54 = arith.constant 0 : i32
      %dma_start3A_55 = tpu.memref_slice %arg2[%mul3A_40, %dma_start3A_54] : memref<10000x96xf32, #tpu.memory_space<hbm>> -> memref<80x96xf32, #tpu.memory_space<hbm>>
      tpu.enqueue_dma source(%dma_start3A_55 : memref<80x96xf32, #tpu.memory_space<hbm>>) target(%dma_start3A_53 : memref<80x96xf32, #tpu.memory_space<vmem_shared>>) target_semaphore(%run_scoped3A : memref<!tpu.dma_semaphore, #tpu.memory_space<semaphore_mem>>)
      %dma_wait3A = arith.constant 0 : i32
      %dma_wait3A_56 = tpu.memref_slice %arg11[%mul3A_42, %dma_wait3A] : memref<10000x96xf32, #tpu.memory_space<vmem_shared>> -> memref<80x96xf32, #tpu.memory_space<vmem_shared>>
      %dma_wait3A_57 = arith.constant 0 : i32
      %dma_wait3A_58 = tpu.memref_slice %arg2[%mul3A_40, %dma_wait3A_57] : memref<10000x96xf32, #tpu.memory_space<hbm>> -> memref<80x96xf32, #tpu.memory_space<hbm>>
      tpu.wait_dma2 semaphore(%run_scoped3A : memref<!tpu.dma_semaphore, #tpu.memory_space<semaphore_mem>>) src(%dma_wait3A_58 : memref<80x96xf32, #tpu.memory_space<hbm>>) dst(%dma_wait3A_56 : memref<80x96xf32, #tpu.memory_space<vmem_shared>>)
      tpu.yield
    }) : () -> ()
    %add3A_43 = arith.constant 112 : i32
    %add3A_44 = arith.addi %arg1, %add3A_43 : i32
    %lt3A = arith.constant 125 : i32
    %lt3A_45 = arith.cmpi slt, %add3A_44, %lt3A : i32
    %convert_element_type3A = arith.extui %lt3A_45 : i1 to i32
    %cond3A = arith.constant 0 : i32
    %cond3A_46 = arith.cmpi ne, %convert_element_type3A, %cond3A : i32
    scf.if %cond3A_46 {
      %mul3A_53 = arith.constant 80 : i32
      %mul3A_54 = arith.muli %add3A_44, %mul3A_53 : i32
      %mul3A_55 = arith.constant 80 : i32
      %mul3A_56 = arith.muli %add3A_44, %mul3A_55 : i32
      "tpu.region"() ({
        %run_scoped3A = tpu.sem_alloc : memref<!tpu.dma_semaphore, #tpu.memory_space<semaphore_mem>>
        %dma_start3A = arith.constant 0 : i32
        %dma_start3A_57 = tpu.memref_slice %arg11[%mul3A_56, %dma_start3A] : memref<10000x96xf32, #tpu.memory_space<vmem_shared>> -> memref<80x96xf32, #tpu.memory_space<vmem_shared>>
        %dma_start3A_58 = arith.constant 0 : i32
        %dma_start3A_59 = tpu.memref_slice %arg2[%mul3A_54, %dma_start3A_58] : memref<10000x96xf32, #tpu.memory_space<hbm>> -> memref<80x96xf32, #tpu.memory_space<hbm>>
        tpu.enqueue_dma source(%dma_start3A_59 : memref<80x96xf32, #tpu.memory_space<hbm>>) target(%dma_start3A_57 : memref<80x96xf32, #tpu.memory_space<vmem_shared>>) target_semaphore(%run_scoped3A : memref<!tpu.dma_semaphore, #tpu.memory_space<semaphore_mem>>)
        %dma_wait3A = arith.constant 0 : i32
        %dma_wait3A_60 = tpu.memref_slice %arg11[%mul3A_56, %dma_wait3A] : memref<10000x96xf32, #tpu.memory_space<vmem_shared>> -> memref<80x96xf32, #tpu.memory_space<vmem_shared>>
        %dma_wait3A_61 = arith.constant 0 : i32
        %dma_wait3A_62 = tpu.memref_slice %arg2[%mul3A_54, %dma_wait3A_61] : memref<10000x96xf32, #tpu.memory_space<hbm>> -> memref<80x96xf32, #tpu.memory_space<hbm>>
        tpu.wait_dma2 semaphore(%run_scoped3A : memref<!tpu.dma_semaphore, #tpu.memory_space<semaphore_mem>>) src(%dma_wait3A_62 : memref<80x96xf32, #tpu.memory_space<hbm>>) dst(%dma_wait3A_60 : memref<80x96xf32, #tpu.memory_space<vmem_shared>>)
        tpu.yield
      }) : () -> ()
    } else {
    }
    %barrier3A = arith.constant 0 : index
    tpu.barrier barrier_id(%barrier3A)
    %mul3A_47 = arith.constant 10000 : i32
    %mul3A_48 = arith.muli %add3A, %mul3A_47 : i32
    %scan3A = arith.constant 0 : i32
    %scan3A_49 = arith.constant 125 : i32
    %scan3A_50 = arith.addi %scan3A, %scan3A_49 : i32
    %scan3A_51 = arith.constant 1 : i32
    scf.for %scan3A_53 = %scan3A to %scan3A_50 step %scan3A_51  : i32 {
      %mul3A_54 = arith.constant 80 : i32
      %mul3A_55 = arith.muli %scan3A_53, %mul3A_54 : i32
      %add3A_56 = arith.addi %mul3A_48, %mul3A_55 : i32
      "tpu.region"() ({
        %run_scoped3A = tpu.sem_alloc : memref<!tpu.dma_semaphore, #tpu.memory_space<semaphore_mem>>
        %dma_start3A_67 = tpu.memref_slice %arg3[%add3A_56] : memref<320000xi32, #tpu.memory_space<hbm>> -> memref<80xi32, #tpu.memory_space<hbm>>
        %dma_start3A_68 = tpu.memref_slice %arg3[%add3A_56] : memref<320000xi32, #tpu.memory_space<hbm>> -> memref<80xi32, #tpu.memory_space<hbm>>
        tpu.enqueue_dma source(%dma_start3A_68 : memref<80xi32, #tpu.memory_space<hbm>>) target(%arg7 : memref<80xi32, #tpu.memory_space<vmem>>) target_semaphore(%run_scoped3A : memref<!tpu.dma_semaphore, #tpu.memory_space<semaphore_mem>>)
        %dma_wait3A_69 = tpu.memref_slice %arg3[%add3A_56] : memref<320000xi32, #tpu.memory_space<hbm>> -> memref<80xi32, #tpu.memory_space<hbm>>
        %dma_wait3A_70 = tpu.memref_slice %arg3[%add3A_56] : memref<320000xi32, #tpu.memory_space<hbm>> -> memref<80xi32, #tpu.memory_space<hbm>>
        tpu.wait_dma2 semaphore(%run_scoped3A : memref<!tpu.dma_semaphore, #tpu.memory_space<semaphore_mem>>) src(%dma_wait3A_70 : memref<80xi32, #tpu.memory_space<hbm>>) dst(%arg7 : memref<80xi32, #tpu.memory_space<vmem>>)
        tpu.yield
      }) : () -> ()
      "tpu.region"() ({
        %run_scoped3A = tpu.sem_alloc : memref<!tpu.dma_semaphore, #tpu.memory_space<semaphore_mem>>
        %dma_start3A_67 = tpu.memref_slice %arg4[%add3A_56] : memref<320000xi32, #tpu.memory_space<hbm>> -> memref<80xi32, #tpu.memory_space<hbm>>
        %dma_start3A_68 = tpu.memref_slice %arg4[%add3A_56] : memref<320000xi32, #tpu.memory_space<hbm>> -> memref<80xi32, #tpu.memory_space<hbm>>
        tpu.enqueue_dma source(%dma_start3A_68 : memref<80xi32, #tpu.memory_space<hbm>>) target(%arg8 : memref<80xi32, #tpu.memory_space<vmem>>) target_semaphore(%run_scoped3A : memref<!tpu.dma_semaphore, #tpu.memory_space<semaphore_mem>>)
        %dma_wait3A_69 = tpu.memref_slice %arg4[%add3A_56] : memref<320000xi32, #tpu.memory_space<hbm>> -> memref<80xi32, #tpu.memory_space<hbm>>
        %dma_wait3A_70 = tpu.memref_slice %arg4[%add3A_56] : memref<320000xi32, #tpu.memory_space<hbm>> -> memref<80xi32, #tpu.memory_space<hbm>>
        tpu.wait_dma2 semaphore(%run_scoped3A : memref<!tpu.dma_semaphore, #tpu.memory_space<semaphore_mem>>) src(%dma_wait3A_70 : memref<80xi32, #tpu.memory_space<hbm>>) dst(%arg8 : memref<80xi32, #tpu.memory_space<vmem>>)
        tpu.yield
      }) : () -> ()
      %dma_start3A = arith.constant 0 : i32
      %dma_start3A_57 = arith.constant 0 : i32
      %dma_start3A_58 = tpu.memref_slice %arg11[%dma_start3A, %dma_start3A_57] : memref<10000x96xf32, #tpu.memory_space<vmem_shared>> -> memref<10000x96xf32, #tpu.memory_space<vmem_shared>>
      tpu.enqueue_indirect_dma source(%dma_start3A_58 : memref<10000x96xf32, #tpu.memory_space<vmem_shared>>) target(%arg9 : memref<80x96xf32, #tpu.memory_space<vmem>>) offsets(%arg7 : memref<80xi32, #tpu.memory_space<vmem>>) semaphore(%arg12 : memref<!tpu.dma_semaphore, #tpu.memory_space<semaphore_mem>>)
      %dma_start3A_59 = arith.constant 0 : i32
      %dma_start3A_60 = arith.constant 0 : i32
      %dma_start3A_61 = tpu.memref_slice %arg11[%dma_start3A_59, %dma_start3A_60] : memref<10000x96xf32, #tpu.memory_space<vmem_shared>> -> memref<10000x96xf32, #tpu.memory_space<vmem_shared>>
      tpu.enqueue_indirect_dma source(%dma_start3A_61 : memref<10000x96xf32, #tpu.memory_space<vmem_shared>>) target(%arg10 : memref<80x96xf32, #tpu.memory_space<vmem>>) offsets(%arg8 : memref<80xi32, #tpu.memory_space<vmem>>) semaphore(%arg12 : memref<!tpu.dma_semaphore, #tpu.memory_space<semaphore_mem>>)
      %dma_wait3A = arith.constant 0 : i32
      %dma_wait3A_62 = arith.constant 0 : i32
      %dma_wait3A_63 = tpu.memref_slice %arg11[%dma_wait3A, %dma_wait3A_62] : memref<10000x96xf32, #tpu.memory_space<vmem_shared>> -> memref<10000x96xf32, #tpu.memory_space<vmem_shared>>
      tpu.wait_indirect_dma semaphore(%arg12 : memref<!tpu.dma_semaphore, #tpu.memory_space<semaphore_mem>>) src(%dma_wait3A_63 : memref<10000x96xf32, #tpu.memory_space<vmem_shared>>) dst(%arg9 : memref<80x96xf32, #tpu.memory_space<vmem>>)
      %dma_wait3A_64 = arith.constant 0 : i32
      %dma_wait3A_65 = arith.constant 0 : i32
      %dma_wait3A_66 = tpu.memref_slice %arg11[%dma_wait3A_64, %dma_wait3A_65] : memref<10000x96xf32, #tpu.memory_space<vmem_shared>> -> memref<10000x96xf32, #tpu.memory_space<vmem_shared>>
      tpu.wait_indirect_dma semaphore(%arg12 : memref<!tpu.dma_semaphore, #tpu.memory_space<semaphore_mem>>) src(%dma_wait3A_66 : memref<10000x96xf32, #tpu.memory_space<vmem_shared>>) dst(%arg10 : memref<80x96xf32, #tpu.memory_space<vmem>>)
      "tpu.region"() ({
        %run_scoped3A = tpu.sem_alloc : memref<!tpu.dma_semaphore, #tpu.memory_space<semaphore_mem>>
        %dma_start3A_67 = arith.constant 0 : i32
        %dma_start3A_68 = tpu.memref_slice %arg5[%add3A_56, %dma_start3A_67] : memref<320000x96xf32, #tpu.memory_space<hbm>> -> memref<80x96xf32, #tpu.memory_space<hbm>>
        %dma_start3A_69 = arith.constant 0 : i32
        %dma_start3A_70 = tpu.memref_slice %arg5[%add3A_56, %dma_start3A_69] : memref<320000x96xf32, #tpu.memory_space<hbm>> -> memref<80x96xf32, #tpu.memory_space<hbm>>
        tpu.enqueue_dma source(%arg9 : memref<80x96xf32, #tpu.memory_space<vmem>>) target(%dma_start3A_70 : memref<80x96xf32, #tpu.memory_space<hbm>>) target_semaphore(%run_scoped3A : memref<!tpu.dma_semaphore, #tpu.memory_space<semaphore_mem>>)
        %dma_wait3A_71 = arith.constant 0 : i32
        %dma_wait3A_72 = tpu.memref_slice %arg5[%add3A_56, %dma_wait3A_71] : memref<320000x96xf32, #tpu.memory_space<hbm>> -> memref<80x96xf32, #tpu.memory_space<hbm>>
        %dma_wait3A_73 = arith.constant 0 : i32
        %dma_wait3A_74 = tpu.memref_slice %arg5[%add3A_56, %dma_wait3A_73] : memref<320000x96xf32, #tpu.memory_space<hbm>> -> memref<80x96xf32, #tpu.memory_space<hbm>>
        tpu.wait_dma2 semaphore(%run_scoped3A : memref<!tpu.dma_semaphore, #tpu.memory_space<semaphore_mem>>) src(%arg9 : memref<80x96xf32, #tpu.memory_space<vmem>>) dst(%dma_wait3A_74 : memref<80x96xf32, #tpu.memory_space<hbm>>)
        tpu.yield
      }) : () -> ()
      "tpu.region"() ({
        %run_scoped3A = tpu.sem_alloc : memref<!tpu.dma_semaphore, #tpu.memory_space<semaphore_mem>>
        %dma_start3A_67 = arith.constant 0 : i32
        %dma_start3A_68 = tpu.memref_slice %arg6[%add3A_56, %dma_start3A_67] : memref<320000x96xf32, #tpu.memory_space<hbm>> -> memref<80x96xf32, #tpu.memory_space<hbm>>
        %dma_start3A_69 = arith.constant 0 : i32
        %dma_start3A_70 = tpu.memref_slice %arg6[%add3A_56, %dma_start3A_69] : memref<320000x96xf32, #tpu.memory_space<hbm>> -> memref<80x96xf32, #tpu.memory_space<hbm>>
        tpu.enqueue_dma source(%arg10 : memref<80x96xf32, #tpu.memory_space<vmem>>) target(%dma_start3A_70 : memref<80x96xf32, #tpu.memory_space<hbm>>) target_semaphore(%run_scoped3A : memref<!tpu.dma_semaphore, #tpu.memory_space<semaphore_mem>>)
        %dma_wait3A_71 = arith.constant 0 : i32
        %dma_wait3A_72 = tpu.memref_slice %arg6[%add3A_56, %dma_wait3A_71] : memref<320000x96xf32, #tpu.memory_space<hbm>> -> memref<80x96xf32, #tpu.memory_space<hbm>>
        %dma_wait3A_73 = arith.constant 0 : i32
        %dma_wait3A_74 = tpu.memref_slice %arg6[%add3A_56, %dma_wait3A_73] : memref<320000x96xf32, #tpu.memory_space<hbm>> -> memref<80x96xf32, #tpu.memory_space<hbm>>
        tpu.wait_dma2 semaphore(%run_scoped3A : memref<!tpu.dma_semaphore, #tpu.memory_space<semaphore_mem>>) src(%arg10 : memref<80x96xf32, #tpu.memory_space<vmem>>) dst(%dma_wait3A_74 : memref<80x96xf32, #tpu.memory_space<hbm>>)
        tpu.yield
      }) : () -> ()
    }
    %scan3A_52 = arith.constant 125 : i32
    return
  }
}

#map = affine_map<(d0, d1) -> (0, 0)>
#map1 = affine_map<(d0, d1) -> (0)>
module attributes {stable_mosaic.version = 14 : i64} {
  func.func @_sc_gather_body(%arg0: i32, %arg1: i32, %arg2: memref<10000x96xf32, #tpu.memory_space<hbm>>, %arg3: memref<320000xi32, #tpu.memory_space<hbm>>, %arg4: memref<320000xi32, #tpu.memory_space<hbm>>, %arg5: memref<320000x96xf32, #tpu.memory_space<hbm>>, %arg6: memref<320000x96xf32, #tpu.memory_space<hbm>>, %arg7: memref<80xi32, #tpu.memory_space<vmem>>, %arg8: memref<80xi32, #tpu.memory_space<vmem>>, %arg9: memref<80x96xf32, #tpu.memory_space<vmem>>, %arg10: memref<80x96xf32, #tpu.memory_space<vmem>>, %arg11: memref<10000x96xf32, #tpu.memory_space<vmem_shared>>, %arg12: memref<!tpu.dma_semaphore, #tpu.memory_space<semaphore_mem>>) attributes {dimension_semantics = [#tpu.dimension_semantics<core_parallel>, #tpu.dimension_semantics<subcore_parallel>], iteration_bounds = array<i64: 2, 16>, scalar_prefetch = 0 : i64, scratch_operands = 6 : i64, tpu.core_type = #tpu.core_type<sc_vector_subcore>, window_params = [{transform_indices = #map}, {transform_indices = #map1}, {transform_indices = #map1}, {transform_indices = #map}, {transform_indices = #map}]} {
    %mul3A = arith.constant 16 : i32
    %mul3A_0 = arith.muli %arg0, %mul3A : i32
    %add3A = arith.addi %mul3A_0, %arg1 : i32
    %add3A_1 = arith.constant 0 : i32
    %add3A_2 = arith.addi %arg1, %add3A_1 : i32
    %mul3A_3 = arith.constant 80 : i32
    %mul3A_4 = arith.muli %add3A_2, %mul3A_3 : i32
    %mul3A_5 = arith.constant 80 : i32
    %mul3A_6 = arith.muli %add3A_2, %mul3A_5 : i32
    "tpu.region"() ({
      %run_scoped3A = tpu.sem_alloc : memref<!tpu.dma_semaphore, #tpu.memory_space<semaphore_mem>>
      %dma_start3A = arith.constant 0 : i32
      %dma_start3A_53 = tpu.memref_slice %arg11[%mul3A_6, %dma_start3A] : memref<10000x96xf32, #tpu.memory_space<vmem_shared>> -> memref<80x96xf32, #tpu.memory_space<vmem_shared>>
      %dma_start3A_54 = arith.constant 0 : i32
      %dma_start3A_55 = tpu.memref_slice %arg2[%mul3A_4, %dma_start3A_54] : memref<10000x96xf32, #tpu.memory_space<hbm>> -> memref<80x96xf32, #tpu.memory_space<hbm>>
      tpu.enqueue_dma source(%dma_start3A_55 : memref<80x96xf32, #tpu.memory_space<hbm>>) target(%dma_start3A_53 : memref<80x96xf32, #tpu.memory_space<vmem_shared>>) target_semaphore(%run_scoped3A : memref<!tpu.dma_semaphore, #tpu.memory_space<semaphore_mem>>)
      %dma_wait3A = arith.constant 0 : i32
      %dma_wait3A_56 = tpu.memref_slice %arg11[%mul3A_6, %dma_wait3A] : memref<10000x96xf32, #tpu.memory_space<vmem_shared>> -> memref<80x96xf32, #tpu.memory_space<vmem_shared>>
      %dma_wait3A_57 = arith.constant 0 : i32
      %dma_wait3A_58 = tpu.memref_slice %arg2[%mul3A_4, %dma_wait3A_57] : memref<10000x96xf32, #tpu.memory_space<hbm>> -> memref<80x96xf32, #tpu.memory_space<hbm>>
      tpu.wait_dma2 semaphore(%run_scoped3A : memref<!tpu.dma_semaphore, #tpu.memory_space<semaphore_mem>>) src(%dma_wait3A_58 : memref<80x96xf32, #tpu.memory_space<hbm>>) dst(%dma_wait3A_56 : memref<80x96xf32, #tpu.memory_space<vmem_shared>>)
      tpu.yield
    }) : () -> ()
    %add3A_7 = arith.constant 16 : i32
    %add3A_8 = arith.addi %arg1, %add3A_7 : i32
    %mul3A_9 = arith.constant 80 : i32
    %mul3A_10 = arith.muli %add3A_8, %mul3A_9 : i32
    %mul3A_11 = arith.constant 80 : i32
    %mul3A_12 = arith.muli %add3A_8, %mul3A_11 : i32
    "tpu.region"() ({
      %run_scoped3A = tpu.sem_alloc : memref<!tpu.dma_semaphore, #tpu.memory_space<semaphore_mem>>
      %dma_start3A = arith.constant 0 : i32
      %dma_start3A_53 = tpu.memref_slice %arg11[%mul3A_12, %dma_start3A] : memref<10000x96xf32, #tpu.memory_space<vmem_shared>> -> memref<80x96xf32, #tpu.memory_space<vmem_shared>>
      %dma_start3A_54 = arith.constant 0 : i32
      %dma_start3A_55 = tpu.memref_slice %arg2[%mul3A_10, %dma_start3A_54] : memref<10000x96xf32, #tpu.memory_space<hbm>> -> memref<80x96xf32, #tpu.memory_space<hbm>>
      tpu.enqueue_dma source(%dma_start3A_55 : memref<80x96xf32, #tpu.memory_space<hbm>>) target(%dma_start3A_53 : memref<80x96xf32, #tpu.memory_space<vmem_shared>>) target_semaphore(%run_scoped3A : memref<!tpu.dma_semaphore, #tpu.memory_space<semaphore_mem>>)
      %dma_wait3A = arith.constant 0 : i32
      %dma_wait3A_56 = tpu.memref_slice %arg11[%mul3A_12, %dma_wait3A] : memref<10000x96xf32, #tpu.memory_space<vmem_shared>> -> memref<80x96xf32, #tpu.memory_space<vmem_shared>>
      %dma_wait3A_57 = arith.constant 0 : i32
      %dma_wait3A_58 = tpu.memref_slice %arg2[%mul3A_10, %dma_wait3A_57] : memref<10000x96xf32, #tpu.memory_space<hbm>> -> memref<80x96xf32, #tpu.memory_space<hbm>>
      tpu.wait_dma2 semaphore(%run_scoped3A : memref<!tpu.dma_semaphore, #tpu.memory_space<semaphore_mem>>) src(%dma_wait3A_58 : memref<80x96xf32, #tpu.memory_space<hbm>>) dst(%dma_wait3A_56 : memref<80x96xf32, #tpu.memory_space<vmem_shared>>)
      tpu.yield
    }) : () -> ()
    %add3A_13 = arith.constant 32 : i32
    %add3A_14 = arith.addi %arg1, %add3A_13 : i32
    %mul3A_15 = arith.constant 80 : i32
    %mul3A_16 = arith.muli %add3A_14, %mul3A_15 : i32
    %mul3A_17 = arith.constant 80 : i32
    %mul3A_18 = arith.muli %add3A_14, %mul3A_17 : i32
    "tpu.region"() ({
      %run_scoped3A = tpu.sem_alloc : memref<!tpu.dma_semaphore, #tpu.memory_space<semaphore_mem>>
      %dma_start3A = arith.constant 0 : i32
      %dma_start3A_53 = tpu.memref_slice %arg11[%mul3A_18, %dma_start3A] : memref<10000x96xf32, #tpu.memory_space<vmem_shared>> -> memref<80x96xf32, #tpu.memory_space<vmem_shared>>
      %dma_start3A_54 = arith.constant 0 : i32
      %dma_start3A_55 = tpu.memref_slice %arg2[%mul3A_16, %dma_start3A_54] : memref<10000x96xf32, #tpu.memory_space<hbm>> -> memref<80x96xf32, #tpu.memory_space<hbm>>
      tpu.enqueue_dma source(%dma_start3A_55 : memref<80x96xf32, #tpu.memory_space<hbm>>) target(%dma_start3A_53 : memref<80x96xf32, #tpu.memory_space<vmem_shared>>) target_semaphore(%run_scoped3A : memref<!tpu.dma_semaphore, #tpu.memory_space<semaphore_mem>>)
      %dma_wait3A = arith.constant 0 : i32
      %dma_wait3A_56 = tpu.memref_slice %arg11[%mul3A_18, %dma_wait3A] : memref<10000x96xf32, #tpu.memory_space<vmem_shared>> -> memref<80x96xf32, #tpu.memory_space<vmem_shared>>
      %dma_wait3A_57 = arith.constant 0 : i32
      %dma_wait3A_58 = tpu.memref_slice %arg2[%mul3A_16, %dma_wait3A_57] : memref<10000x96xf32, #tpu.memory_space<hbm>> -> memref<80x96xf32, #tpu.memory_space<hbm>>
      tpu.wait_dma2 semaphore(%run_scoped3A : memref<!tpu.dma_semaphore, #tpu.memory_space<semaphore_mem>>) src(%dma_wait3A_58 : memref<80x96xf32, #tpu.memory_space<hbm>>) dst(%dma_wait3A_56 : memref<80x96xf32, #tpu.memory_space<vmem_shared>>)
      tpu.yield
    }) : () -> ()
    %add3A_19 = arith.constant 48 : i32
    %add3A_20 = arith.addi %arg1, %add3A_19 : i32
    %mul3A_21 = arith.constant 80 : i32
    %mul3A_22 = arith.muli %add3A_20, %mul3A_21 : i32
    %mul3A_23 = arith.constant 80 : i32
    %mul3A_24 = arith.muli %add3A_20, %mul3A_23 : i32
    "tpu.region"() ({
      %run_scoped3A = tpu.sem_alloc : memref<!tpu.dma_semaphore, #tpu.memory_space<semaphore_mem>>
      %dma_start3A = arith.constant 0 : i32
      %dma_start3A_53 = tpu.memref_slice %arg11[%mul3A_24, %dma_start3A] : memref<10000x96xf32, #tpu.memory_space<vmem_shared>> -> memref<80x96xf32, #tpu.memory_space<vmem_shared>>
      %dma_start3A_54 = arith.constant 0 : i32
      %dma_start3A_55 = tpu.memref_slice %arg2[%mul3A_22, %dma_start3A_54] : memref<10000x96xf32, #tpu.memory_space<hbm>> -> memref<80x96xf32, #tpu.memory_space<hbm>>
      tpu.enqueue_dma source(%dma_start3A_55 : memref<80x96xf32, #tpu.memory_space<hbm>>) target(%dma_start3A_53 : memref<80x96xf32, #tpu.memory_space<vmem_shared>>) target_semaphore(%run_scoped3A : memref<!tpu.dma_semaphore, #tpu.memory_space<semaphore_mem>>)
      %dma_wait3A = arith.constant 0 : i32
      %dma_wait3A_56 = tpu.memref_slice %arg11[%mul3A_24, %dma_wait3A] : memref<10000x96xf32, #tpu.memory_space<vmem_shared>> -> memref<80x96xf32, #tpu.memory_space<vmem_shared>>
      %dma_wait3A_57 = arith.constant 0 : i32
      %dma_wait3A_58 = tpu.memref_slice %arg2[%mul3A_22, %dma_wait3A_57] : memref<10000x96xf32, #tpu.memory_space<hbm>> -> memref<80x96xf32, #tpu.memory_space<hbm>>
      tpu.wait_dma2 semaphore(%run_scoped3A : memref<!tpu.dma_semaphore, #tpu.memory_space<semaphore_mem>>) src(%dma_wait3A_58 : memref<80x96xf32, #tpu.memory_space<hbm>>) dst(%dma_wait3A_56 : memref<80x96xf32, #tpu.memory_space<vmem_shared>>)
      tpu.yield
    }) : () -> ()
    %add3A_25 = arith.constant 64 : i32
    %add3A_26 = arith.addi %arg1, %add3A_25 : i32
    %mul3A_27 = arith.constant 80 : i32
    %mul3A_28 = arith.muli %add3A_26, %mul3A_27 : i32
    %mul3A_29 = arith.constant 80 : i32
    %mul3A_30 = arith.muli %add3A_26, %mul3A_29 : i32
    "tpu.region"() ({
      %run_scoped3A = tpu.sem_alloc : memref<!tpu.dma_semaphore, #tpu.memory_space<semaphore_mem>>
      %dma_start3A = arith.constant 0 : i32
      %dma_start3A_53 = tpu.memref_slice %arg11[%mul3A_30, %dma_start3A] : memref<10000x96xf32, #tpu.memory_space<vmem_shared>> -> memref<80x96xf32, #tpu.memory_space<vmem_shared>>
      %dma_start3A_54 = arith.constant 0 : i32
      %dma_start3A_55 = tpu.memref_slice %arg2[%mul3A_28, %dma_start3A_54] : memref<10000x96xf32, #tpu.memory_space<hbm>> -> memref<80x96xf32, #tpu.memory_space<hbm>>
      tpu.enqueue_dma source(%dma_start3A_55 : memref<80x96xf32, #tpu.memory_space<hbm>>) target(%dma_start3A_53 : memref<80x96xf32, #tpu.memory_space<vmem_shared>>) target_semaphore(%run_scoped3A : memref<!tpu.dma_semaphore, #tpu.memory_space<semaphore_mem>>)
      %dma_wait3A = arith.constant 0 : i32
      %dma_wait3A_56 = tpu.memref_slice %arg11[%mul3A_30, %dma_wait3A] : memref<10000x96xf32, #tpu.memory_space<vmem_shared>> -> memref<80x96xf32, #tpu.memory_space<vmem_shared>>
      %dma_wait3A_57 = arith.constant 0 : i32
      %dma_wait3A_58 = tpu.memref_slice %arg2[%mul3A_28, %dma_wait3A_57] : memref<10000x96xf32, #tpu.memory_space<hbm>> -> memref<80x96xf32, #tpu.memory_space<hbm>>
      tpu.wait_dma2 semaphore(%run_scoped3A : memref<!tpu.dma_semaphore, #tpu.memory_space<semaphore_mem>>) src(%dma_wait3A_58 : memref<80x96xf32, #tpu.memory_space<hbm>>) dst(%dma_wait3A_56 : memref<80x96xf32, #tpu.memory_space<vmem_shared>>)
      tpu.yield
    }) : () -> ()
    %add3A_31 = arith.constant 80 : i32
    %add3A_32 = arith.addi %arg1, %add3A_31 : i32
    %mul3A_33 = arith.constant 80 : i32
    %mul3A_34 = arith.muli %add3A_32, %mul3A_33 : i32
    %mul3A_35 = arith.constant 80 : i32
    %mul3A_36 = arith.muli %add3A_32, %mul3A_35 : i32
    "tpu.region"() ({
      %run_scoped3A = tpu.sem_alloc : memref<!tpu.dma_semaphore, #tpu.memory_space<semaphore_mem>>
      %dma_start3A = arith.constant 0 : i32
      %dma_start3A_53 = tpu.memref_slice %arg11[%mul3A_36, %dma_start3A] : memref<10000x96xf32, #tpu.memory_space<vmem_shared>> -> memref<80x96xf32, #tpu.memory_space<vmem_shared>>
      %dma_start3A_54 = arith.constant 0 : i32
      %dma_start3A_55 = tpu.memref_slice %arg2[%mul3A_34, %dma_start3A_54] : memref<10000x96xf32, #tpu.memory_space<hbm>> -> memref<80x96xf32, #tpu.memory_space<hbm>>
      tpu.enqueue_dma source(%dma_start3A_55 : memref<80x96xf32, #tpu.memory_space<hbm>>) target(%dma_start3A_53 : memref<80x96xf32, #tpu.memory_space<vmem_shared>>) target_semaphore(%run_scoped3A : memref<!tpu.dma_semaphore, #tpu.memory_space<semaphore_mem>>)
      %dma_wait3A = arith.constant 0 : i32
      %dma_wait3A_56 = tpu.memref_slice %arg11[%mul3A_36, %dma_wait3A] : memref<10000x96xf32, #tpu.memory_space<vmem_shared>> -> memref<80x96xf32, #tpu.memory_space<vmem_shared>>
      %dma_wait3A_57 = arith.constant 0 : i32
      %dma_wait3A_58 = tpu.memref_slice %arg2[%mul3A_34, %dma_wait3A_57] : memref<10000x96xf32, #tpu.memory_space<hbm>> -> memref<80x96xf32, #tpu.memory_space<hbm>>
      tpu.wait_dma2 semaphore(%run_scoped3A : memref<!tpu.dma_semaphore, #tpu.memory_space<semaphore_mem>>) src(%dma_wait3A_58 : memref<80x96xf32, #tpu.memory_space<hbm>>) dst(%dma_wait3A_56 : memref<80x96xf32, #tpu.memory_space<vmem_shared>>)
      tpu.yield
    }) : () -> ()
    %add3A_37 = arith.constant 96 : i32
    %add3A_38 = arith.addi %arg1, %add3A_37 : i32
    %mul3A_39 = arith.constant 80 : i32
    %mul3A_40 = arith.muli %add3A_38, %mul3A_39 : i32
    %mul3A_41 = arith.constant 80 : i32
    %mul3A_42 = arith.muli %add3A_38, %mul3A_41 : i32
    "tpu.region"() ({
      %run_scoped3A = tpu.sem_alloc : memref<!tpu.dma_semaphore, #tpu.memory_space<semaphore_mem>>
      %dma_start3A = arith.constant 0 : i32
      %dma_start3A_53 = tpu.memref_slice %arg11[%mul3A_42, %dma_start3A] : memref<10000x96xf32, #tpu.memory_space<vmem_shared>> -> memref<80x96xf32, #tpu.memory_space<vmem_shared>>
      %dma_start3A_54 = arith.constant 0 : i32
      %dma_start3A_55 = tpu.memref_slice %arg2[%mul3A_40, %dma_start3A_54] : memref<10000x96xf32, #tpu.memory_space<hbm>> -> memref<80x96xf32, #tpu.memory_space<hbm>>
      tpu.enqueue_dma source(%dma_start3A_55 : memref<80x96xf32, #tpu.memory_space<hbm>>) target(%dma_start3A_53 : memref<80x96xf32, #tpu.memory_space<vmem_shared>>) target_semaphore(%run_scoped3A : memref<!tpu.dma_semaphore, #tpu.memory_space<semaphore_mem>>)
      %dma_wait3A = arith.constant 0 : i32
      %dma_wait3A_56 = tpu.memref_slice %arg11[%mul3A_42, %dma_wait3A] : memref<10000x96xf32, #tpu.memory_space<vmem_shared>> -> memref<80x96xf32, #tpu.memory_space<vmem_shared>>
      %dma_wait3A_57 = arith.constant 0 : i32
      %dma_wait3A_58 = tpu.memref_slice %arg2[%mul3A_40, %dma_wait3A_57] : memref<10000x96xf32, #tpu.memory_space<hbm>> -> memref<80x96xf32, #tpu.memory_space<hbm>>
      tpu.wait_dma2 semaphore(%run_scoped3A : memref<!tpu.dma_semaphore, #tpu.memory_space<semaphore_mem>>) src(%dma_wait3A_58 : memref<80x96xf32, #tpu.memory_space<hbm>>) dst(%dma_wait3A_56 : memref<80x96xf32, #tpu.memory_space<vmem_shared>>)
      tpu.yield
    }) : () -> ()
    %add3A_43 = arith.constant 112 : i32
    %add3A_44 = arith.addi %arg1, %add3A_43 : i32
    %lt3A = arith.constant 125 : i32
    %lt3A_45 = arith.cmpi slt, %add3A_44, %lt3A : i32
    %convert_element_type3A = arith.extui %lt3A_45 : i1 to i32
    %cond3A = arith.constant 0 : i32
    %cond3A_46 = arith.cmpi ne, %convert_element_type3A, %cond3A : i32
    scf.if %cond3A_46 {
      %mul3A_53 = arith.constant 80 : i32
      %mul3A_54 = arith.muli %add3A_44, %mul3A_53 : i32
      %mul3A_55 = arith.constant 80 : i32
      %mul3A_56 = arith.muli %add3A_44, %mul3A_55 : i32
      "tpu.region"() ({
        %run_scoped3A = tpu.sem_alloc : memref<!tpu.dma_semaphore, #tpu.memory_space<semaphore_mem>>
        %dma_start3A = arith.constant 0 : i32
        %dma_start3A_57 = tpu.memref_slice %arg11[%mul3A_56, %dma_start3A] : memref<10000x96xf32, #tpu.memory_space<vmem_shared>> -> memref<80x96xf32, #tpu.memory_space<vmem_shared>>
        %dma_start3A_58 = arith.constant 0 : i32
        %dma_start3A_59 = tpu.memref_slice %arg2[%mul3A_54, %dma_start3A_58] : memref<10000x96xf32, #tpu.memory_space<hbm>> -> memref<80x96xf32, #tpu.memory_space<hbm>>
        tpu.enqueue_dma source(%dma_start3A_59 : memref<80x96xf32, #tpu.memory_space<hbm>>) target(%dma_start3A_57 : memref<80x96xf32, #tpu.memory_space<vmem_shared>>) target_semaphore(%run_scoped3A : memref<!tpu.dma_semaphore, #tpu.memory_space<semaphore_mem>>)
        %dma_wait3A = arith.constant 0 : i32
        %dma_wait3A_60 = tpu.memref_slice %arg11[%mul3A_56, %dma_wait3A] : memref<10000x96xf32, #tpu.memory_space<vmem_shared>> -> memref<80x96xf32, #tpu.memory_space<vmem_shared>>
        %dma_wait3A_61 = arith.constant 0 : i32
        %dma_wait3A_62 = tpu.memref_slice %arg2[%mul3A_54, %dma_wait3A_61] : memref<10000x96xf32, #tpu.memory_space<hbm>> -> memref<80x96xf32, #tpu.memory_space<hbm>>
        tpu.wait_dma2 semaphore(%run_scoped3A : memref<!tpu.dma_semaphore, #tpu.memory_space<semaphore_mem>>) src(%dma_wait3A_62 : memref<80x96xf32, #tpu.memory_space<hbm>>) dst(%dma_wait3A_60 : memref<80x96xf32, #tpu.memory_space<vmem_shared>>)
        tpu.yield
      }) : () -> ()
    } else {
    }
    %barrier3A = arith.constant 0 : index
    tpu.barrier barrier_id(%barrier3A)
    %mul3A_47 = arith.constant 10000 : i32
    %mul3A_48 = arith.muli %add3A, %mul3A_47 : i32
    %scan3A = arith.constant 0 : i32
    %scan3A_49 = arith.constant 125 : i32
    %scan3A_50 = arith.addi %scan3A, %scan3A_49 : i32
    %scan3A_51 = arith.constant 1 : i32
    scf.for %scan3A_53 = %scan3A to %scan3A_50 step %scan3A_51  : i32 {
      %mul3A_54 = arith.constant 80 : i32
      %mul3A_55 = arith.muli %scan3A_53, %mul3A_54 : i32
      %add3A_56 = arith.addi %mul3A_48, %mul3A_55 : i32
      "tpu.region"() ({
        %run_scoped3A = tpu.sem_alloc : memref<!tpu.dma_semaphore, #tpu.memory_space<semaphore_mem>>
        %dma_start3A_67 = tpu.memref_slice %arg3[%add3A_56] : memref<320000xi32, #tpu.memory_space<hbm>> -> memref<80xi32, #tpu.memory_space<hbm>>
        %dma_start3A_68 = tpu.memref_slice %arg3[%add3A_56] : memref<320000xi32, #tpu.memory_space<hbm>> -> memref<80xi32, #tpu.memory_space<hbm>>
        tpu.enqueue_dma source(%dma_start3A_68 : memref<80xi32, #tpu.memory_space<hbm>>) target(%arg7 : memref<80xi32, #tpu.memory_space<vmem>>) target_semaphore(%run_scoped3A : memref<!tpu.dma_semaphore, #tpu.memory_space<semaphore_mem>>)
        %dma_wait3A_69 = tpu.memref_slice %arg3[%add3A_56] : memref<320000xi32, #tpu.memory_space<hbm>> -> memref<80xi32, #tpu.memory_space<hbm>>
        %dma_wait3A_70 = tpu.memref_slice %arg3[%add3A_56] : memref<320000xi32, #tpu.memory_space<hbm>> -> memref<80xi32, #tpu.memory_space<hbm>>
        tpu.wait_dma2 semaphore(%run_scoped3A : memref<!tpu.dma_semaphore, #tpu.memory_space<semaphore_mem>>) src(%dma_wait3A_70 : memref<80xi32, #tpu.memory_space<hbm>>) dst(%arg7 : memref<80xi32, #tpu.memory_space<vmem>>)
        tpu.yield
      }) : () -> ()
      "tpu.region"() ({
        %run_scoped3A = tpu.sem_alloc : memref<!tpu.dma_semaphore, #tpu.memory_space<semaphore_mem>>
        %dma_start3A_67 = tpu.memref_slice %arg4[%add3A_56] : memref<320000xi32, #tpu.memory_space<hbm>> -> memref<80xi32, #tpu.memory_space<hbm>>
        %dma_start3A_68 = tpu.memref_slice %arg4[%add3A_56] : memref<320000xi32, #tpu.memory_space<hbm>> -> memref<80xi32, #tpu.memory_space<hbm>>
        tpu.enqueue_dma source(%dma_start3A_68 : memref<80xi32, #tpu.memory_space<hbm>>) target(%arg8 : memref<80xi32, #tpu.memory_space<vmem>>) target_semaphore(%run_scoped3A : memref<!tpu.dma_semaphore, #tpu.memory_space<semaphore_mem>>)
        %dma_wait3A_69 = tpu.memref_slice %arg4[%add3A_56] : memref<320000xi32, #tpu.memory_space<hbm>> -> memref<80xi32, #tpu.memory_space<hbm>>
        %dma_wait3A_70 = tpu.memref_slice %arg4[%add3A_56] : memref<320000xi32, #tpu.memory_space<hbm>> -> memref<80xi32, #tpu.memory_space<hbm>>
        tpu.wait_dma2 semaphore(%run_scoped3A : memref<!tpu.dma_semaphore, #tpu.memory_space<semaphore_mem>>) src(%dma_wait3A_70 : memref<80xi32, #tpu.memory_space<hbm>>) dst(%arg8 : memref<80xi32, #tpu.memory_space<vmem>>)
        tpu.yield
      }) : () -> ()
      %dma_start3A = arith.constant 0 : i32
      %dma_start3A_57 = arith.constant 0 : i32
      %dma_start3A_58 = tpu.memref_slice %arg11[%dma_start3A, %dma_start3A_57] : memref<10000x96xf32, #tpu.memory_space<vmem_shared>> -> memref<10000x96xf32, #tpu.memory_space<vmem_shared>>
      tpu.enqueue_indirect_dma source(%dma_start3A_58 : memref<10000x96xf32, #tpu.memory_space<vmem_shared>>) target(%arg9 : memref<80x96xf32, #tpu.memory_space<vmem>>) offsets(%arg7 : memref<80xi32, #tpu.memory_space<vmem>>) semaphore(%arg12 : memref<!tpu.dma_semaphore, #tpu.memory_space<semaphore_mem>>)
      %dma_start3A_59 = arith.constant 0 : i32
      %dma_start3A_60 = arith.constant 0 : i32
      %dma_start3A_61 = tpu.memref_slice %arg11[%dma_start3A_59, %dma_start3A_60] : memref<10000x96xf32, #tpu.memory_space<vmem_shared>> -> memref<10000x96xf32, #tpu.memory_space<vmem_shared>>
      tpu.enqueue_indirect_dma source(%dma_start3A_61 : memref<10000x96xf32, #tpu.memory_space<vmem_shared>>) target(%arg10 : memref<80x96xf32, #tpu.memory_space<vmem>>) offsets(%arg8 : memref<80xi32, #tpu.memory_space<vmem>>) semaphore(%arg12 : memref<!tpu.dma_semaphore, #tpu.memory_space<semaphore_mem>>)
      %dma_wait3A = arith.constant 0 : i32
      %dma_wait3A_62 = arith.constant 0 : i32
      %dma_wait3A_63 = tpu.memref_slice %arg11[%dma_wait3A, %dma_wait3A_62] : memref<10000x96xf32, #tpu.memory_space<vmem_shared>> -> memref<10000x96xf32, #tpu.memory_space<vmem_shared>>
      tpu.wait_indirect_dma semaphore(%arg12 : memref<!tpu.dma_semaphore, #tpu.memory_space<semaphore_mem>>) src(%dma_wait3A_63 : memref<10000x96xf32, #tpu.memory_space<vmem_shared>>) dst(%arg9 : memref<80x96xf32, #tpu.memory_space<vmem>>)
      %dma_wait3A_64 = arith.constant 0 : i32
      %dma_wait3A_65 = arith.constant 0 : i32
      %dma_wait3A_66 = tpu.memref_slice %arg11[%dma_wait3A_64, %dma_wait3A_65] : memref<10000x96xf32, #tpu.memory_space<vmem_shared>> -> memref<10000x96xf32, #tpu.memory_space<vmem_shared>>
      tpu.wait_indirect_dma semaphore(%arg12 : memref<!tpu.dma_semaphore, #tpu.memory_space<semaphore_mem>>) src(%dma_wait3A_66 : memref<10000x96xf32, #tpu.memory_space<vmem_shared>>) dst(%arg10 : memref<80x96xf32, #tpu.memory_space<vmem>>)
      "tpu.region"() ({
        %run_scoped3A = tpu.sem_alloc : memref<!tpu.dma_semaphore, #tpu.memory_space<semaphore_mem>>
        %dma_start3A_67 = arith.constant 0 : i32
        %dma_start3A_68 = tpu.memref_slice %arg5[%add3A_56, %dma_start3A_67] : memref<320000x96xf32, #tpu.memory_space<hbm>> -> memref<80x96xf32, #tpu.memory_space<hbm>>
        %dma_start3A_69 = arith.constant 0 : i32
        %dma_start3A_70 = tpu.memref_slice %arg5[%add3A_56, %dma_start3A_69] : memref<320000x96xf32, #tpu.memory_space<hbm>> -> memref<80x96xf32, #tpu.memory_space<hbm>>
        tpu.enqueue_dma source(%arg9 : memref<80x96xf32, #tpu.memory_space<vmem>>) target(%dma_start3A_70 : memref<80x96xf32, #tpu.memory_space<hbm>>) target_semaphore(%run_scoped3A : memref<!tpu.dma_semaphore, #tpu.memory_space<semaphore_mem>>)
        %dma_wait3A_71 = arith.constant 0 : i32
        %dma_wait3A_72 = tpu.memref_slice %arg5[%add3A_56, %dma_wait3A_71] : memref<320000x96xf32, #tpu.memory_space<hbm>> -> memref<80x96xf32, #tpu.memory_space<hbm>>
        %dma_wait3A_73 = arith.constant 0 : i32
        %dma_wait3A_74 = tpu.memref_slice %arg5[%add3A_56, %dma_wait3A_73] : memref<320000x96xf32, #tpu.memory_space<hbm>> -> memref<80x96xf32, #tpu.memory_space<hbm>>
        tpu.wait_dma2 semaphore(%run_scoped3A : memref<!tpu.dma_semaphore, #tpu.memory_space<semaphore_mem>>) src(%arg9 : memref<80x96xf32, #tpu.memory_space<vmem>>) dst(%dma_wait3A_74 : memref<80x96xf32, #tpu.memory_space<hbm>>)
        tpu.yield
      }) : () -> ()
      "tpu.region"() ({
        %run_scoped3A = tpu.sem_alloc : memref<!tpu.dma_semaphore, #tpu.memory_space<semaphore_mem>>
        %dma_start3A_67 = arith.constant 0 : i32
        %dma_start3A_68 = tpu.memref_slice %arg6[%add3A_56, %dma_start3A_67] : memref<320000x96xf32, #tpu.memory_space<hbm>> -> memref<80x96xf32, #tpu.memory_space<hbm>>
        %dma_start3A_69 = arith.constant 0 : i32
        %dma_start3A_70 = tpu.memref_slice %arg6[%add3A_56, %dma_start3A_69] : memref<320000x96xf32, #tpu.memory_space<hbm>> -> memref<80x96xf32, #tpu.memory_space<hbm>>
        tpu.enqueue_dma source(%arg10 : memref<80x96xf32, #tpu.memory_space<vmem>>) target(%dma_start3A_70 : memref<80x96xf32, #tpu.memory_space<hbm>>) target_semaphore(%run_scoped3A : memref<!tpu.dma_semaphore, #tpu.memory_space<semaphore_mem>>)
        %dma_wait3A_71 = arith.constant 0 : i32
        %dma_wait3A_72 = tpu.memref_slice %arg6[%add3A_56, %dma_wait3A_71] : memref<320000x96xf32, #tpu.memory_space<hbm>> -> memref<80x96xf32, #tpu.memory_space<hbm>>
        %dma_wait3A_73 = arith.constant 0 : i32
        %dma_wait3A_74 = tpu.memref_slice %arg6[%add3A_56, %dma_wait3A_73] : memref<320000x96xf32, #tpu.memory_space<hbm>> -> memref<80x96xf32, #tpu.memory_space<hbm>>
        tpu.wait_dma2 semaphore(%run_scoped3A : memref<!tpu.dma_semaphore, #tpu.memory_space<semaphore_mem>>) src(%arg10 : memref<80x96xf32, #tpu.memory_space<vmem>>) dst(%dma_wait3A_74 : memref<80x96xf32, #tpu.memory_space<hbm>>)
        tpu.yield
      }) : () -> ()
    }
    %scan3A_52 = arith.constant 125 : i32
    return
  }
}

#map = affine_map<(d0, d1) -> (0, 0)>
#map1 = affine_map<(d0, d1) -> (0)>
#map2 = affine_map<(d0, d1) -> (0, 0, 0)>
module attributes {stable_mosaic.version = 14 : i64} {
  func.func @_sc_scatter_body(%arg0: i32, %arg1: i32, %arg2: memref<320000x80xf32, #tpu.memory_space<hbm>>, %arg3: memref<320000xi32, #tpu.memory_space<hbm>>, %arg4: memref<80x80xf32, #tpu.memory_space<hbm>>, %arg5: memref<2x10000x80xf32, #tpu.memory_space<hbm>>, %arg6: memref<80xi32, #tpu.memory_space<vmem>>, %arg7: memref<80x80xf32, #tpu.memory_space<vmem>>, %arg8: memref<10000x80xf32, #tpu.memory_space<vmem_shared>>, %arg9: memref<!tpu.dma_semaphore, #tpu.memory_space<semaphore_mem>>) attributes {dimension_semantics = [#tpu.dimension_semantics<core_parallel>, #tpu.dimension_semantics<subcore_parallel>], iteration_bounds = array<i64: 2, 16>, scalar_prefetch = 0 : i64, scratch_operands = 4 : i64, tpu.core_type = #tpu.core_type<sc_vector_subcore>, window_params = [{transform_indices = #map}, {transform_indices = #map1}, {transform_indices = #map}, {transform_indices = #map2}]} {
    %mul3A = arith.constant 16 : i32
    %mul3A_0 = arith.muli %arg0, %mul3A : i32
    %add3A = arith.addi %mul3A_0, %arg1 : i32
    %add3A_1 = arith.constant 0 : i32
    %add3A_2 = arith.addi %arg1, %add3A_1 : i32
    %mul3A_3 = arith.constant 80 : i32
    %mul3A_4 = arith.muli %add3A_2, %mul3A_3 : i32
    "tpu.region"() ({
      %run_scoped3A = tpu.sem_alloc : memref<!tpu.dma_semaphore, #tpu.memory_space<semaphore_mem>>
      %dma_start3A = arith.constant 0 : i32
      %dma_start3A_75 = tpu.memref_slice %arg8[%mul3A_4, %dma_start3A] : memref<10000x80xf32, #tpu.memory_space<vmem_shared>> -> memref<80x80xf32, #tpu.memory_space<vmem_shared>>
      tpu.enqueue_dma source(%arg4 : memref<80x80xf32, #tpu.memory_space<hbm>>) target(%dma_start3A_75 : memref<80x80xf32, #tpu.memory_space<vmem_shared>>) target_semaphore(%run_scoped3A : memref<!tpu.dma_semaphore, #tpu.memory_space<semaphore_mem>>)
      %dma_wait3A = arith.constant 0 : i32
      %dma_wait3A_76 = tpu.memref_slice %arg8[%mul3A_4, %dma_wait3A] : memref<10000x80xf32, #tpu.memory_space<vmem_shared>> -> memref<80x80xf32, #tpu.memory_space<vmem_shared>>
      tpu.wait_dma2 semaphore(%run_scoped3A : memref<!tpu.dma_semaphore, #tpu.memory_space<semaphore_mem>>) src(%arg4 : memref<80x80xf32, #tpu.memory_space<hbm>>) dst(%dma_wait3A_76 : memref<80x80xf32, #tpu.memory_space<vmem_shared>>)
      tpu.yield
    }) : () -> ()
    %add3A_5 = arith.constant 16 : i32
    %add3A_6 = arith.addi %arg1, %add3A_5 : i32
    %mul3A_7 = arith.constant 80 : i32
    %mul3A_8 = arith.muli %add3A_6, %mul3A_7 : i32
    "tpu.region"() ({
      %run_scoped3A = tpu.sem_alloc : memref<!tpu.dma_semaphore, #tpu.memory_space<semaphore_mem>>
      %dma_start3A = arith.constant 0 : i32
      %dma_start3A_75 = tpu.memref_slice %arg8[%mul3A_8, %dma_start3A] : memref<10000x80xf32, #tpu.memory_space<vmem_shared>> -> memref<80x80xf32, #tpu.memory_space<vmem_shared>>
      tpu.enqueue_dma source(%arg4 : memref<80x80xf32, #tpu.memory_space<hbm>>) target(%dma_start3A_75 : memref<80x80xf32, #tpu.memory_space<vmem_shared>>) target_semaphore(%run_scoped3A : memref<!tpu.dma_semaphore, #tpu.memory_space<semaphore_mem>>)
      %dma_wait3A = arith.constant 0 : i32
      %dma_wait3A_76 = tpu.memref_slice %arg8[%mul3A_8, %dma_wait3A] : memref<10000x80xf32, #tpu.memory_space<vmem_shared>> -> memref<80x80xf32, #tpu.memory_space<vmem_shared>>
      tpu.wait_dma2 semaphore(%run_scoped3A : memref<!tpu.dma_semaphore, #tpu.memory_space<semaphore_mem>>) src(%arg4 : memref<80x80xf32, #tpu.memory_space<hbm>>) dst(%dma_wait3A_76 : memref<80x80xf32, #tpu.memory_space<vmem_shared>>)
      tpu.yield
    }) : () -> ()
    %add3A_9 = arith.constant 32 : i32
    %add3A_10 = arith.addi %arg1, %add3A_9 : i32
    %mul3A_11 = arith.constant 80 : i32
    %mul3A_12 = arith.muli %add3A_10, %mul3A_11 : i32
    "tpu.region"() ({
      %run_scoped3A = tpu.sem_alloc : memref<!tpu.dma_semaphore, #tpu.memory_space<semaphore_mem>>
      %dma_start3A = arith.constant 0 : i32
      %dma_start3A_75 = tpu.memref_slice %arg8[%mul3A_12, %dma_start3A] : memref<10000x80xf32, #tpu.memory_space<vmem_shared>> -> memref<80x80xf32, #tpu.memory_space<vmem_shared>>
      tpu.enqueue_dma source(%arg4 : memref<80x80xf32, #tpu.memory_space<hbm>>) target(%dma_start3A_75 : memref<80x80xf32, #tpu.memory_space<vmem_shared>>) target_semaphore(%run_scoped3A : memref<!tpu.dma_semaphore, #tpu.memory_space<semaphore_mem>>)
      %dma_wait3A = arith.constant 0 : i32
      %dma_wait3A_76 = tpu.memref_slice %arg8[%mul3A_12, %dma_wait3A] : memref<10000x80xf32, #tpu.memory_space<vmem_shared>> -> memref<80x80xf32, #tpu.memory_space<vmem_shared>>
      tpu.wait_dma2 semaphore(%run_scoped3A : memref<!tpu.dma_semaphore, #tpu.memory_space<semaphore_mem>>) src(%arg4 : memref<80x80xf32, #tpu.memory_space<hbm>>) dst(%dma_wait3A_76 : memref<80x80xf32, #tpu.memory_space<vmem_shared>>)
      tpu.yield
    }) : () -> ()
    %add3A_13 = arith.constant 48 : i32
    %add3A_14 = arith.addi %arg1, %add3A_13 : i32
    %mul3A_15 = arith.constant 80 : i32
    %mul3A_16 = arith.muli %add3A_14, %mul3A_15 : i32
    "tpu.region"() ({
      %run_scoped3A = tpu.sem_alloc : memref<!tpu.dma_semaphore, #tpu.memory_space<semaphore_mem>>
      %dma_start3A = arith.constant 0 : i32
      %dma_start3A_75 = tpu.memref_slice %arg8[%mul3A_16, %dma_start3A] : memref<10000x80xf32, #tpu.memory_space<vmem_shared>> -> memref<80x80xf32, #tpu.memory_space<vmem_shared>>
      tpu.enqueue_dma source(%arg4 : memref<80x80xf32, #tpu.memory_space<hbm>>) target(%dma_start3A_75 : memref<80x80xf32, #tpu.memory_space<vmem_shared>>) target_semaphore(%run_scoped3A : memref<!tpu.dma_semaphore, #tpu.memory_space<semaphore_mem>>)
      %dma_wait3A = arith.constant 0 : i32
      %dma_wait3A_76 = tpu.memref_slice %arg8[%mul3A_16, %dma_wait3A] : memref<10000x80xf32, #tpu.memory_space<vmem_shared>> -> memref<80x80xf32, #tpu.memory_space<vmem_shared>>
      tpu.wait_dma2 semaphore(%run_scoped3A : memref<!tpu.dma_semaphore, #tpu.memory_space<semaphore_mem>>) src(%arg4 : memref<80x80xf32, #tpu.memory_space<hbm>>) dst(%dma_wait3A_76 : memref<80x80xf32, #tpu.memory_space<vmem_shared>>)
      tpu.yield
    }) : () -> ()
    %add3A_17 = arith.constant 64 : i32
    %add3A_18 = arith.addi %arg1, %add3A_17 : i32
    %mul3A_19 = arith.constant 80 : i32
    %mul3A_20 = arith.muli %add3A_18, %mul3A_19 : i32
    "tpu.region"() ({
      %run_scoped3A = tpu.sem_alloc : memref<!tpu.dma_semaphore, #tpu.memory_space<semaphore_mem>>
      %dma_start3A = arith.constant 0 : i32
      %dma_start3A_75 = tpu.memref_slice %arg8[%mul3A_20, %dma_start3A] : memref<10000x80xf32, #tpu.memory_space<vmem_shared>> -> memref<80x80xf32, #tpu.memory_space<vmem_shared>>
      tpu.enqueue_dma source(%arg4 : memref<80x80xf32, #tpu.memory_space<hbm>>) target(%dma_start3A_75 : memref<80x80xf32, #tpu.memory_space<vmem_shared>>) target_semaphore(%run_scoped3A : memref<!tpu.dma_semaphore, #tpu.memory_space<semaphore_mem>>)
      %dma_wait3A = arith.constant 0 : i32
      %dma_wait3A_76 = tpu.memref_slice %arg8[%mul3A_20, %dma_wait3A] : memref<10000x80xf32, #tpu.memory_space<vmem_shared>> -> memref<80x80xf32, #tpu.memory_space<vmem_shared>>
      tpu.wait_dma2 semaphore(%run_scoped3A : memref<!tpu.dma_semaphore, #tpu.memory_space<semaphore_mem>>) src(%arg4 : memref<80x80xf32, #tpu.memory_space<hbm>>) dst(%dma_wait3A_76 : memref<80x80xf32, #tpu.memory_space<vmem_shared>>)
      tpu.yield
    }) : () -> ()
    %add3A_21 = arith.constant 80 : i32
    %add3A_22 = arith.addi %arg1, %add3A_21 : i32
    %mul3A_23 = arith.constant 80 : i32
    %mul3A_24 = arith.muli %add3A_22, %mul3A_23 : i32
    "tpu.region"() ({
      %run_scoped3A = tpu.sem_alloc : memref<!tpu.dma_semaphore, #tpu.memory_space<semaphore_mem>>
      %dma_start3A = arith.constant 0 : i32
      %dma_start3A_75 = tpu.memref_slice %arg8[%mul3A_24, %dma_start3A] : memref<10000x80xf32, #tpu.memory_space<vmem_shared>> -> memref<80x80xf32, #tpu.memory_space<vmem_shared>>
      tpu.enqueue_dma source(%arg4 : memref<80x80xf32, #tpu.memory_space<hbm>>) target(%dma_start3A_75 : memref<80x80xf32, #tpu.memory_space<vmem_shared>>) target_semaphore(%run_scoped3A : memref<!tpu.dma_semaphore, #tpu.memory_space<semaphore_mem>>)
      %dma_wait3A = arith.constant 0 : i32
      %dma_wait3A_76 = tpu.memref_slice %arg8[%mul3A_24, %dma_wait3A] : memref<10000x80xf32, #tpu.memory_space<vmem_shared>> -> memref<80x80xf32, #tpu.memory_space<vmem_shared>>
      tpu.wait_dma2 semaphore(%run_scoped3A : memref<!tpu.dma_semaphore, #tpu.memory_space<semaphore_mem>>) src(%arg4 : memref<80x80xf32, #tpu.memory_space<hbm>>) dst(%dma_wait3A_76 : memref<80x80xf32, #tpu.memory_space<vmem_shared>>)
      tpu.yield
    }) : () -> ()
    %add3A_25 = arith.constant 96 : i32
    %add3A_26 = arith.addi %arg1, %add3A_25 : i32
    %mul3A_27 = arith.constant 80 : i32
    %mul3A_28 = arith.muli %add3A_26, %mul3A_27 : i32
    "tpu.region"() ({
      %run_scoped3A = tpu.sem_alloc : memref<!tpu.dma_semaphore, #tpu.memory_space<semaphore_mem>>
      %dma_start3A = arith.constant 0 : i32
      %dma_start3A_75 = tpu.memref_slice %arg8[%mul3A_28, %dma_start3A] : memref<10000x80xf32, #tpu.memory_space<vmem_shared>> -> memref<80x80xf32, #tpu.memory_space<vmem_shared>>
      tpu.enqueue_dma source(%arg4 : memref<80x80xf32, #tpu.memory_space<hbm>>) target(%dma_start3A_75 : memref<80x80xf32, #tpu.memory_space<vmem_shared>>) target_semaphore(%run_scoped3A : memref<!tpu.dma_semaphore, #tpu.memory_space<semaphore_mem>>)
      %dma_wait3A = arith.constant 0 : i32
      %dma_wait3A_76 = tpu.memref_slice %arg8[%mul3A_28, %dma_wait3A] : memref<10000x80xf32, #tpu.memory_space<vmem_shared>> -> memref<80x80xf32, #tpu.memory_space<vmem_shared>>
      tpu.wait_dma2 semaphore(%run_scoped3A : memref<!tpu.dma_semaphore, #tpu.memory_space<semaphore_mem>>) src(%arg4 : memref<80x80xf32, #tpu.memory_space<hbm>>) dst(%dma_wait3A_76 : memref<80x80xf32, #tpu.memory_space<vmem_shared>>)
      tpu.yield
    }) : () -> ()
    %add3A_29 = arith.constant 112 : i32
    %add3A_30 = arith.addi %arg1, %add3A_29 : i32
    %lt3A = arith.constant 125 : i32
    %lt3A_31 = arith.cmpi slt, %add3A_30, %lt3A : i32
    %convert_element_type3A = arith.extui %lt3A_31 : i1 to i32
    %cond3A = arith.constant 0 : i32
    %cond3A_32 = arith.cmpi ne, %convert_element_type3A, %cond3A : i32
    scf.if %cond3A_32 {
      %mul3A_75 = arith.constant 80 : i32
      %mul3A_76 = arith.muli %add3A_30, %mul3A_75 : i32
      "tpu.region"() ({
        %run_scoped3A = tpu.sem_alloc : memref<!tpu.dma_semaphore, #tpu.memory_space<semaphore_mem>>
        %dma_start3A = arith.constant 0 : i32
        %dma_start3A_77 = tpu.memref_slice %arg8[%mul3A_76, %dma_start3A] : memref<10000x80xf32, #tpu.memory_space<vmem_shared>> -> memref<80x80xf32, #tpu.memory_space<vmem_shared>>
        tpu.enqueue_dma source(%arg4 : memref<80x80xf32, #tpu.memory_space<hbm>>) target(%dma_start3A_77 : memref<80x80xf32, #tpu.memory_space<vmem_shared>>) target_semaphore(%run_scoped3A : memref<!tpu.dma_semaphore, #tpu.memory_space<semaphore_mem>>)
        %dma_wait3A = arith.constant 0 : i32
        %dma_wait3A_78 = tpu.memref_slice %arg8[%mul3A_76, %dma_wait3A] : memref<10000x80xf32, #tpu.memory_space<vmem_shared>> -> memref<80x80xf32, #tpu.memory_space<vmem_shared>>
        tpu.wait_dma2 semaphore(%run_scoped3A : memref<!tpu.dma_semaphore, #tpu.memory_space<semaphore_mem>>) src(%arg4 : memref<80x80xf32, #tpu.memory_space<hbm>>) dst(%dma_wait3A_78 : memref<80x80xf32, #tpu.memory_space<vmem_shared>>)
        tpu.yield
      }) : () -> ()
    } else {
    }
    %barrier3A = arith.constant 0 : index
    tpu.barrier barrier_id(%barrier3A)
    %mul3A_33 = arith.constant 10000 : i32
    %mul3A_34 = arith.muli %add3A, %mul3A_33 : i32
    %scan3A = arith.constant 0 : i32
    %scan3A_35 = arith.constant 125 : i32
    %scan3A_36 = arith.addi %scan3A, %scan3A_35 : i32
    %scan3A_37 = arith.constant 1 : i32
    scf.for %scan3A_75 = %scan3A to %scan3A_36 step %scan3A_37  : i32 {
      %mul3A_76 = arith.constant 80 : i32
      %mul3A_77 = arith.muli %scan3A_75, %mul3A_76 : i32
      %add3A_78 = arith.addi %mul3A_34, %mul3A_77 : i32
      "tpu.region"() ({
        %run_scoped3A = tpu.sem_alloc : memref<!tpu.dma_semaphore, #tpu.memory_space<semaphore_mem>>
        %dma_start3A = tpu.memref_slice %arg3[%add3A_78] : memref<320000xi32, #tpu.memory_space<hbm>> -> memref<80xi32, #tpu.memory_space<hbm>>
        %dma_start3A_79 = tpu.memref_slice %arg3[%add3A_78] : memref<320000xi32, #tpu.memory_space<hbm>> -> memref<80xi32, #tpu.memory_space<hbm>>
        tpu.enqueue_dma source(%dma_start3A_79 : memref<80xi32, #tpu.memory_space<hbm>>) target(%arg6 : memref<80xi32, #tpu.memory_space<vmem>>) target_semaphore(%run_scoped3A : memref<!tpu.dma_semaphore, #tpu.memory_space<semaphore_mem>>)
        %dma_wait3A = tpu.memref_slice %arg3[%add3A_78] : memref<320000xi32, #tpu.memory_space<hbm>> -> memref<80xi32, #tpu.memory_space<hbm>>
        %dma_wait3A_80 = tpu.memref_slice %arg3[%add3A_78] : memref<320000xi32, #tpu.memory_space<hbm>> -> memref<80xi32, #tpu.memory_space<hbm>>
        tpu.wait_dma2 semaphore(%run_scoped3A : memref<!tpu.dma_semaphore, #tpu.memory_space<semaphore_mem>>) src(%dma_wait3A_80 : memref<80xi32, #tpu.memory_space<hbm>>) dst(%arg6 : memref<80xi32, #tpu.memory_space<vmem>>)
        tpu.yield
      }) : () -> ()
      "tpu.region"() ({
        %run_scoped3A = tpu.sem_alloc : memref<!tpu.dma_semaphore, #tpu.memory_space<semaphore_mem>>
        %dma_start3A = arith.constant 0 : i32
        %dma_start3A_79 = tpu.memref_slice %arg2[%add3A_78, %dma_start3A] : memref<320000x80xf32, #tpu.memory_space<hbm>> -> memref<80x80xf32, #tpu.memory_space<hbm>>
        %dma_start3A_80 = arith.constant 0 : i32
        %dma_start3A_81 = tpu.memref_slice %arg2[%add3A_78, %dma_start3A_80] : memref<320000x80xf32, #tpu.memory_space<hbm>> -> memref<80x80xf32, #tpu.memory_space<hbm>>
        tpu.enqueue_dma source(%dma_start3A_81 : memref<80x80xf32, #tpu.memory_space<hbm>>) target(%arg7 : memref<80x80xf32, #tpu.memory_space<vmem>>) target_semaphore(%run_scoped3A : memref<!tpu.dma_semaphore, #tpu.memory_space<semaphore_mem>>)
        %dma_wait3A = arith.constant 0 : i32
        %dma_wait3A_82 = tpu.memref_slice %arg2[%add3A_78, %dma_wait3A] : memref<320000x80xf32, #tpu.memory_space<hbm>> -> memref<80x80xf32, #tpu.memory_space<hbm>>
        %dma_wait3A_83 = arith.constant 0 : i32
        %dma_wait3A_84 = tpu.memref_slice %arg2[%add3A_78, %dma_wait3A_83] : memref<320000x80xf32, #tpu.memory_space<hbm>> -> memref<80x80xf32, #tpu.memory_space<hbm>>
        tpu.wait_dma2 semaphore(%run_scoped3A : memref<!tpu.dma_semaphore, #tpu.memory_space<semaphore_mem>>) src(%dma_wait3A_84 : memref<80x80xf32, #tpu.memory_space<hbm>>) dst(%arg7 : memref<80x80xf32, #tpu.memory_space<vmem>>)
        tpu.yield
      }) : () -> ()
      "tpu.region"() ({
        %run_scoped3A = tpu.sem_alloc : memref<!tpu.dma_semaphore, #tpu.memory_space<semaphore_mem>>
        %dma_start3A = arith.constant 0 : i32
        %dma_start3A_79 = arith.constant 0 : i32
        %dma_start3A_80 = tpu.memref_slice %arg8[%dma_start3A, %dma_start3A_79] : memref<10000x80xf32, #tpu.memory_space<vmem_shared>> -> memref<10000x80xf32, #tpu.memory_space<vmem_shared>>
        tpu.enqueue_indirect_dma source(%arg7 : memref<80x80xf32, #tpu.memory_space<vmem>>) target(%dma_start3A_80 : memref<10000x80xf32, #tpu.memory_space<vmem_shared>>) offsets(%arg6 : memref<80xi32, #tpu.memory_space<vmem>>) semaphore(%run_scoped3A : memref<!tpu.dma_semaphore, #tpu.memory_space<semaphore_mem>>) {add = true}
        %dma_wait3A = arith.constant 0 : i32
        %dma_wait3A_81 = arith.constant 0 : i32
        %dma_wait3A_82 = tpu.memref_slice %arg8[%dma_wait3A, %dma_wait3A_81] : memref<10000x80xf32, #tpu.memory_space<vmem_shared>> -> memref<10000x80xf32, #tpu.memory_space<vmem_shared>>
        tpu.wait_indirect_dma semaphore(%run_scoped3A : memref<!tpu.dma_semaphore, #tpu.memory_space<semaphore_mem>>) src(%arg7 : memref<80x80xf32, #tpu.memory_space<vmem>>) dst(%dma_wait3A_82 : memref<10000x80xf32, #tpu.memory_space<vmem_shared>>)
        tpu.yield
      }) : () -> ()
    }
    %scan3A_38 = arith.constant 125 : i32
    %barrier3A_39 = arith.constant 0 : index
    tpu.barrier barrier_id(%barrier3A_39)
    %add3A_40 = arith.constant 0 : i32
    %add3A_41 = arith.addi %arg1, %add3A_40 : i32
    %mul3A_42 = arith.constant 80 : i32
    %mul3A_43 = arith.muli %add3A_41, %mul3A_42 : i32
    "tpu.region"() ({
      %run_scoped3A = tpu.sem_alloc : memref<!tpu.dma_semaphore, #tpu.memory_space<semaphore_mem>>
      %dma_start3A = arith.constant 0 : i32
      %dma_start3A_75 = tpu.memref_slice %arg5[%arg0, %mul3A_43, %dma_start3A] : memref<2x10000x80xf32, #tpu.memory_space<hbm>> -> memref<1x80x80xf32, #tpu.memory_space<hbm>>
      %dma_start3A_76 = tpu.memref_squeeze %dma_start3A_75 : memref<1x80x80xf32, #tpu.memory_space<hbm>> -> memref<80x80xf32, #tpu.memory_space<hbm>>
      %dma_start3A_77 = arith.constant 0 : i32
      %dma_start3A_78 = tpu.memref_slice %arg8[%mul3A_43, %dma_start3A_77] : memref<10000x80xf32, #tpu.memory_space<vmem_shared>> -> memref<80x80xf32, #tpu.memory_space<vmem_shared>>
      tpu.enqueue_dma source(%dma_start3A_78 : memref<80x80xf32, #tpu.memory_space<vmem_shared>>) target(%dma_start3A_76 : memref<80x80xf32, #tpu.memory_space<hbm>>) target_semaphore(%run_scoped3A : memref<!tpu.dma_semaphore, #tpu.memory_space<semaphore_mem>>)
      %dma_wait3A = arith.constant 0 : i32
      %dma_wait3A_79 = tpu.memref_slice %arg5[%arg0, %mul3A_43, %dma_wait3A] : memref<2x10000x80xf32, #tpu.memory_space<hbm>> -> memref<1x80x80xf32, #tpu.memory_space<hbm>>
      %dma_wait3A_80 = tpu.memref_squeeze %dma_wait3A_79 : memref<1x80x80xf32, #tpu.memory_space<hbm>> -> memref<80x80xf32, #tpu.memory_space<hbm>>
      %dma_wait3A_81 = arith.constant 0 : i32
      %dma_wait3A_82 = tpu.memref_slice %arg8[%mul3A_43, %dma_wait3A_81] : memref<10000x80xf32, #tpu.memory_space<vmem_shared>> -> memref<80x80xf32, #tpu.memory_space<vmem_shared>>
      tpu.wait_dma2 semaphore(%run_scoped3A : memref<!tpu.dma_semaphore, #tpu.memory_space<semaphore_mem>>) src(%dma_wait3A_82 : memref<80x80xf32, #tpu.memory_space<vmem_shared>>) dst(%dma_wait3A_80 : memref<80x80xf32, #tpu.memory_space<hbm>>)
      tpu.yield
    }) : () -> ()
    %add3A_44 = arith.constant 16 : i32
    %add3A_45 = arith.addi %arg1, %add3A_44 : i32
    %mul3A_46 = arith.constant 80 : i32
    %mul3A_47 = arith.muli %add3A_45, %mul3A_46 : i32
    "tpu.region"() ({
      %run_scoped3A = tpu.sem_alloc : memref<!tpu.dma_semaphore, #tpu.memory_space<semaphore_mem>>
      %dma_start3A = arith.constant 0 : i32
      %dma_start3A_75 = tpu.memref_slice %arg5[%arg0, %mul3A_47, %dma_start3A] : memref<2x10000x80xf32, #tpu.memory_space<hbm>> -> memref<1x80x80xf32, #tpu.memory_space<hbm>>
      %dma_start3A_76 = tpu.memref_squeeze %dma_start3A_75 : memref<1x80x80xf32, #tpu.memory_space<hbm>> -> memref<80x80xf32, #tpu.memory_space<hbm>>
      %dma_start3A_77 = arith.constant 0 : i32
      %dma_start3A_78 = tpu.memref_slice %arg8[%mul3A_47, %dma_start3A_77] : memref<10000x80xf32, #tpu.memory_space<vmem_shared>> -> memref<80x80xf32, #tpu.memory_space<vmem_shared>>
      tpu.enqueue_dma source(%dma_start3A_78 : memref<80x80xf32, #tpu.memory_space<vmem_shared>>) target(%dma_start3A_76 : memref<80x80xf32, #tpu.memory_space<hbm>>) target_semaphore(%run_scoped3A : memref<!tpu.dma_semaphore, #tpu.memory_space<semaphore_mem>>)
      %dma_wait3A = arith.constant 0 : i32
      %dma_wait3A_79 = tpu.memref_slice %arg5[%arg0, %mul3A_47, %dma_wait3A] : memref<2x10000x80xf32, #tpu.memory_space<hbm>> -> memref<1x80x80xf32, #tpu.memory_space<hbm>>
      %dma_wait3A_80 = tpu.memref_squeeze %dma_wait3A_79 : memref<1x80x80xf32, #tpu.memory_space<hbm>> -> memref<80x80xf32, #tpu.memory_space<hbm>>
      %dma_wait3A_81 = arith.constant 0 : i32
      %dma_wait3A_82 = tpu.memref_slice %arg8[%mul3A_47, %dma_wait3A_81] : memref<10000x80xf32, #tpu.memory_space<vmem_shared>> -> memref<80x80xf32, #tpu.memory_space<vmem_shared>>
      tpu.wait_dma2 semaphore(%run_scoped3A : memref<!tpu.dma_semaphore, #tpu.memory_space<semaphore_mem>>) src(%dma_wait3A_82 : memref<80x80xf32, #tpu.memory_space<vmem_shared>>) dst(%dma_wait3A_80 : memref<80x80xf32, #tpu.memory_space<hbm>>)
      tpu.yield
    }) : () -> ()
    %add3A_48 = arith.constant 32 : i32
    %add3A_49 = arith.addi %arg1, %add3A_48 : i32
    %mul3A_50 = arith.constant 80 : i32
    %mul3A_51 = arith.muli %add3A_49, %mul3A_50 : i32
    "tpu.region"() ({
      %run_scoped3A = tpu.sem_alloc : memref<!tpu.dma_semaphore, #tpu.memory_space<semaphore_mem>>
      %dma_start3A = arith.constant 0 : i32
      %dma_start3A_75 = tpu.memref_slice %arg5[%arg0, %mul3A_51, %dma_start3A] : memref<2x10000x80xf32, #tpu.memory_space<hbm>> -> memref<1x80x80xf32, #tpu.memory_space<hbm>>
      %dma_start3A_76 = tpu.memref_squeeze %dma_start3A_75 : memref<1x80x80xf32, #tpu.memory_space<hbm>> -> memref<80x80xf32, #tpu.memory_space<hbm>>
      %dma_start3A_77 = arith.constant 0 : i32
      %dma_start3A_78 = tpu.memref_slice %arg8[%mul3A_51, %dma_start3A_77] : memref<10000x80xf32, #tpu.memory_space<vmem_shared>> -> memref<80x80xf32, #tpu.memory_space<vmem_shared>>
      tpu.enqueue_dma source(%dma_start3A_78 : memref<80x80xf32, #tpu.memory_space<vmem_shared>>) target(%dma_start3A_76 : memref<80x80xf32, #tpu.memory_space<hbm>>) target_semaphore(%run_scoped3A : memref<!tpu.dma_semaphore, #tpu.memory_space<semaphore_mem>>)
      %dma_wait3A = arith.constant 0 : i32
      %dma_wait3A_79 = tpu.memref_slice %arg5[%arg0, %mul3A_51, %dma_wait3A] : memref<2x10000x80xf32, #tpu.memory_space<hbm>> -> memref<1x80x80xf32, #tpu.memory_space<hbm>>
      %dma_wait3A_80 = tpu.memref_squeeze %dma_wait3A_79 : memref<1x80x80xf32, #tpu.memory_space<hbm>> -> memref<80x80xf32, #tpu.memory_space<hbm>>
      %dma_wait3A_81 = arith.constant 0 : i32
      %dma_wait3A_82 = tpu.memref_slice %arg8[%mul3A_51, %dma_wait3A_81] : memref<10000x80xf32, #tpu.memory_space<vmem_shared>> -> memref<80x80xf32, #tpu.memory_space<vmem_shared>>
      tpu.wait_dma2 semaphore(%run_scoped3A : memref<!tpu.dma_semaphore, #tpu.memory_space<semaphore_mem>>) src(%dma_wait3A_82 : memref<80x80xf32, #tpu.memory_space<vmem_shared>>) dst(%dma_wait3A_80 : memref<80x80xf32, #tpu.memory_space<hbm>>)
      tpu.yield
    }) : () -> ()
    %add3A_52 = arith.constant 48 : i32
    %add3A_53 = arith.addi %arg1, %add3A_52 : i32
    %mul3A_54 = arith.constant 80 : i32
    %mul3A_55 = arith.muli %add3A_53, %mul3A_54 : i32
    "tpu.region"() ({
      %run_scoped3A = tpu.sem_alloc : memref<!tpu.dma_semaphore, #tpu.memory_space<semaphore_mem>>
      %dma_start3A = arith.constant 0 : i32
      %dma_start3A_75 = tpu.memref_slice %arg5[%arg0, %mul3A_55, %dma_start3A] : memref<2x10000x80xf32, #tpu.memory_space<hbm>> -> memref<1x80x80xf32, #tpu.memory_space<hbm>>
      %dma_start3A_76 = tpu.memref_squeeze %dma_start3A_75 : memref<1x80x80xf32, #tpu.memory_space<hbm>> -> memref<80x80xf32, #tpu.memory_space<hbm>>
      %dma_start3A_77 = arith.constant 0 : i32
      %dma_start3A_78 = tpu.memref_slice %arg8[%mul3A_55, %dma_start3A_77] : memref<10000x80xf32, #tpu.memory_space<vmem_shared>> -> memref<80x80xf32, #tpu.memory_space<vmem_shared>>
      tpu.enqueue_dma source(%dma_start3A_78 : memref<80x80xf32, #tpu.memory_space<vmem_shared>>) target(%dma_start3A_76 : memref<80x80xf32, #tpu.memory_space<hbm>>) target_semaphore(%run_scoped3A : memref<!tpu.dma_semaphore, #tpu.memory_space<semaphore_mem>>)
      %dma_wait3A = arith.constant 0 : i32
      %dma_wait3A_79 = tpu.memref_slice %arg5[%arg0, %mul3A_55, %dma_wait3A] : memref<2x10000x80xf32, #tpu.memory_space<hbm>> -> memref<1x80x80xf32, #tpu.memory_space<hbm>>
      %dma_wait3A_80 = tpu.memref_squeeze %dma_wait3A_79 : memref<1x80x80xf32, #tpu.memory_space<hbm>> -> memref<80x80xf32, #tpu.memory_space<hbm>>
      %dma_wait3A_81 = arith.constant 0 : i32
      %dma_wait3A_82 = tpu.memref_slice %arg8[%mul3A_55, %dma_wait3A_81] : memref<10000x80xf32, #tpu.memory_space<vmem_shared>> -> memref<80x80xf32, #tpu.memory_space<vmem_shared>>
      tpu.wait_dma2 semaphore(%run_scoped3A : memref<!tpu.dma_semaphore, #tpu.memory_space<semaphore_mem>>) src(%dma_wait3A_82 : memref<80x80xf32, #tpu.memory_space<vmem_shared>>) dst(%dma_wait3A_80 : memref<80x80xf32, #tpu.memory_space<hbm>>)
      tpu.yield
    }) : () -> ()
    %add3A_56 = arith.constant 64 : i32
    %add3A_57 = arith.addi %arg1, %add3A_56 : i32
    %mul3A_58 = arith.constant 80 : i32
    %mul3A_59 = arith.muli %add3A_57, %mul3A_58 : i32
    "tpu.region"() ({
      %run_scoped3A = tpu.sem_alloc : memref<!tpu.dma_semaphore, #tpu.memory_space<semaphore_mem>>
      %dma_start3A = arith.constant 0 : i32
      %dma_start3A_75 = tpu.memref_slice %arg5[%arg0, %mul3A_59, %dma_start3A] : memref<2x10000x80xf32, #tpu.memory_space<hbm>> -> memref<1x80x80xf32, #tpu.memory_space<hbm>>
      %dma_start3A_76 = tpu.memref_squeeze %dma_start3A_75 : memref<1x80x80xf32, #tpu.memory_space<hbm>> -> memref<80x80xf32, #tpu.memory_space<hbm>>
      %dma_start3A_77 = arith.constant 0 : i32
      %dma_start3A_78 = tpu.memref_slice %arg8[%mul3A_59, %dma_start3A_77] : memref<10000x80xf32, #tpu.memory_space<vmem_shared>> -> memref<80x80xf32, #tpu.memory_space<vmem_shared>>
      tpu.enqueue_dma source(%dma_start3A_78 : memref<80x80xf32, #tpu.memory_space<vmem_shared>>) target(%dma_start3A_76 : memref<80x80xf32, #tpu.memory_space<hbm>>) target_semaphore(%run_scoped3A : memref<!tpu.dma_semaphore, #tpu.memory_space<semaphore_mem>>)
      %dma_wait3A = arith.constant 0 : i32
      %dma_wait3A_79 = tpu.memref_slice %arg5[%arg0, %mul3A_59, %dma_wait3A] : memref<2x10000x80xf32, #tpu.memory_space<hbm>> -> memref<1x80x80xf32, #tpu.memory_space<hbm>>
      %dma_wait3A_80 = tpu.memref_squeeze %dma_wait3A_79 : memref<1x80x80xf32, #tpu.memory_space<hbm>> -> memref<80x80xf32, #tpu.memory_space<hbm>>
      %dma_wait3A_81 = arith.constant 0 : i32
      %dma_wait3A_82 = tpu.memref_slice %arg8[%mul3A_59, %dma_wait3A_81] : memref<10000x80xf32, #tpu.memory_space<vmem_shared>> -> memref<80x80xf32, #tpu.memory_space<vmem_shared>>
      tpu.wait_dma2 semaphore(%run_scoped3A : memref<!tpu.dma_semaphore, #tpu.memory_space<semaphore_mem>>) src(%dma_wait3A_82 : memref<80x80xf32, #tpu.memory_space<vmem_shared>>) dst(%dma_wait3A_80 : memref<80x80xf32, #tpu.memory_space<hbm>>)
      tpu.yield
    }) : () -> ()
    %add3A_60 = arith.constant 80 : i32
    %add3A_61 = arith.addi %arg1, %add3A_60 : i32
    %mul3A_62 = arith.constant 80 : i32
    %mul3A_63 = arith.muli %add3A_61, %mul3A_62 : i32
    "tpu.region"() ({
      %run_scoped3A = tpu.sem_alloc : memref<!tpu.dma_semaphore, #tpu.memory_space<semaphore_mem>>
      %dma_start3A = arith.constant 0 : i32
      %dma_start3A_75 = tpu.memref_slice %arg5[%arg0, %mul3A_63, %dma_start3A] : memref<2x10000x80xf32, #tpu.memory_space<hbm>> -> memref<1x80x80xf32, #tpu.memory_space<hbm>>
      %dma_start3A_76 = tpu.memref_squeeze %dma_start3A_75 : memref<1x80x80xf32, #tpu.memory_space<hbm>> -> memref<80x80xf32, #tpu.memory_space<hbm>>
      %dma_start3A_77 = arith.constant 0 : i32
      %dma_start3A_78 = tpu.memref_slice %arg8[%mul3A_63, %dma_start3A_77] : memref<10000x80xf32, #tpu.memory_space<vmem_shared>> -> memref<80x80xf32, #tpu.memory_space<vmem_shared>>
      tpu.enqueue_dma source(%dma_start3A_78 : memref<80x80xf32, #tpu.memory_space<vmem_shared>>) target(%dma_start3A_76 : memref<80x80xf32, #tpu.memory_space<hbm>>) target_semaphore(%run_scoped3A : memref<!tpu.dma_semaphore, #tpu.memory_space<semaphore_mem>>)
      %dma_wait3A = arith.constant 0 : i32
      %dma_wait3A_79 = tpu.memref_slice %arg5[%arg0, %mul3A_63, %dma_wait3A] : memref<2x10000x80xf32, #tpu.memory_space<hbm>> -> memref<1x80x80xf32, #tpu.memory_space<hbm>>
      %dma_wait3A_80 = tpu.memref_squeeze %dma_wait3A_79 : memref<1x80x80xf32, #tpu.memory_space<hbm>> -> memref<80x80xf32, #tpu.memory_space<hbm>>
      %dma_wait3A_81 = arith.constant 0 : i32
      %dma_wait3A_82 = tpu.memref_slice %arg8[%mul3A_63, %dma_wait3A_81] : memref<10000x80xf32, #tpu.memory_space<vmem_shared>> -> memref<80x80xf32, #tpu.memory_space<vmem_shared>>
      tpu.wait_dma2 semaphore(%run_scoped3A : memref<!tpu.dma_semaphore, #tpu.memory_space<semaphore_mem>>) src(%dma_wait3A_82 : memref<80x80xf32, #tpu.memory_space<vmem_shared>>) dst(%dma_wait3A_80 : memref<80x80xf32, #tpu.memory_space<hbm>>)
      tpu.yield
    }) : () -> ()
    %add3A_64 = arith.constant 96 : i32
    %add3A_65 = arith.addi %arg1, %add3A_64 : i32
    %mul3A_66 = arith.constant 80 : i32
    %mul3A_67 = arith.muli %add3A_65, %mul3A_66 : i32
    "tpu.region"() ({
      %run_scoped3A = tpu.sem_alloc : memref<!tpu.dma_semaphore, #tpu.memory_space<semaphore_mem>>
      %dma_start3A = arith.constant 0 : i32
      %dma_start3A_75 = tpu.memref_slice %arg5[%arg0, %mul3A_67, %dma_start3A] : memref<2x10000x80xf32, #tpu.memory_space<hbm>> -> memref<1x80x80xf32, #tpu.memory_space<hbm>>
      %dma_start3A_76 = tpu.memref_squeeze %dma_start3A_75 : memref<1x80x80xf32, #tpu.memory_space<hbm>> -> memref<80x80xf32, #tpu.memory_space<hbm>>
      %dma_start3A_77 = arith.constant 0 : i32
      %dma_start3A_78 = tpu.memref_slice %arg8[%mul3A_67, %dma_start3A_77] : memref<10000x80xf32, #tpu.memory_space<vmem_shared>> -> memref<80x80xf32, #tpu.memory_space<vmem_shared>>
      tpu.enqueue_dma source(%dma_start3A_78 : memref<80x80xf32, #tpu.memory_space<vmem_shared>>) target(%dma_start3A_76 : memref<80x80xf32, #tpu.memory_space<hbm>>) target_semaphore(%run_scoped3A : memref<!tpu.dma_semaphore, #tpu.memory_space<semaphore_mem>>)
      %dma_wait3A = arith.constant 0 : i32
      %dma_wait3A_79 = tpu.memref_slice %arg5[%arg0, %mul3A_67, %dma_wait3A] : memref<2x10000x80xf32, #tpu.memory_space<hbm>> -> memref<1x80x80xf32, #tpu.memory_space<hbm>>
      %dma_wait3A_80 = tpu.memref_squeeze %dma_wait3A_79 : memref<1x80x80xf32, #tpu.memory_space<hbm>> -> memref<80x80xf32, #tpu.memory_space<hbm>>
      %dma_wait3A_81 = arith.constant 0 : i32
      %dma_wait3A_82 = tpu.memref_slice %arg8[%mul3A_67, %dma_wait3A_81] : memref<10000x80xf32, #tpu.memory_space<vmem_shared>> -> memref<80x80xf32, #tpu.memory_space<vmem_shared>>
      tpu.wait_dma2 semaphore(%run_scoped3A : memref<!tpu.dma_semaphore, #tpu.memory_space<semaphore_mem>>) src(%dma_wait3A_82 : memref<80x80xf32, #tpu.memory_space<vmem_shared>>) dst(%dma_wait3A_80 : memref<80x80xf32, #tpu.memory_space<hbm>>)
      tpu.yield
    }) : () -> ()
    %add3A_68 = arith.constant 112 : i32
    %add3A_69 = arith.addi %arg1, %add3A_68 : i32
    %lt3A_70 = arith.constant 125 : i32
    %lt3A_71 = arith.cmpi slt, %add3A_69, %lt3A_70 : i32
    %convert_element_type3A_72 = arith.extui %lt3A_71 : i1 to i32
    %cond3A_73 = arith.constant 0 : i32
    %cond3A_74 = arith.cmpi ne, %convert_element_type3A_72, %cond3A_73 : i32
    scf.if %cond3A_74 {
      %mul3A_75 = arith.constant 80 : i32
      %mul3A_76 = arith.muli %add3A_69, %mul3A_75 : i32
      "tpu.region"() ({
        %run_scoped3A = tpu.sem_alloc : memref<!tpu.dma_semaphore, #tpu.memory_space<semaphore_mem>>
        %dma_start3A = arith.constant 0 : i32
        %dma_start3A_77 = tpu.memref_slice %arg5[%arg0, %mul3A_76, %dma_start3A] : memref<2x10000x80xf32, #tpu.memory_space<hbm>> -> memref<1x80x80xf32, #tpu.memory_space<hbm>>
        %dma_start3A_78 = tpu.memref_squeeze %dma_start3A_77 : memref<1x80x80xf32, #tpu.memory_space<hbm>> -> memref<80x80xf32, #tpu.memory_space<hbm>>
        %dma_start3A_79 = arith.constant 0 : i32
        %dma_start3A_80 = tpu.memref_slice %arg8[%mul3A_76, %dma_start3A_79] : memref<10000x80xf32, #tpu.memory_space<vmem_shared>> -> memref<80x80xf32, #tpu.memory_space<vmem_shared>>
        tpu.enqueue_dma source(%dma_start3A_80 : memref<80x80xf32, #tpu.memory_space<vmem_shared>>) target(%dma_start3A_78 : memref<80x80xf32, #tpu.memory_space<hbm>>) target_semaphore(%run_scoped3A : memref<!tpu.dma_semaphore, #tpu.memory_space<semaphore_mem>>)
        %dma_wait3A = arith.constant 0 : i32
        %dma_wait3A_81 = tpu.memref_slice %arg5[%arg0, %mul3A_76, %dma_wait3A] : memref<2x10000x80xf32, #tpu.memory_space<hbm>> -> memref<1x80x80xf32, #tpu.memory_space<hbm>>
        %dma_wait3A_82 = tpu.memref_squeeze %dma_wait3A_81 : memref<1x80x80xf32, #tpu.memory_space<hbm>> -> memref<80x80xf32, #tpu.memory_space<hbm>>
        %dma_wait3A_83 = arith.constant 0 : i32
        %dma_wait3A_84 = tpu.memref_slice %arg8[%mul3A_76, %dma_wait3A_83] : memref<10000x80xf32, #tpu.memory_space<vmem_shared>> -> memref<80x80xf32, #tpu.memory_space<vmem_shared>>
        tpu.wait_dma2 semaphore(%run_scoped3A : memref<!tpu.dma_semaphore, #tpu.memory_space<semaphore_mem>>) src(%dma_wait3A_84 : memref<80x80xf32, #tpu.memory_space<vmem_shared>>) dst(%dma_wait3A_82 : memref<80x80xf32, #tpu.memory_space<hbm>>)
        tpu.yield
      }) : () -> ()
    } else {
    }
    return
  }
}

#map = affine_map<(d0, d1) -> (0, 0)>
#map1 = affine_map<(d0, d1) -> (0)>
module attributes {stable_mosaic.version = 14 : i64} {
  func.func @_sc_gather_body(%arg0: i32, %arg1: i32, %arg2: memref<10000x96xf32, #tpu.memory_space<hbm>>, %arg3: memref<320000xi32, #tpu.memory_space<hbm>>, %arg4: memref<320000xi32, #tpu.memory_space<hbm>>, %arg5: memref<320000x96xf32, #tpu.memory_space<hbm>>, %arg6: memref<320000x96xf32, #tpu.memory_space<hbm>>, %arg7: memref<80xi32, #tpu.memory_space<vmem>>, %arg8: memref<80xi32, #tpu.memory_space<vmem>>, %arg9: memref<80x96xf32, #tpu.memory_space<vmem>>, %arg10: memref<80x96xf32, #tpu.memory_space<vmem>>, %arg11: memref<10000x96xf32, #tpu.memory_space<vmem_shared>>, %arg12: memref<!tpu.dma_semaphore, #tpu.memory_space<semaphore_mem>>) attributes {dimension_semantics = [#tpu.dimension_semantics<core_parallel>, #tpu.dimension_semantics<subcore_parallel>], iteration_bounds = array<i64: 2, 16>, scalar_prefetch = 0 : i64, scratch_operands = 6 : i64, tpu.core_type = #tpu.core_type<sc_vector_subcore>, window_params = [{transform_indices = #map}, {transform_indices = #map1}, {transform_indices = #map1}, {transform_indices = #map}, {transform_indices = #map}]} {
    %mul3A = arith.constant 16 : i32
    %mul3A_0 = arith.muli %arg0, %mul3A : i32
    %add3A = arith.addi %mul3A_0, %arg1 : i32
    %add3A_1 = arith.constant 0 : i32
    %add3A_2 = arith.addi %arg1, %add3A_1 : i32
    %mul3A_3 = arith.constant 80 : i32
    %mul3A_4 = arith.muli %add3A_2, %mul3A_3 : i32
    %mul3A_5 = arith.constant 80 : i32
    %mul3A_6 = arith.muli %add3A_2, %mul3A_5 : i32
    "tpu.region"() ({
      %run_scoped3A = tpu.sem_alloc : memref<!tpu.dma_semaphore, #tpu.memory_space<semaphore_mem>>
      %dma_start3A = arith.constant 0 : i32
      %dma_start3A_53 = tpu.memref_slice %arg11[%mul3A_6, %dma_start3A] : memref<10000x96xf32, #tpu.memory_space<vmem_shared>> -> memref<80x96xf32, #tpu.memory_space<vmem_shared>>
      %dma_start3A_54 = arith.constant 0 : i32
      %dma_start3A_55 = tpu.memref_slice %arg2[%mul3A_4, %dma_start3A_54] : memref<10000x96xf32, #tpu.memory_space<hbm>> -> memref<80x96xf32, #tpu.memory_space<hbm>>
      tpu.enqueue_dma source(%dma_start3A_55 : memref<80x96xf32, #tpu.memory_space<hbm>>) target(%dma_start3A_53 : memref<80x96xf32, #tpu.memory_space<vmem_shared>>) target_semaphore(%run_scoped3A : memref<!tpu.dma_semaphore, #tpu.memory_space<semaphore_mem>>)
      %dma_wait3A = arith.constant 0 : i32
      %dma_wait3A_56 = tpu.memref_slice %arg11[%mul3A_6, %dma_wait3A] : memref<10000x96xf32, #tpu.memory_space<vmem_shared>> -> memref<80x96xf32, #tpu.memory_space<vmem_shared>>
      %dma_wait3A_57 = arith.constant 0 : i32
      %dma_wait3A_58 = tpu.memref_slice %arg2[%mul3A_4, %dma_wait3A_57] : memref<10000x96xf32, #tpu.memory_space<hbm>> -> memref<80x96xf32, #tpu.memory_space<hbm>>
      tpu.wait_dma2 semaphore(%run_scoped3A : memref<!tpu.dma_semaphore, #tpu.memory_space<semaphore_mem>>) src(%dma_wait3A_58 : memref<80x96xf32, #tpu.memory_space<hbm>>) dst(%dma_wait3A_56 : memref<80x96xf32, #tpu.memory_space<vmem_shared>>)
      tpu.yield
    }) : () -> ()
    %add3A_7 = arith.constant 16 : i32
    %add3A_8 = arith.addi %arg1, %add3A_7 : i32
    %mul3A_9 = arith.constant 80 : i32
    %mul3A_10 = arith.muli %add3A_8, %mul3A_9 : i32
    %mul3A_11 = arith.constant 80 : i32
    %mul3A_12 = arith.muli %add3A_8, %mul3A_11 : i32
    "tpu.region"() ({
      %run_scoped3A = tpu.sem_alloc : memref<!tpu.dma_semaphore, #tpu.memory_space<semaphore_mem>>
      %dma_start3A = arith.constant 0 : i32
      %dma_start3A_53 = tpu.memref_slice %arg11[%mul3A_12, %dma_start3A] : memref<10000x96xf32, #tpu.memory_space<vmem_shared>> -> memref<80x96xf32, #tpu.memory_space<vmem_shared>>
      %dma_start3A_54 = arith.constant 0 : i32
      %dma_start3A_55 = tpu.memref_slice %arg2[%mul3A_10, %dma_start3A_54] : memref<10000x96xf32, #tpu.memory_space<hbm>> -> memref<80x96xf32, #tpu.memory_space<hbm>>
      tpu.enqueue_dma source(%dma_start3A_55 : memref<80x96xf32, #tpu.memory_space<hbm>>) target(%dma_start3A_53 : memref<80x96xf32, #tpu.memory_space<vmem_shared>>) target_semaphore(%run_scoped3A : memref<!tpu.dma_semaphore, #tpu.memory_space<semaphore_mem>>)
      %dma_wait3A = arith.constant 0 : i32
      %dma_wait3A_56 = tpu.memref_slice %arg11[%mul3A_12, %dma_wait3A] : memref<10000x96xf32, #tpu.memory_space<vmem_shared>> -> memref<80x96xf32, #tpu.memory_space<vmem_shared>>
      %dma_wait3A_57 = arith.constant 0 : i32
      %dma_wait3A_58 = tpu.memref_slice %arg2[%mul3A_10, %dma_wait3A_57] : memref<10000x96xf32, #tpu.memory_space<hbm>> -> memref<80x96xf32, #tpu.memory_space<hbm>>
      tpu.wait_dma2 semaphore(%run_scoped3A : memref<!tpu.dma_semaphore, #tpu.memory_space<semaphore_mem>>) src(%dma_wait3A_58 : memref<80x96xf32, #tpu.memory_space<hbm>>) dst(%dma_wait3A_56 : memref<80x96xf32, #tpu.memory_space<vmem_shared>>)
      tpu.yield
    }) : () -> ()
    %add3A_13 = arith.constant 32 : i32
    %add3A_14 = arith.addi %arg1, %add3A_13 : i32
    %mul3A_15 = arith.constant 80 : i32
    %mul3A_16 = arith.muli %add3A_14, %mul3A_15 : i32
    %mul3A_17 = arith.constant 80 : i32
    %mul3A_18 = arith.muli %add3A_14, %mul3A_17 : i32
    "tpu.region"() ({
      %run_scoped3A = tpu.sem_alloc : memref<!tpu.dma_semaphore, #tpu.memory_space<semaphore_mem>>
      %dma_start3A = arith.constant 0 : i32
      %dma_start3A_53 = tpu.memref_slice %arg11[%mul3A_18, %dma_start3A] : memref<10000x96xf32, #tpu.memory_space<vmem_shared>> -> memref<80x96xf32, #tpu.memory_space<vmem_shared>>
      %dma_start3A_54 = arith.constant 0 : i32
      %dma_start3A_55 = tpu.memref_slice %arg2[%mul3A_16, %dma_start3A_54] : memref<10000x96xf32, #tpu.memory_space<hbm>> -> memref<80x96xf32, #tpu.memory_space<hbm>>
      tpu.enqueue_dma source(%dma_start3A_55 : memref<80x96xf32, #tpu.memory_space<hbm>>) target(%dma_start3A_53 : memref<80x96xf32, #tpu.memory_space<vmem_shared>>) target_semaphore(%run_scoped3A : memref<!tpu.dma_semaphore, #tpu.memory_space<semaphore_mem>>)
      %dma_wait3A = arith.constant 0 : i32
      %dma_wait3A_56 = tpu.memref_slice %arg11[%mul3A_18, %dma_wait3A] : memref<10000x96xf32, #tpu.memory_space<vmem_shared>> -> memref<80x96xf32, #tpu.memory_space<vmem_shared>>
      %dma_wait3A_57 = arith.constant 0 : i32
      %dma_wait3A_58 = tpu.memref_slice %arg2[%mul3A_16, %dma_wait3A_57] : memref<10000x96xf32, #tpu.memory_space<hbm>> -> memref<80x96xf32, #tpu.memory_space<hbm>>
      tpu.wait_dma2 semaphore(%run_scoped3A : memref<!tpu.dma_semaphore, #tpu.memory_space<semaphore_mem>>) src(%dma_wait3A_58 : memref<80x96xf32, #tpu.memory_space<hbm>>) dst(%dma_wait3A_56 : memref<80x96xf32, #tpu.memory_space<vmem_shared>>)
      tpu.yield
    }) : () -> ()
    %add3A_19 = arith.constant 48 : i32
    %add3A_20 = arith.addi %arg1, %add3A_19 : i32
    %mul3A_21 = arith.constant 80 : i32
    %mul3A_22 = arith.muli %add3A_20, %mul3A_21 : i32
    %mul3A_23 = arith.constant 80 : i32
    %mul3A_24 = arith.muli %add3A_20, %mul3A_23 : i32
    "tpu.region"() ({
      %run_scoped3A = tpu.sem_alloc : memref<!tpu.dma_semaphore, #tpu.memory_space<semaphore_mem>>
      %dma_start3A = arith.constant 0 : i32
      %dma_start3A_53 = tpu.memref_slice %arg11[%mul3A_24, %dma_start3A] : memref<10000x96xf32, #tpu.memory_space<vmem_shared>> -> memref<80x96xf32, #tpu.memory_space<vmem_shared>>
      %dma_start3A_54 = arith.constant 0 : i32
      %dma_start3A_55 = tpu.memref_slice %arg2[%mul3A_22, %dma_start3A_54] : memref<10000x96xf32, #tpu.memory_space<hbm>> -> memref<80x96xf32, #tpu.memory_space<hbm>>
      tpu.enqueue_dma source(%dma_start3A_55 : memref<80x96xf32, #tpu.memory_space<hbm>>) target(%dma_start3A_53 : memref<80x96xf32, #tpu.memory_space<vmem_shared>>) target_semaphore(%run_scoped3A : memref<!tpu.dma_semaphore, #tpu.memory_space<semaphore_mem>>)
      %dma_wait3A = arith.constant 0 : i32
      %dma_wait3A_56 = tpu.memref_slice %arg11[%mul3A_24, %dma_wait3A] : memref<10000x96xf32, #tpu.memory_space<vmem_shared>> -> memref<80x96xf32, #tpu.memory_space<vmem_shared>>
      %dma_wait3A_57 = arith.constant 0 : i32
      %dma_wait3A_58 = tpu.memref_slice %arg2[%mul3A_22, %dma_wait3A_57] : memref<10000x96xf32, #tpu.memory_space<hbm>> -> memref<80x96xf32, #tpu.memory_space<hbm>>
      tpu.wait_dma2 semaphore(%run_scoped3A : memref<!tpu.dma_semaphore, #tpu.memory_space<semaphore_mem>>) src(%dma_wait3A_58 : memref<80x96xf32, #tpu.memory_space<hbm>>) dst(%dma_wait3A_56 : memref<80x96xf32, #tpu.memory_space<vmem_shared>>)
      tpu.yield
    }) : () -> ()
    %add3A_25 = arith.constant 64 : i32
    %add3A_26 = arith.addi %arg1, %add3A_25 : i32
    %mul3A_27 = arith.constant 80 : i32
    %mul3A_28 = arith.muli %add3A_26, %mul3A_27 : i32
    %mul3A_29 = arith.constant 80 : i32
    %mul3A_30 = arith.muli %add3A_26, %mul3A_29 : i32
    "tpu.region"() ({
      %run_scoped3A = tpu.sem_alloc : memref<!tpu.dma_semaphore, #tpu.memory_space<semaphore_mem>>
      %dma_start3A = arith.constant 0 : i32
      %dma_start3A_53 = tpu.memref_slice %arg11[%mul3A_30, %dma_start3A] : memref<10000x96xf32, #tpu.memory_space<vmem_shared>> -> memref<80x96xf32, #tpu.memory_space<vmem_shared>>
      %dma_start3A_54 = arith.constant 0 : i32
      %dma_start3A_55 = tpu.memref_slice %arg2[%mul3A_28, %dma_start3A_54] : memref<10000x96xf32, #tpu.memory_space<hbm>> -> memref<80x96xf32, #tpu.memory_space<hbm>>
      tpu.enqueue_dma source(%dma_start3A_55 : memref<80x96xf32, #tpu.memory_space<hbm>>) target(%dma_start3A_53 : memref<80x96xf32, #tpu.memory_space<vmem_shared>>) target_semaphore(%run_scoped3A : memref<!tpu.dma_semaphore, #tpu.memory_space<semaphore_mem>>)
      %dma_wait3A = arith.constant 0 : i32
      %dma_wait3A_56 = tpu.memref_slice %arg11[%mul3A_30, %dma_wait3A] : memref<10000x96xf32, #tpu.memory_space<vmem_shared>> -> memref<80x96xf32, #tpu.memory_space<vmem_shared>>
      %dma_wait3A_57 = arith.constant 0 : i32
      %dma_wait3A_58 = tpu.memref_slice %arg2[%mul3A_28, %dma_wait3A_57] : memref<10000x96xf32, #tpu.memory_space<hbm>> -> memref<80x96xf32, #tpu.memory_space<hbm>>
      tpu.wait_dma2 semaphore(%run_scoped3A : memref<!tpu.dma_semaphore, #tpu.memory_space<semaphore_mem>>) src(%dma_wait3A_58 : memref<80x96xf32, #tpu.memory_space<hbm>>) dst(%dma_wait3A_56 : memref<80x96xf32, #tpu.memory_space<vmem_shared>>)
      tpu.yield
    }) : () -> ()
    %add3A_31 = arith.constant 80 : i32
    %add3A_32 = arith.addi %arg1, %add3A_31 : i32
    %mul3A_33 = arith.constant 80 : i32
    %mul3A_34 = arith.muli %add3A_32, %mul3A_33 : i32
    %mul3A_35 = arith.constant 80 : i32
    %mul3A_36 = arith.muli %add3A_32, %mul3A_35 : i32
    "tpu.region"() ({
      %run_scoped3A = tpu.sem_alloc : memref<!tpu.dma_semaphore, #tpu.memory_space<semaphore_mem>>
      %dma_start3A = arith.constant 0 : i32
      %dma_start3A_53 = tpu.memref_slice %arg11[%mul3A_36, %dma_start3A] : memref<10000x96xf32, #tpu.memory_space<vmem_shared>> -> memref<80x96xf32, #tpu.memory_space<vmem_shared>>
      %dma_start3A_54 = arith.constant 0 : i32
      %dma_start3A_55 = tpu.memref_slice %arg2[%mul3A_34, %dma_start3A_54] : memref<10000x96xf32, #tpu.memory_space<hbm>> -> memref<80x96xf32, #tpu.memory_space<hbm>>
      tpu.enqueue_dma source(%dma_start3A_55 : memref<80x96xf32, #tpu.memory_space<hbm>>) target(%dma_start3A_53 : memref<80x96xf32, #tpu.memory_space<vmem_shared>>) target_semaphore(%run_scoped3A : memref<!tpu.dma_semaphore, #tpu.memory_space<semaphore_mem>>)
      %dma_wait3A = arith.constant 0 : i32
      %dma_wait3A_56 = tpu.memref_slice %arg11[%mul3A_36, %dma_wait3A] : memref<10000x96xf32, #tpu.memory_space<vmem_shared>> -> memref<80x96xf32, #tpu.memory_space<vmem_shared>>
      %dma_wait3A_57 = arith.constant 0 : i32
      %dma_wait3A_58 = tpu.memref_slice %arg2[%mul3A_34, %dma_wait3A_57] : memref<10000x96xf32, #tpu.memory_space<hbm>> -> memref<80x96xf32, #tpu.memory_space<hbm>>
      tpu.wait_dma2 semaphore(%run_scoped3A : memref<!tpu.dma_semaphore, #tpu.memory_space<semaphore_mem>>) src(%dma_wait3A_58 : memref<80x96xf32, #tpu.memory_space<hbm>>) dst(%dma_wait3A_56 : memref<80x96xf32, #tpu.memory_space<vmem_shared>>)
      tpu.yield
    }) : () -> ()
    %add3A_37 = arith.constant 96 : i32
    %add3A_38 = arith.addi %arg1, %add3A_37 : i32
    %mul3A_39 = arith.constant 80 : i32
    %mul3A_40 = arith.muli %add3A_38, %mul3A_39 : i32
    %mul3A_41 = arith.constant 80 : i32
    %mul3A_42 = arith.muli %add3A_38, %mul3A_41 : i32
    "tpu.region"() ({
      %run_scoped3A = tpu.sem_alloc : memref<!tpu.dma_semaphore, #tpu.memory_space<semaphore_mem>>
      %dma_start3A = arith.constant 0 : i32
      %dma_start3A_53 = tpu.memref_slice %arg11[%mul3A_42, %dma_start3A] : memref<10000x96xf32, #tpu.memory_space<vmem_shared>> -> memref<80x96xf32, #tpu.memory_space<vmem_shared>>
      %dma_start3A_54 = arith.constant 0 : i32
      %dma_start3A_55 = tpu.memref_slice %arg2[%mul3A_40, %dma_start3A_54] : memref<10000x96xf32, #tpu.memory_space<hbm>> -> memref<80x96xf32, #tpu.memory_space<hbm>>
      tpu.enqueue_dma source(%dma_start3A_55 : memref<80x96xf32, #tpu.memory_space<hbm>>) target(%dma_start3A_53 : memref<80x96xf32, #tpu.memory_space<vmem_shared>>) target_semaphore(%run_scoped3A : memref<!tpu.dma_semaphore, #tpu.memory_space<semaphore_mem>>)
      %dma_wait3A = arith.constant 0 : i32
      %dma_wait3A_56 = tpu.memref_slice %arg11[%mul3A_42, %dma_wait3A] : memref<10000x96xf32, #tpu.memory_space<vmem_shared>> -> memref<80x96xf32, #tpu.memory_space<vmem_shared>>
      %dma_wait3A_57 = arith.constant 0 : i32
      %dma_wait3A_58 = tpu.memref_slice %arg2[%mul3A_40, %dma_wait3A_57] : memref<10000x96xf32, #tpu.memory_space<hbm>> -> memref<80x96xf32, #tpu.memory_space<hbm>>
      tpu.wait_dma2 semaphore(%run_scoped3A : memref<!tpu.dma_semaphore, #tpu.memory_space<semaphore_mem>>) src(%dma_wait3A_58 : memref<80x96xf32, #tpu.memory_space<hbm>>) dst(%dma_wait3A_56 : memref<80x96xf32, #tpu.memory_space<vmem_shared>>)
      tpu.yield
    }) : () -> ()
    %add3A_43 = arith.constant 112 : i32
    %add3A_44 = arith.addi %arg1, %add3A_43 : i32
    %lt3A = arith.constant 125 : i32
    %lt3A_45 = arith.cmpi slt, %add3A_44, %lt3A : i32
    %convert_element_type3A = arith.extui %lt3A_45 : i1 to i32
    %cond3A = arith.constant 0 : i32
    %cond3A_46 = arith.cmpi ne, %convert_element_type3A, %cond3A : i32
    scf.if %cond3A_46 {
      %mul3A_53 = arith.constant 80 : i32
      %mul3A_54 = arith.muli %add3A_44, %mul3A_53 : i32
      %mul3A_55 = arith.constant 80 : i32
      %mul3A_56 = arith.muli %add3A_44, %mul3A_55 : i32
      "tpu.region"() ({
        %run_scoped3A = tpu.sem_alloc : memref<!tpu.dma_semaphore, #tpu.memory_space<semaphore_mem>>
        %dma_start3A = arith.constant 0 : i32
        %dma_start3A_57 = tpu.memref_slice %arg11[%mul3A_56, %dma_start3A] : memref<10000x96xf32, #tpu.memory_space<vmem_shared>> -> memref<80x96xf32, #tpu.memory_space<vmem_shared>>
        %dma_start3A_58 = arith.constant 0 : i32
        %dma_start3A_59 = tpu.memref_slice %arg2[%mul3A_54, %dma_start3A_58] : memref<10000x96xf32, #tpu.memory_space<hbm>> -> memref<80x96xf32, #tpu.memory_space<hbm>>
        tpu.enqueue_dma source(%dma_start3A_59 : memref<80x96xf32, #tpu.memory_space<hbm>>) target(%dma_start3A_57 : memref<80x96xf32, #tpu.memory_space<vmem_shared>>) target_semaphore(%run_scoped3A : memref<!tpu.dma_semaphore, #tpu.memory_space<semaphore_mem>>)
        %dma_wait3A = arith.constant 0 : i32
        %dma_wait3A_60 = tpu.memref_slice %arg11[%mul3A_56, %dma_wait3A] : memref<10000x96xf32, #tpu.memory_space<vmem_shared>> -> memref<80x96xf32, #tpu.memory_space<vmem_shared>>
        %dma_wait3A_61 = arith.constant 0 : i32
        %dma_wait3A_62 = tpu.memref_slice %arg2[%mul3A_54, %dma_wait3A_61] : memref<10000x96xf32, #tpu.memory_space<hbm>> -> memref<80x96xf32, #tpu.memory_space<hbm>>
        tpu.wait_dma2 semaphore(%run_scoped3A : memref<!tpu.dma_semaphore, #tpu.memory_space<semaphore_mem>>) src(%dma_wait3A_62 : memref<80x96xf32, #tpu.memory_space<hbm>>) dst(%dma_wait3A_60 : memref<80x96xf32, #tpu.memory_space<vmem_shared>>)
        tpu.yield
      }) : () -> ()
    } else {
    }
    %barrier3A = arith.constant 0 : index
    tpu.barrier barrier_id(%barrier3A)
    %mul3A_47 = arith.constant 10000 : i32
    %mul3A_48 = arith.muli %add3A, %mul3A_47 : i32
    %scan3A = arith.constant 0 : i32
    %scan3A_49 = arith.constant 125 : i32
    %scan3A_50 = arith.addi %scan3A, %scan3A_49 : i32
    %scan3A_51 = arith.constant 1 : i32
    scf.for %scan3A_53 = %scan3A to %scan3A_50 step %scan3A_51  : i32 {
      %mul3A_54 = arith.constant 80 : i32
      %mul3A_55 = arith.muli %scan3A_53, %mul3A_54 : i32
      %add3A_56 = arith.addi %mul3A_48, %mul3A_55 : i32
      "tpu.region"() ({
        %run_scoped3A = tpu.sem_alloc : memref<!tpu.dma_semaphore, #tpu.memory_space<semaphore_mem>>
        %dma_start3A_67 = tpu.memref_slice %arg3[%add3A_56] : memref<320000xi32, #tpu.memory_space<hbm>> -> memref<80xi32, #tpu.memory_space<hbm>>
        %dma_start3A_68 = tpu.memref_slice %arg3[%add3A_56] : memref<320000xi32, #tpu.memory_space<hbm>> -> memref<80xi32, #tpu.memory_space<hbm>>
        tpu.enqueue_dma source(%dma_start3A_68 : memref<80xi32, #tpu.memory_space<hbm>>) target(%arg7 : memref<80xi32, #tpu.memory_space<vmem>>) target_semaphore(%run_scoped3A : memref<!tpu.dma_semaphore, #tpu.memory_space<semaphore_mem>>)
        %dma_wait3A_69 = tpu.memref_slice %arg3[%add3A_56] : memref<320000xi32, #tpu.memory_space<hbm>> -> memref<80xi32, #tpu.memory_space<hbm>>
        %dma_wait3A_70 = tpu.memref_slice %arg3[%add3A_56] : memref<320000xi32, #tpu.memory_space<hbm>> -> memref<80xi32, #tpu.memory_space<hbm>>
        tpu.wait_dma2 semaphore(%run_scoped3A : memref<!tpu.dma_semaphore, #tpu.memory_space<semaphore_mem>>) src(%dma_wait3A_70 : memref<80xi32, #tpu.memory_space<hbm>>) dst(%arg7 : memref<80xi32, #tpu.memory_space<vmem>>)
        tpu.yield
      }) : () -> ()
      "tpu.region"() ({
        %run_scoped3A = tpu.sem_alloc : memref<!tpu.dma_semaphore, #tpu.memory_space<semaphore_mem>>
        %dma_start3A_67 = tpu.memref_slice %arg4[%add3A_56] : memref<320000xi32, #tpu.memory_space<hbm>> -> memref<80xi32, #tpu.memory_space<hbm>>
        %dma_start3A_68 = tpu.memref_slice %arg4[%add3A_56] : memref<320000xi32, #tpu.memory_space<hbm>> -> memref<80xi32, #tpu.memory_space<hbm>>
        tpu.enqueue_dma source(%dma_start3A_68 : memref<80xi32, #tpu.memory_space<hbm>>) target(%arg8 : memref<80xi32, #tpu.memory_space<vmem>>) target_semaphore(%run_scoped3A : memref<!tpu.dma_semaphore, #tpu.memory_space<semaphore_mem>>)
        %dma_wait3A_69 = tpu.memref_slice %arg4[%add3A_56] : memref<320000xi32, #tpu.memory_space<hbm>> -> memref<80xi32, #tpu.memory_space<hbm>>
        %dma_wait3A_70 = tpu.memref_slice %arg4[%add3A_56] : memref<320000xi32, #tpu.memory_space<hbm>> -> memref<80xi32, #tpu.memory_space<hbm>>
        tpu.wait_dma2 semaphore(%run_scoped3A : memref<!tpu.dma_semaphore, #tpu.memory_space<semaphore_mem>>) src(%dma_wait3A_70 : memref<80xi32, #tpu.memory_space<hbm>>) dst(%arg8 : memref<80xi32, #tpu.memory_space<vmem>>)
        tpu.yield
      }) : () -> ()
      %dma_start3A = arith.constant 0 : i32
      %dma_start3A_57 = arith.constant 0 : i32
      %dma_start3A_58 = tpu.memref_slice %arg11[%dma_start3A, %dma_start3A_57] : memref<10000x96xf32, #tpu.memory_space<vmem_shared>> -> memref<10000x96xf32, #tpu.memory_space<vmem_shared>>
      tpu.enqueue_indirect_dma source(%dma_start3A_58 : memref<10000x96xf32, #tpu.memory_space<vmem_shared>>) target(%arg9 : memref<80x96xf32, #tpu.memory_space<vmem>>) offsets(%arg7 : memref<80xi32, #tpu.memory_space<vmem>>) semaphore(%arg12 : memref<!tpu.dma_semaphore, #tpu.memory_space<semaphore_mem>>)
      %dma_start3A_59 = arith.constant 0 : i32
      %dma_start3A_60 = arith.constant 0 : i32
      %dma_start3A_61 = tpu.memref_slice %arg11[%dma_start3A_59, %dma_start3A_60] : memref<10000x96xf32, #tpu.memory_space<vmem_shared>> -> memref<10000x96xf32, #tpu.memory_space<vmem_shared>>
      tpu.enqueue_indirect_dma source(%dma_start3A_61 : memref<10000x96xf32, #tpu.memory_space<vmem_shared>>) target(%arg10 : memref<80x96xf32, #tpu.memory_space<vmem>>) offsets(%arg8 : memref<80xi32, #tpu.memory_space<vmem>>) semaphore(%arg12 : memref<!tpu.dma_semaphore, #tpu.memory_space<semaphore_mem>>)
      %dma_wait3A = arith.constant 0 : i32
      %dma_wait3A_62 = arith.constant 0 : i32
      %dma_wait3A_63 = tpu.memref_slice %arg11[%dma_wait3A, %dma_wait3A_62] : memref<10000x96xf32, #tpu.memory_space<vmem_shared>> -> memref<10000x96xf32, #tpu.memory_space<vmem_shared>>
      tpu.wait_indirect_dma semaphore(%arg12 : memref<!tpu.dma_semaphore, #tpu.memory_space<semaphore_mem>>) src(%dma_wait3A_63 : memref<10000x96xf32, #tpu.memory_space<vmem_shared>>) dst(%arg9 : memref<80x96xf32, #tpu.memory_space<vmem>>)
      %dma_wait3A_64 = arith.constant 0 : i32
      %dma_wait3A_65 = arith.constant 0 : i32
      %dma_wait3A_66 = tpu.memref_slice %arg11[%dma_wait3A_64, %dma_wait3A_65] : memref<10000x96xf32, #tpu.memory_space<vmem_shared>> -> memref<10000x96xf32, #tpu.memory_space<vmem_shared>>
      tpu.wait_indirect_dma semaphore(%arg12 : memref<!tpu.dma_semaphore, #tpu.memory_space<semaphore_mem>>) src(%dma_wait3A_66 : memref<10000x96xf32, #tpu.memory_space<vmem_shared>>) dst(%arg10 : memref<80x96xf32, #tpu.memory_space<vmem>>)
      "tpu.region"() ({
        %run_scoped3A = tpu.sem_alloc : memref<!tpu.dma_semaphore, #tpu.memory_space<semaphore_mem>>
        %dma_start3A_67 = arith.constant 0 : i32
        %dma_start3A_68 = tpu.memref_slice %arg5[%add3A_56, %dma_start3A_67] : memref<320000x96xf32, #tpu.memory_space<hbm>> -> memref<80x96xf32, #tpu.memory_space<hbm>>
        %dma_start3A_69 = arith.constant 0 : i32
        %dma_start3A_70 = tpu.memref_slice %arg5[%add3A_56, %dma_start3A_69] : memref<320000x96xf32, #tpu.memory_space<hbm>> -> memref<80x96xf32, #tpu.memory_space<hbm>>
        tpu.enqueue_dma source(%arg9 : memref<80x96xf32, #tpu.memory_space<vmem>>) target(%dma_start3A_70 : memref<80x96xf32, #tpu.memory_space<hbm>>) target_semaphore(%run_scoped3A : memref<!tpu.dma_semaphore, #tpu.memory_space<semaphore_mem>>)
        %dma_wait3A_71 = arith.constant 0 : i32
        %dma_wait3A_72 = tpu.memref_slice %arg5[%add3A_56, %dma_wait3A_71] : memref<320000x96xf32, #tpu.memory_space<hbm>> -> memref<80x96xf32, #tpu.memory_space<hbm>>
        %dma_wait3A_73 = arith.constant 0 : i32
        %dma_wait3A_74 = tpu.memref_slice %arg5[%add3A_56, %dma_wait3A_73] : memref<320000x96xf32, #tpu.memory_space<hbm>> -> memref<80x96xf32, #tpu.memory_space<hbm>>
        tpu.wait_dma2 semaphore(%run_scoped3A : memref<!tpu.dma_semaphore, #tpu.memory_space<semaphore_mem>>) src(%arg9 : memref<80x96xf32, #tpu.memory_space<vmem>>) dst(%dma_wait3A_74 : memref<80x96xf32, #tpu.memory_space<hbm>>)
        tpu.yield
      }) : () -> ()
      "tpu.region"() ({
        %run_scoped3A = tpu.sem_alloc : memref<!tpu.dma_semaphore, #tpu.memory_space<semaphore_mem>>
        %dma_start3A_67 = arith.constant 0 : i32
        %dma_start3A_68 = tpu.memref_slice %arg6[%add3A_56, %dma_start3A_67] : memref<320000x96xf32, #tpu.memory_space<hbm>> -> memref<80x96xf32, #tpu.memory_space<hbm>>
        %dma_start3A_69 = arith.constant 0 : i32
        %dma_start3A_70 = tpu.memref_slice %arg6[%add3A_56, %dma_start3A_69] : memref<320000x96xf32, #tpu.memory_space<hbm>> -> memref<80x96xf32, #tpu.memory_space<hbm>>
        tpu.enqueue_dma source(%arg10 : memref<80x96xf32, #tpu.memory_space<vmem>>) target(%dma_start3A_70 : memref<80x96xf32, #tpu.memory_space<hbm>>) target_semaphore(%run_scoped3A : memref<!tpu.dma_semaphore, #tpu.memory_space<semaphore_mem>>)
        %dma_wait3A_71 = arith.constant 0 : i32
        %dma_wait3A_72 = tpu.memref_slice %arg6[%add3A_56, %dma_wait3A_71] : memref<320000x96xf32, #tpu.memory_space<hbm>> -> memref<80x96xf32, #tpu.memory_space<hbm>>
        %dma_wait3A_73 = arith.constant 0 : i32
        %dma_wait3A_74 = tpu.memref_slice %arg6[%add3A_56, %dma_wait3A_73] : memref<320000x96xf32, #tpu.memory_space<hbm>> -> memref<80x96xf32, #tpu.memory_space<hbm>>
        tpu.wait_dma2 semaphore(%run_scoped3A : memref<!tpu.dma_semaphore, #tpu.memory_space<semaphore_mem>>) src(%arg10 : memref<80x96xf32, #tpu.memory_space<vmem>>) dst(%dma_wait3A_74 : memref<80x96xf32, #tpu.memory_space<hbm>>)
        tpu.yield
      }) : () -> ()
    }
    %scan3A_52 = arith.constant 125 : i32
    return
  }
}

#map = affine_map<(d0, d1) -> (0, 0)>
#map1 = affine_map<(d0, d1) -> (0)>
#map2 = affine_map<(d0, d1) -> (0, 0, 0)>
module attributes {stable_mosaic.version = 14 : i64} {
  func.func @_sc_scatter_body(%arg0: i32, %arg1: i32, %arg2: memref<320000x80xf32, #tpu.memory_space<hbm>>, %arg3: memref<320000xi32, #tpu.memory_space<hbm>>, %arg4: memref<80x80xf32, #tpu.memory_space<hbm>>, %arg5: memref<2x10000x80xf32, #tpu.memory_space<hbm>>, %arg6: memref<80xi32, #tpu.memory_space<vmem>>, %arg7: memref<80x80xf32, #tpu.memory_space<vmem>>, %arg8: memref<10000x80xf32, #tpu.memory_space<vmem_shared>>, %arg9: memref<!tpu.dma_semaphore, #tpu.memory_space<semaphore_mem>>) attributes {dimension_semantics = [#tpu.dimension_semantics<core_parallel>, #tpu.dimension_semantics<subcore_parallel>], iteration_bounds = array<i64: 2, 16>, scalar_prefetch = 0 : i64, scratch_operands = 4 : i64, tpu.core_type = #tpu.core_type<sc_vector_subcore>, window_params = [{transform_indices = #map}, {transform_indices = #map1}, {transform_indices = #map}, {transform_indices = #map2}]} {
    %mul3A = arith.constant 16 : i32
    %mul3A_0 = arith.muli %arg0, %mul3A : i32
    %add3A = arith.addi %mul3A_0, %arg1 : i32
    %add3A_1 = arith.constant 0 : i32
    %add3A_2 = arith.addi %arg1, %add3A_1 : i32
    %mul3A_3 = arith.constant 80 : i32
    %mul3A_4 = arith.muli %add3A_2, %mul3A_3 : i32
    "tpu.region"() ({
      %run_scoped3A = tpu.sem_alloc : memref<!tpu.dma_semaphore, #tpu.memory_space<semaphore_mem>>
      %dma_start3A = arith.constant 0 : i32
      %dma_start3A_75 = tpu.memref_slice %arg8[%mul3A_4, %dma_start3A] : memref<10000x80xf32, #tpu.memory_space<vmem_shared>> -> memref<80x80xf32, #tpu.memory_space<vmem_shared>>
      tpu.enqueue_dma source(%arg4 : memref<80x80xf32, #tpu.memory_space<hbm>>) target(%dma_start3A_75 : memref<80x80xf32, #tpu.memory_space<vmem_shared>>) target_semaphore(%run_scoped3A : memref<!tpu.dma_semaphore, #tpu.memory_space<semaphore_mem>>)
      %dma_wait3A = arith.constant 0 : i32
      %dma_wait3A_76 = tpu.memref_slice %arg8[%mul3A_4, %dma_wait3A] : memref<10000x80xf32, #tpu.memory_space<vmem_shared>> -> memref<80x80xf32, #tpu.memory_space<vmem_shared>>
      tpu.wait_dma2 semaphore(%run_scoped3A : memref<!tpu.dma_semaphore, #tpu.memory_space<semaphore_mem>>) src(%arg4 : memref<80x80xf32, #tpu.memory_space<hbm>>) dst(%dma_wait3A_76 : memref<80x80xf32, #tpu.memory_space<vmem_shared>>)
      tpu.yield
    }) : () -> ()
    %add3A_5 = arith.constant 16 : i32
    %add3A_6 = arith.addi %arg1, %add3A_5 : i32
    %mul3A_7 = arith.constant 80 : i32
    %mul3A_8 = arith.muli %add3A_6, %mul3A_7 : i32
    "tpu.region"() ({
      %run_scoped3A = tpu.sem_alloc : memref<!tpu.dma_semaphore, #tpu.memory_space<semaphore_mem>>
      %dma_start3A = arith.constant 0 : i32
      %dma_start3A_75 = tpu.memref_slice %arg8[%mul3A_8, %dma_start3A] : memref<10000x80xf32, #tpu.memory_space<vmem_shared>> -> memref<80x80xf32, #tpu.memory_space<vmem_shared>>
      tpu.enqueue_dma source(%arg4 : memref<80x80xf32, #tpu.memory_space<hbm>>) target(%dma_start3A_75 : memref<80x80xf32, #tpu.memory_space<vmem_shared>>) target_semaphore(%run_scoped3A : memref<!tpu.dma_semaphore, #tpu.memory_space<semaphore_mem>>)
      %dma_wait3A = arith.constant 0 : i32
      %dma_wait3A_76 = tpu.memref_slice %arg8[%mul3A_8, %dma_wait3A] : memref<10000x80xf32, #tpu.memory_space<vmem_shared>> -> memref<80x80xf32, #tpu.memory_space<vmem_shared>>
      tpu.wait_dma2 semaphore(%run_scoped3A : memref<!tpu.dma_semaphore, #tpu.memory_space<semaphore_mem>>) src(%arg4 : memref<80x80xf32, #tpu.memory_space<hbm>>) dst(%dma_wait3A_76 : memref<80x80xf32, #tpu.memory_space<vmem_shared>>)
      tpu.yield
    }) : () -> ()
    %add3A_9 = arith.constant 32 : i32
    %add3A_10 = arith.addi %arg1, %add3A_9 : i32
    %mul3A_11 = arith.constant 80 : i32
    %mul3A_12 = arith.muli %add3A_10, %mul3A_11 : i32
    "tpu.region"() ({
      %run_scoped3A = tpu.sem_alloc : memref<!tpu.dma_semaphore, #tpu.memory_space<semaphore_mem>>
      %dma_start3A = arith.constant 0 : i32
      %dma_start3A_75 = tpu.memref_slice %arg8[%mul3A_12, %dma_start3A] : memref<10000x80xf32, #tpu.memory_space<vmem_shared>> -> memref<80x80xf32, #tpu.memory_space<vmem_shared>>
      tpu.enqueue_dma source(%arg4 : memref<80x80xf32, #tpu.memory_space<hbm>>) target(%dma_start3A_75 : memref<80x80xf32, #tpu.memory_space<vmem_shared>>) target_semaphore(%run_scoped3A : memref<!tpu.dma_semaphore, #tpu.memory_space<semaphore_mem>>)
      %dma_wait3A = arith.constant 0 : i32
      %dma_wait3A_76 = tpu.memref_slice %arg8[%mul3A_12, %dma_wait3A] : memref<10000x80xf32, #tpu.memory_space<vmem_shared>> -> memref<80x80xf32, #tpu.memory_space<vmem_shared>>
      tpu.wait_dma2 semaphore(%run_scoped3A : memref<!tpu.dma_semaphore, #tpu.memory_space<semaphore_mem>>) src(%arg4 : memref<80x80xf32, #tpu.memory_space<hbm>>) dst(%dma_wait3A_76 : memref<80x80xf32, #tpu.memory_space<vmem_shared>>)
      tpu.yield
    }) : () -> ()
    %add3A_13 = arith.constant 48 : i32
    %add3A_14 = arith.addi %arg1, %add3A_13 : i32
    %mul3A_15 = arith.constant 80 : i32
    %mul3A_16 = arith.muli %add3A_14, %mul3A_15 : i32
    "tpu.region"() ({
      %run_scoped3A = tpu.sem_alloc : memref<!tpu.dma_semaphore, #tpu.memory_space<semaphore_mem>>
      %dma_start3A = arith.constant 0 : i32
      %dma_start3A_75 = tpu.memref_slice %arg8[%mul3A_16, %dma_start3A] : memref<10000x80xf32, #tpu.memory_space<vmem_shared>> -> memref<80x80xf32, #tpu.memory_space<vmem_shared>>
      tpu.enqueue_dma source(%arg4 : memref<80x80xf32, #tpu.memory_space<hbm>>) target(%dma_start3A_75 : memref<80x80xf32, #tpu.memory_space<vmem_shared>>) target_semaphore(%run_scoped3A : memref<!tpu.dma_semaphore, #tpu.memory_space<semaphore_mem>>)
      %dma_wait3A = arith.constant 0 : i32
      %dma_wait3A_76 = tpu.memref_slice %arg8[%mul3A_16, %dma_wait3A] : memref<10000x80xf32, #tpu.memory_space<vmem_shared>> -> memref<80x80xf32, #tpu.memory_space<vmem_shared>>
      tpu.wait_dma2 semaphore(%run_scoped3A : memref<!tpu.dma_semaphore, #tpu.memory_space<semaphore_mem>>) src(%arg4 : memref<80x80xf32, #tpu.memory_space<hbm>>) dst(%dma_wait3A_76 : memref<80x80xf32, #tpu.memory_space<vmem_shared>>)
      tpu.yield
    }) : () -> ()
    %add3A_17 = arith.constant 64 : i32
    %add3A_18 = arith.addi %arg1, %add3A_17 : i32
    %mul3A_19 = arith.constant 80 : i32
    %mul3A_20 = arith.muli %add3A_18, %mul3A_19 : i32
    "tpu.region"() ({
      %run_scoped3A = tpu.sem_alloc : memref<!tpu.dma_semaphore, #tpu.memory_space<semaphore_mem>>
      %dma_start3A = arith.constant 0 : i32
      %dma_start3A_75 = tpu.memref_slice %arg8[%mul3A_20, %dma_start3A] : memref<10000x80xf32, #tpu.memory_space<vmem_shared>> -> memref<80x80xf32, #tpu.memory_space<vmem_shared>>
      tpu.enqueue_dma source(%arg4 : memref<80x80xf32, #tpu.memory_space<hbm>>) target(%dma_start3A_75 : memref<80x80xf32, #tpu.memory_space<vmem_shared>>) target_semaphore(%run_scoped3A : memref<!tpu.dma_semaphore, #tpu.memory_space<semaphore_mem>>)
      %dma_wait3A = arith.constant 0 : i32
      %dma_wait3A_76 = tpu.memref_slice %arg8[%mul3A_20, %dma_wait3A] : memref<10000x80xf32, #tpu.memory_space<vmem_shared>> -> memref<80x80xf32, #tpu.memory_space<vmem_shared>>
      tpu.wait_dma2 semaphore(%run_scoped3A : memref<!tpu.dma_semaphore, #tpu.memory_space<semaphore_mem>>) src(%arg4 : memref<80x80xf32, #tpu.memory_space<hbm>>) dst(%dma_wait3A_76 : memref<80x80xf32, #tpu.memory_space<vmem_shared>>)
      tpu.yield
    }) : () -> ()
    %add3A_21 = arith.constant 80 : i32
    %add3A_22 = arith.addi %arg1, %add3A_21 : i32
    %mul3A_23 = arith.constant 80 : i32
    %mul3A_24 = arith.muli %add3A_22, %mul3A_23 : i32
    "tpu.region"() ({
      %run_scoped3A = tpu.sem_alloc : memref<!tpu.dma_semaphore, #tpu.memory_space<semaphore_mem>>
      %dma_start3A = arith.constant 0 : i32
      %dma_start3A_75 = tpu.memref_slice %arg8[%mul3A_24, %dma_start3A] : memref<10000x80xf32, #tpu.memory_space<vmem_shared>> -> memref<80x80xf32, #tpu.memory_space<vmem_shared>>
      tpu.enqueue_dma source(%arg4 : memref<80x80xf32, #tpu.memory_space<hbm>>) target(%dma_start3A_75 : memref<80x80xf32, #tpu.memory_space<vmem_shared>>) target_semaphore(%run_scoped3A : memref<!tpu.dma_semaphore, #tpu.memory_space<semaphore_mem>>)
      %dma_wait3A = arith.constant 0 : i32
      %dma_wait3A_76 = tpu.memref_slice %arg8[%mul3A_24, %dma_wait3A] : memref<10000x80xf32, #tpu.memory_space<vmem_shared>> -> memref<80x80xf32, #tpu.memory_space<vmem_shared>>
      tpu.wait_dma2 semaphore(%run_scoped3A : memref<!tpu.dma_semaphore, #tpu.memory_space<semaphore_mem>>) src(%arg4 : memref<80x80xf32, #tpu.memory_space<hbm>>) dst(%dma_wait3A_76 : memref<80x80xf32, #tpu.memory_space<vmem_shared>>)
      tpu.yield
    }) : () -> ()
    %add3A_25 = arith.constant 96 : i32
    %add3A_26 = arith.addi %arg1, %add3A_25 : i32
    %mul3A_27 = arith.constant 80 : i32
    %mul3A_28 = arith.muli %add3A_26, %mul3A_27 : i32
    "tpu.region"() ({
      %run_scoped3A = tpu.sem_alloc : memref<!tpu.dma_semaphore, #tpu.memory_space<semaphore_mem>>
      %dma_start3A = arith.constant 0 : i32
      %dma_start3A_75 = tpu.memref_slice %arg8[%mul3A_28, %dma_start3A] : memref<10000x80xf32, #tpu.memory_space<vmem_shared>> -> memref<80x80xf32, #tpu.memory_space<vmem_shared>>
      tpu.enqueue_dma source(%arg4 : memref<80x80xf32, #tpu.memory_space<hbm>>) target(%dma_start3A_75 : memref<80x80xf32, #tpu.memory_space<vmem_shared>>) target_semaphore(%run_scoped3A : memref<!tpu.dma_semaphore, #tpu.memory_space<semaphore_mem>>)
      %dma_wait3A = arith.constant 0 : i32
      %dma_wait3A_76 = tpu.memref_slice %arg8[%mul3A_28, %dma_wait3A] : memref<10000x80xf32, #tpu.memory_space<vmem_shared>> -> memref<80x80xf32, #tpu.memory_space<vmem_shared>>
      tpu.wait_dma2 semaphore(%run_scoped3A : memref<!tpu.dma_semaphore, #tpu.memory_space<semaphore_mem>>) src(%arg4 : memref<80x80xf32, #tpu.memory_space<hbm>>) dst(%dma_wait3A_76 : memref<80x80xf32, #tpu.memory_space<vmem_shared>>)
      tpu.yield
    }) : () -> ()
    %add3A_29 = arith.constant 112 : i32
    %add3A_30 = arith.addi %arg1, %add3A_29 : i32
    %lt3A = arith.constant 125 : i32
    %lt3A_31 = arith.cmpi slt, %add3A_30, %lt3A : i32
    %convert_element_type3A = arith.extui %lt3A_31 : i1 to i32
    %cond3A = arith.constant 0 : i32
    %cond3A_32 = arith.cmpi ne, %convert_element_type3A, %cond3A : i32
    scf.if %cond3A_32 {
      %mul3A_75 = arith.constant 80 : i32
      %mul3A_76 = arith.muli %add3A_30, %mul3A_75 : i32
      "tpu.region"() ({
        %run_scoped3A = tpu.sem_alloc : memref<!tpu.dma_semaphore, #tpu.memory_space<semaphore_mem>>
        %dma_start3A = arith.constant 0 : i32
        %dma_start3A_77 = tpu.memref_slice %arg8[%mul3A_76, %dma_start3A] : memref<10000x80xf32, #tpu.memory_space<vmem_shared>> -> memref<80x80xf32, #tpu.memory_space<vmem_shared>>
        tpu.enqueue_dma source(%arg4 : memref<80x80xf32, #tpu.memory_space<hbm>>) target(%dma_start3A_77 : memref<80x80xf32, #tpu.memory_space<vmem_shared>>) target_semaphore(%run_scoped3A : memref<!tpu.dma_semaphore, #tpu.memory_space<semaphore_mem>>)
        %dma_wait3A = arith.constant 0 : i32
        %dma_wait3A_78 = tpu.memref_slice %arg8[%mul3A_76, %dma_wait3A] : memref<10000x80xf32, #tpu.memory_space<vmem_shared>> -> memref<80x80xf32, #tpu.memory_space<vmem_shared>>
        tpu.wait_dma2 semaphore(%run_scoped3A : memref<!tpu.dma_semaphore, #tpu.memory_space<semaphore_mem>>) src(%arg4 : memref<80x80xf32, #tpu.memory_space<hbm>>) dst(%dma_wait3A_78 : memref<80x80xf32, #tpu.memory_space<vmem_shared>>)
        tpu.yield
      }) : () -> ()
    } else {
    }
    %barrier3A = arith.constant 0 : index
    tpu.barrier barrier_id(%barrier3A)
    %mul3A_33 = arith.constant 10000 : i32
    %mul3A_34 = arith.muli %add3A, %mul3A_33 : i32
    %scan3A = arith.constant 0 : i32
    %scan3A_35 = arith.constant 125 : i32
    %scan3A_36 = arith.addi %scan3A, %scan3A_35 : i32
    %scan3A_37 = arith.constant 1 : i32
    scf.for %scan3A_75 = %scan3A to %scan3A_36 step %scan3A_37  : i32 {
      %mul3A_76 = arith.constant 80 : i32
      %mul3A_77 = arith.muli %scan3A_75, %mul3A_76 : i32
      %add3A_78 = arith.addi %mul3A_34, %mul3A_77 : i32
      "tpu.region"() ({
        %run_scoped3A = tpu.sem_alloc : memref<!tpu.dma_semaphore, #tpu.memory_space<semaphore_mem>>
        %dma_start3A = tpu.memref_slice %arg3[%add3A_78] : memref<320000xi32, #tpu.memory_space<hbm>> -> memref<80xi32, #tpu.memory_space<hbm>>
        %dma_start3A_79 = tpu.memref_slice %arg3[%add3A_78] : memref<320000xi32, #tpu.memory_space<hbm>> -> memref<80xi32, #tpu.memory_space<hbm>>
        tpu.enqueue_dma source(%dma_start3A_79 : memref<80xi32, #tpu.memory_space<hbm>>) target(%arg6 : memref<80xi32, #tpu.memory_space<vmem>>) target_semaphore(%run_scoped3A : memref<!tpu.dma_semaphore, #tpu.memory_space<semaphore_mem>>)
        %dma_wait3A = tpu.memref_slice %arg3[%add3A_78] : memref<320000xi32, #tpu.memory_space<hbm>> -> memref<80xi32, #tpu.memory_space<hbm>>
        %dma_wait3A_80 = tpu.memref_slice %arg3[%add3A_78] : memref<320000xi32, #tpu.memory_space<hbm>> -> memref<80xi32, #tpu.memory_space<hbm>>
        tpu.wait_dma2 semaphore(%run_scoped3A : memref<!tpu.dma_semaphore, #tpu.memory_space<semaphore_mem>>) src(%dma_wait3A_80 : memref<80xi32, #tpu.memory_space<hbm>>) dst(%arg6 : memref<80xi32, #tpu.memory_space<vmem>>)
        tpu.yield
      }) : () -> ()
      "tpu.region"() ({
        %run_scoped3A = tpu.sem_alloc : memref<!tpu.dma_semaphore, #tpu.memory_space<semaphore_mem>>
        %dma_start3A = arith.constant 0 : i32
        %dma_start3A_79 = tpu.memref_slice %arg2[%add3A_78, %dma_start3A] : memref<320000x80xf32, #tpu.memory_space<hbm>> -> memref<80x80xf32, #tpu.memory_space<hbm>>
        %dma_start3A_80 = arith.constant 0 : i32
        %dma_start3A_81 = tpu.memref_slice %arg2[%add3A_78, %dma_start3A_80] : memref<320000x80xf32, #tpu.memory_space<hbm>> -> memref<80x80xf32, #tpu.memory_space<hbm>>
        tpu.enqueue_dma source(%dma_start3A_81 : memref<80x80xf32, #tpu.memory_space<hbm>>) target(%arg7 : memref<80x80xf32, #tpu.memory_space<vmem>>) target_semaphore(%run_scoped3A : memref<!tpu.dma_semaphore, #tpu.memory_space<semaphore_mem>>)
        %dma_wait3A = arith.constant 0 : i32
        %dma_wait3A_82 = tpu.memref_slice %arg2[%add3A_78, %dma_wait3A] : memref<320000x80xf32, #tpu.memory_space<hbm>> -> memref<80x80xf32, #tpu.memory_space<hbm>>
        %dma_wait3A_83 = arith.constant 0 : i32
        %dma_wait3A_84 = tpu.memref_slice %arg2[%add3A_78, %dma_wait3A_83] : memref<320000x80xf32, #tpu.memory_space<hbm>> -> memref<80x80xf32, #tpu.memory_space<hbm>>
        tpu.wait_dma2 semaphore(%run_scoped3A : memref<!tpu.dma_semaphore, #tpu.memory_space<semaphore_mem>>) src(%dma_wait3A_84 : memref<80x80xf32, #tpu.memory_space<hbm>>) dst(%arg7 : memref<80x80xf32, #tpu.memory_space<vmem>>)
        tpu.yield
      }) : () -> ()
      "tpu.region"() ({
        %run_scoped3A = tpu.sem_alloc : memref<!tpu.dma_semaphore, #tpu.memory_space<semaphore_mem>>
        %dma_start3A = arith.constant 0 : i32
        %dma_start3A_79 = arith.constant 0 : i32
        %dma_start3A_80 = tpu.memref_slice %arg8[%dma_start3A, %dma_start3A_79] : memref<10000x80xf32, #tpu.memory_space<vmem_shared>> -> memref<10000x80xf32, #tpu.memory_space<vmem_shared>>
        tpu.enqueue_indirect_dma source(%arg7 : memref<80x80xf32, #tpu.memory_space<vmem>>) target(%dma_start3A_80 : memref<10000x80xf32, #tpu.memory_space<vmem_shared>>) offsets(%arg6 : memref<80xi32, #tpu.memory_space<vmem>>) semaphore(%run_scoped3A : memref<!tpu.dma_semaphore, #tpu.memory_space<semaphore_mem>>) {add = true}
        %dma_wait3A = arith.constant 0 : i32
        %dma_wait3A_81 = arith.constant 0 : i32
        %dma_wait3A_82 = tpu.memref_slice %arg8[%dma_wait3A, %dma_wait3A_81] : memref<10000x80xf32, #tpu.memory_space<vmem_shared>> -> memref<10000x80xf32, #tpu.memory_space<vmem_shared>>
        tpu.wait_indirect_dma semaphore(%run_scoped3A : memref<!tpu.dma_semaphore, #tpu.memory_space<semaphore_mem>>) src(%arg7 : memref<80x80xf32, #tpu.memory_space<vmem>>) dst(%dma_wait3A_82 : memref<10000x80xf32, #tpu.memory_space<vmem_shared>>)
        tpu.yield
      }) : () -> ()
    }
    %scan3A_38 = arith.constant 125 : i32
    %barrier3A_39 = arith.constant 0 : index
    tpu.barrier barrier_id(%barrier3A_39)
    %add3A_40 = arith.constant 0 : i32
    %add3A_41 = arith.addi %arg1, %add3A_40 : i32
    %mul3A_42 = arith.constant 80 : i32
    %mul3A_43 = arith.muli %add3A_41, %mul3A_42 : i32
    "tpu.region"() ({
      %run_scoped3A = tpu.sem_alloc : memref<!tpu.dma_semaphore, #tpu.memory_space<semaphore_mem>>
      %dma_start3A = arith.constant 0 : i32
      %dma_start3A_75 = tpu.memref_slice %arg5[%arg0, %mul3A_43, %dma_start3A] : memref<2x10000x80xf32, #tpu.memory_space<hbm>> -> memref<1x80x80xf32, #tpu.memory_space<hbm>>
      %dma_start3A_76 = tpu.memref_squeeze %dma_start3A_75 : memref<1x80x80xf32, #tpu.memory_space<hbm>> -> memref<80x80xf32, #tpu.memory_space<hbm>>
      %dma_start3A_77 = arith.constant 0 : i32
      %dma_start3A_78 = tpu.memref_slice %arg8[%mul3A_43, %dma_start3A_77] : memref<10000x80xf32, #tpu.memory_space<vmem_shared>> -> memref<80x80xf32, #tpu.memory_space<vmem_shared>>
      tpu.enqueue_dma source(%dma_start3A_78 : memref<80x80xf32, #tpu.memory_space<vmem_shared>>) target(%dma_start3A_76 : memref<80x80xf32, #tpu.memory_space<hbm>>) target_semaphore(%run_scoped3A : memref<!tpu.dma_semaphore, #tpu.memory_space<semaphore_mem>>)
      %dma_wait3A = arith.constant 0 : i32
      %dma_wait3A_79 = tpu.memref_slice %arg5[%arg0, %mul3A_43, %dma_wait3A] : memref<2x10000x80xf32, #tpu.memory_space<hbm>> -> memref<1x80x80xf32, #tpu.memory_space<hbm>>
      %dma_wait3A_80 = tpu.memref_squeeze %dma_wait3A_79 : memref<1x80x80xf32, #tpu.memory_space<hbm>> -> memref<80x80xf32, #tpu.memory_space<hbm>>
      %dma_wait3A_81 = arith.constant 0 : i32
      %dma_wait3A_82 = tpu.memref_slice %arg8[%mul3A_43, %dma_wait3A_81] : memref<10000x80xf32, #tpu.memory_space<vmem_shared>> -> memref<80x80xf32, #tpu.memory_space<vmem_shared>>
      tpu.wait_dma2 semaphore(%run_scoped3A : memref<!tpu.dma_semaphore, #tpu.memory_space<semaphore_mem>>) src(%dma_wait3A_82 : memref<80x80xf32, #tpu.memory_space<vmem_shared>>) dst(%dma_wait3A_80 : memref<80x80xf32, #tpu.memory_space<hbm>>)
      tpu.yield
    }) : () -> ()
    %add3A_44 = arith.constant 16 : i32
    %add3A_45 = arith.addi %arg1, %add3A_44 : i32
    %mul3A_46 = arith.constant 80 : i32
    %mul3A_47 = arith.muli %add3A_45, %mul3A_46 : i32
    "tpu.region"() ({
      %run_scoped3A = tpu.sem_alloc : memref<!tpu.dma_semaphore, #tpu.memory_space<semaphore_mem>>
      %dma_start3A = arith.constant 0 : i32
      %dma_start3A_75 = tpu.memref_slice %arg5[%arg0, %mul3A_47, %dma_start3A] : memref<2x10000x80xf32, #tpu.memory_space<hbm>> -> memref<1x80x80xf32, #tpu.memory_space<hbm>>
      %dma_start3A_76 = tpu.memref_squeeze %dma_start3A_75 : memref<1x80x80xf32, #tpu.memory_space<hbm>> -> memref<80x80xf32, #tpu.memory_space<hbm>>
      %dma_start3A_77 = arith.constant 0 : i32
      %dma_start3A_78 = tpu.memref_slice %arg8[%mul3A_47, %dma_start3A_77] : memref<10000x80xf32, #tpu.memory_space<vmem_shared>> -> memref<80x80xf32, #tpu.memory_space<vmem_shared>>
      tpu.enqueue_dma source(%dma_start3A_78 : memref<80x80xf32, #tpu.memory_space<vmem_shared>>) target(%dma_start3A_76 : memref<80x80xf32, #tpu.memory_space<hbm>>) target_semaphore(%run_scoped3A : memref<!tpu.dma_semaphore, #tpu.memory_space<semaphore_mem>>)
      %dma_wait3A = arith.constant 0 : i32
      %dma_wait3A_79 = tpu.memref_slice %arg5[%arg0, %mul3A_47, %dma_wait3A] : memref<2x10000x80xf32, #tpu.memory_space<hbm>> -> memref<1x80x80xf32, #tpu.memory_space<hbm>>
      %dma_wait3A_80 = tpu.memref_squeeze %dma_wait3A_79 : memref<1x80x80xf32, #tpu.memory_space<hbm>> -> memref<80x80xf32, #tpu.memory_space<hbm>>
      %dma_wait3A_81 = arith.constant 0 : i32
      %dma_wait3A_82 = tpu.memref_slice %arg8[%mul3A_47, %dma_wait3A_81] : memref<10000x80xf32, #tpu.memory_space<vmem_shared>> -> memref<80x80xf32, #tpu.memory_space<vmem_shared>>
      tpu.wait_dma2 semaphore(%run_scoped3A : memref<!tpu.dma_semaphore, #tpu.memory_space<semaphore_mem>>) src(%dma_wait3A_82 : memref<80x80xf32, #tpu.memory_space<vmem_shared>>) dst(%dma_wait3A_80 : memref<80x80xf32, #tpu.memory_space<hbm>>)
      tpu.yield
    }) : () -> ()
    %add3A_48 = arith.constant 32 : i32
    %add3A_49 = arith.addi %arg1, %add3A_48 : i32
    %mul3A_50 = arith.constant 80 : i32
    %mul3A_51 = arith.muli %add3A_49, %mul3A_50 : i32
    "tpu.region"() ({
      %run_scoped3A = tpu.sem_alloc : memref<!tpu.dma_semaphore, #tpu.memory_space<semaphore_mem>>
      %dma_start3A = arith.constant 0 : i32
      %dma_start3A_75 = tpu.memref_slice %arg5[%arg0, %mul3A_51, %dma_start3A] : memref<2x10000x80xf32, #tpu.memory_space<hbm>> -> memref<1x80x80xf32, #tpu.memory_space<hbm>>
      %dma_start3A_76 = tpu.memref_squeeze %dma_start3A_75 : memref<1x80x80xf32, #tpu.memory_space<hbm>> -> memref<80x80xf32, #tpu.memory_space<hbm>>
      %dma_start3A_77 = arith.constant 0 : i32
      %dma_start3A_78 = tpu.memref_slice %arg8[%mul3A_51, %dma_start3A_77] : memref<10000x80xf32, #tpu.memory_space<vmem_shared>> -> memref<80x80xf32, #tpu.memory_space<vmem_shared>>
      tpu.enqueue_dma source(%dma_start3A_78 : memref<80x80xf32, #tpu.memory_space<vmem_shared>>) target(%dma_start3A_76 : memref<80x80xf32, #tpu.memory_space<hbm>>) target_semaphore(%run_scoped3A : memref<!tpu.dma_semaphore, #tpu.memory_space<semaphore_mem>>)
      %dma_wait3A = arith.constant 0 : i32
      %dma_wait3A_79 = tpu.memref_slice %arg5[%arg0, %mul3A_51, %dma_wait3A] : memref<2x10000x80xf32, #tpu.memory_space<hbm>> -> memref<1x80x80xf32, #tpu.memory_space<hbm>>
      %dma_wait3A_80 = tpu.memref_squeeze %dma_wait3A_79 : memref<1x80x80xf32, #tpu.memory_space<hbm>> -> memref<80x80xf32, #tpu.memory_space<hbm>>
      %dma_wait3A_81 = arith.constant 0 : i32
      %dma_wait3A_82 = tpu.memref_slice %arg8[%mul3A_51, %dma_wait3A_81] : memref<10000x80xf32, #tpu.memory_space<vmem_shared>> -> memref<80x80xf32, #tpu.memory_space<vmem_shared>>
      tpu.wait_dma2 semaphore(%run_scoped3A : memref<!tpu.dma_semaphore, #tpu.memory_space<semaphore_mem>>) src(%dma_wait3A_82 : memref<80x80xf32, #tpu.memory_space<vmem_shared>>) dst(%dma_wait3A_80 : memref<80x80xf32, #tpu.memory_space<hbm>>)
      tpu.yield
    }) : () -> ()
    %add3A_52 = arith.constant 48 : i32
    %add3A_53 = arith.addi %arg1, %add3A_52 : i32
    %mul3A_54 = arith.constant 80 : i32
    %mul3A_55 = arith.muli %add3A_53, %mul3A_54 : i32
    "tpu.region"() ({
      %run_scoped3A = tpu.sem_alloc : memref<!tpu.dma_semaphore, #tpu.memory_space<semaphore_mem>>
      %dma_start3A = arith.constant 0 : i32
      %dma_start3A_75 = tpu.memref_slice %arg5[%arg0, %mul3A_55, %dma_start3A] : memref<2x10000x80xf32, #tpu.memory_space<hbm>> -> memref<1x80x80xf32, #tpu.memory_space<hbm>>
      %dma_start3A_76 = tpu.memref_squeeze %dma_start3A_75 : memref<1x80x80xf32, #tpu.memory_space<hbm>> -> memref<80x80xf32, #tpu.memory_space<hbm>>
      %dma_start3A_77 = arith.constant 0 : i32
      %dma_start3A_78 = tpu.memref_slice %arg8[%mul3A_55, %dma_start3A_77] : memref<10000x80xf32, #tpu.memory_space<vmem_shared>> -> memref<80x80xf32, #tpu.memory_space<vmem_shared>>
      tpu.enqueue_dma source(%dma_start3A_78 : memref<80x80xf32, #tpu.memory_space<vmem_shared>>) target(%dma_start3A_76 : memref<80x80xf32, #tpu.memory_space<hbm>>) target_semaphore(%run_scoped3A : memref<!tpu.dma_semaphore, #tpu.memory_space<semaphore_mem>>)
      %dma_wait3A = arith.constant 0 : i32
      %dma_wait3A_79 = tpu.memref_slice %arg5[%arg0, %mul3A_55, %dma_wait3A] : memref<2x10000x80xf32, #tpu.memory_space<hbm>> -> memref<1x80x80xf32, #tpu.memory_space<hbm>>
      %dma_wait3A_80 = tpu.memref_squeeze %dma_wait3A_79 : memref<1x80x80xf32, #tpu.memory_space<hbm>> -> memref<80x80xf32, #tpu.memory_space<hbm>>
      %dma_wait3A_81 = arith.constant 0 : i32
      %dma_wait3A_82 = tpu.memref_slice %arg8[%mul3A_55, %dma_wait3A_81] : memref<10000x80xf32, #tpu.memory_space<vmem_shared>> -> memref<80x80xf32, #tpu.memory_space<vmem_shared>>
      tpu.wait_dma2 semaphore(%run_scoped3A : memref<!tpu.dma_semaphore, #tpu.memory_space<semaphore_mem>>) src(%dma_wait3A_82 : memref<80x80xf32, #tpu.memory_space<vmem_shared>>) dst(%dma_wait3A_80 : memref<80x80xf32, #tpu.memory_space<hbm>>)
      tpu.yield
    }) : () -> ()
    %add3A_56 = arith.constant 64 : i32
    %add3A_57 = arith.addi %arg1, %add3A_56 : i32
    %mul3A_58 = arith.constant 80 : i32
    %mul3A_59 = arith.muli %add3A_57, %mul3A_58 : i32
    "tpu.region"() ({
      %run_scoped3A = tpu.sem_alloc : memref<!tpu.dma_semaphore, #tpu.memory_space<semaphore_mem>>
      %dma_start3A = arith.constant 0 : i32
      %dma_start3A_75 = tpu.memref_slice %arg5[%arg0, %mul3A_59, %dma_start3A] : memref<2x10000x80xf32, #tpu.memory_space<hbm>> -> memref<1x80x80xf32, #tpu.memory_space<hbm>>
      %dma_start3A_76 = tpu.memref_squeeze %dma_start3A_75 : memref<1x80x80xf32, #tpu.memory_space<hbm>> -> memref<80x80xf32, #tpu.memory_space<hbm>>
      %dma_start3A_77 = arith.constant 0 : i32
      %dma_start3A_78 = tpu.memref_slice %arg8[%mul3A_59, %dma_start3A_77] : memref<10000x80xf32, #tpu.memory_space<vmem_shared>> -> memref<80x80xf32, #tpu.memory_space<vmem_shared>>
      tpu.enqueue_dma source(%dma_start3A_78 : memref<80x80xf32, #tpu.memory_space<vmem_shared>>) target(%dma_start3A_76 : memref<80x80xf32, #tpu.memory_space<hbm>>) target_semaphore(%run_scoped3A : memref<!tpu.dma_semaphore, #tpu.memory_space<semaphore_mem>>)
      %dma_wait3A = arith.constant 0 : i32
      %dma_wait3A_79 = tpu.memref_slice %arg5[%arg0, %mul3A_59, %dma_wait3A] : memref<2x10000x80xf32, #tpu.memory_space<hbm>> -> memref<1x80x80xf32, #tpu.memory_space<hbm>>
      %dma_wait3A_80 = tpu.memref_squeeze %dma_wait3A_79 : memref<1x80x80xf32, #tpu.memory_space<hbm>> -> memref<80x80xf32, #tpu.memory_space<hbm>>
      %dma_wait3A_81 = arith.constant 0 : i32
      %dma_wait3A_82 = tpu.memref_slice %arg8[%mul3A_59, %dma_wait3A_81] : memref<10000x80xf32, #tpu.memory_space<vmem_shared>> -> memref<80x80xf32, #tpu.memory_space<vmem_shared>>
      tpu.wait_dma2 semaphore(%run_scoped3A : memref<!tpu.dma_semaphore, #tpu.memory_space<semaphore_mem>>) src(%dma_wait3A_82 : memref<80x80xf32, #tpu.memory_space<vmem_shared>>) dst(%dma_wait3A_80 : memref<80x80xf32, #tpu.memory_space<hbm>>)
      tpu.yield
    }) : () -> ()
    %add3A_60 = arith.constant 80 : i32
    %add3A_61 = arith.addi %arg1, %add3A_60 : i32
    %mul3A_62 = arith.constant 80 : i32
    %mul3A_63 = arith.muli %add3A_61, %mul3A_62 : i32
    "tpu.region"() ({
      %run_scoped3A = tpu.sem_alloc : memref<!tpu.dma_semaphore, #tpu.memory_space<semaphore_mem>>
      %dma_start3A = arith.constant 0 : i32
      %dma_start3A_75 = tpu.memref_slice %arg5[%arg0, %mul3A_63, %dma_start3A] : memref<2x10000x80xf32, #tpu.memory_space<hbm>> -> memref<1x80x80xf32, #tpu.memory_space<hbm>>
      %dma_start3A_76 = tpu.memref_squeeze %dma_start3A_75 : memref<1x80x80xf32, #tpu.memory_space<hbm>> -> memref<80x80xf32, #tpu.memory_space<hbm>>
      %dma_start3A_77 = arith.constant 0 : i32
      %dma_start3A_78 = tpu.memref_slice %arg8[%mul3A_63, %dma_start3A_77] : memref<10000x80xf32, #tpu.memory_space<vmem_shared>> -> memref<80x80xf32, #tpu.memory_space<vmem_shared>>
      tpu.enqueue_dma source(%dma_start3A_78 : memref<80x80xf32, #tpu.memory_space<vmem_shared>>) target(%dma_start3A_76 : memref<80x80xf32, #tpu.memory_space<hbm>>) target_semaphore(%run_scoped3A : memref<!tpu.dma_semaphore, #tpu.memory_space<semaphore_mem>>)
      %dma_wait3A = arith.constant 0 : i32
      %dma_wait3A_79 = tpu.memref_slice %arg5[%arg0, %mul3A_63, %dma_wait3A] : memref<2x10000x80xf32, #tpu.memory_space<hbm>> -> memref<1x80x80xf32, #tpu.memory_space<hbm>>
      %dma_wait3A_80 = tpu.memref_squeeze %dma_wait3A_79 : memref<1x80x80xf32, #tpu.memory_space<hbm>> -> memref<80x80xf32, #tpu.memory_space<hbm>>
      %dma_wait3A_81 = arith.constant 0 : i32
      %dma_wait3A_82 = tpu.memref_slice %arg8[%mul3A_63, %dma_wait3A_81] : memref<10000x80xf32, #tpu.memory_space<vmem_shared>> -> memref<80x80xf32, #tpu.memory_space<vmem_shared>>
      tpu.wait_dma2 semaphore(%run_scoped3A : memref<!tpu.dma_semaphore, #tpu.memory_space<semaphore_mem>>) src(%dma_wait3A_82 : memref<80x80xf32, #tpu.memory_space<vmem_shared>>) dst(%dma_wait3A_80 : memref<80x80xf32, #tpu.memory_space<hbm>>)
      tpu.yield
    }) : () -> ()
    %add3A_64 = arith.constant 96 : i32
    %add3A_65 = arith.addi %arg1, %add3A_64 : i32
    %mul3A_66 = arith.constant 80 : i32
    %mul3A_67 = arith.muli %add3A_65, %mul3A_66 : i32
    "tpu.region"() ({
      %run_scoped3A = tpu.sem_alloc : memref<!tpu.dma_semaphore, #tpu.memory_space<semaphore_mem>>
      %dma_start3A = arith.constant 0 : i32
      %dma_start3A_75 = tpu.memref_slice %arg5[%arg0, %mul3A_67, %dma_start3A] : memref<2x10000x80xf32, #tpu.memory_space<hbm>> -> memref<1x80x80xf32, #tpu.memory_space<hbm>>
      %dma_start3A_76 = tpu.memref_squeeze %dma_start3A_75 : memref<1x80x80xf32, #tpu.memory_space<hbm>> -> memref<80x80xf32, #tpu.memory_space<hbm>>
      %dma_start3A_77 = arith.constant 0 : i32
      %dma_start3A_78 = tpu.memref_slice %arg8[%mul3A_67, %dma_start3A_77] : memref<10000x80xf32, #tpu.memory_space<vmem_shared>> -> memref<80x80xf32, #tpu.memory_space<vmem_shared>>
      tpu.enqueue_dma source(%dma_start3A_78 : memref<80x80xf32, #tpu.memory_space<vmem_shared>>) target(%dma_start3A_76 : memref<80x80xf32, #tpu.memory_space<hbm>>) target_semaphore(%run_scoped3A : memref<!tpu.dma_semaphore, #tpu.memory_space<semaphore_mem>>)
      %dma_wait3A = arith.constant 0 : i32
      %dma_wait3A_79 = tpu.memref_slice %arg5[%arg0, %mul3A_67, %dma_wait3A] : memref<2x10000x80xf32, #tpu.memory_space<hbm>> -> memref<1x80x80xf32, #tpu.memory_space<hbm>>
      %dma_wait3A_80 = tpu.memref_squeeze %dma_wait3A_79 : memref<1x80x80xf32, #tpu.memory_space<hbm>> -> memref<80x80xf32, #tpu.memory_space<hbm>>
      %dma_wait3A_81 = arith.constant 0 : i32
      %dma_wait3A_82 = tpu.memref_slice %arg8[%mul3A_67, %dma_wait3A_81] : memref<10000x80xf32, #tpu.memory_space<vmem_shared>> -> memref<80x80xf32, #tpu.memory_space<vmem_shared>>
      tpu.wait_dma2 semaphore(%run_scoped3A : memref<!tpu.dma_semaphore, #tpu.memory_space<semaphore_mem>>) src(%dma_wait3A_82 : memref<80x80xf32, #tpu.memory_space<vmem_shared>>) dst(%dma_wait3A_80 : memref<80x80xf32, #tpu.memory_space<hbm>>)
      tpu.yield
    }) : () -> ()
    %add3A_68 = arith.constant 112 : i32
    %add3A_69 = arith.addi %arg1, %add3A_68 : i32
    %lt3A_70 = arith.constant 125 : i32
    %lt3A_71 = arith.cmpi slt, %add3A_69, %lt3A_70 : i32
    %convert_element_type3A_72 = arith.extui %lt3A_71 : i1 to i32
    %cond3A_73 = arith.constant 0 : i32
    %cond3A_74 = arith.cmpi ne, %convert_element_type3A_72, %cond3A_73 : i32
    scf.if %cond3A_74 {
      %mul3A_75 = arith.constant 80 : i32
      %mul3A_76 = arith.muli %add3A_69, %mul3A_75 : i32
      "tpu.region"() ({
        %run_scoped3A = tpu.sem_alloc : memref<!tpu.dma_semaphore, #tpu.memory_space<semaphore_mem>>
        %dma_start3A = arith.constant 0 : i32
        %dma_start3A_77 = tpu.memref_slice %arg5[%arg0, %mul3A_76, %dma_start3A] : memref<2x10000x80xf32, #tpu.memory_space<hbm>> -> memref<1x80x80xf32, #tpu.memory_space<hbm>>
        %dma_start3A_78 = tpu.memref_squeeze %dma_start3A_77 : memref<1x80x80xf32, #tpu.memory_space<hbm>> -> memref<80x80xf32, #tpu.memory_space<hbm>>
        %dma_start3A_79 = arith.constant 0 : i32
        %dma_start3A_80 = tpu.memref_slice %arg8[%mul3A_76, %dma_start3A_79] : memref<10000x80xf32, #tpu.memory_space<vmem_shared>> -> memref<80x80xf32, #tpu.memory_space<vmem_shared>>
        tpu.enqueue_dma source(%dma_start3A_80 : memref<80x80xf32, #tpu.memory_space<vmem_shared>>) target(%dma_start3A_78 : memref<80x80xf32, #tpu.memory_space<hbm>>) target_semaphore(%run_scoped3A : memref<!tpu.dma_semaphore, #tpu.memory_space<semaphore_mem>>)
        %dma_wait3A = arith.constant 0 : i32
        %dma_wait3A_81 = tpu.memref_slice %arg5[%arg0, %mul3A_76, %dma_wait3A] : memref<2x10000x80xf32, #tpu.memory_space<hbm>> -> memref<1x80x80xf32, #tpu.memory_space<hbm>>
        %dma_wait3A_82 = tpu.memref_squeeze %dma_wait3A_81 : memref<1x80x80xf32, #tpu.memory_space<hbm>> -> memref<80x80xf32, #tpu.memory_space<hbm>>
        %dma_wait3A_83 = arith.constant 0 : i32
        %dma_wait3A_84 = tpu.memref_slice %arg8[%mul3A_76, %dma_wait3A_83] : memref<10000x80xf32, #tpu.memory_space<vmem_shared>> -> memref<80x80xf32, #tpu.memory_space<vmem_shared>>
        tpu.wait_dma2 semaphore(%run_scoped3A : memref<!tpu.dma_semaphore, #tpu.memory_space<semaphore_mem>>) src(%dma_wait3A_84 : memref<80x80xf32, #tpu.memory_space<vmem_shared>>) dst(%dma_wait3A_82 : memref<80x80xf32, #tpu.memory_space<hbm>>)
        tpu.yield
      }) : () -> ()
    } else {
    }
    return
  }
}

module attributes {stable_mosaic.version = 14 : i64} {
  func.func @body(%arg0: i32, %arg1: memref<1000x128xf32, #tpu.memory_space<vmem>>, %arg2: memref<128x64xf32, #tpu.memory_space<vmem>>, %arg3: memref<1x64xf32, #tpu.memory_space<vmem>>, %arg4: memref<64x64xf32, #tpu.memory_space<vmem>>, %arg5: memref<64x16xf32, #tpu.memory_space<vmem>>, %arg6: memref<64x16xf32, #tpu.memory_space<vmem>>, %arg7: memref<1000x96xf32, #tpu.memory_space<vmem>>) attributes {dimension_semantics = [#tpu.dimension_semantics<arbitrary>], iteration_bounds = array<i64: 10>, scalar_prefetch = 0 : i64, scratch_operands = 0 : i64, tpu.core_type = #tpu.core_type<tc>, window_params = [{transform_indices = @transform_0, window_bounds = array<i64: 1000, 128>}, {pipeline_mode = #tpu.pipeline_mode<synchronous>, transform_indices = @transform_1, window_bounds = array<i64: 128, 64>}, {pipeline_mode = #tpu.pipeline_mode<synchronous>, transform_indices = @transform_2, window_bounds = array<i64: 1, 64>}, {pipeline_mode = #tpu.pipeline_mode<synchronous>, transform_indices = @transform_3, window_bounds = array<i64: 64, 64>}, {pipeline_mode = #tpu.pipeline_mode<synchronous>, transform_indices = @transform_4, window_bounds = array<i64: 64, 16>}, {pipeline_mode = #tpu.pipeline_mode<synchronous>, transform_indices = @transform_5, window_bounds = array<i64: 64, 16>}, {transform_indices = @transform_6, window_bounds = array<i64: 1000, 96>}]} {
    %get3A = arith.constant 0 : index
    %get3A_0 = arith.constant 0 : index
    %get3A_1 = vector.load %arg1[%get3A, %get3A_0] : memref<1000x128xf32, #tpu.memory_space<vmem>>, vector<1000x128xf32>
    %get3A_2 = arith.constant 0 : index
    %get3A_3 = arith.constant 0 : index
    %get3A_4 = vector.load %arg2[%get3A_2, %get3A_3] : memref<128x64xf32, #tpu.memory_space<vmem>>, vector<128x64xf32>
    %dot_general3A = arith.constant dense<0.000000e+00> : vector<1000x64xf32>
    %dot_general3A_5 = tpu.matmul %get3A_1, %get3A_4, %dot_general3A {dimension_numbers = #tpu.dot_dimension_numbers<[1], [0], [0], [1], [0, 0, 1, 1], [], []>, transpose_lhs_hint = false} : vector<1000x128xf32>, vector<128x64xf32>, vector<1000x64xf32> -> vector<1000x64xf32>
    %get3A_6 = arith.constant 0 : index
    %get3A_7 = arith.constant 0 : index
    %get3A_8 = vector.load %arg3[%get3A_6, %get3A_7] : memref<1x64xf32, #tpu.memory_space<vmem>>, vector<1x64xf32>
    %add3A = vector.broadcast %get3A_8 : vector<1x64xf32> to vector<1000x64xf32>
    %add3A_9 = arith.addf %dot_general3A_5, %add3A : vector<1000x64xf32>
    %get3A_10 = arith.constant 0 : index
    %get3A_11 = arith.constant 0 : index
    %get3A_12 = vector.load %arg4[%get3A_10, %get3A_11] : memref<64x64xf32, #tpu.memory_space<vmem>>, vector<64x64xf32>
    %dot_general3A_13 = arith.constant dense<0.000000e+00> : vector<1000x64xf32>
    %dot_general3A_14 = tpu.matmul %add3A_9, %get3A_12, %dot_general3A_13 {dimension_numbers = #tpu.dot_dimension_numbers<[1], [0], [0], [1], [0, 0, 1, 1], [], []>, transpose_lhs_hint = false} : vector<1000x64xf32>, vector<64x64xf32>, vector<1000x64xf32> -> vector<1000x64xf32>
    %get3A_15 = arith.constant 0 : index
    %get3A_16 = arith.constant 0 : index
    %get3A_17 = vector.load %arg5[%get3A_15, %get3A_16] : memref<64x16xf32, #tpu.memory_space<vmem>>, vector<64x16xf32>
    %dot_general3A_18 = arith.constant dense<0.000000e+00> : vector<1000x16xf32>
    %dot_general3A_19 = tpu.matmul %dot_general3A_14, %get3A_17, %dot_general3A_18 {dimension_numbers = #tpu.dot_dimension_numbers<[1], [0], [0], [1], [0, 0, 1, 1], [], []>, transpose_lhs_hint = false} : vector<1000x64xf32>, vector<64x16xf32>, vector<1000x16xf32> -> vector<1000x16xf32>
    %get3A_20 = arith.constant 0 : index
    %get3A_21 = arith.constant 0 : index
    %get3A_22 = vector.load %arg6[%get3A_20, %get3A_21] : memref<64x16xf32, #tpu.memory_space<vmem>>, vector<64x16xf32>
    %dot_general3A_23 = arith.constant dense<0.000000e+00> : vector<1000x16xf32>
    %dot_general3A_24 = tpu.matmul %dot_general3A_14, %get3A_22, %dot_general3A_23 {dimension_numbers = #tpu.dot_dimension_numbers<[1], [0], [0], [1], [0, 0, 1, 1], [], []>, transpose_lhs_hint = false} : vector<1000x64xf32>, vector<64x16xf32>, vector<1000x16xf32> -> vector<1000x16xf32>
    %concatenate3A = tpu.concatenate %dot_general3A_14, %dot_general3A_19, %dot_general3A_24 in 1 : vector<1000x64xf32>, vector<1000x16xf32>, vector<1000x16xf32> -> vector<1000x96xf32>
    %swap3A = arith.constant 0 : index
    %swap3A_25 = arith.constant 0 : index
    %swap3A_26 = vector.load %arg7[%swap3A, %swap3A_25] : memref<1000x96xf32, #tpu.memory_space<vmem>>, vector<1000x96xf32>
    tpu.vector_store %arg7[%swap3A, %swap3A_25], %concatenate3A {strides = array<i32>} : memref<1000x96xf32, #tpu.memory_space<vmem>>, vector<1000x96xf32>,
    return
  }
  func.func @transform_0(%arg0: i32) -> (i32, i32) {
    %c0_i32 = arith.constant 0 : i32
    %c0_i32_0 = arith.constant 0 : i32
    return %arg0, %c0_i32 : i32, i32
  }
  func.func @transform_1(%arg0: i32) -> (i32, i32) {
    %c0_i32 = arith.constant 0 : i32
    %c0_i32_0 = arith.constant 0 : i32
    %c0_i32_1 = arith.constant 0 : i32
    return %c0_i32, %c0_i32_0 : i32, i32
  }
  func.func @transform_2(%arg0: i32) -> (i32, i32) {
    %c0_i32 = arith.constant 0 : i32
    %c0_i32_0 = arith.constant 0 : i32
    %c0_i32_1 = arith.constant 0 : i32
    return %c0_i32, %c0_i32_0 : i32, i32
  }
  func.func @transform_3(%arg0: i32) -> (i32, i32) {
    %c0_i32 = arith.constant 0 : i32
    %c0_i32_0 = arith.constant 0 : i32
    %c0_i32_1 = arith.constant 0 : i32
    return %c0_i32, %c0_i32_0 : i32, i32
  }
  func.func @transform_4(%arg0: i32) -> (i32, i32) {
    %c0_i32 = arith.constant 0 : i32
    %c0_i32_0 = arith.constant 0 : i32
    %c0_i32_1 = arith.constant 0 : i32
    return %c0_i32, %c0_i32_0 : i32, i32
  }
  func.func @transform_5(%arg0: i32) -> (i32, i32) {
    %c0_i32 = arith.constant 0 : i32
    %c0_i32_0 = arith.constant 0 : i32
    %c0_i32_1 = arith.constant 0 : i32
    return %c0_i32, %c0_i32_0 : i32, i32
  }
  func.func @transform_6(%arg0: i32) -> (i32, i32) {
    %c0_i32 = arith.constant 0 : i32
    %c0_i32_0 = arith.constant 0 : i32
    return %arg0, %c0_i32 : i32, i32
  }
}

module attributes {stable_mosaic.version = 14 : i64} {
  func.func @body(%arg0: i32, %arg1: memref<4000x16xf32, #tpu.memory_space<vmem>>, %arg2: memref<16x64xf32, #tpu.memory_space<vmem>>, %arg3: memref<4000x64xf32, #tpu.memory_space<vmem>>) attributes {dimension_semantics = [#tpu.dimension_semantics<arbitrary>], iteration_bounds = array<i64: 80>, scalar_prefetch = 0 : i64, scratch_operands = 0 : i64, tpu.core_type = #tpu.core_type<tc>, window_params = [{transform_indices = @transform_0, window_bounds = array<i64: 4000, 16>}, {pipeline_mode = #tpu.pipeline_mode<synchronous>, transform_indices = @transform_1, window_bounds = array<i64: 16, 64>}, {transform_indices = @transform_2, window_bounds = array<i64: 4000, 64>}]} {
    %get3A = arith.constant 0 : index
    %get3A_0 = arith.constant 0 : index
    %get3A_1 = vector.load %arg1[%get3A, %get3A_0] : memref<4000x16xf32, #tpu.memory_space<vmem>>, vector<4000x16xf32>
    %get3A_2 = arith.constant 0 : index
    %get3A_3 = arith.constant 0 : index
    %get3A_4 = vector.load %arg2[%get3A_2, %get3A_3] : memref<16x64xf32, #tpu.memory_space<vmem>>, vector<16x64xf32>
    %dot_general3A = arith.constant dense<0.000000e+00> : vector<4000x64xf32>
    %dot_general3A_5 = tpu.matmul %get3A_1, %get3A_4, %dot_general3A {dimension_numbers = #tpu.dot_dimension_numbers<[1], [0], [0], [1], [0, 0, 1, 1], [], []>, transpose_lhs_hint = false} : vector<4000x16xf32>, vector<16x64xf32>, vector<4000x64xf32> -> vector<4000x64xf32>
    %swap3A = arith.constant 0 : index
    %swap3A_6 = arith.constant 0 : index
    %swap3A_7 = vector.load %arg3[%swap3A, %swap3A_6] : memref<4000x64xf32, #tpu.memory_space<vmem>>, vector<4000x64xf32>
    tpu.vector_store %arg3[%swap3A, %swap3A_6], %dot_general3A_5 {strides = array<i32>} : memref<4000x64xf32, #tpu.memory_space<vmem>>, vector<4000x64xf32>,
    return
  }
  func.func @transform_0(%arg0: i32) -> (i32, i32) {
    %c0_i32 = arith.constant 0 : i32
    %c0_i32_0 = arith.constant 0 : i32
    return %arg0, %c0_i32 : i32, i32
  }
  func.func @transform_1(%arg0: i32) -> (i32, i32) {
    %c0_i32 = arith.constant 0 : i32
    %c0_i32_0 = arith.constant 0 : i32
    %c0_i32_1 = arith.constant 0 : i32
    return %c0_i32, %c0_i32_0 : i32, i32
  }
  func.func @transform_2(%arg0: i32) -> (i32, i32) {
    %c0_i32 = arith.constant 0 : i32
    %c0_i32_0 = arith.constant 0 : i32
    return %arg0, %c0_i32 : i32, i32
  }
}

module attributes {stable_mosaic.version = 14 : i64} {
  func.func @body(%arg0: i32, %arg1: memref<4000x96xf32, #tpu.memory_space<vmem>>, %arg2: memref<4000x96xf32, #tpu.memory_space<vmem>>, %arg3: memref<4000x16xf32, #tpu.memory_space<vmem>>, %arg4: memref<16x64xf32, #tpu.memory_space<vmem>>, %arg5: memref<4000x80xf32, #tpu.memory_space<vmem>>) attributes {dimension_semantics = [#tpu.dimension_semantics<arbitrary>], iteration_bounds = array<i64: 80>, scalar_prefetch = 0 : i64, scratch_operands = 0 : i64, tpu.core_type = #tpu.core_type<tc>, window_params = [{transform_indices = @transform_0, window_bounds = array<i64: 4000, 96>}, {transform_indices = @transform_1, window_bounds = array<i64: 4000, 96>}, {transform_indices = @transform_2, window_bounds = array<i64: 4000, 16>}, {pipeline_mode = #tpu.pipeline_mode<synchronous>, transform_indices = @transform_3, window_bounds = array<i64: 16, 64>}, {transform_indices = @transform_4, window_bounds = array<i64: 4000, 80>}]} {
    %get3A = arith.constant 0 : index
    %get3A_0 = arith.constant 64 : index
    %get3A_1 = vector.load %arg1[%get3A, %get3A_0] : memref<4000x96xf32, #tpu.memory_space<vmem>>, vector<4000x16xf32>
    %get3A_2 = arith.constant 0 : index
    %get3A_3 = arith.constant 80 : index
    %get3A_4 = vector.load %arg2[%get3A_2, %get3A_3] : memref<4000x96xf32, #tpu.memory_space<vmem>>, vector<4000x16xf32>
    %add3A = arith.addf %get3A_1, %get3A_4 : vector<4000x16xf32>
    %get3A_5 = arith.constant 0 : index
    %get3A_6 = arith.constant 0 : index
    %get3A_7 = vector.load %arg3[%get3A_5, %get3A_6] : memref<4000x16xf32, #tpu.memory_space<vmem>>, vector<4000x16xf32>
    %add3A_8 = arith.addf %add3A, %get3A_7 : vector<4000x16xf32>
    %gt3A = arith.constant 0.000000e+00 : f32
    %gt3A_9 = vector.broadcast %gt3A : f32 to vector<4000x16xf32>
    %gt3A_10 = arith.cmpf ogt, %add3A_8, %gt3A_9 : vector<4000x16xf32>
    %mul3A = arith.constant 2.000000e-01 : f32
    %mul3A_11 = vector.broadcast %mul3A : f32 to vector<4000x16xf32>
    %mul3A_12 = arith.mulf %mul3A_11, %add3A_8 : vector<4000x16xf32>
    %select_n3A = arith.select %gt3A_10, %add3A_8, %mul3A_12 : vector<4000x16xi1>, vector<4000x16xf32>
    %exp3A = math.exp %select_n3A : vector<4000x16xf32>
    %get3A_13 = arith.constant 0 : index
    %get3A_14 = arith.constant 0 : index
    %get3A_15 = vector.load %arg4[%get3A_13, %get3A_14] : memref<16x64xf32, #tpu.memory_space<vmem>>, vector<16x64xf32>
    %dot_general3A = arith.constant dense<0.000000e+00> : vector<4000x64xf32>
    %dot_general3A_16 = tpu.matmul %exp3A, %get3A_15, %dot_general3A {dimension_numbers = #tpu.dot_dimension_numbers<[1], [0], [0], [1], [0, 0, 1, 1], [], []>, transpose_lhs_hint = false} : vector<4000x16xf32>, vector<16x64xf32>, vector<4000x64xf32> -> vector<4000x64xf32>
    %get3A_17 = arith.constant 0 : index
    %get3A_18 = arith.constant 0 : index
    %get3A_19 = vector.load %arg1[%get3A_17, %get3A_18] : memref<4000x96xf32, #tpu.memory_space<vmem>>, vector<4000x64xf32>
    %mul3A_20 = arith.mulf %get3A_19, %dot_general3A_16 : vector<4000x64xf32>
    %concatenate3A = tpu.concatenate %mul3A_20, %exp3A in 1 : vector<4000x64xf32>, vector<4000x16xf32> -> vector<4000x80xf32>
    %swap3A = arith.constant 0 : index
    %swap3A_21 = arith.constant 0 : index
    %swap3A_22 = vector.load %arg5[%swap3A, %swap3A_21] : memref<4000x80xf32, #tpu.memory_space<vmem>>, vector<4000x80xf32>
    tpu.vector_store %arg5[%swap3A, %swap3A_21], %concatenate3A {strides = array<i32>} : memref<4000x80xf32, #tpu.memory_space<vmem>>, vector<4000x80xf32>,
    return
  }
  func.func @transform_0(%arg0: i32) -> (i32, i32) {
    %c0_i32 = arith.constant 0 : i32
    %c0_i32_0 = arith.constant 0 : i32
    return %arg0, %c0_i32 : i32, i32
  }
  func.func @transform_1(%arg0: i32) -> (i32, i32) {
    %c0_i32 = arith.constant 0 : i32
    %c0_i32_0 = arith.constant 0 : i32
    return %arg0, %c0_i32 : i32, i32
  }
  func.func @transform_2(%arg0: i32) -> (i32, i32) {
    %c0_i32 = arith.constant 0 : i32
    %c0_i32_0 = arith.constant 0 : i32
    return %arg0, %c0_i32 : i32, i32
  }
  func.func @transform_3(%arg0: i32) -> (i32, i32) {
    %c0_i32 = arith.constant 0 : i32
    %c0_i32_0 = arith.constant 0 : i32
    %c0_i32_1 = arith.constant 0 : i32
    return %c0_i32, %c0_i32_0 : i32, i32
  }
  func.func @transform_4(%arg0: i32) -> (i32, i32) {
    %c0_i32 = arith.constant 0 : i32
    %c0_i32_0 = arith.constant 0 : i32
    return %arg0, %c0_i32 : i32, i32
  }
}

module attributes {stable_mosaic.version = 14 : i64} {
  func.func @body(%arg0: i32, %arg1: memref<1000x80xf32, #tpu.memory_space<vmem>>, %arg2: memref<1000x80xf32, #tpu.memory_space<vmem>>, %arg3: memref<16x64xf32, #tpu.memory_space<vmem>>, %arg4: memref<1x64xf32, #tpu.memory_space<vmem>>, %arg5: memref<64x64xf32, #tpu.memory_space<vmem>>, %arg6: memref<64x16xf32, #tpu.memory_space<vmem>>, %arg7: memref<64x16xf32, #tpu.memory_space<vmem>>, %arg8: memref<1000x96xf32, #tpu.memory_space<vmem>>) attributes {dimension_semantics = [#tpu.dimension_semantics<arbitrary>], iteration_bounds = array<i64: 10>, scalar_prefetch = 0 : i64, scratch_operands = 0 : i64, tpu.core_type = #tpu.core_type<tc>, window_params = [{transform_indices = @transform_0, window_bounds = array<i64: 1000, 80>}, {transform_indices = @transform_1, window_bounds = array<i64: 1000, 80>}, {pipeline_mode = #tpu.pipeline_mode<synchronous>, transform_indices = @transform_2, window_bounds = array<i64: 16, 64>}, {pipeline_mode = #tpu.pipeline_mode<synchronous>, transform_indices = @transform_3, window_bounds = array<i64: 1, 64>}, {pipeline_mode = #tpu.pipeline_mode<synchronous>, transform_indices = @transform_4, window_bounds = array<i64: 64, 64>}, {pipeline_mode = #tpu.pipeline_mode<synchronous>, transform_indices = @transform_5, window_bounds = array<i64: 64, 16>}, {pipeline_mode = #tpu.pipeline_mode<synchronous>, transform_indices = @transform_6, window_bounds = array<i64: 64, 16>}, {transform_indices = @transform_7, window_bounds = array<i64: 1000, 96>}]} {
    %get3A = arith.constant 0 : index
    %get3A_0 = arith.constant 0 : index
    %get3A_1 = vector.load %arg1[%get3A, %get3A_0] : memref<1000x80xf32, #tpu.memory_space<vmem>>, vector<1000x64xf32>
    %get3A_2 = arith.constant 0 : index
    %get3A_3 = arith.constant 0 : index
    %get3A_4 = vector.load %arg2[%get3A_2, %get3A_3] : memref<1000x80xf32, #tpu.memory_space<vmem>>, vector<1000x64xf32>
    %get3A_5 = arith.constant 0 : index
    %get3A_6 = arith.constant 64 : index
    %get3A_7 = vector.load %arg1[%get3A_5, %get3A_6] : memref<1000x80xf32, #tpu.memory_space<vmem>>, vector<1000x16xf32>
    %get3A_8 = arith.constant 0 : index
    %get3A_9 = arith.constant 64 : index
    %get3A_10 = vector.load %arg2[%get3A_8, %get3A_9] : memref<1000x80xf32, #tpu.memory_space<vmem>>, vector<1000x16xf32>
    %add3A = arith.addf %get3A_7, %get3A_10 : vector<1000x16xf32>
    %add3A_11 = arith.constant 1.000000e-16 : f32
    %add3A_12 = vector.broadcast %add3A_11 : f32 to vector<1000x16xf32>
    %add3A_13 = arith.addf %add3A, %add3A_12 : vector<1000x16xf32>
    %div3A = arith.constant 1.000000e+00 : f32
    %div3A_14 = vector.broadcast %div3A : f32 to vector<1000x16xf32>
    %div3A_15 = arith.divf %div3A_14, %add3A_13 : vector<1000x16xf32>
    %get3A_16 = arith.constant 0 : index
    %get3A_17 = arith.constant 0 : index
    %get3A_18 = vector.load %arg3[%get3A_16, %get3A_17] : memref<16x64xf32, #tpu.memory_space<vmem>>, vector<16x64xf32>
    %dot_general3A = arith.constant dense<0.000000e+00> : vector<1000x64xf32>
    %dot_general3A_19 = tpu.matmul %div3A_15, %get3A_18, %dot_general3A {dimension_numbers = #tpu.dot_dimension_numbers<[1], [0], [0], [1], [0, 0, 1, 1], [], []>, transpose_lhs_hint = false} : vector<1000x16xf32>, vector<16x64xf32>, vector<1000x64xf32> -> vector<1000x64xf32>
    %add3A_20 = arith.addf %get3A_1, %get3A_4 : vector<1000x64xf32>
    %mul3A = arith.mulf %add3A_20, %dot_general3A_19 : vector<1000x64xf32>
    %get3A_21 = arith.constant 0 : index
    %get3A_22 = arith.constant 0 : index
    %get3A_23 = vector.load %arg4[%get3A_21, %get3A_22] : memref<1x64xf32, #tpu.memory_space<vmem>>, vector<1x64xf32>
    %add3A_24 = vector.broadcast %get3A_23 : vector<1x64xf32> to vector<1000x64xf32>
    %add3A_25 = arith.addf %mul3A, %add3A_24 : vector<1000x64xf32>
    %get3A_26 = arith.constant 0 : index
    %get3A_27 = arith.constant 0 : index
    %get3A_28 = vector.load %arg5[%get3A_26, %get3A_27] : memref<64x64xf32, #tpu.memory_space<vmem>>, vector<64x64xf32>
    %dot_general3A_29 = arith.constant dense<0.000000e+00> : vector<1000x64xf32>
    %dot_general3A_30 = tpu.matmul %add3A_25, %get3A_28, %dot_general3A_29 {dimension_numbers = #tpu.dot_dimension_numbers<[1], [0], [0], [1], [0, 0, 1, 1], [], []>, transpose_lhs_hint = false} : vector<1000x64xf32>, vector<64x64xf32>, vector<1000x64xf32> -> vector<1000x64xf32>
    %get3A_31 = arith.constant 0 : index
    %get3A_32 = arith.constant 0 : index
    %get3A_33 = vector.load %arg6[%get3A_31, %get3A_32] : memref<64x16xf32, #tpu.memory_space<vmem>>, vector<64x16xf32>
    %dot_general3A_34 = arith.constant dense<0.000000e+00> : vector<1000x16xf32>
    %dot_general3A_35 = tpu.matmul %dot_general3A_30, %get3A_33, %dot_general3A_34 {dimension_numbers = #tpu.dot_dimension_numbers<[1], [0], [0], [1], [0, 0, 1, 1], [], []>, transpose_lhs_hint = false} : vector<1000x64xf32>, vector<64x16xf32>, vector<1000x16xf32> -> vector<1000x16xf32>
    %get3A_36 = arith.constant 0 : index
    %get3A_37 = arith.constant 0 : index
    %get3A_38 = vector.load %arg7[%get3A_36, %get3A_37] : memref<64x16xf32, #tpu.memory_space<vmem>>, vector<64x16xf32>
    %dot_general3A_39 = arith.constant dense<0.000000e+00> : vector<1000x16xf32>
    %dot_general3A_40 = tpu.matmul %dot_general3A_30, %get3A_38, %dot_general3A_39 {dimension_numbers = #tpu.dot_dimension_numbers<[1], [0], [0], [1], [0, 0, 1, 1], [], []>, transpose_lhs_hint = false} : vector<1000x64xf32>, vector<64x16xf32>, vector<1000x16xf32> -> vector<1000x16xf32>
    %concatenate3A = tpu.concatenate %dot_general3A_30, %dot_general3A_35, %dot_general3A_40 in 1 : vector<1000x64xf32>, vector<1000x16xf32>, vector<1000x16xf32> -> vector<1000x96xf32>
    %swap3A = arith.constant 0 : index
    %swap3A_41 = arith.constant 0 : index
    %swap3A_42 = vector.load %arg8[%swap3A, %swap3A_41] : memref<1000x96xf32, #tpu.memory_space<vmem>>, vector<1000x96xf32>
    tpu.vector_store %arg8[%swap3A, %swap3A_41], %concatenate3A {strides = array<i32>} : memref<1000x96xf32, #tpu.memory_space<vmem>>, vector<1000x96xf32>,
    return
  }
  func.func @transform_0(%arg0: i32) -> (i32, i32) {
    %c0_i32 = arith.constant 0 : i32
    %c0_i32_0 = arith.constant 0 : i32
    return %arg0, %c0_i32 : i32, i32
  }
  func.func @transform_1(%arg0: i32) -> (i32, i32) {
    %c0_i32 = arith.constant 0 : i32
    %c0_i32_0 = arith.constant 0 : i32
    return %arg0, %c0_i32 : i32, i32
  }
  func.func @transform_2(%arg0: i32) -> (i32, i32) {
    %c0_i32 = arith.constant 0 : i32
    %c0_i32_0 = arith.constant 0 : i32
    %c0_i32_1 = arith.constant 0 : i32
    return %c0_i32, %c0_i32_0 : i32, i32
  }
  func.func @transform_3(%arg0: i32) -> (i32, i32) {
    %c0_i32 = arith.constant 0 : i32
    %c0_i32_0 = arith.constant 0 : i32
    %c0_i32_1 = arith.constant 0 : i32
    return %c0_i32, %c0_i32_0 : i32, i32
  }
  func.func @transform_4(%arg0: i32) -> (i32, i32) {
    %c0_i32 = arith.constant 0 : i32
    %c0_i32_0 = arith.constant 0 : i32
    %c0_i32_1 = arith.constant 0 : i32
    return %c0_i32, %c0_i32_0 : i32, i32
  }
  func.func @transform_5(%arg0: i32) -> (i32, i32) {
    %c0_i32 = arith.constant 0 : i32
    %c0_i32_0 = arith.constant 0 : i32
    %c0_i32_1 = arith.constant 0 : i32
    return %c0_i32, %c0_i32_0 : i32, i32
  }
  func.func @transform_6(%arg0: i32) -> (i32, i32) {
    %c0_i32 = arith.constant 0 : i32
    %c0_i32_0 = arith.constant 0 : i32
    %c0_i32_1 = arith.constant 0 : i32
    return %c0_i32, %c0_i32_0 : i32, i32
  }
  func.func @transform_7(%arg0: i32) -> (i32, i32) {
    %c0_i32 = arith.constant 0 : i32
    %c0_i32_0 = arith.constant 0 : i32
    return %arg0, %c0_i32 : i32, i32
  }
}

module attributes {stable_mosaic.version = 14 : i64} {
  func.func @body(%arg0: i32, %arg1: memref<1000x80xf32, #tpu.memory_space<vmem>>, %arg2: memref<1000x80xf32, #tpu.memory_space<vmem>>, %arg3: memref<16x64xf32, #tpu.memory_space<vmem>>, %arg4: memref<1x64xf32, #tpu.memory_space<vmem>>, %arg5: memref<64x8xf32, #tpu.memory_space<vmem>>, %arg6: memref<1x8xf32, #tpu.memory_space<vmem>>, %arg7: memref<1000x8xf32, #tpu.memory_space<vmem>>) attributes {dimension_semantics = [#tpu.dimension_semantics<arbitrary>], iteration_bounds = array<i64: 10>, scalar_prefetch = 0 : i64, scratch_operands = 0 : i64, tpu.core_type = #tpu.core_type<tc>, window_params = [{transform_indices = @transform_0, window_bounds = array<i64: 1000, 80>}, {transform_indices = @transform_1, window_bounds = array<i64: 1000, 80>}, {pipeline_mode = #tpu.pipeline_mode<synchronous>, transform_indices = @transform_2, window_bounds = array<i64: 16, 64>}, {pipeline_mode = #tpu.pipeline_mode<synchronous>, transform_indices = @transform_3, window_bounds = array<i64: 1, 64>}, {pipeline_mode = #tpu.pipeline_mode<synchronous>, transform_indices = @transform_4, window_bounds = array<i64: 64, 8>}, {pipeline_mode = #tpu.pipeline_mode<synchronous>, transform_indices = @transform_5, window_bounds = array<i64: 1, 8>}, {transform_indices = @transform_6, window_bounds = array<i64: 1000, 8>}]} {
    %get3A = arith.constant 0 : index
    %get3A_0 = arith.constant 64 : index
    %get3A_1 = vector.load %arg1[%get3A, %get3A_0] : memref<1000x80xf32, #tpu.memory_space<vmem>>, vector<1000x16xf32>
    %get3A_2 = arith.constant 0 : index
    %get3A_3 = arith.constant 64 : index
    %get3A_4 = vector.load %arg2[%get3A_2, %get3A_3] : memref<1000x80xf32, #tpu.memory_space<vmem>>, vector<1000x16xf32>
    %add3A = arith.addf %get3A_1, %get3A_4 : vector<1000x16xf32>
    %add3A_5 = arith.constant 1.000000e-16 : f32
    %add3A_6 = vector.broadcast %add3A_5 : f32 to vector<1000x16xf32>
    %add3A_7 = arith.addf %add3A, %add3A_6 : vector<1000x16xf32>
    %div3A = arith.constant 1.000000e+00 : f32
    %div3A_8 = vector.broadcast %div3A : f32 to vector<1000x16xf32>
    %div3A_9 = arith.divf %div3A_8, %add3A_7 : vector<1000x16xf32>
    %get3A_10 = arith.constant 0 : index
    %get3A_11 = arith.constant 0 : index
    %get3A_12 = vector.load %arg3[%get3A_10, %get3A_11] : memref<16x64xf32, #tpu.memory_space<vmem>>, vector<16x64xf32>
    %dot_general3A = arith.constant dense<0.000000e+00> : vector<1000x64xf32>
    %dot_general3A_13 = tpu.matmul %div3A_9, %get3A_12, %dot_general3A {dimension_numbers = #tpu.dot_dimension_numbers<[1], [0], [0], [1], [0, 0, 1, 1], [], []>, transpose_lhs_hint = false} : vector<1000x16xf32>, vector<16x64xf32>, vector<1000x64xf32> -> vector<1000x64xf32>
    %get3A_14 = arith.constant 0 : index
    %get3A_15 = arith.constant 0 : index
    %get3A_16 = vector.load %arg1[%get3A_14, %get3A_15] : memref<1000x80xf32, #tpu.memory_space<vmem>>, vector<1000x64xf32>
    %get3A_17 = arith.constant 0 : index
    %get3A_18 = arith.constant 0 : index
    %get3A_19 = vector.load %arg2[%get3A_17, %get3A_18] : memref<1000x80xf32, #tpu.memory_space<vmem>>, vector<1000x64xf32>
    %add3A_20 = arith.addf %get3A_16, %get3A_19 : vector<1000x64xf32>
    %mul3A = arith.mulf %add3A_20, %dot_general3A_13 : vector<1000x64xf32>
    %get3A_21 = arith.constant 0 : index
    %get3A_22 = arith.constant 0 : index
    %get3A_23 = vector.load %arg4[%get3A_21, %get3A_22] : memref<1x64xf32, #tpu.memory_space<vmem>>, vector<1x64xf32>
    %add3A_24 = vector.broadcast %get3A_23 : vector<1x64xf32> to vector<1000x64xf32>
    %add3A_25 = arith.addf %mul3A, %add3A_24 : vector<1000x64xf32>
    %get3A_26 = arith.constant 0 : index
    %get3A_27 = arith.constant 0 : index
    %get3A_28 = vector.load %arg5[%get3A_26, %get3A_27] : memref<64x8xf32, #tpu.memory_space<vmem>>, vector<64x8xf32>
    %dot_general3A_29 = arith.constant dense<0.000000e+00> : vector<1000x8xf32>
    %dot_general3A_30 = tpu.matmul %add3A_25, %get3A_28, %dot_general3A_29 {dimension_numbers = #tpu.dot_dimension_numbers<[1], [0], [0], [1], [0, 0, 1, 1], [], []>, transpose_lhs_hint = false} : vector<1000x64xf32>, vector<64x8xf32>, vector<1000x8xf32> -> vector<1000x8xf32>
    %get3A_31 = arith.constant 0 : index
    %get3A_32 = arith.constant 0 : index
    %get3A_33 = vector.load %arg6[%get3A_31, %get3A_32] : memref<1x8xf32, #tpu.memory_space<vmem>>, vector<1x8xf32>
    %add3A_34 = vector.broadcast %get3A_33 : vector<1x8xf32> to vector<1000x8xf32>
    %add3A_35 = arith.addf %dot_general3A_30, %add3A_34 : vector<1000x8xf32>
    %swap3A = arith.constant 0 : index
    %swap3A_36 = arith.constant 0 : index
    %swap3A_37 = vector.load %arg7[%swap3A, %swap3A_36] : memref<1000x8xf32, #tpu.memory_space<vmem>>, vector<1000x8xf32>
    tpu.vector_store %arg7[%swap3A, %swap3A_36], %add3A_35 {strides = array<i32>} : memref<1000x8xf32, #tpu.memory_space<vmem>>, vector<1000x8xf32>,
    return
  }
  func.func @transform_0(%arg0: i32) -> (i32, i32) {
    %c0_i32 = arith.constant 0 : i32
    %c0_i32_0 = arith.constant 0 : i32
    return %arg0, %c0_i32 : i32, i32
  }
  func.func @transform_1(%arg0: i32) -> (i32, i32) {
    %c0_i32 = arith.constant 0 : i32
    %c0_i32_0 = arith.constant 0 : i32
    return %arg0, %c0_i32 : i32, i32
  }
  func.func @transform_2(%arg0: i32) -> (i32, i32) {
    %c0_i32 = arith.constant 0 : i32
    %c0_i32_0 = arith.constant 0 : i32
    %c0_i32_1 = arith.constant 0 : i32
    return %c0_i32, %c0_i32_0 : i32, i32
  }
  func.func @transform_3(%arg0: i32) -> (i32, i32) {
    %c0_i32 = arith.constant 0 : i32
    %c0_i32_0 = arith.constant 0 : i32
    %c0_i32_1 = arith.constant 0 : i32
    return %c0_i32, %c0_i32_0 : i32, i32
  }
  func.func @transform_4(%arg0: i32) -> (i32, i32) {
    %c0_i32 = arith.constant 0 : i32
    %c0_i32_0 = arith.constant 0 : i32
    %c0_i32_1 = arith.constant 0 : i32
    return %c0_i32, %c0_i32_0 : i32, i32
  }
  func.func @transform_5(%arg0: i32) -> (i32, i32) {
    %c0_i32 = arith.constant 0 : i32
    %c0_i32_0 = arith.constant 0 : i32
    %c0_i32_1 = arith.constant 0 : i32
    return %c0_i32, %c0_i32_0 : i32, i32
  }
  func.func @transform_6(%arg0: i32) -> (i32, i32) {
    %c0_i32 = arith.constant 0 : i32
    %c0_i32_0 = arith.constant 0 : i32
    return %arg0, %c0_i32 : i32, i32
  }
}

</mosaic_0001>

<sc_bundles>
// kernel: kernel.20.cloned.1.call-start
scs
__scs_entry_jumppad:
0x0: {  	(pc) =	sbr.rel $0x88, $3  }
0x1: {  	(tag) =	ssettag $0x0;
	lr =	simm.s32 $0x1  }
0x2: {  	[smem:$0x3F94] =	sst lr;
	_ =	strace $0xD0000000  }
0x3: {  	_ = 	snop  }
0x4: {  	_ = 	snop  }
0x5: {  	_ = 	snop  }
0x6: {  	_ = 	snop  }
0x7: {  	_ = 	snop  }
__scs_overlays_trampoline_lowered:
0x8: {  	[smem:$0x3FA3] =	sst s0  }
0x9: {  	[smem:$0x3FA4] =	sst s1  }
0xa: {  	[smem:$0x3FA5] =	sst s2  }
0xb: {  	[smem:$0x3FA6] =	sst s3  }
0xc: {  	[smem:$0x3FA7] =	sst s4  }
0xd: {  	[smem:$0x3FA8] =	sst s5  }
0xe: {  	[smem:$0x3FA9] =	sst s6  }
0xf: {  	[smem:$0x3FAA] =	sst s7  }
0x10: {  	[smem:$0x3FAB] =	sst s8  }
0x11: {  	[smem:$0x3FAC] =	sst s9;
	s0 =	simm.s32 @!p0 $0x0  }
0x12: {  	s1 =	sld [smem:$0x3F92];
	s0 =	simm.s32 @p0 $0x1  }
0x13: {  	[smem:$0x3FAD] =	sst s0;
	s0 =	simm.s32 @!p1 $0x0  }
0x14: {  	s2 =	sld [smem:$0x3F91];
	s0 =	simm.s32 @p1 $0x1  }
0x15: {  	[smem:$0x3FAE] =	sst s0;
	s0 =	simm.s32 @!p2 $0x0  }
0x16: {  	s3 =	sld [smem:$0x3FDB];
	s0 =	simm.s32 @p2 $0x1  }
0x17: {  	s4 =	simm.s32 $0x1BF5;
	[smem:$0x3FB0] =	sst s0  }
0x18: {  	s0 =	sld [smem:$0x3F93];
	_ =	swait.ge [sflag:s4], $0x0  }
0x19: {  	s7 =	sld [smem:$0x3F94]  }
0x1a: {  	s8 =	sadd.s32 $0xFFFFE003, lr  }
0x1b: {  	s9 =	sadd.s32 $0xFFFFFEF7, lr;
	s5 =	simm.s32 $0xFFFFFFFF;
	p2 =	slt.u32 s8, $0xFFFFF086  }
0x1c: {  	p1 =	slt.u32 s9, $0xF7A;
	s5 =	simm.s32 @!p2 $0x0  }
0x1d: {  	s5 =	simm.s32 @p1 $0x1;
	p0 =	seq.s32 s7, s2  }
0x1e: {  	s7 =	smul.u32 @!p0 $0xF7A, s2;
	p2 =	seq.s32 @!p0 s5, $0x0  }
0x1f: {  	s9 =	smul.u32 $0xF7A, s1;
	s8 =	simm.s32 @!p0 $0x1BF5;
	p2 =	por !p2, p0  }
0x20: {  	[sflag:s8] =	ssyncset.s32 @!p0 $0xFFFFF086;
	s6 =	sadd.s32 @!p0 s3, s7;
	s7 =	simm.s32 @!p0 $0x108  }
0x21: {  	s3 =	sadd.s32 s3, s9;
	s6 =	sadd.s32 @!p0 $0x88, s6;
	s7 =	simm.s32 @p2 $0x1082  }
0x22: {  	[simem:s7], [sflag:s8] =	dma.local @!p0 [hbm:s6], $0xF7A  }
0x23: {  	s9 =	sor.u32 $0xD0000000, s2;
	s6 =	simm.s32 $0x108;
	_ =	swait.ge @!p0 [sflag:s8], $0x0  }
0x24: {  	s3 =	sadd.s32 $0x88, s3;
	s6 =	simm.s32 @!p1 $0x1082;
	[sflag:s4] =	ssyncset.s32 $0xFFFFF086  }
0x25: {  	[simem:s6], [sflag:s4] =	dma.local [hbm:s3], $0xF7A  }
0x26: {  	[smem:$0x3F94] =	sst s1;
	(tag) =	ssettag s2;
	_ =	strace s9  }
0x27: {  	s1 =	sld [smem:$0x3FA4]  }
0x28: {  	s2 =	sld [smem:$0x3FA5]  }
0x29: {  	s4 =	sld [smem:$0x3FA7]  }
0x2a: {  	p0 =	seq.s32 s5, $0x0;
	s5 =	sld [smem:$0x3FA8]  }
0x2b: {  	s6 =	sld [smem:$0x3FA9]  }
0x2c: {  	s7 =	sld [smem:$0x3FAA]  }
0x2d: {  	s3 =	simm.s32 $0x108;
	s8 =	sld [smem:$0x3FAB]  }
0x2e: {  	s3 =	simm.s32 @!p0 $0x1082;
	s9 =	sld [smem:$0x3FAC]  }
0x2f: {  	lr =	sadd.s32 s0, s3;
	s0 =	sld [smem:$0x3FA3]  }
0x30: {  	s3 =	sld [smem:$0x3FA6]  }
0x31: {  	[smem:$0x3FAF] =	sst s10  }
0x32: {  	s10 =	sld [smem:$0x3FAD];
	_ =	sdelay $0x3  }
0x33: {  	p0 =	seq.s32 s10, $0x1;
	s10 =	sld [smem:$0x3FAF];
	_ =	sdelay $0x3  }
0x34: {  	[smem:$0x3FAF] =	sst s10  }
0x35: {  	s10 =	sld [smem:$0x3FAE];
	_ =	sdelay $0x3  }
0x36: {  	p1 =	seq.s32 s10, $0x1;
	s10 =	sld [smem:$0x3FAF];
	_ =	sdelay $0x3  }
0x37: {  	[smem:$0x3FAF] =	sst s10  }
0x38: {  	s10 =	sld [smem:$0x3FB0]  }
0x39: {  	_ = 	snop;
	(pc) =	sbr.ind lr, $3  }
0x3a: {  	_ = 	snop  }
0x3b: {  	_ = 	snop  }
0x3c: {  	p2 =	seq.s32 s10, $0x1;
	s10 =	sld [smem:$0x3FAF]  }
0x3d: {  	_ =	shalt  }
0x3e: {  	_ =	shalt  }
0x3f: {  	_ =	shalt  }
0x40: {  	_ =	shalt  }
0x41: {  	_ =	shalt  }
0x42: {  	_ =	shalt  }
0x43: {  	_ =	shalt  }
0x44: {  	_ =	shalt  }
0x45: {  	_ =	shalt  }
0x46: {  	_ =	shalt  }
0x47: {  	_ =	shalt  }
0x48: {  	_ =	shalt  }
0x49: {  	_ =	shalt  }
0x4a: {  	_ =	shalt  }
0x4b: {  	_ =	shalt  }
0x4c: {  	_ =	shalt  }
0x4d: {  	_ =	shalt  }
0x4e: {  	_ =	shalt  }
0x4f: {  	_ =	shalt  }
0x50: {  	_ =	shalt  }
0x51: {  	_ =	shalt  }
0x52: {  	_ =	shalt  }
0x53: {  	_ =	shalt  }
0x54: {  	_ =	shalt  }
0x55: {  	_ =	shalt  }
0x56: {  	_ =	shalt  }
0x57: {  	_ =	shalt  }
0x58: {  	_ =	shalt  }
0x59: {  	_ =	shalt  }
0x5a: {  	_ =	shalt  }
0x5b: {  	_ =	shalt  }
0x5c: {  	_ =	shalt  }
0x5d: {  	_ =	shalt  }
0x5e: {  	_ =	shalt  }
0x5f: {  	_ =	shalt  }
0x60: {  	_ =	shalt  }
0x61: {  	_ =	shalt  }
0x62: {  	_ =	shalt  }
0x63: {  	_ =	shalt  }
0x64: {  	_ =	shalt  }
0x65: {  	_ =	shalt  }
0x66: {  	_ =	shalt  }
0x67: {  	_ =	shalt  }
0x68: {  	_ =	shalt  }
0x69: {  	_ =	shalt  }
0x6a: {  	_ =	shalt  }
0x6b: {  	_ =	shalt  }
0x6c: {  	_ =	shalt  }
0x6d: {  	_ =	shalt  }
0x6e: {  	_ =	shalt  }
0x6f: {  	_ =	shalt  }
0x70: {  	_ =	shalt  }
0x71: {  	_ =	shalt  }
0x72: {  	_ =	shalt  }
0x73: {  	_ =	shalt  }
0x74: {  	_ =	shalt  }
0x75: {  	_ =	shalt  }
0x76: {  	_ =	shalt  }
0x77: {  	_ =	shalt  }
0x78: {  	_ =	shalt  }
0x79: {  	_ =	shalt  }
0x7a: {  	_ =	shalt  }
0x7b: {  	_ =	shalt  }
0x7c: {  	_ =	shalt  }
0x7d: {  	_ =	shalt  }
0x7e: {  	_ =	shalt  }
0x7f: {  	_ =	shalt  }
0x80: {  	_ =	shalt  }
0x81: {  	_ =	shalt  }
0x82: {  	_ =	shalt  }
0x83: {  	_ =	shalt  }
0x84: {  	_ =	shalt  }
0x85: {  	_ =	shalt  }
0x86: {  	_ =	shalt  }
0x87: {  	_ =	shalt  }
.Lfunc_end0:
.L_simem_size_0:
called_computation_lowered:
.L_overlay_start_0:
0x88: {  	s2 =	sld [smem:$0x3FD9]  }
0x89: {  	s3 =	sld [smem:$0x3FFE];
	_ =	sdelay $0x1  }
0x8a: {  	s1 =	srdreg.scid  }
0x8b: {  	s0 =	sand.u32 $0x1, s1  }
0x8c: {  	s16 =	sshll.u32 s0, $0xA;
	s2 =	sadd.s32 s3, s2  }
0x8d: {  	s2 =	sadd.s32 s2, s16  }
0x8e: {  	[smem:$0x3FBB] =	sst s2  }
0x8f: {  	_ = 	snop  }
0x90: {  	(tm) =	ssettm $0x1  }
0x91: {  	s17 =	sld [smem:$0x3FFB];
	_ =	sdelay $0x3  }
0x92: {  	_ =	strace s17  }
0x93: {  	s2 =	sld [smem:$0x3FFC];
	_ =	sdelay $0x3  }
0x94: {  	_ =	strace s2  }
0x95: {  	s2 =	sld [smem:$0x3FFD];
	_ =	sdelay $0x3  }
0x96: {  	_ =	strace s2  }
0x97: {  	_ =	strace $0x8FFFFFFF  }
0x98: {  	s18 =	sld [smem:$0x3FDB];
	_ =	sdelay $0x1  }
0x99: {  	s19 =	simm.s32 $_scs_section_size  }
0x9a: {  	s4 =	simm.s32 $_size__tile_overlayer_lowered;
	s5 =	simm.s32 $_tile_overlayer_lowered  }
0x9b: {  	s22 =	simm.s32 $0x1BFF;
	s21 =	sshll.u32 s5, $0x1;
	s2 =	sadd.s32 s19, s18  }
0x9c: {  	s6 =	simm.s32 $0x0;
	s20 =	sshll.u32 s4, $0x1;
	s4 =	sadd.s32 s21, s2  }
0x9d: {  	[timem:s6], [sflag:s22] =	dma.local [hbm:s4], s20  }
0x9e: {  	_ =	swait.ge [sflag:s22], s20  }
0x9f: {  	s3 =	ssub.s32 $0x0, s20;
	[sflag:s22] =	ssyncset.done $0x0  }
0xa0: {  	[sflag:s22] =	ssyncadd.s32 s3;
	_ =	sdelay $0x1  }
0xa1: {  	s23 =	simm.s32 $0x1B8B  }
0xa2: {  	_ =	swait.ge [sflag:s23], $0x1  }
0xa3: {  	[sflag:s23] =	ssyncset.done $0x0  }
0xa4: {  	s25 =	simm.s32 $0x1B8E;
	s24 =	sld [smem:$0x3FFE];
	[sflag:s23] =	ssyncadd.s32 $0xFFFFFFFF  }
0xa5: {  	s26 =	simm.s32 $execute0_lowered;
	[smem:$0x3FD2] =	sst s25  }
0xa6: {  	s4 =	sshll.u32 s26, $0x1;
	_ =	strace $0x80000046;
	[dreg:$0x1] =	wrdreg $0xFFFFFFFF  }
0xa7: {  	s28 =	simm.s32 $_size_execute0_lowered;
	s2 =	sadd.s32 s2, s4;
	[dreg:$0x0] =	wrdreg $0x0  }
0xa8: {  	s4 =	sshll.u32 s28, $0x1;
	[dreg:$0x2] =	wrdreg s2  }
0xa9: {  	[dreg:$0x3] =	wrdreg s4  }
0xaa: {  	[dreg:$0x4] =	wrdreg $0xC0  }
0xab: {  	_ =	task [dreg:s6], $0x5FFFF  }
0xac: {  	[dreg:$0x1] =	wrdreg $0xFFFFFFFF  }
0xad: {  	[dreg:$0x0] =	wrdreg $0x60  }
0xae: {  	[dreg:$0x2] =	wrdreg s24  }
0xaf: {  	[dreg:$0x3] =	wrdreg $0x51000  }
0xb0: {  	[dreg:$0x4] =	wrdreg $0x9  }
0xb1: {  	_ =	task.clear_ibuf [dreg:s6], $0x5FFFF;
	_ =	strace $0x90000046  }
0xb2: {  	s29 =	simm.s32 $0x9;
	_ =	strace $0x80000048  }
0xb3: {  	_ =	swait.ge [sflag:s29], $0x1  }
0xb4: {  	[sflag:s29] =	ssyncadd.s32 $0xFFFFFFFF  }
0xb5: {  	_ =	strace $0x90000048  }
0xb6: {  	_ =	sfence  }
0xb7: {  	s30 =	sld [smem:$0x0];
	_ =	sdelay $0x2  }
0xb8: {  	s31 =	sshll.u32 s1, $0xD;
	s1 =	sshrl.u32 s1, $0x2  }
0xb9: {  	s3 =	sand.u32 $0x4000, s31;
	s1 =	sadd.s32 s1, s30  }
0xba: {  	s0 =	sor.u32 s3, s0;
	s1 =	sshll.u32 s1, $0x11  }
0xbb: {  	s0 =	sor.u32 s1, s0  }
0xbc: {  	s0 =	sadd.s32 $0x8F2B, s0  }
0xbd: {  	[sflag:s0] =	ssyncadd.remote.s32 $0x1  }
0xbe: {  	_ =	sfence.sel $0xFFFF  }
0xbf: {  	[dreg:$0x0] =	wrdreg $0xFFFFFFFF;
	(pc) =	sbr.abs _section_cstart, $3  }
0xc0: {  	[dreg:$0x1] =	wrdreg $0xFFFFFFFF  }
0xc1: {  	_ =	task.clear_ibuf [dreg:s6], $0x2FFFF;
	_ =	strace $0x9FFFFFFF  }
0xc2: {  	(tm) =	ssettm $0x7FFFFFFF  }
0xc3: {  	_ =	shalt  }
tec
execute0_lowered:
.L_overlay_start_1:
0x0: {  	(tag) =	ssettag $0x1  }
0x1: {  	s0 =	rddreg [dreg:$0x0]  }
0x2: {  	s1 =	srdreg.scid;
	s19 =	stileid.u32  }
0x3: {  	s2 =	rddreg [dreg:$0x1];
	s3 =	simm.s32 $0x0;
	s5 =	smul.u32 $0x2710, s19  }
0x4: {  	s28 =	simm.s32 $0x80;
	s29 =	simm.s32 $0x50;
	s7 =	smul.u32 $0xA000, s19  }
0x5: {  	s30 =	simm.s32 $0x100;
	s31 =	simm.s32 $0x2900;
	s8 =	smul.u32 $0x50, s19  }
0x6: {  	s1 =	sand.u32 $0x1, s1;
	[smem:$0x7FF] =	sst s3;
	s25 =	smul.u32 $0x500, s19  }
0x7: {  	s6 =	sadd.s32 $0x1C800, s0;
	s26 =	sshll.u32 s19, $0x6;
	s4 =	smul.u32 $0x27100, s1  }
0x8: {  	p0 =	sgt.u32 s19, $0xC;
	s22 =	smul.u32 $0x271000, s1;
	s1 =	ssub.s32 $0x2, s1  }
0x9: {  	_ =	strace $0x80000047;
	s23 =	sshrl.u32 s1, $0x1;
	s24 =	sshrl.u32 s7, $0x2  }
0xa: {  	s9 =	sadd.s32 $0x500, s8;
	s7 =	sadd.s32 s6, s25;
	s13 =	sadd.s32 $0xF00, s8  }
0xb: {  	s17 =	sadd.s32 $0x1900, s8;
	s4 =	sadd.s32 s5, s4;
	s1 =	ssub.s32 s1, s23  }
0xc: {  	s18 =	sadd.s32 s24, s2;
	[dreg:$0x3] =	wrdreg s7;
	s5 =	sor.u32 $0x1C02, s26  }
0xd: {  	s10 =	sshll.u32 s9, $0x7;
	s9 =	sshll.u32 s9, $0x4;
	s14 =	sshll.u32 s13, $0x7  }
0xe: {  	s23 =	sshll.u32 s17, $0x7;
	s4 =	sshrl.u32 s4, $0x3;
	s7 =	sadd.s32 s10, s2  }
0xf: {  	s10 =	sadd.s32 $0xA00, s8;
	s9 =	sadd.s32 s6, s9;
	s21 =	sadd.s32 s14, s2  }
0x10: {  	s23 =	sadd.s32 s23, s2;
	s14 =	smul.u32 $0x27100, s19;
	s18 =	sshrl.u32 s18, $0x3  }
0x11: {  	s4 =	sadd.s32 s4, s0;
	s0 =	sadd.s32 s22, s0;
	[dreg:$0x4] =	wrdreg s9  }
0x12: {  	s11 =	sshll.u32 s10, $0x7;
	s10 =	sshll.u32 s10, $0x4;
	s9 =	sshll.u32 s13, $0x4  }
0x13: {  	s21 =	sshrl.u32 s21, $0x3;
	s23 =	sshrl.u32 s23, $0x3;
	s20 =	sadd.s32 s11, s2  }
0x14: {  	s12 =	sadd.s32 s6, s10;
	s11 =	sadd.s32 $0x1400, s8;
	s9 =	sadd.s32 s6, s9  }
0x15: {  	s10 =	sshll.u32 s17, $0x4;
	s8 =	sadd.s32 $0x1E00, s8;
	[dreg:$0x5] =	wrdreg s12  }
0x16: {  	s0 =	sadd.s32 s14, s0;
	s17 =	sadd.s32 $0x8C00, s4;
	[dreg:$0x6] =	wrdreg s9  }
0x17: {  	s15 =	sshll.u32 s11, $0x7;
	s16 =	sshll.u32 s11, $0x4;
	s12 =	sor.u32 $0x70, s19  }
0x18: {  	s24 =	sadd.s32 s6, s10;
	s25 =	sshll.u32 s8, $0x7;
	s8 =	sshll.u32 s8, $0x4  }
0x19: {  	s14 =	sadd.s32 $0x43A00, s0;
	s19 =	sshrl.u32 s7, $0x3;
	s20 =	sshrl.u32 s20, $0x3  }
0x1a: {  	s22 =	sadd.s32 s15, s2;
	s9 =	sadd.s32 s6, s16;
	s13 =	smul.u32 $0xA000, s12  }
0x1b: {  	[dreg:$0x8] =	wrdreg s24;
	s12 =	smul.u32 $0x500, s12;
	s24 =	sadd.s32 s25, s2  }
0x1c: {  	s8 =	sadd.s32 s6, s8;
	s15 =	sadd.s32 $0x525A00, s0;
	[dreg:$0x7] =	wrdreg s9  }
0x1d: {  	s16 =	sadd.s32 $0x12A00, s4;
	s0 =	simm.s32 $0x1;
	[dreg:$0x9] =	wrdreg s8  }
0x1e: {  	s22 =	sshrl.u32 s22, $0x3;
	s24 =	sshrl.u32 s24, $0x3;
	s26 =	sshrl.u32 s13, $0x2  }
0x1f: {  	s12 =	sadd.s32 s6, s12;
	s13 =	smax.u32 s1, $0x1;
	s8 =	sadd.s32 s26, s2  }
0x20: {  	s1 =	simm.s32 $0x0;
	s26 =	simm.s32 $0x2;
	s25 =	sshrl.u32 @!p0 s8, $0x3  }
.LBB2_1:
0x21: {  	s4 =	rddreg [dreg:$0x3]  }
0x22: {  	[spmem:s18], [sflag:s5] =	dma.local [hbm:s4], $0x500  }
0x23: {  	_ =	swait.ge [sflag:s26], $0x500  }
0x24: {  	[sflag:s26] =	ssyncset.done $0x0  }
0x25: {  	s10 =	rddreg [dreg:$0x4];
	[sflag:s26] =	ssyncadd.s32 $0xFFFFFB00  }
0x26: {  	[spmem:s19], [sflag:s5] =	dma.local [hbm:s10], $0x500  }
0x27: {  	_ =	swait.ge [sflag:s26], $0x500  }
0x28: {  	[sflag:s26] =	ssyncset.done $0x0  }
0x29: {  	s11 =	rddreg [dreg:$0x5];
	[sflag:s26] =	ssyncadd.s32 $0xFFFFFB00  }
0x2a: {  	[spmem:s20], [sflag:s5] =	dma.local [hbm:s11], $0x500  }
0x2b: {  	_ =	swait.ge [sflag:s26], $0x500  }
0x2c: {  	[sflag:s26] =	ssyncset.done $0x0  }
0x2d: {  	s6 =	rddreg [dreg:$0x6];
	[sflag:s26] =	ssyncadd.s32 $0xFFFFFB00  }
0x2e: {  	[spmem:s21], [sflag:s5] =	dma.local [hbm:s6], $0x500  }
0x2f: {  	_ =	swait.ge [sflag:s26], $0x500  }
0x30: {  	[sflag:s26] =	ssyncset.done $0x0  }
0x31: {  	s7 =	rddreg [dreg:$0x7];
	[sflag:s26] =	ssyncadd.s32 $0xFFFFFB00  }
0x32: {  	[spmem:s22], [sflag:s5] =	dma.local [hbm:s7], $0x500  }
0x33: {  	_ =	swait.ge [sflag:s26], $0x500  }
0x34: {  	[sflag:s26] =	ssyncset.done $0x0  }
0x35: {  	s8 =	rddreg [dreg:$0x8];
	[sflag:s26] =	ssyncadd.s32 $0xFFFFFB00  }
0x36: {  	[spmem:s23], [sflag:s5] =	dma.local [hbm:s8], $0x500  }
0x37: {  	_ =	swait.ge [sflag:s26], $0x500  }
0x38: {  	[sflag:s26] =	ssyncset.done $0x0  }
0x39: {  	s9 =	rddreg [dreg:$0x9];
	[sflag:s26] =	ssyncadd.s32 $0xFFFFFB00  }
0x3a: {  	[spmem:s24], [sflag:s5] =	dma.local [hbm:s9], $0x500  }
0x3b: {  	_ =	swait.ge [sflag:s26], $0x500  }
0x3c: {  	[sflag:s26] =	ssyncset.done $0x0  }
0x3d: {  	s4 =	simm.s32 @!p0 $0x2;
	[sflag:s26] =	ssyncadd.s32 $0xFFFFFB00  }
0x3e: {  	[spmem:s25], [sflag:s5] =	dma.local @!p0 [hbm:s12], $0x500  }
0x3f: {  	_ =	swait.ge @!p0 [sflag:s4], $0x500  }
0x40: {  	[sflag:s4] =	ssyncset.done @!p0 $0x0  }
0x41: {  	[sflag:s4] =	ssyncadd.s32 @!p0 $0xFFFFFB00  }
0x42: {  	s10 =	sadd.s32 $0x0, s17;
	[bflag:$0x0] =	sbarrier.arrive $0xFFFF  }
0x43: {  	[tilespmem:s3], [sflag:$0x2] =	stream.linear.gather [hbm4b:s10+s3], $0x50, $0x38;
	[tilespmem:$0x13B60] =	vst v63  }
0x44: {  	_ =	swait.ge [sflag:s26], $0x50  }
0x45: {  	[sflag:s26] =	ssyncset.done $0x0  }
0x46: {  	s11 =	sadd.s32 $0x0, s16;
	[sflag:s26] =	ssyncadd.s32 $0xFFFFFFB0  }
0x47: {  	[tilespmem:s28], [sflag:$0x2] =	stream.linear.gather [hbm4b:s11+s3], $0x50, $0x38;
	[tilespmem:$0x13B60] =	vst v63  }
0x48: {  	_ =	swait.ge [sflag:s26], $0x50  }
0x49: {  	[sflag:s26] =	ssyncset.done $0x0  }
0x4a: {  	[sflag:s26] =	ssyncadd.s32 $0xFFFFFFB0  }
0x4b: {  	[tilespmem:s30], [sflag:$0x1] =	stream.indirect.gather [spmem:s2], $0x60, s3, s29, $0xb8;
	[tilespmem:$0x13B60] =	vst v63  }
0x4c: {  	_ = 	snop  }
0x4d: {  	[tilespmem:s31], [sflag:$0x1] =	stream.indirect.gather [spmem:s2], $0x60, s28, s29, $0xb8;
	[tilespmem:$0x13B60] =	vst v63  }
0x4e: {  	_ =	swait.ge [sflag:s0], $0x1E00  }
0x4f: {  	[sflag:s0] =	ssyncset.done $0x0  }
0x50: {  	[sflag:s0] =	ssyncadd.s32 $0xFFFFE200  }
0x51: {  	_ =	swait.ge [sflag:s0], $0x1E00  }
0x52: {  	[sflag:s0] =	ssyncset.done $0x0  }
0x53: {  	[sflag:s0] =	ssyncadd.s32 $0xFFFFE200  }
0x54: {  	[hbm4b:s14+s3] =	stream.linear.scatter [tilespmem:s30], [sflag:$0x2], $0x2800, $0x38;
	[tilespmem:$0x13B60] =	vst v63  }
0x55: {  	_ =	swait.ge [sflag:s26], $0x2800  }
0x56: {  	[sflag:s26] =	ssyncset.done $0x0  }
0x57: {  	[sflag:s26] =	ssyncadd.s32 $0xFFFFD800  }
0x58: {  	[hbm4b:s15+s3] =	stream.linear.scatter [tilespmem:s31], [sflag:$0x2], $0x2800, $0x38;
	[tilespmem:$0x13B60] =	vst v63  }
0x59: {  	s6 =	sadd.s32 $0x500, s14;
	s7 =	simm.s32 $0xA;
	_ =	swait.ge [sflag:s26], $0x2800  }
0x5a: {  	s8 =	simm.s32 $0x14;
	s4 =	sadd.s32 $0x500, s15;
	[sflag:s26] =	ssyncset.done $0x0  }
.LBB2_2:
0x5b: {  	s9 =	sadd.s32 s7, s17  }
0x5c: {  	[sflag:s26] =	ssyncadd.s32 $0xFFFFD800;
	s10 =	smov.u32 s8;
	s11 =	sadd.s32 $0xA, s8  }
0x5d: {  	[tilespmem:s3], [sflag:$0x2] =	stream.linear.gather [hbm4b:s9+s3], $0x50, $0x38;
	[tilespmem:$0x13B60] =	vst v63  }
0x5e: {  	p1 =	sne.s32 s8, $0x4D8;
	_ =	swait.ge [sflag:s26], $0x50  }
0x5f: {  	[sflag:s26] =	ssyncset.done $0x0  }
0x60: {  	s8 =	sadd.s32 s7, s16;
	s7 =	smov.u32 s10;
	[sflag:s26] =	ssyncadd.s32 $0xFFFFFFB0  }
0x61: {  	[tilespmem:s28], [sflag:$0x2] =	stream.linear.gather [hbm4b:s8+s3], $0x50, $0x38;
	[tilespmem:$0x13B60] =	vst v63  }
0x62: {  	_ =	swait.ge [sflag:s26], $0x50  }
0x63: {  	[sflag:s26] =	ssyncset.done $0x0  }
0x64: {  	[sflag:s26] =	ssyncadd.s32 $0xFFFFFFB0  }
0x65: {  	[tilespmem:s30], [sflag:$0x1] =	stream.indirect.gather [spmem:s2], $0x60, s3, s29, $0xb8;
	[tilespmem:$0x13B60] =	vst v63  }
0x66: {  	_ = 	snop  }
0x67: {  	[tilespmem:s31], [sflag:$0x1] =	stream.indirect.gather [spmem:s2], $0x60, s28, s29, $0xb8;
	[tilespmem:$0x13B60] =	vst v63  }
0x68: {  	_ =	swait.ge [sflag:s0], $0x1E00  }
0x69: {  	[sflag:s0] =	ssyncset.done $0x0  }
0x6a: {  	[sflag:s0] =	ssyncadd.s32 $0xFFFFE200  }
0x6b: {  	_ =	swait.ge [sflag:s0], $0x1E00  }
0x6c: {  	[sflag:s0] =	ssyncset.done $0x0  }
0x6d: {  	[sflag:s0] =	ssyncadd.s32 $0xFFFFE200  }
0x6e: {  	[hbm4b:s6+s3] =	stream.linear.scatter [tilespmem:s30], [sflag:$0x2], $0x2800, $0x38;
	[tilespmem:$0x13B60] =	vst v63  }
0x6f: {  	_ =	swait.ge [sflag:s26], $0x2800  }
.Ltmp0:
0x70: {  	[sflag:s26] =	ssyncset.done $0x0;
	(pc) =	sbr.rel @p1 .LBB2_2-.Ltmp0, $4  }
0x71: {  	[sflag:s26] =	ssyncadd.s32 $0xFFFFD800  }
0x72: {  	[hbm4b:s4+s3] =	stream.linear.scatter [tilespmem:s31], [sflag:$0x2], $0x2800, $0x38;
	[tilespmem:$0x13B60] =	vst v63  }
0x73: {  	s8 =	smov.u32 s11;
	_ =	swait.ge [sflag:s26], $0x2800  }
0x74: {  	s6 =	sadd.s32 $0x500, s6;
	s4 =	sadd.s32 $0x500, s4;
	[sflag:s26] =	ssyncset.done $0x0  }
0x75: {  	s8 =	sadd.s32 s7, s17;
	[sflag:s26] =	ssyncadd.s32 $0xFFFFD800  }
0x76: {  	[tilespmem:s3], [sflag:$0x2] =	stream.linear.gather [hbm4b:s8+s3], $0x50, $0x38;
	[tilespmem:$0x13B60] =	vst v63  }
0x77: {  	_ =	swait.ge [sflag:s26], $0x50  }
0x78: {  	[sflag:s26] =	ssyncset.done $0x0  }
0x79: {  	s11 =	sadd.s32 s7, s16;
	[sflag:s26] =	ssyncadd.s32 $0xFFFFFFB0  }
0x7a: {  	[tilespmem:s28], [sflag:$0x2] =	stream.linear.gather [hbm4b:s11+s3], $0x50, $0x38;
	[tilespmem:$0x13B60] =	vst v63  }
0x7b: {  	_ =	swait.ge [sflag:s26], $0x50  }
0x7c: {  	[sflag:s26] =	ssyncset.done $0x0  }
0x7d: {  	[sflag:s26] =	ssyncadd.s32 $0xFFFFFFB0  }
0x7e: {  	[tilespmem:s30], [sflag:$0x1] =	stream.indirect.gather [spmem:s2], $0x60, s3, s29, $0xb8;
	[tilespmem:$0x13B60] =	vst v63  }
0x7f: {  	_ = 	snop  }
0x80: {  	[tilespmem:s31], [sflag:$0x1] =	stream.indirect.gather [spmem:s2], $0x60, s28, s29, $0xb8;
	[tilespmem:$0x13B60] =	vst v63  }
0x81: {  	_ =	swait.ge [sflag:s0], $0x1E00  }
0x82: {  	[sflag:s0] =	ssyncset.done $0x0  }
0x83: {  	[sflag:s0] =	ssyncadd.s32 $0xFFFFE200  }
0x84: {  	_ =	swait.ge [sflag:s0], $0x1E00  }
0x85: {  	[sflag:s0] =	ssyncset.done $0x0  }
0x86: {  	[sflag:s0] =	ssyncadd.s32 $0xFFFFE200  }
0x87: {  	[hbm4b:s6+s3] =	stream.linear.scatter [tilespmem:s30], [sflag:$0x2], $0x2800, $0x38;
	[tilespmem:$0x13B60] =	vst v63  }
0x88: {  	s1 =	sadd.s32 $0x1, s1;
	_ =	swait.ge [sflag:s26], $0x2800  }
0x89: {  	p1 =	sne.s32 s1, s13;
	[sflag:s26] =	ssyncset.done $0x0  }
.Ltmp1:
0x8a: {  	[sflag:s26] =	ssyncadd.s32 $0xFFFFD800;
	(pc) =	sbr.rel @p1 .LBB2_1-.Ltmp1, $4  }
0x8b: {  	[hbm4b:s4+s3] =	stream.linear.scatter [tilespmem:s31], [sflag:$0x2], $0x2800, $0x38;
	[tilespmem:$0x13B60] =	vst v63  }
0x8c: {  	_ =	swait.ge [sflag:s26], $0x2800  }
0x8d: {  	[sflag:s26] =	ssyncset.done $0x0  }
0x8e: {  	[sflag:s26] =	ssyncadd.s32 $0xFFFFD800  }
0x8f: {  	_ =	sfence.sel $0x180000  }
0x90: {  	[bflag:$0x0] =	sbarrier.arrive $0xFFFF  }
0x91: {  	_ =	strace $0x90000047  }
0x92: {  	s0 =	stileid.u32;
	[bflag:$0x2] =	sbarrier.arrive $0xFFFF  }
0x93: {  	p0 =	sne.s32 s0, $0x0;
	s0 =	rddreg [dreg:$0x2]  }
0x94: {  	s0 =	sadd.s32 @!p0 $0x100000, s0  }
0x95: {  	[sflag:s0] =	ssyncadd.tile.s32 @!p0 $0x1;
	_ =	shalt  }
.Lfunc_end2:
_tile_overlayer_lowered:
.L_overlay_start_2:
0x96: {  	(tag) =	ssettag $0x2  }
0x97: {  	s0 =	rddreg [dreg:$0x0];
	s2 =	stileid.u32  }
0x98: {  	s1 =	rddreg [dreg:$0x1];
	p0 =	sne.s32 s2, $0x0  }
0x99: {  	s3 =	rddreg [dreg:$0x2];
	[bflag:$0x3] =	sbarrier.arrive $0xFFFF;
	s2 =	simm.s32 @!p0 $0x1C02  }
0x9a: {  	[timem:s3], [sflag:s2] =	dma.local @!p0 [hbm:s0], s1  }
0x9b: {  	s0 =	simm.s32 @!p0 $0x2  }
0x9c: {  	_ =	swait.ge @!p0 [sflag:s0], s1  }
0x9d: {  	s1 =	ssub.s32 @!p0 $0x0, s1;
	[sflag:s0] =	ssyncset.done @!p0 $0x0  }
0x9e: {  	[sflag:s0] =	ssyncadd.s32 @!p0 s1  }
0x9f: {  	[bflag:$0x3] =	sbarrier.arrive $0xFFFF  }
0xa0: {  	_ =	shalt  }

// kernel: kernel.23.cloned.1.call-start
scs
__scs_entry_jumppad:
0x0: {  	(pc) =	sbr.rel $0x88, $3  }
0x1: {  	(tag) =	ssettag $0x0;
	lr =	simm.s32 $0x1  }
0x2: {  	[smem:$0x3F94] =	sst lr;
	_ =	strace $0xD0000000  }
0x3: {  	_ = 	snop  }
0x4: {  	_ = 	snop  }
0x5: {  	_ = 	snop  }
0x6: {  	_ = 	snop  }
0x7: {  	_ = 	snop  }
__scs_overlays_trampoline_lowered:
0x8: {  	[smem:$0x3FA3] =	sst s0  }
0x9: {  	[smem:$0x3FA4] =	sst s1  }
0xa: {  	[smem:$0x3FA5] =	sst s2  }
0xb: {  	[smem:$0x3FA6] =	sst s3  }
0xc: {  	[smem:$0x3FA7] =	sst s4  }
0xd: {  	[smem:$0x3FA8] =	sst s5  }
0xe: {  	[smem:$0x3FA9] =	sst s6  }
0xf: {  	[smem:$0x3FAA] =	sst s7  }
0x10: {  	[smem:$0x3FAB] =	sst s8  }
0x11: {  	[smem:$0x3FAC] =	sst s9;
	s0 =	simm.s32 @!p0 $0x0  }
0x12: {  	s1 =	sld [smem:$0x3F92];
	s0 =	simm.s32 @p0 $0x1  }
0x13: {  	[smem:$0x3FAD] =	sst s0;
	s0 =	simm.s32 @!p1 $0x0  }
0x14: {  	s2 =	sld [smem:$0x3F91];
	s0 =	simm.s32 @p1 $0x1  }
0x15: {  	[smem:$0x3FAE] =	sst s0;
	s0 =	simm.s32 @!p2 $0x0  }
0x16: {  	s3 =	sld [smem:$0x3FDB];
	s0 =	simm.s32 @p2 $0x1  }
0x17: {  	s4 =	simm.s32 $0x1BF5;
	[smem:$0x3FB0] =	sst s0  }
0x18: {  	s0 =	sld [smem:$0x3F93];
	_ =	swait.ge [sflag:s4], $0x0  }
0x19: {  	s7 =	sld [smem:$0x3F94]  }
0x1a: {  	s8 =	sadd.s32 $0xFFFFE003, lr  }
0x1b: {  	s9 =	sadd.s32 $0xFFFFFEF7, lr;
	s5 =	simm.s32 $0xFFFFFFFF;
	p2 =	slt.u32 s8, $0xFFFFF086  }
0x1c: {  	p1 =	slt.u32 s9, $0xF7A;
	s5 =	simm.s32 @!p2 $0x0  }
0x1d: {  	s5 =	simm.s32 @p1 $0x1;
	p0 =	seq.s32 s7, s2  }
0x1e: {  	s7 =	smul.u32 @!p0 $0xF7A, s2;
	p2 =	seq.s32 @!p0 s5, $0x0  }
0x1f: {  	s9 =	smul.u32 $0xF7A, s1;
	s8 =	simm.s32 @!p0 $0x1BF5;
	p2 =	por !p2, p0  }
0x20: {  	[sflag:s8] =	ssyncset.s32 @!p0 $0xFFFFF086;
	s6 =	sadd.s32 @!p0 s3, s7;
	s7 =	simm.s32 @!p0 $0x108  }
0x21: {  	s3 =	sadd.s32 s3, s9;
	s6 =	sadd.s32 @!p0 $0x88, s6;
	s7 =	simm.s32 @p2 $0x1082  }
0x22: {  	[simem:s7], [sflag:s8] =	dma.local @!p0 [hbm:s6], $0xF7A  }
0x23: {  	s9 =	sor.u32 $0xD0000000, s2;
	s6 =	simm.s32 $0x108;
	_ =	swait.ge @!p0 [sflag:s8], $0x0  }
0x24: {  	s3 =	sadd.s32 $0x88, s3;
	s6 =	simm.s32 @!p1 $0x1082;
	[sflag:s4] =	ssyncset.s32 $0xFFFFF086  }
0x25: {  	[simem:s6], [sflag:s4] =	dma.local [hbm:s3], $0xF7A  }
0x26: {  	[smem:$0x3F94] =	sst s1;
	(tag) =	ssettag s2;
	_ =	strace s9  }
0x27: {  	s1 =	sld [smem:$0x3FA4]  }
0x28: {  	s2 =	sld [smem:$0x3FA5]  }
0x29: {  	s4 =	sld [smem:$0x3FA7]  }
0x2a: {  	p0 =	seq.s32 s5, $0x0;
	s5 =	sld [smem:$0x3FA8]  }
0x2b: {  	s6 =	sld [smem:$0x3FA9]  }
0x2c: {  	s7 =	sld [smem:$0x3FAA]  }
0x2d: {  	s3 =	simm.s32 $0x108;
	s8 =	sld [smem:$0x3FAB]  }
0x2e: {  	s3 =	simm.s32 @!p0 $0x1082;
	s9 =	sld [smem:$0x3FAC]  }
0x2f: {  	lr =	sadd.s32 s0, s3;
	s0 =	sld [smem:$0x3FA3]  }
0x30: {  	s3 =	sld [smem:$0x3FA6]  }
0x31: {  	[smem:$0x3FAF] =	sst s10  }
0x32: {  	s10 =	sld [smem:$0x3FAD];
	_ =	sdelay $0x3  }
0x33: {  	p0 =	seq.s32 s10, $0x1;
	s10 =	sld [smem:$0x3FAF];
	_ =	sdelay $0x3  }
0x34: {  	[smem:$0x3FAF] =	sst s10  }
0x35: {  	s10 =	sld [smem:$0x3FAE];
	_ =	sdelay $0x3  }
0x36: {  	p1 =	seq.s32 s10, $0x1;
	s10 =	sld [smem:$0x3FAF];
	_ =	sdelay $0x3  }
0x37: {  	[smem:$0x3FAF] =	sst s10  }
0x38: {  	s10 =	sld [smem:$0x3FB0]  }
0x39: {  	_ = 	snop;
	(pc) =	sbr.ind lr, $3  }
0x3a: {  	_ = 	snop  }
0x3b: {  	_ = 	snop  }
0x3c: {  	p2 =	seq.s32 s10, $0x1;
	s10 =	sld [smem:$0x3FAF]  }
0x3d: {  	_ =	shalt  }
0x3e: {  	_ =	shalt  }
0x3f: {  	_ =	shalt  }
0x40: {  	_ =	shalt  }
0x41: {  	_ =	shalt  }
0x42: {  	_ =	shalt  }
0x43: {  	_ =	shalt  }
0x44: {  	_ =	shalt  }
0x45: {  	_ =	shalt  }
0x46: {  	_ =	shalt  }
0x47: {  	_ =	shalt  }
0x48: {  	_ =	shalt  }
0x49: {  	_ =	shalt  }
0x4a: {  	_ =	shalt  }
0x4b: {  	_ =	shalt  }
0x4c: {  	_ =	shalt  }
0x4d: {  	_ =	shalt  }
0x4e: {  	_ =	shalt  }
0x4f: {  	_ =	shalt  }
0x50: {  	_ =	shalt  }
0x51: {  	_ =	shalt  }
0x52: {  	_ =	shalt  }
0x53: {  	_ =	shalt  }
0x54: {  	_ =	shalt  }
0x55: {  	_ =	shalt  }
0x56: {  	_ =	shalt  }
0x57: {  	_ =	shalt  }
0x58: {  	_ =	shalt  }
0x59: {  	_ =	shalt  }
0x5a: {  	_ =	shalt  }
0x5b: {  	_ =	shalt  }
0x5c: {  	_ =	shalt  }
0x5d: {  	_ =	shalt  }
0x5e: {  	_ =	shalt  }
0x5f: {  	_ =	shalt  }
0x60: {  	_ =	shalt  }
0x61: {  	_ =	shalt  }
0x62: {  	_ =	shalt  }
0x63: {  	_ =	shalt  }
0x64: {  	_ =	shalt  }
0x65: {  	_ =	shalt  }
0x66: {  	_ =	shalt  }
0x67: {  	_ =	shalt  }
0x68: {  	_ =	shalt  }
0x69: {  	_ =	shalt  }
0x6a: {  	_ =	shalt  }
0x6b: {  	_ =	shalt  }
0x6c: {  	_ =	shalt  }
0x6d: {  	_ =	shalt  }
0x6e: {  	_ =	shalt  }
0x6f: {  	_ =	shalt  }
0x70: {  	_ =	shalt  }
0x71: {  	_ =	shalt  }
0x72: {  	_ =	shalt  }
0x73: {  	_ =	shalt  }
0x74: {  	_ =	shalt  }
0x75: {  	_ =	shalt  }
0x76: {  	_ =	shalt  }
0x77: {  	_ =	shalt  }
0x78: {  	_ =	shalt  }
0x79: {  	_ =	shalt  }
0x7a: {  	_ =	shalt  }
0x7b: {  	_ =	shalt  }
0x7c: {  	_ =	shalt  }
0x7d: {  	_ =	shalt  }
0x7e: {  	_ =	shalt  }
0x7f: {  	_ =	shalt  }
0x80: {  	_ =	shalt  }
0x81: {  	_ =	shalt  }
0x82: {  	_ =	shalt  }
0x83: {  	_ =	shalt  }
0x84: {  	_ =	shalt  }
0x85: {  	_ =	shalt  }
0x86: {  	_ =	shalt  }
0x87: {  	_ =	shalt  }
.Lfunc_end0:
.L_simem_size_0:
called_computation.1_lowered:
.L_overlay_start_0:
0x88: {  	s2 =	sld [smem:$0x3FD9]  }
0x89: {  	s3 =	sld [smem:$0x3FFE];
	_ =	sdelay $0x1  }
0x8a: {  	s1 =	srdreg.scid  }
0x8b: {  	s0 =	sand.u32 $0x1, s1  }
0x8c: {  	s17 =	sshll.u32 s0, $0xA;
	s2 =	sadd.s32 s3, s2  }
0x8d: {  	s2 =	sadd.s32 s2, s17  }
0x8e: {  	[smem:$0x3FBB] =	sst s2  }
0x8f: {  	_ = 	snop  }
0x90: {  	s2 =	sld [smem:$0x3FD0];
	(tm) =	ssettm $0x1  }
0x91: {  	s18 =	sld [smem:$0x3FFB];
	_ =	sdelay $0x3  }
0x92: {  	_ =	strace s18  }
0x93: {  	s3 =	sld [smem:$0x3FFC];
	_ =	sdelay $0x3  }
0x94: {  	_ =	strace s3  }
0x95: {  	s3 =	sld [smem:$0x3FFD];
	_ =	sdelay $0x3  }
0x96: {  	_ =	strace s3  }
0x97: {  	_ =	strace $0x8FFFFFFF  }
0x98: {  	s19 =	sld [smem:$0x3FDB];
	_ =	sdelay $0x1  }
0x99: {  	s4 =	simm.s32 $_scs_section_size  }
0x9a: {  	s5 =	simm.s32 $_size__tile_overlayer_lowered;
	s6 =	simm.s32 $_tile_overlayer_lowered  }
0x9b: {  	s22 =	simm.s32 $0x1BFF;
	s21 =	sshll.u32 s6, $0x1;
	s3 =	sadd.s32 s4, s19  }
0x9c: {  	s7 =	simm.s32 $0x0;
	s20 =	sshll.u32 s5, $0x1;
	s5 =	sadd.s32 s21, s3  }
0x9d: {  	[timem:s7], [sflag:s22] =	dma.local [hbm:s5], s20  }
0x9e: {  	_ =	swait.ge [sflag:s22], s20  }
0x9f: {  	s4 =	ssub.s32 $0x0, s20;
	[sflag:s22] =	ssyncset.done $0x0  }
0xa0: {  	[sflag:s22] =	ssyncadd.s32 s4;
	_ =	sdelay $0x1  }
0xa1: {  	s23 =	simm.s32 $0x1B8B  }
0xa2: {  	_ =	swait.ge [sflag:s23], $0x1  }
0xa3: {  	[sflag:s23] =	ssyncset.done $0x0  }
0xa4: {  	s25 =	simm.s32 $0x1B8E;
	s24 =	sld [smem:$0x3FFE];
	[sflag:s23] =	ssyncadd.s32 $0xFFFFFFFF  }
0xa5: {  	s26 =	simm.s32 $execute0_lowered;
	[smem:$0x3FD2] =	sst s25  }
0xa6: {  	s5 =	sshll.u32 s26, $0x1;
	_ =	strace $0x80000049;
	[dreg:$0x1] =	wrdreg $0xFFFFFFFF  }
0xa7: {  	s28 =	simm.s32 $_size_execute0_lowered;
	s3 =	sadd.s32 s3, s5;
	[dreg:$0x0] =	wrdreg $0x0  }
0xa8: {  	s5 =	sshll.u32 s28, $0x1;
	[dreg:$0x2] =	wrdreg s3  }
0xa9: {  	[dreg:$0x3] =	wrdreg s5  }
0xaa: {  	[dreg:$0x4] =	wrdreg $0xC0  }
0xab: {  	_ =	task [dreg:s7], $0x5FFFF  }
0xac: {  	[dreg:$0x1] =	wrdreg $0xFFFFFFFF  }
0xad: {  	[dreg:$0x0] =	wrdreg $0x60  }
0xae: {  	[dreg:$0x2] =	wrdreg s24  }
0xaf: {  	[dreg:$0x3] =	wrdreg s2  }
0xb0: {  	[dreg:$0x4] =	wrdreg $0x28800  }
0xb1: {  	[dreg:$0x5] =	wrdreg $0x9  }
0xb2: {  	_ =	task.clear_ibuf [dreg:s7], $0x6FFFF;
	_ =	strace $0x90000049  }
0xb3: {  	s29 =	simm.s32 $0x9;
	_ =	strace $0x8000004B  }
0xb4: {  	_ =	swait.ge [sflag:s29], $0x1  }
0xb5: {  	[sflag:s29] =	ssyncadd.s32 $0xFFFFFFFF  }
0xb6: {  	_ =	strace $0x9000004B  }
0xb7: {  	_ =	sfence  }
0xb8: {  	s30 =	sld [smem:$0x0];
	_ =	sdelay $0x2  }
0xb9: {  	s31 =	sshll.u32 s1, $0xD;
	s1 =	sshrl.u32 s1, $0x2  }
0xba: {  	s3 =	sand.u32 $0x4000, s31;
	s1 =	sadd.s32 s1, s30  }
0xbb: {  	s0 =	sor.u32 s3, s0;
	s1 =	sshll.u32 s1, $0x11  }
0xbc: {  	s0 =	sor.u32 s1, s0  }
0xbd: {  	s0 =	sadd.s32 $0x8F2B, s0  }
0xbe: {  	[sflag:s0] =	ssyncadd.remote.s32 $0x1  }
0xbf: {  	_ =	sfence.sel $0xFFFF  }
0xc0: {  	[dreg:$0x0] =	wrdreg $0xFFFFFFFF;
	(pc) =	sbr.abs _section_cstart, $3  }
0xc1: {  	[dreg:$0x1] =	wrdreg $0xFFFFFFFF  }
0xc2: {  	_ =	task.clear_ibuf [dreg:s7], $0x2FFFF;
	_ =	strace $0x9FFFFFFF  }
0xc3: {  	(tm) =	ssettm $0x7FFFFFFF  }
tec
execute0_lowered:
.L_overlay_start_1:
0x0: {  	(tag) =	ssettag $0x1  }
0x1: {  	s0 =	rddreg [dreg:$0x0];
	s25 =	stileid.u32  }
0x2: {  	s1 =	srdreg.scid;
	s6 =	smul.u32 $0x2710, s25  }
0x3: {  	s2 =	rddreg [dreg:$0x1];
	s8 =	smul.u32 $0xA000, s25  }
0x4: {  	s3 =	rddreg [dreg:$0x2];
	s4 =	simm.s32 $0x0;
	s10 =	smul.u32 $0x2800, s25  }
0x5: {  	s28 =	simm.s32 $0x50;
	s1 =	sand.u32 $0x1, s1;
	s15 =	smul.u32 $0x27100, s25  }
0x6: {  	s29 =	simm.s32 $0x0;
	[smem:$0x7FF] =	sst s4;
	s5 =	smul.u32 $0x27100, s1  }
0x7: {  	s20 =	sshll.u32 s25, $0x6;
	s30 =	sor.u32 $0x70, s25;
	s7 =	smul.u32 $0x271000, s1  }
0x8: {  	p0 =	sgt.u32 s25, $0xC;
	s18 =	ssub.s32 $0x2, s1;
	s1 =	smul.u32 $0x138800, s1  }
0x9: {  	s25 =	simm.s32 $0x1;
	_ =	strace $0x8000004A;
	s31 =	smul.u32 $0xA000, s30  }
0xa: {  	s9 =	sshrl.u32 s18, $0x1;
	s19 =	sshrl.u32 s8, $0x2;
	s21 =	sadd.s32 $0x28000, s10  }
0xb: {  	s22 =	sadd.s32 $0x50000, s10;
	s12 =	sadd.s32 $0x78000, s10;
	s24 =	sadd.s32 $0xA0000, s10  }
0xc: {  	s26 =	sadd.s32 $0xC8000, s10;
	s17 =	sadd.s32 $0xF0000, s10;
	s5 =	sadd.s32 s6, s5  }
0xd: {  	s7 =	sadd.s32 s7, s0;
	s9 =	ssub.s32 s18, s9;
	s6 =	sadd.s32 s19, s3  }
0xe: {  	s11 =	sadd.s32 s21, s3;
	s13 =	sadd.s32 s22, s3;
	[dreg:$0x4] =	wrdreg s6  }
0xf: {  	s23 =	sadd.s32 s12, s3;
	s14 =	sadd.s32 s24, s3;
	[dreg:$0x5] =	wrdreg s11  }
0x10: {  	s16 =	sadd.s32 s26, s3;
	s10 =	sadd.s32 s10, s1;
	[dreg:$0x6] =	wrdreg s13  }
0x11: {  	s8 =	sadd.s32 s1, s21;
	s12 =	sadd.s32 s1, s12;
	[dreg:$0x7] =	wrdreg s23  }
0x12: {  	s18 =	sadd.s32 s1, s24;
	s19 =	sadd.s32 s1, s26;
	[dreg:$0x8] =	wrdreg s14  }
0x13: {  	s5 =	sshrl.u32 s5, $0x3;
	s6 =	sor.u32 $0x1C01, s20;
	[dreg:$0x9] =	wrdreg s16  }
0x14: {  	s7 =	sadd.s32 s15, s7;
	s16 =	smul.u32 $0x2800, s30;
	s11 =	sadd.s32 s1, s22  }
0x15: {  	s20 =	sadd.s32 s17, s3;
	s22 =	sshrl.u32 s31, $0x2;
	s10 =	sshrl.u32 s10, $0x3  }
0x16: {  	s8 =	sshrl.u32 s8, $0x3;
	s24 =	sshrl.u32 s12, $0x3;
	s26 =	sshrl.u32 s18, $0x3  }
0x17: {  	s30 =	sshrl.u32 s19, $0x3;
	s5 =	sadd.s32 s5, s0;
	s0 =	sadd.s32 $0xA07C00, s0  }
0x18: {  	[dreg:$0xa] =	wrdreg s20;
	s13 =	sadd.s32 s22, s3;
	s23 =	sshrl.u32 s11, $0x3  }
0x19: {  	s22 =	smax.u32 s9, $0x1;
	s21 =	sadd.s32 s1, s16;
	s1 =	sadd.s32 s1, s17  }
0x1a: {  	[dreg:$0xb] =	wrdreg s13;
	s10 =	sadd.s32 s0, s10;
	s15 =	sadd.s32 s0, s8  }
0x1b: {  	s16 =	sadd.s32 s0, s23;
	s17 =	sadd.s32 s0, s24;
	s18 =	sadd.s32 s0, s26  }
0x1c: {  	s19 =	sadd.s32 s0, s30;
	s23 =	sadd.s32 $0xEE9C00, s7;
	s24 =	sadd.s32 $0x12A00, s5  }
0x1d: {  	s26 =	simm.s32 $0x80;
	s1 =	sshrl.u32 s1, $0x3;
	s31 =	sshrl.u32 s21, $0x3  }
0x1e: {  	[dreg:$0xc] =	wrdreg s10;
	s20 =	sadd.s32 s0, s1;
	s21 =	sadd.s32 s0, s31  }
.LBB2_1:
0x1f: {  	s0 =	rddreg [dreg:$0x4]  }
0x20: {  	s30 =	sshrl.u32 s0, $0x3  }
0x21: {  	[spmem:s30], [sflag:s6] =	dma.local [hbm:s2], $0x500  }
0x22: {  	_ =	swait.ge [sflag:s25], $0x500  }
0x23: {  	[sflag:s25] =	ssyncset.done $0x0;
	s11 =	rddreg [dreg:$0x5]  }
0x24: {  	[sflag:s25] =	ssyncadd.s32 $0xFFFFFB00;
	s31 =	sshrl.u32 s11, $0x3  }
0x25: {  	[spmem:s31], [sflag:s6] =	dma.local [hbm:s2], $0x500  }
0x26: {  	_ =	swait.ge [sflag:s25], $0x500  }
0x27: {  	[sflag:s25] =	ssyncset.done $0x0;
	s12 =	rddreg [dreg:$0x6]  }
0x28: {  	[sflag:s25] =	ssyncadd.s32 $0xFFFFFB00;
	s1 =	sshrl.u32 s12, $0x3  }
0x29: {  	[spmem:s1], [sflag:s6] =	dma.local [hbm:s2], $0x500  }
0x2a: {  	_ =	swait.ge [sflag:s25], $0x500  }
0x2b: {  	[sflag:s25] =	ssyncset.done $0x0;
	s13 =	rddreg [dreg:$0x7]  }
0x2c: {  	[sflag:s25] =	ssyncadd.s32 $0xFFFFFB00;
	s0 =	sshrl.u32 s13, $0x3  }
0x2d: {  	[spmem:s0], [sflag:s6] =	dma.local [hbm:s2], $0x500  }
0x2e: {  	_ =	swait.ge [sflag:s25], $0x500  }
0x2f: {  	[sflag:s25] =	ssyncset.done $0x0;
	s5 =	rddreg [dreg:$0x8]  }
0x30: {  	[sflag:s25] =	ssyncadd.s32 $0xFFFFFB00;
	s5 =	sshrl.u32 s5, $0x3  }
0x31: {  	[spmem:s5], [sflag:s6] =	dma.local [hbm:s2], $0x500  }
0x32: {  	_ =	swait.ge [sflag:s25], $0x500  }
0x33: {  	[sflag:s25] =	ssyncset.done $0x0;
	s7 =	rddreg [dreg:$0x9]  }
0x34: {  	[sflag:s25] =	ssyncadd.s32 $0xFFFFFB00;
	s7 =	sshrl.u32 s7, $0x3  }
0x35: {  	[spmem:s7], [sflag:s6] =	dma.local [hbm:s2], $0x500  }
0x36: {  	_ =	swait.ge [sflag:s25], $0x500  }
0x37: {  	[sflag:s25] =	ssyncset.done $0x0;
	s8 =	rddreg [dreg:$0xa]  }
0x38: {  	[sflag:s25] =	ssyncadd.s32 $0xFFFFFB00;
	s8 =	sshrl.u32 s8, $0x3  }
0x39: {  	[spmem:s8], [sflag:s6] =	dma.local [hbm:s2], $0x500  }
0x3a: {  	_ =	swait.ge [sflag:s25], $0x500  }
0x3b: {  	[sflag:s25] =	ssyncset.done $0x0;
	s9 =	rddreg [dreg:$0xb]  }
0x3c: {  	s10 =	simm.s32 @!p0 $0x1;
	[sflag:s25] =	ssyncadd.s32 $0xFFFFFB00;
	s9 =	sshrl.u32 @!p0 s9, $0x3  }
0x3d: {  	[spmem:s9], [sflag:s6] =	dma.local @!p0 [hbm:s2], $0x500  }
0x3e: {  	_ =	swait.ge @!p0 [sflag:s10], $0x500  }
0x3f: {  	[sflag:s10] =	ssyncset.done @!p0 $0x0  }
0x40: {  	[sflag:s10] =	ssyncadd.s32 @!p0 $0xFFFFFB00  }
0x41: {  	s14 =	sadd.s32 $0x0, s24;
	[bflag:$0x0] =	sbarrier.arrive $0xFFFF  }
0x42: {  	[tilespmem:s4], [sflag:$0x1] =	stream.linear.gather [hbm4b:s14+s4], $0x50, $0x38;
	[tilespmem:$0xEBD0] =	vst v63  }
0x43: {  	_ =	swait.ge [sflag:s25], $0x50  }
0x44: {  	[sflag:s25] =	ssyncset.done $0x0  }
0x45: {  	[sflag:s25] =	ssyncadd.s32 $0xFFFFFFB0  }
0x46: {  	[tilespmem:s26], [sflag:$0x1] =	stream.linear.gather [hbm4b:s23+s4], $0x2800, $0x38;
	[tilespmem:$0xEBD0] =	vst v63  }
0x47: {  	_ =	swait.ge [sflag:s25], $0x2800  }
0x48: {  	[sflag:s25] =	ssyncset.done $0x0  }
0x49: {  	[sflag:s25] =	ssyncadd.s32 $0xFFFFD800  }
0x4a: {  	[spmem:s3] =	stream.indirect.scatter.add.f32 [tilespmem:s26], [sflag:$0x1], $0x50, s4, s28, $0xb8;
	[tilespmem:$0xEBD0] =	vst v63  }
0x4b: {  	s11 =	simm.s32 $0xA;
	_ =	swait.ge [sflag:s25], $0x1900  }
0x4c: {  	s12 =	simm.s32 $0x14;
	s10 =	sadd.s32 $0x500, s23;
	[sflag:s25] =	ssyncset.done $0x0  }
.LBB2_2:
0x4d: {  	s13 =	sadd.s32 s11, s24  }
0x4e: {  	[sflag:s25] =	ssyncadd.s32 $0xFFFFE700;
	s11 =	smov.u32 s12;
	s14 =	sadd.s32 $0xA, s12  }
0x4f: {  	[tilespmem:s4], [sflag:$0x1] =	stream.linear.gather [hbm4b:s13+s4], $0x50, $0x38;
	[tilespmem:$0xEBD0] =	vst v63  }
0x50: {  	p1 =	sne.s32 s12, $0x4D8;
	_ =	swait.ge [sflag:s25], $0x50  }
0x51: {  	[sflag:s25] =	ssyncset.done $0x0  }
0x52: {  	[sflag:s25] =	ssyncadd.s32 $0xFFFFFFB0  }
0x53: {  	[tilespmem:s26], [sflag:$0x1] =	stream.linear.gather [hbm4b:s10+s4], $0x2800, $0x38;
	[tilespmem:$0xEBD0] =	vst v63  }
0x54: {  	_ =	swait.ge [sflag:s25], $0x2800  }
.Ltmp0:
0x55: {  	[sflag:s25] =	ssyncset.done $0x0;
	(pc) =	sbr.rel @p1 .LBB2_2-.Ltmp0, $4  }
0x56: {  	[sflag:s25] =	ssyncadd.s32 $0xFFFFD800  }
0x57: {  	[spmem:s3] =	stream.indirect.scatter.add.f32 [tilespmem:s26], [sflag:$0x1], $0x50, s4, s28, $0xb8;
	[tilespmem:$0xEBD0] =	vst v63  }
0x58: {  	_ =	swait.ge [sflag:s25], $0x1900  }
0x59: {  	s12 =	smov.u32 s14;
	s10 =	sadd.s32 $0x500, s10;
	[sflag:s25] =	ssyncset.done $0x0  }
0x5a: {  	s11 =	sadd.s32 s11, s24;
	[sflag:s25] =	ssyncadd.s32 $0xFFFFE700  }
0x5b: {  	[tilespmem:s4], [sflag:$0x1] =	stream.linear.gather [hbm4b:s11+s4], $0x50, $0x38;
	[tilespmem:$0xEBD0] =	vst v63  }
0x5c: {  	_ =	swait.ge [sflag:s25], $0x50  }
0x5d: {  	[sflag:s25] =	ssyncset.done $0x0  }
0x5e: {  	[sflag:s25] =	ssyncadd.s32 $0xFFFFFFB0  }
0x5f: {  	[tilespmem:s26], [sflag:$0x1] =	stream.linear.gather [hbm4b:s10+s4], $0x2800, $0x38;
	[tilespmem:$0xEBD0] =	vst v63  }
0x60: {  	_ =	swait.ge [sflag:s25], $0x2800  }
0x61: {  	[sflag:s25] =	ssyncset.done $0x0  }
0x62: {  	[sflag:s25] =	ssyncadd.s32 $0xFFFFD800  }
0x63: {  	[spmem:s3] =	stream.indirect.scatter.add.f32 [tilespmem:s26], [sflag:$0x1], $0x50, s4, s28, $0xb8;
	[tilespmem:$0xEBD0] =	vst v63  }
0x64: {  	_ =	swait.ge [sflag:s25], $0x1900  }
0x65: {  	[sflag:s25] =	ssyncset.done $0x0  }
0x66: {  	[sflag:s25] =	ssyncadd.s32 $0xFFFFE700  }
0x67: {  	[bflag:$0x0] =	sbarrier.arrive $0xFFFF  }
0x68: {  	s14 =	rddreg [dreg:$0xc]  }
0x69: {  	[hbm:s14], [sflag:s6] =	dma.local [spmem:s30], $0x500  }
0x6a: {  	_ =	swait.ge [sflag:s25], $0x500  }
0x6b: {  	[sflag:s25] =	ssyncset.done $0x0  }
0x6c: {  	[sflag:s25] =	ssyncadd.s32 $0xFFFFFB00  }
0x6d: {  	[hbm:s15], [sflag:s6] =	dma.local [spmem:s31], $0x500  }
0x6e: {  	_ =	swait.ge [sflag:s25], $0x500  }
0x6f: {  	[sflag:s25] =	ssyncset.done $0x0  }
0x70: {  	[sflag:s25] =	ssyncadd.s32 $0xFFFFFB00  }
0x71: {  	[hbm:s16], [sflag:s6] =	dma.local [spmem:s1], $0x500  }
0x72: {  	_ =	swait.ge [sflag:s25], $0x500  }
0x73: {  	[sflag:s25] =	ssyncset.done $0x0  }
0x74: {  	[sflag:s25] =	ssyncadd.s32 $0xFFFFFB00  }
0x75: {  	[hbm:s17], [sflag:s6] =	dma.local [spmem:s0], $0x500  }
0x76: {  	_ =	swait.ge [sflag:s25], $0x500  }
0x77: {  	[sflag:s25] =	ssyncset.done $0x0  }
0x78: {  	[sflag:s25] =	ssyncadd.s32 $0xFFFFFB00  }
0x79: {  	[hbm:s18], [sflag:s6] =	dma.local [spmem:s5], $0x500  }
0x7a: {  	_ =	swait.ge [sflag:s25], $0x500  }
0x7b: {  	[sflag:s25] =	ssyncset.done $0x0  }
0x7c: {  	[sflag:s25] =	ssyncadd.s32 $0xFFFFFB00  }
0x7d: {  	[hbm:s19], [sflag:s6] =	dma.local [spmem:s7], $0x500  }
0x7e: {  	_ =	swait.ge [sflag:s25], $0x500  }
0x7f: {  	[sflag:s25] =	ssyncset.done $0x0  }
0x80: {  	[sflag:s25] =	ssyncadd.s32 $0xFFFFFB00  }
0x81: {  	[hbm:s20], [sflag:s6] =	dma.local [spmem:s8], $0x500  }
0x82: {  	s29 =	sadd.s32 $0x1, s29;
	_ =	swait.ge [sflag:s25], $0x500  }
0x83: {  	p1 =	sne.s32 s29, s22;
	[sflag:s25] =	ssyncset.done $0x0  }
.Ltmp1:
0x84: {  	s0 =	simm.s32 @!p0 $0x1;
	[sflag:s25] =	ssyncadd.s32 $0xFFFFFB00;
	(pc) =	sbr.rel @p1 .LBB2_1-.Ltmp1, $4  }
0x85: {  	[hbm:s21], [sflag:s6] =	dma.local @!p0 [spmem:s9], $0x500  }
0x86: {  	_ =	swait.ge @!p0 [sflag:s0], $0x500  }
0x87: {  	[sflag:s0] =	ssyncset.done @!p0 $0x0  }
0x88: {  	[sflag:s0] =	ssyncadd.s32 @!p0 $0xFFFFFB00  }
0x89: {  	_ =	sfence.sel $0x180000  }
0x8a: {  	[bflag:$0x0] =	sbarrier.arrive $0xFFFF  }
0x8b: {  	_ =	strace $0x9000004A  }
0x8c: {  	s0 =	stileid.u32;
	[bflag:$0x2] =	sbarrier.arrive $0xFFFF  }
0x8d: {  	p0 =	sne.s32 s0, $0x0;
	s0 =	rddreg [dreg:$0x3]  }
0x8e: {  	s0 =	sadd.s32 @!p0 $0x100000, s0  }
0x8f: {  	[sflag:s0] =	ssyncadd.tile.s32 @!p0 $0x1;
	_ =	shalt  }
.Lfunc_end2:
_tile_overlayer_lowered:
.L_overlay_start_2:
0x90: {  	(tag) =	ssettag $0x2  }
0x91: {  	s0 =	rddreg [dreg:$0x0];
	s2 =	stileid.u32  }
0x92: {  	s1 =	rddreg [dreg:$0x1];
	p0 =	sne.s32 s2, $0x0  }
0x93: {  	s3 =	rddreg [dreg:$0x2];
	[bflag:$0x3] =	sbarrier.arrive $0xFFFF;
	s2 =	simm.s32 @!p0 $0x1C01  }
0x94: {  	[timem:s3], [sflag:s2] =	dma.local @!p0 [hbm:s0], s1  }
0x95: {  	s0 =	simm.s32 @!p0 $0x1  }
0x96: {  	_ =	swait.ge @!p0 [sflag:s0], s1  }
0x97: {  	s1 =	ssub.s32 @!p0 $0x0, s1;
	[sflag:s0] =	ssyncset.done @!p0 $0x0  }
0x98: {  	[sflag:s0] =	ssyncadd.s32 @!p0 s1  }
0x99: {  	[bflag:$0x3] =	sbarrier.arrive $0xFFFF  }
0x9a: {  	_ =	shalt  }

// kernel: kernel.26.cloned.1.call-start
scs
__scs_entry_jumppad:
0x0: {  	(pc) =	sbr.rel $0x88, $3  }
0x1: {  	(tag) =	ssettag $0x0;
	lr =	simm.s32 $0x1  }
0x2: {  	[smem:$0x3F94] =	sst lr;
	_ =	strace $0xD0000000  }
0x3: {  	_ = 	snop  }
0x4: {  	_ = 	snop  }
0x5: {  	_ = 	snop  }
0x6: {  	_ = 	snop  }
0x7: {  	_ = 	snop  }
__scs_overlays_trampoline_lowered:
0x8: {  	[smem:$0x3FA3] =	sst s0  }
0x9: {  	[smem:$0x3FA4] =	sst s1  }
0xa: {  	[smem:$0x3FA5] =	sst s2  }
0xb: {  	[smem:$0x3FA6] =	sst s3  }
0xc: {  	[smem:$0x3FA7] =	sst s4  }
0xd: {  	[smem:$0x3FA8] =	sst s5  }
0xe: {  	[smem:$0x3FA9] =	sst s6  }
0xf: {  	[smem:$0x3FAA] =	sst s7  }
0x10: {  	[smem:$0x3FAB] =	sst s8  }
0x11: {  	[smem:$0x3FAC] =	sst s9;
	s0 =	simm.s32 @!p0 $0x0  }
0x12: {  	s1 =	sld [smem:$0x3F92];
	s0 =	simm.s32 @p0 $0x1  }
0x13: {  	[smem:$0x3FAD] =	sst s0;
	s0 =	simm.s32 @!p1 $0x0  }
0x14: {  	s2 =	sld [smem:$0x3F91];
	s0 =	simm.s32 @p1 $0x1  }
0x15: {  	[smem:$0x3FAE] =	sst s0;
	s0 =	simm.s32 @!p2 $0x0  }
0x16: {  	s3 =	sld [smem:$0x3FDB];
	s0 =	simm.s32 @p2 $0x1  }
0x17: {  	s4 =	simm.s32 $0x1BF5;
	[smem:$0x3FB0] =	sst s0  }
0x18: {  	s0 =	sld [smem:$0x3F93];
	_ =	swait.ge [sflag:s4], $0x0  }
0x19: {  	s7 =	sld [smem:$0x3F94]  }
0x1a: {  	s8 =	sadd.s32 $0xFFFFE003, lr  }
0x1b: {  	s9 =	sadd.s32 $0xFFFFFEF7, lr;
	s5 =	simm.s32 $0xFFFFFFFF;
	p2 =	slt.u32 s8, $0xFFFFF086  }
0x1c: {  	p1 =	slt.u32 s9, $0xF7A;
	s5 =	simm.s32 @!p2 $0x0  }
0x1d: {  	s5 =	simm.s32 @p1 $0x1;
	p0 =	seq.s32 s7, s2  }
0x1e: {  	s7 =	smul.u32 @!p0 $0xF7A, s2;
	p2 =	seq.s32 @!p0 s5, $0x0  }
0x1f: {  	s9 =	smul.u32 $0xF7A, s1;
	s8 =	simm.s32 @!p0 $0x1BF5;
	p2 =	por !p2, p0  }
0x20: {  	[sflag:s8] =	ssyncset.s32 @!p0 $0xFFFFF086;
	s6 =	sadd.s32 @!p0 s3, s7;
	s7 =	simm.s32 @!p0 $0x108  }
0x21: {  	s3 =	sadd.s32 s3, s9;
	s6 =	sadd.s32 @!p0 $0x88, s6;
	s7 =	simm.s32 @p2 $0x1082  }
0x22: {  	[simem:s7], [sflag:s8] =	dma.local @!p0 [hbm:s6], $0xF7A  }
0x23: {  	s9 =	sor.u32 $0xD0000000, s2;
	s6 =	simm.s32 $0x108;
	_ =	swait.ge @!p0 [sflag:s8], $0x0  }
0x24: {  	s3 =	sadd.s32 $0x88, s3;
	s6 =	simm.s32 @!p1 $0x1082;
	[sflag:s4] =	ssyncset.s32 $0xFFFFF086  }
0x25: {  	[simem:s6], [sflag:s4] =	dma.local [hbm:s3], $0xF7A  }
0x26: {  	[smem:$0x3F94] =	sst s1;
	(tag) =	ssettag s2;
	_ =	strace s9  }
0x27: {  	s1 =	sld [smem:$0x3FA4]  }
0x28: {  	s2 =	sld [smem:$0x3FA5]  }
0x29: {  	s4 =	sld [smem:$0x3FA7]  }
0x2a: {  	p0 =	seq.s32 s5, $0x0;
	s5 =	sld [smem:$0x3FA8]  }
0x2b: {  	s6 =	sld [smem:$0x3FA9]  }
0x2c: {  	s7 =	sld [smem:$0x3FAA]  }
0x2d: {  	s3 =	simm.s32 $0x108;
	s8 =	sld [smem:$0x3FAB]  }
0x2e: {  	s3 =	simm.s32 @!p0 $0x1082;
	s9 =	sld [smem:$0x3FAC]  }
0x2f: {  	lr =	sadd.s32 s0, s3;
	s0 =	sld [smem:$0x3FA3]  }
0x30: {  	s3 =	sld [smem:$0x3FA6]  }
0x31: {  	[smem:$0x3FAF] =	sst s10  }
0x32: {  	s10 =	sld [smem:$0x3FAD];
	_ =	sdelay $0x3  }
0x33: {  	p0 =	seq.s32 s10, $0x1;
	s10 =	sld [smem:$0x3FAF];
	_ =	sdelay $0x3  }
0x34: {  	[smem:$0x3FAF] =	sst s10  }
0x35: {  	s10 =	sld [smem:$0x3FAE];
	_ =	sdelay $0x3  }
0x36: {  	p1 =	seq.s32 s10, $0x1;
	s10 =	sld [smem:$0x3FAF];
	_ =	sdelay $0x3  }
0x37: {  	[smem:$0x3FAF] =	sst s10  }
0x38: {  	s10 =	sld [smem:$0x3FB0]  }
0x39: {  	_ = 	snop;
	(pc) =	sbr.ind lr, $3  }
0x3a: {  	_ = 	snop  }
0x3b: {  	_ = 	snop  }
0x3c: {  	p2 =	seq.s32 s10, $0x1;
	s10 =	sld [smem:$0x3FAF]  }
0x3d: {  	_ =	shalt  }
0x3e: {  	_ =	shalt  }
0x3f: {  	_ =	shalt  }
0x40: {  	_ =	shalt  }
0x41: {  	_ =	shalt  }
0x42: {  	_ =	shalt  }
0x43: {  	_ =	shalt  }
0x44: {  	_ =	shalt  }
0x45: {  	_ =	shalt  }
0x46: {  	_ =	shalt  }
0x47: {  	_ =	shalt  }
0x48: {  	_ =	shalt  }
0x49: {  	_ =	shalt  }
0x4a: {  	_ =	shalt  }
0x4b: {  	_ =	shalt  }
0x4c: {  	_ =	shalt  }
0x4d: {  	_ =	shalt  }
0x4e: {  	_ =	shalt  }
0x4f: {  	_ =	shalt  }
0x50: {  	_ =	shalt  }
0x51: {  	_ =	shalt  }
0x52: {  	_ =	shalt  }
0x53: {  	_ =	shalt  }
0x54: {  	_ =	shalt  }
0x55: {  	_ =	shalt  }
0x56: {  	_ =	shalt  }
0x57: {  	_ =	shalt  }
0x58: {  	_ =	shalt  }
0x59: {  	_ =	shalt  }
0x5a: {  	_ =	shalt  }
0x5b: {  	_ =	shalt  }
0x5c: {  	_ =	shalt  }
0x5d: {  	_ =	shalt  }
0x5e: {  	_ =	shalt  }
0x5f: {  	_ =	shalt  }
0x60: {  	_ =	shalt  }
0x61: {  	_ =	shalt  }
0x62: {  	_ =	shalt  }
0x63: {  	_ =	shalt  }
0x64: {  	_ =	shalt  }
0x65: {  	_ =	shalt  }
0x66: {  	_ =	shalt  }
0x67: {  	_ =	shalt  }
0x68: {  	_ =	shalt  }
0x69: {  	_ =	shalt  }
0x6a: {  	_ =	shalt  }
0x6b: {  	_ =	shalt  }
0x6c: {  	_ =	shalt  }
0x6d: {  	_ =	shalt  }
0x6e: {  	_ =	shalt  }
0x6f: {  	_ =	shalt  }
0x70: {  	_ =	shalt  }
0x71: {  	_ =	shalt  }
0x72: {  	_ =	shalt  }
0x73: {  	_ =	shalt  }
0x74: {  	_ =	shalt  }
0x75: {  	_ =	shalt  }
0x76: {  	_ =	shalt  }
0x77: {  	_ =	shalt  }
0x78: {  	_ =	shalt  }
0x79: {  	_ =	shalt  }
0x7a: {  	_ =	shalt  }
0x7b: {  	_ =	shalt  }
0x7c: {  	_ =	shalt  }
0x7d: {  	_ =	shalt  }
0x7e: {  	_ =	shalt  }
0x7f: {  	_ =	shalt  }
0x80: {  	_ =	shalt  }
0x81: {  	_ =	shalt  }
0x82: {  	_ =	shalt  }
0x83: {  	_ =	shalt  }
0x84: {  	_ =	shalt  }
0x85: {  	_ =	shalt  }
0x86: {  	_ =	shalt  }
0x87: {  	_ =	shalt  }
.Lfunc_end0:
.L_simem_size_0:
called_computation.2_lowered:
.L_overlay_start_0:
0x88: {  	s2 =	sld [smem:$0x3FD9]  }
0x89: {  	s3 =	sld [smem:$0x3FFE];
	_ =	sdelay $0x1  }
0x8a: {  	s1 =	srdreg.scid  }
0x8b: {  	s0 =	sand.u32 $0x1, s1  }
0x8c: {  	s16 =	sshll.u32 s0, $0xA;
	s2 =	sadd.s32 s3, s2  }
0x8d: {  	s2 =	sadd.s32 s2, s16  }
0x8e: {  	[smem:$0x3FBB] =	sst s2  }
0x8f: {  	_ = 	snop  }
0x90: {  	(tm) =	ssettm $0x1  }
0x91: {  	s17 =	sld [smem:$0x3FFB];
	_ =	sdelay $0x3  }
0x92: {  	_ =	strace s17  }
0x93: {  	s2 =	sld [smem:$0x3FFC];
	_ =	sdelay $0x3  }
0x94: {  	_ =	strace s2  }
0x95: {  	s2 =	sld [smem:$0x3FFD];
	_ =	sdelay $0x3  }
0x96: {  	_ =	strace s2  }
0x97: {  	_ =	strace $0x8FFFFFFF  }
0x98: {  	s18 =	sld [smem:$0x3FDB];
	_ =	sdelay $0x1  }
0x99: {  	s19 =	simm.s32 $_scs_section_size  }
0x9a: {  	s4 =	simm.s32 $_size__tile_overlayer_lowered;
	s5 =	simm.s32 $_tile_overlayer_lowered  }
0x9b: {  	s22 =	simm.s32 $0x1BFF;
	s21 =	sshll.u32 s5, $0x1;
	s2 =	sadd.s32 s19, s18  }
0x9c: {  	s6 =	simm.s32 $0x0;
	s20 =	sshll.u32 s4, $0x1;
	s4 =	sadd.s32 s21, s2  }
0x9d: {  	[timem:s6], [sflag:s22] =	dma.local [hbm:s4], s20  }
0x9e: {  	_ =	swait.ge [sflag:s22], s20  }
0x9f: {  	s3 =	ssub.s32 $0x0, s20;
	[sflag:s22] =	ssyncset.done $0x0  }
0xa0: {  	[sflag:s22] =	ssyncadd.s32 s3;
	_ =	sdelay $0x1  }
0xa1: {  	s23 =	simm.s32 $0x1B8B  }
0xa2: {  	_ =	swait.ge [sflag:s23], $0x1  }
0xa3: {  	[sflag:s23] =	ssyncset.done $0x0  }
0xa4: {  	s25 =	simm.s32 $0x1B8E;
	s24 =	sld [smem:$0x3FFE];
	[sflag:s23] =	ssyncadd.s32 $0xFFFFFFFF  }
0xa5: {  	s26 =	simm.s32 $execute0_lowered;
	[smem:$0x3FD2] =	sst s25  }
0xa6: {  	s4 =	sshll.u32 s26, $0x1;
	_ =	strace $0x8000004C;
	[dreg:$0x1] =	wrdreg $0xFFFFFFFF  }
0xa7: {  	s28 =	simm.s32 $_size_execute0_lowered;
	s2 =	sadd.s32 s2, s4;
	[dreg:$0x0] =	wrdreg $0x0  }
0xa8: {  	s4 =	sshll.u32 s28, $0x1;
	[dreg:$0x2] =	wrdreg s2  }
0xa9: {  	[dreg:$0x3] =	wrdreg s4  }
0xaa: {  	[dreg:$0x4] =	wrdreg $0xC0  }
0xab: {  	_ =	task [dreg:s6], $0x5FFFF  }
0xac: {  	[dreg:$0x1] =	wrdreg $0xFFFFFFFF  }
0xad: {  	[dreg:$0x0] =	wrdreg $0x60  }
0xae: {  	[dreg:$0x2] =	wrdreg s24  }
0xaf: {  	[dreg:$0x3] =	wrdreg $0x51000  }
0xb0: {  	[dreg:$0x4] =	wrdreg $0x9  }
0xb1: {  	_ =	task.clear_ibuf [dreg:s6], $0x5FFFF;
	_ =	strace $0x9000004C  }
0xb2: {  	s29 =	simm.s32 $0x9;
	_ =	strace $0x8000004E  }
0xb3: {  	_ =	swait.ge [sflag:s29], $0x1  }
0xb4: {  	[sflag:s29] =	ssyncadd.s32 $0xFFFFFFFF  }
0xb5: {  	_ =	strace $0x9000004E  }
0xb6: {  	_ =	sfence  }
0xb7: {  	s30 =	sld [smem:$0x0];
	_ =	sdelay $0x2  }
0xb8: {  	s31 =	sshll.u32 s1, $0xD;
	s1 =	sshrl.u32 s1, $0x2  }
0xb9: {  	s3 =	sand.u32 $0x4000, s31;
	s1 =	sadd.s32 s1, s30  }
0xba: {  	s0 =	sor.u32 s3, s0;
	s1 =	sshll.u32 s1, $0x11  }
0xbb: {  	s0 =	sor.u32 s1, s0  }
0xbc: {  	s0 =	sadd.s32 $0x8F2B, s0  }
0xbd: {  	[sflag:s0] =	ssyncadd.remote.s32 $0x1  }
0xbe: {  	_ =	sfence.sel $0xFFFF  }
0xbf: {  	[dreg:$0x0] =	wrdreg $0xFFFFFFFF;
	(pc) =	sbr.abs _section_cstart, $3  }
0xc0: {  	[dreg:$0x1] =	wrdreg $0xFFFFFFFF  }
0xc1: {  	_ =	task.clear_ibuf [dreg:s6], $0x2FFFF;
	_ =	strace $0x9FFFFFFF  }
0xc2: {  	(tm) =	ssettm $0x7FFFFFFF  }
0xc3: {  	_ =	shalt  }
tec
execute0_lowered:
.L_overlay_start_1:
0x0: {  	(tag) =	ssettag $0x1  }
0x1: {  	s0 =	rddreg [dreg:$0x0]  }
0x2: {  	s1 =	srdreg.scid;
	s19 =	stileid.u32  }
0x3: {  	s2 =	rddreg [dreg:$0x1];
	s3 =	simm.s32 $0x0;
	s5 =	smul.u32 $0x2710, s19  }
0x4: {  	s28 =	simm.s32 $0x80;
	s29 =	simm.s32 $0x50;
	s7 =	smul.u32 $0xA000, s19  }
0x5: {  	s30 =	simm.s32 $0x100;
	s31 =	simm.s32 $0x2900;
	s8 =	smul.u32 $0x50, s19  }
0x6: {  	s1 =	sand.u32 $0x1, s1;
	[smem:$0x7FF] =	sst s3;
	s25 =	smul.u32 $0x500, s19  }
0x7: {  	s6 =	sadd.s32 $0xA07C00, s0;
	s26 =	sshll.u32 s19, $0x6;
	s4 =	smul.u32 $0x27100, s1  }
0x8: {  	p0 =	sgt.u32 s19, $0xC;
	s22 =	smul.u32 $0x271000, s1;
	s1 =	ssub.s32 $0x2, s1  }
0x9: {  	_ =	strace $0x8000004D;
	s23 =	sshrl.u32 s1, $0x1;
	s24 =	sshrl.u32 s7, $0x2  }
0xa: {  	s9 =	sadd.s32 $0x500, s8;
	s7 =	sadd.s32 s6, s25;
	s13 =	sadd.s32 $0xF00, s8  }
0xb: {  	s17 =	sadd.s32 $0x1900, s8;
	s4 =	sadd.s32 s5, s4;
	s1 =	ssub.s32 s1, s23  }
0xc: {  	s18 =	sadd.s32 s24, s2;
	[dreg:$0x3] =	wrdreg s7;
	s5 =	sor.u32 $0x1C02, s26  }
0xd: {  	s10 =	sshll.u32 s9, $0x7;
	s9 =	sshll.u32 s9, $0x4;
	s14 =	sshll.u32 s13, $0x7  }
0xe: {  	s23 =	sshll.u32 s17, $0x7;
	s4 =	sshrl.u32 s4, $0x3;
	s7 =	sadd.s32 s10, s2  }
0xf: {  	s10 =	sadd.s32 $0xA00, s8;
	s9 =	sadd.s32 s6, s9;
	s21 =	sadd.s32 s14, s2  }
0x10: {  	s23 =	sadd.s32 s23, s2;
	s14 =	smul.u32 $0x27100, s19;
	s18 =	sshrl.u32 s18, $0x3  }
0x11: {  	s4 =	sadd.s32 s4, s0;
	s0 =	sadd.s32 s22, s0;
	[dreg:$0x4] =	wrdreg s9  }
0x12: {  	s11 =	sshll.u32 s10, $0x7;
	s10 =	sshll.u32 s10, $0x4;
	s9 =	sshll.u32 s13, $0x4  }
0x13: {  	s21 =	sshrl.u32 s21, $0x3;
	s23 =	sshrl.u32 s23, $0x3;
	s20 =	sadd.s32 s11, s2  }
0x14: {  	s12 =	sadd.s32 s6, s10;
	s11 =	sadd.s32 $0x1400, s8;
	s9 =	sadd.s32 s6, s9  }
0x15: {  	s10 =	sshll.u32 s17, $0x4;
	s8 =	sadd.s32 $0x1E00, s8;
	[dreg:$0x5] =	wrdreg s12  }
0x16: {  	s0 =	sadd.s32 s14, s0;
	s17 =	sadd.s32 $0x8C00, s4;
	[dreg:$0x6] =	wrdreg s9  }
0x17: {  	s15 =	sshll.u32 s11, $0x7;
	s16 =	sshll.u32 s11, $0x4;
	s12 =	sor.u32 $0x70, s19  }
0x18: {  	s24 =	sadd.s32 s6, s10;
	s25 =	sshll.u32 s8, $0x7;
	s8 =	sshll.u32 s8, $0x4  }
0x19: {  	s14 =	sadd.s32 $0xA2EE00, s0;
	s19 =	sshrl.u32 s7, $0x3;
	s20 =	sshrl.u32 s20, $0x3  }
0x1a: {  	s22 =	sadd.s32 s15, s2;
	s9 =	sadd.s32 s6, s16;
	s13 =	smul.u32 $0xA000, s12  }
0x1b: {  	[dreg:$0x8] =	wrdreg s24;
	s12 =	smul.u32 $0x500, s12;
	s24 =	sadd.s32 s25, s2  }
0x1c: {  	s8 =	sadd.s32 s6, s8;
	s15 =	sadd.s32 $0x1C800, s0;
	[dreg:$0x7] =	wrdreg s9  }
0x1d: {  	s16 =	sadd.s32 $0x12A00, s4;
	s0 =	simm.s32 $0x1;
	[dreg:$0x9] =	wrdreg s8  }
0x1e: {  	s22 =	sshrl.u32 s22, $0x3;
	s24 =	sshrl.u32 s24, $0x3;
	s26 =	sshrl.u32 s13, $0x2  }
0x1f: {  	s12 =	sadd.s32 s6, s12;
	s13 =	smax.u32 s1, $0x1;
	s8 =	sadd.s32 s26, s2  }
0x20: {  	s1 =	simm.s32 $0x0;
	s26 =	simm.s32 $0x2;
	s25 =	sshrl.u32 @!p0 s8, $0x3  }
.LBB2_1:
0x21: {  	s4 =	rddreg [dreg:$0x3]  }
0x22: {  	[spmem:s18], [sflag:s5] =	dma.local [hbm:s4], $0x500  }
0x23: {  	_ =	swait.ge [sflag:s26], $0x500  }
0x24: {  	[sflag:s26] =	ssyncset.done $0x0  }
0x25: {  	s10 =	rddreg [dreg:$0x4];
	[sflag:s26] =	ssyncadd.s32 $0xFFFFFB00  }
0x26: {  	[spmem:s19], [sflag:s5] =	dma.local [hbm:s10], $0x500  }
0x27: {  	_ =	swait.ge [sflag:s26], $0x500  }
0x28: {  	[sflag:s26] =	ssyncset.done $0x0  }
0x29: {  	s11 =	rddreg [dreg:$0x5];
	[sflag:s26] =	ssyncadd.s32 $0xFFFFFB00  }
0x2a: {  	[spmem:s20], [sflag:s5] =	dma.local [hbm:s11], $0x500  }
0x2b: {  	_ =	swait.ge [sflag:s26], $0x500  }
0x2c: {  	[sflag:s26] =	ssyncset.done $0x0  }
0x2d: {  	s6 =	rddreg [dreg:$0x6];
	[sflag:s26] =	ssyncadd.s32 $0xFFFFFB00  }
0x2e: {  	[spmem:s21], [sflag:s5] =	dma.local [hbm:s6], $0x500  }
0x2f: {  	_ =	swait.ge [sflag:s26], $0x500  }
0x30: {  	[sflag:s26] =	ssyncset.done $0x0  }
0x31: {  	s7 =	rddreg [dreg:$0x7];
	[sflag:s26] =	ssyncadd.s32 $0xFFFFFB00  }
0x32: {  	[spmem:s22], [sflag:s5] =	dma.local [hbm:s7], $0x500  }
0x33: {  	_ =	swait.ge [sflag:s26], $0x500  }
0x34: {  	[sflag:s26] =	ssyncset.done $0x0  }
0x35: {  	s8 =	rddreg [dreg:$0x8];
	[sflag:s26] =	ssyncadd.s32 $0xFFFFFB00  }
0x36: {  	[spmem:s23], [sflag:s5] =	dma.local [hbm:s8], $0x500  }
0x37: {  	_ =	swait.ge [sflag:s26], $0x500  }
0x38: {  	[sflag:s26] =	ssyncset.done $0x0  }
0x39: {  	s9 =	rddreg [dreg:$0x9];
	[sflag:s26] =	ssyncadd.s32 $0xFFFFFB00  }
0x3a: {  	[spmem:s24], [sflag:s5] =	dma.local [hbm:s9], $0x500  }
0x3b: {  	_ =	swait.ge [sflag:s26], $0x500  }
0x3c: {  	[sflag:s26] =	ssyncset.done $0x0  }
0x3d: {  	s4 =	simm.s32 @!p0 $0x2;
	[sflag:s26] =	ssyncadd.s32 $0xFFFFFB00  }
0x3e: {  	[spmem:s25], [sflag:s5] =	dma.local @!p0 [hbm:s12], $0x500  }
0x3f: {  	_ =	swait.ge @!p0 [sflag:s4], $0x500  }
0x40: {  	[sflag:s4] =	ssyncset.done @!p0 $0x0  }
0x41: {  	[sflag:s4] =	ssyncadd.s32 @!p0 $0xFFFFFB00  }
0x42: {  	s10 =	sadd.s32 $0x0, s17;
	[bflag:$0x0] =	sbarrier.arrive $0xFFFF  }
0x43: {  	[tilespmem:s3], [sflag:$0x2] =	stream.linear.gather [hbm4b:s10+s3], $0x50, $0x38;
	[tilespmem:$0x13B60] =	vst v63  }
0x44: {  	_ =	swait.ge [sflag:s26], $0x50  }
0x45: {  	[sflag:s26] =	ssyncset.done $0x0  }
0x46: {  	s11 =	sadd.s32 $0x0, s16;
	[sflag:s26] =	ssyncadd.s32 $0xFFFFFFB0  }
0x47: {  	[tilespmem:s28], [sflag:$0x2] =	stream.linear.gather [hbm4b:s11+s3], $0x50, $0x38;
	[tilespmem:$0x13B60] =	vst v63  }
0x48: {  	_ =	swait.ge [sflag:s26], $0x50  }
0x49: {  	[sflag:s26] =	ssyncset.done $0x0  }
0x4a: {  	[sflag:s26] =	ssyncadd.s32 $0xFFFFFFB0  }
0x4b: {  	[tilespmem:s30], [sflag:$0x1] =	stream.indirect.gather [spmem:s2], $0x60, s3, s29, $0xb8;
	[tilespmem:$0x13B60] =	vst v63  }
0x4c: {  	_ = 	snop  }
0x4d: {  	[tilespmem:s31], [sflag:$0x1] =	stream.indirect.gather [spmem:s2], $0x60, s28, s29, $0xb8;
	[tilespmem:$0x13B60] =	vst v63  }
0x4e: {  	_ =	swait.ge [sflag:s0], $0x1E00  }
0x4f: {  	[sflag:s0] =	ssyncset.done $0x0  }
0x50: {  	[sflag:s0] =	ssyncadd.s32 $0xFFFFE200  }
0x51: {  	_ =	swait.ge [sflag:s0], $0x1E00  }
0x52: {  	[sflag:s0] =	ssyncset.done $0x0  }
0x53: {  	[sflag:s0] =	ssyncadd.s32 $0xFFFFE200  }
0x54: {  	[hbm4b:s14+s3] =	stream.linear.scatter [tilespmem:s30], [sflag:$0x2], $0x2800, $0x38;
	[tilespmem:$0x13B60] =	vst v63  }
0x55: {  	_ =	swait.ge [sflag:s26], $0x2800  }
0x56: {  	[sflag:s26] =	ssyncset.done $0x0  }
0x57: {  	[sflag:s26] =	ssyncadd.s32 $0xFFFFD800  }
0x58: {  	[hbm4b:s15+s3] =	stream.linear.scatter [tilespmem:s31], [sflag:$0x2], $0x2800, $0x38;
	[tilespmem:$0x13B60] =	vst v63  }
0x59: {  	s6 =	sadd.s32 $0x500, s14;
	s7 =	simm.s32 $0xA;
	_ =	swait.ge [sflag:s26], $0x2800  }
0x5a: {  	s8 =	simm.s32 $0x14;
	s4 =	sadd.s32 $0x500, s15;
	[sflag:s26] =	ssyncset.done $0x0  }
.LBB2_2:
0x5b: {  	s9 =	sadd.s32 s7, s17  }
0x5c: {  	[sflag:s26] =	ssyncadd.s32 $0xFFFFD800;
	s10 =	smov.u32 s8;
	s11 =	sadd.s32 $0xA, s8  }
0x5d: {  	[tilespmem:s3], [sflag:$0x2] =	stream.linear.gather [hbm4b:s9+s3], $0x50, $0x38;
	[tilespmem:$0x13B60] =	vst v63  }
0x5e: {  	p1 =	sne.s32 s8, $0x4D8;
	_ =	swait.ge [sflag:s26], $0x50  }
0x5f: {  	[sflag:s26] =	ssyncset.done $0x0  }
0x60: {  	s8 =	sadd.s32 s7, s16;
	s7 =	smov.u32 s10;
	[sflag:s26] =	ssyncadd.s32 $0xFFFFFFB0  }
0x61: {  	[tilespmem:s28], [sflag:$0x2] =	stream.linear.gather [hbm4b:s8+s3], $0x50, $0x38;
	[tilespmem:$0x13B60] =	vst v63  }
0x62: {  	_ =	swait.ge [sflag:s26], $0x50  }
0x63: {  	[sflag:s26] =	ssyncset.done $0x0  }
0x64: {  	[sflag:s26] =	ssyncadd.s32 $0xFFFFFFB0  }
0x65: {  	[tilespmem:s30], [sflag:$0x1] =	stream.indirect.gather [spmem:s2], $0x60, s3, s29, $0xb8;
	[tilespmem:$0x13B60] =	vst v63  }
0x66: {  	_ = 	snop  }
0x67: {  	[tilespmem:s31], [sflag:$0x1] =	stream.indirect.gather [spmem:s2], $0x60, s28, s29, $0xb8;
	[tilespmem:$0x13B60] =	vst v63  }
0x68: {  	_ =	swait.ge [sflag:s0], $0x1E00  }
0x69: {  	[sflag:s0] =	ssyncset.done $0x0  }
0x6a: {  	[sflag:s0] =	ssyncadd.s32 $0xFFFFE200  }
0x6b: {  	_ =	swait.ge [sflag:s0], $0x1E00  }
0x6c: {  	[sflag:s0] =	ssyncset.done $0x0  }
0x6d: {  	[sflag:s0] =	ssyncadd.s32 $0xFFFFE200  }
0x6e: {  	[hbm4b:s6+s3] =	stream.linear.scatter [tilespmem:s30], [sflag:$0x2], $0x2800, $0x38;
	[tilespmem:$0x13B60] =	vst v63  }
0x6f: {  	_ =	swait.ge [sflag:s26], $0x2800  }
.Ltmp0:
0x70: {  	[sflag:s26] =	ssyncset.done $0x0;
	(pc) =	sbr.rel @p1 .LBB2_2-.Ltmp0, $4  }
0x71: {  	[sflag:s26] =	ssyncadd.s32 $0xFFFFD800  }
0x72: {  	[hbm4b:s4+s3] =	stream.linear.scatter [tilespmem:s31], [sflag:$0x2], $0x2800, $0x38;
	[tilespmem:$0x13B60] =	vst v63  }
0x73: {  	s8 =	smov.u32 s11;
	_ =	swait.ge [sflag:s26], $0x2800  }
0x74: {  	s6 =	sadd.s32 $0x500, s6;
	s4 =	sadd.s32 $0x500, s4;
	[sflag:s26] =	ssyncset.done $0x0  }
0x75: {  	s8 =	sadd.s32 s7, s17;
	[sflag:s26] =	ssyncadd.s32 $0xFFFFD800  }
0x76: {  	[tilespmem:s3], [sflag:$0x2] =	stream.linear.gather [hbm4b:s8+s3], $0x50, $0x38;
	[tilespmem:$0x13B60] =	vst v63  }
0x77: {  	_ =	swait.ge [sflag:s26], $0x50  }
0x78: {  	[sflag:s26] =	ssyncset.done $0x0  }
0x79: {  	s11 =	sadd.s32 s7, s16;
	[sflag:s26] =	ssyncadd.s32 $0xFFFFFFB0  }
0x7a: {  	[tilespmem:s28], [sflag:$0x2] =	stream.linear.gather [hbm4b:s11+s3], $0x50, $0x38;
	[tilespmem:$0x13B60] =	vst v63  }
0x7b: {  	_ =	swait.ge [sflag:s26], $0x50  }
0x7c: {  	[sflag:s26] =	ssyncset.done $0x0  }
0x7d: {  	[sflag:s26] =	ssyncadd.s32 $0xFFFFFFB0  }
0x7e: {  	[tilespmem:s30], [sflag:$0x1] =	stream.indirect.gather [spmem:s2], $0x60, s3, s29, $0xb8;
	[tilespmem:$0x13B60] =	vst v63  }
0x7f: {  	_ = 	snop  }
0x80: {  	[tilespmem:s31], [sflag:$0x1] =	stream.indirect.gather [spmem:s2], $0x60, s28, s29, $0xb8;
	[tilespmem:$0x13B60] =	vst v63  }
0x81: {  	_ =	swait.ge [sflag:s0], $0x1E00  }
0x82: {  	[sflag:s0] =	ssyncset.done $0x0  }
0x83: {  	[sflag:s0] =	ssyncadd.s32 $0xFFFFE200  }
0x84: {  	_ =	swait.ge [sflag:s0], $0x1E00  }
0x85: {  	[sflag:s0] =	ssyncset.done $0x0  }
0x86: {  	[sflag:s0] =	ssyncadd.s32 $0xFFFFE200  }
0x87: {  	[hbm4b:s6+s3] =	stream.linear.scatter [tilespmem:s30], [sflag:$0x2], $0x2800, $0x38;
	[tilespmem:$0x13B60] =	vst v63  }
0x88: {  	s1 =	sadd.s32 $0x1, s1;
	_ =	swait.ge [sflag:s26], $0x2800  }
0x89: {  	p1 =	sne.s32 s1, s13;
	[sflag:s26] =	ssyncset.done $0x0  }
.Ltmp1:
0x8a: {  	[sflag:s26] =	ssyncadd.s32 $0xFFFFD800;
	(pc) =	sbr.rel @p1 .LBB2_1-.Ltmp1, $4  }
0x8b: {  	[hbm4b:s4+s3] =	stream.linear.scatter [tilespmem:s31], [sflag:$0x2], $0x2800, $0x38;
	[tilespmem:$0x13B60] =	vst v63  }
0x8c: {  	_ =	swait.ge [sflag:s26], $0x2800  }
0x8d: {  	[sflag:s26] =	ssyncset.done $0x0  }
0x8e: {  	[sflag:s26] =	ssyncadd.s32 $0xFFFFD800  }
0x8f: {  	_ =	sfence.sel $0x180000  }
0x90: {  	[bflag:$0x0] =	sbarrier.arrive $0xFFFF  }
0x91: {  	_ =	strace $0x9000004D  }
0x92: {  	s0 =	stileid.u32;
	[bflag:$0x2] =	sbarrier.arrive $0xFFFF  }
0x93: {  	p0 =	sne.s32 s0, $0x0;
	s0 =	rddreg [dreg:$0x2]  }
0x94: {  	s0 =	sadd.s32 @!p0 $0x100000, s0  }
0x95: {  	[sflag:s0] =	ssyncadd.tile.s32 @!p0 $0x1;
	_ =	shalt  }
.Lfunc_end2:
_tile_overlayer_lowered:
.L_overlay_start_2:
0x96: {  	(tag) =	ssettag $0x2  }
0x97: {  	s0 =	rddreg [dreg:$0x0];
	s2 =	stileid.u32  }
0x98: {  	s1 =	rddreg [dreg:$0x1];
	p0 =	sne.s32 s2, $0x0  }
0x99: {  	s3 =	rddreg [dreg:$0x2];
	[bflag:$0x3] =	sbarrier.arrive $0xFFFF;
	s2 =	simm.s32 @!p0 $0x1C02  }
0x9a: {  	[timem:s3], [sflag:s2] =	dma.local @!p0 [hbm:s0], s1  }
0x9b: {  	s0 =	simm.s32 @!p0 $0x2  }
0x9c: {  	_ =	swait.ge @!p0 [sflag:s0], s1  }
0x9d: {  	s1 =	ssub.s32 @!p0 $0x0, s1;
	[sflag:s0] =	ssyncset.done @!p0 $0x0  }
0x9e: {  	[sflag:s0] =	ssyncadd.s32 @!p0 s1  }
0x9f: {  	[bflag:$0x3] =	sbarrier.arrive $0xFFFF  }
0xa0: {  	_ =	shalt  }

// kernel: kernel.29.cloned.1.call-start
scs
__scs_entry_jumppad:
0x0: {  	(pc) =	sbr.rel $0x88, $3  }
0x1: {  	(tag) =	ssettag $0x0;
	lr =	simm.s32 $0x1  }
0x2: {  	[smem:$0x3F94] =	sst lr;
	_ =	strace $0xD0000000  }
0x3: {  	_ = 	snop  }
0x4: {  	_ = 	snop  }
0x5: {  	_ = 	snop  }
0x6: {  	_ = 	snop  }
0x7: {  	_ = 	snop  }
__scs_overlays_trampoline_lowered:
0x8: {  	[smem:$0x3FA3] =	sst s0  }
0x9: {  	[smem:$0x3FA4] =	sst s1  }
0xa: {  	[smem:$0x3FA5] =	sst s2  }
0xb: {  	[smem:$0x3FA6] =	sst s3  }
0xc: {  	[smem:$0x3FA7] =	sst s4  }
0xd: {  	[smem:$0x3FA8] =	sst s5  }
0xe: {  	[smem:$0x3FA9] =	sst s6  }
0xf: {  	[smem:$0x3FAA] =	sst s7  }
0x10: {  	[smem:$0x3FAB] =	sst s8  }
0x11: {  	[smem:$0x3FAC] =	sst s9;
	s0 =	simm.s32 @!p0 $0x0  }
0x12: {  	s1 =	sld [smem:$0x3F92];
	s0 =	simm.s32 @p0 $0x1  }
0x13: {  	[smem:$0x3FAD] =	sst s0;
	s0 =	simm.s32 @!p1 $0x0  }
0x14: {  	s2 =	sld [smem:$0x3F91];
	s0 =	simm.s32 @p1 $0x1  }
0x15: {  	[smem:$0x3FAE] =	sst s0;
	s0 =	simm.s32 @!p2 $0x0  }
0x16: {  	s3 =	sld [smem:$0x3FDB];
	s0 =	simm.s32 @p2 $0x1  }
0x17: {  	s4 =	simm.s32 $0x1BF5;
	[smem:$0x3FB0] =	sst s0  }
0x18: {  	s0 =	sld [smem:$0x3F93];
	_ =	swait.ge [sflag:s4], $0x0  }
0x19: {  	s7 =	sld [smem:$0x3F94]  }
0x1a: {  	s8 =	sadd.s32 $0xFFFFE003, lr  }
0x1b: {  	s9 =	sadd.s32 $0xFFFFFEF7, lr;
	s5 =	simm.s32 $0xFFFFFFFF;
	p2 =	slt.u32 s8, $0xFFFFF086  }
0x1c: {  	p1 =	slt.u32 s9, $0xF7A;
	s5 =	simm.s32 @!p2 $0x0  }
0x1d: {  	s5 =	simm.s32 @p1 $0x1;
	p0 =	seq.s32 s7, s2  }
0x1e: {  	s7 =	smul.u32 @!p0 $0xF7A, s2;
	p2 =	seq.s32 @!p0 s5, $0x0  }
0x1f: {  	s9 =	smul.u32 $0xF7A, s1;
	s8 =	simm.s32 @!p0 $0x1BF5;
	p2 =	por !p2, p0  }
0x20: {  	[sflag:s8] =	ssyncset.s32 @!p0 $0xFFFFF086;
	s6 =	sadd.s32 @!p0 s3, s7;
	s7 =	simm.s32 @!p0 $0x108  }
0x21: {  	s3 =	sadd.s32 s3, s9;
	s6 =	sadd.s32 @!p0 $0x88, s6;
	s7 =	simm.s32 @p2 $0x1082  }
0x22: {  	[simem:s7], [sflag:s8] =	dma.local @!p0 [hbm:s6], $0xF7A  }
0x23: {  	s9 =	sor.u32 $0xD0000000, s2;
	s6 =	simm.s32 $0x108;
	_ =	swait.ge @!p0 [sflag:s8], $0x0  }
0x24: {  	s3 =	sadd.s32 $0x88, s3;
	s6 =	simm.s32 @!p1 $0x1082;
	[sflag:s4] =	ssyncset.s32 $0xFFFFF086  }
0x25: {  	[simem:s6], [sflag:s4] =	dma.local [hbm:s3], $0xF7A  }
0x26: {  	[smem:$0x3F94] =	sst s1;
	(tag) =	ssettag s2;
	_ =	strace s9  }
0x27: {  	s1 =	sld [smem:$0x3FA4]  }
0x28: {  	s2 =	sld [smem:$0x3FA5]  }
0x29: {  	s4 =	sld [smem:$0x3FA7]  }
0x2a: {  	p0 =	seq.s32 s5, $0x0;
	s5 =	sld [smem:$0x3FA8]  }
0x2b: {  	s6 =	sld [smem:$0x3FA9]  }
0x2c: {  	s7 =	sld [smem:$0x3FAA]  }
0x2d: {  	s3 =	simm.s32 $0x108;
	s8 =	sld [smem:$0x3FAB]  }
0x2e: {  	s3 =	simm.s32 @!p0 $0x1082;
	s9 =	sld [smem:$0x3FAC]  }
0x2f: {  	lr =	sadd.s32 s0, s3;
	s0 =	sld [smem:$0x3FA3]  }
0x30: {  	s3 =	sld [smem:$0x3FA6]  }
0x31: {  	[smem:$0x3FAF] =	sst s10  }
0x32: {  	s10 =	sld [smem:$0x3FAD];
	_ =	sdelay $0x3  }
0x33: {  	p0 =	seq.s32 s10, $0x1;
	s10 =	sld [smem:$0x3FAF];
	_ =	sdelay $0x3  }
0x34: {  	[smem:$0x3FAF] =	sst s10  }
0x35: {  	s10 =	sld [smem:$0x3FAE];
	_ =	sdelay $0x3  }
0x36: {  	p1 =	seq.s32 s10, $0x1;
	s10 =	sld [smem:$0x3FAF];
	_ =	sdelay $0x3  }
0x37: {  	[smem:$0x3FAF] =	sst s10  }
0x38: {  	s10 =	sld [smem:$0x3FB0]  }
0x39: {  	_ = 	snop;
	(pc) =	sbr.ind lr, $3  }
0x3a: {  	_ = 	snop  }
0x3b: {  	_ = 	snop  }
0x3c: {  	p2 =	seq.s32 s10, $0x1;
	s10 =	sld [smem:$0x3FAF]  }
0x3d: {  	_ =	shalt  }
0x3e: {  	_ =	shalt  }
0x3f: {  	_ =	shalt  }
0x40: {  	_ =	shalt  }
0x41: {  	_ =	shalt  }
0x42: {  	_ =	shalt  }
0x43: {  	_ =	shalt  }
0x44: {  	_ =	shalt  }
0x45: {  	_ =	shalt  }
0x46: {  	_ =	shalt  }
0x47: {  	_ =	shalt  }
0x48: {  	_ =	shalt  }
0x49: {  	_ =	shalt  }
0x4a: {  	_ =	shalt  }
0x4b: {  	_ =	shalt  }
0x4c: {  	_ =	shalt  }
0x4d: {  	_ =	shalt  }
0x4e: {  	_ =	shalt  }
0x4f: {  	_ =	shalt  }
0x50: {  	_ =	shalt  }
0x51: {  	_ =	shalt  }
0x52: {  	_ =	shalt  }
0x53: {  	_ =	shalt  }
0x54: {  	_ =	shalt  }
0x55: {  	_ =	shalt  }
0x56: {  	_ =	shalt  }
0x57: {  	_ =	shalt  }
0x58: {  	_ =	shalt  }
0x59: {  	_ =	shalt  }
0x5a: {  	_ =	shalt  }
0x5b: {  	_ =	shalt  }
0x5c: {  	_ =	shalt  }
0x5d: {  	_ =	shalt  }
0x5e: {  	_ =	shalt  }
0x5f: {  	_ =	shalt  }
0x60: {  	_ =	shalt  }
0x61: {  	_ =	shalt  }
0x62: {  	_ =	shalt  }
0x63: {  	_ =	shalt  }
0x64: {  	_ =	shalt  }
0x65: {  	_ =	shalt  }
0x66: {  	_ =	shalt  }
0x67: {  	_ =	shalt  }
0x68: {  	_ =	shalt  }
0x69: {  	_ =	shalt  }
0x6a: {  	_ =	shalt  }
0x6b: {  	_ =	shalt  }
0x6c: {  	_ =	shalt  }
0x6d: {  	_ =	shalt  }
0x6e: {  	_ =	shalt  }
0x6f: {  	_ =	shalt  }
0x70: {  	_ =	shalt  }
0x71: {  	_ =	shalt  }
0x72: {  	_ =	shalt  }
0x73: {  	_ =	shalt  }
0x74: {  	_ =	shalt  }
0x75: {  	_ =	shalt  }
0x76: {  	_ =	shalt  }
0x77: {  	_ =	shalt  }
0x78: {  	_ =	shalt  }
0x79: {  	_ =	shalt  }
0x7a: {  	_ =	shalt  }
0x7b: {  	_ =	shalt  }
0x7c: {  	_ =	shalt  }
0x7d: {  	_ =	shalt  }
0x7e: {  	_ =	shalt  }
0x7f: {  	_ =	shalt  }
0x80: {  	_ =	shalt  }
0x81: {  	_ =	shalt  }
0x82: {  	_ =	shalt  }
0x83: {  	_ =	shalt  }
0x84: {  	_ =	shalt  }
0x85: {  	_ =	shalt  }
0x86: {  	_ =	shalt  }
0x87: {  	_ =	shalt  }
.Lfunc_end0:
.L_simem_size_0:
called_computation.3_lowered:
.L_overlay_start_0:
0x88: {  	s2 =	sld [smem:$0x3FD9]  }
0x89: {  	s3 =	sld [smem:$0x3FFE];
	_ =	sdelay $0x1  }
0x8a: {  	s1 =	srdreg.scid  }
0x8b: {  	s0 =	sand.u32 $0x1, s1  }
0x8c: {  	s17 =	sshll.u32 s0, $0xA;
	s2 =	sadd.s32 s3, s2  }
0x8d: {  	s2 =	sadd.s32 s2, s17  }
0x8e: {  	[smem:$0x3FBB] =	sst s2  }
0x8f: {  	_ = 	snop  }
0x90: {  	s2 =	sld [smem:$0x3FD0];
	(tm) =	ssettm $0x1  }
0x91: {  	s18 =	sld [smem:$0x3FFB];
	_ =	sdelay $0x3  }
0x92: {  	_ =	strace s18  }
0x93: {  	s3 =	sld [smem:$0x3FFC];
	_ =	sdelay $0x3  }
0x94: {  	_ =	strace s3  }
0x95: {  	s3 =	sld [smem:$0x3FFD];
	_ =	sdelay $0x3  }
0x96: {  	_ =	strace s3  }
0x97: {  	_ =	strace $0x8FFFFFFF  }
0x98: {  	s19 =	sld [smem:$0x3FDB];
	_ =	sdelay $0x1  }
0x99: {  	s4 =	simm.s32 $_scs_section_size  }
0x9a: {  	s5 =	simm.s32 $_size__tile_overlayer_lowered;
	s6 =	simm.s32 $_tile_overlayer_lowered  }
0x9b: {  	s22 =	simm.s32 $0x1BFF;
	s21 =	sshll.u32 s6, $0x1;
	s3 =	sadd.s32 s4, s19  }
0x9c: {  	s7 =	simm.s32 $0x0;
	s20 =	sshll.u32 s5, $0x1;
	s5 =	sadd.s32 s21, s3  }
0x9d: {  	[timem:s7], [sflag:s22] =	dma.local [hbm:s5], s20  }
0x9e: {  	_ =	swait.ge [sflag:s22], s20  }
0x9f: {  	s4 =	ssub.s32 $0x0, s20;
	[sflag:s22] =	ssyncset.done $0x0  }
0xa0: {  	[sflag:s22] =	ssyncadd.s32 s4;
	_ =	sdelay $0x1  }
0xa1: {  	s23 =	simm.s32 $0x1B8B  }
0xa2: {  	_ =	swait.ge [sflag:s23], $0x1  }
0xa3: {  	[sflag:s23] =	ssyncset.done $0x0  }
0xa4: {  	s25 =	simm.s32 $0x1B8E;
	s24 =	sld [smem:$0x3FFE];
	[sflag:s23] =	ssyncadd.s32 $0xFFFFFFFF  }
0xa5: {  	s26 =	simm.s32 $execute0_lowered;
	[smem:$0x3FD2] =	sst s25  }
0xa6: {  	s5 =	sshll.u32 s26, $0x1;
	_ =	strace $0x8000004F;
	[dreg:$0x1] =	wrdreg $0xFFFFFFFF  }
0xa7: {  	s28 =	simm.s32 $_size_execute0_lowered;
	s3 =	sadd.s32 s3, s5;
	[dreg:$0x0] =	wrdreg $0x0  }
0xa8: {  	s5 =	sshll.u32 s28, $0x1;
	[dreg:$0x2] =	wrdreg s3  }
0xa9: {  	[dreg:$0x3] =	wrdreg s5  }
0xaa: {  	[dreg:$0x4] =	wrdreg $0xC0  }
0xab: {  	_ =	task [dreg:s7], $0x5FFFF  }
0xac: {  	[dreg:$0x1] =	wrdreg $0xFFFFFFFF  }
0xad: {  	[dreg:$0x0] =	wrdreg $0x60  }
0xae: {  	[dreg:$0x2] =	wrdreg s24  }
0xaf: {  	[dreg:$0x3] =	wrdreg s2  }
0xb0: {  	[dreg:$0x4] =	wrdreg $0x28800  }
0xb1: {  	[dreg:$0x5] =	wrdreg $0x9  }
0xb2: {  	_ =	task.clear_ibuf [dreg:s7], $0x6FFFF;
	_ =	strace $0x9000004F  }
0xb3: {  	s29 =	simm.s32 $0x9;
	_ =	strace $0x80000051  }
0xb4: {  	_ =	swait.ge [sflag:s29], $0x1  }
0xb5: {  	[sflag:s29] =	ssyncadd.s32 $0xFFFFFFFF  }
0xb6: {  	_ =	strace $0x90000051  }
0xb7: {  	_ =	sfence  }
0xb8: {  	s30 =	sld [smem:$0x0];
	_ =	sdelay $0x2  }
0xb9: {  	s31 =	sshll.u32 s1, $0xD;
	s1 =	sshrl.u32 s1, $0x2  }
0xba: {  	s3 =	sand.u32 $0x4000, s31;
	s1 =	sadd.s32 s1, s30  }
0xbb: {  	s0 =	sor.u32 s3, s0;
	s1 =	sshll.u32 s1, $0x11  }
0xbc: {  	s0 =	sor.u32 s1, s0  }
0xbd: {  	s0 =	sadd.s32 $0x8F2B, s0  }
0xbe: {  	[sflag:s0] =	ssyncadd.remote.s32 $0x1  }
0xbf: {  	_ =	sfence.sel $0xFFFF  }
0xc0: {  	[dreg:$0x0] =	wrdreg $0xFFFFFFFF;
	(pc) =	sbr.abs _section_cstart, $3  }
0xc1: {  	[dreg:$0x1] =	wrdreg $0xFFFFFFFF  }
0xc2: {  	_ =	task.clear_ibuf [dreg:s7], $0x2FFFF;
	_ =	strace $0x9FFFFFFF  }
0xc3: {  	(tm) =	ssettm $0x7FFFFFFF  }
tec
execute0_lowered:
.L_overlay_start_1:
0x0: {  	(tag) =	ssettag $0x1  }
0x1: {  	s0 =	rddreg [dreg:$0x0];
	s25 =	stileid.u32  }
0x2: {  	s1 =	srdreg.scid;
	s6 =	smul.u32 $0x2710, s25  }
0x3: {  	s2 =	rddreg [dreg:$0x1];
	s8 =	smul.u32 $0xA000, s25  }
0x4: {  	s3 =	rddreg [dreg:$0x2];
	s4 =	simm.s32 $0x0;
	s10 =	smul.u32 $0x2800, s25  }
0x5: {  	s28 =	simm.s32 $0x50;
	s1 =	sand.u32 $0x1, s1;
	s15 =	smul.u32 $0x27100, s25  }
0x6: {  	s29 =	simm.s32 $0x0;
	[smem:$0x7FF] =	sst s4;
	s5 =	smul.u32 $0x27100, s1  }
0x7: {  	s20 =	sshll.u32 s25, $0x6;
	s30 =	sor.u32 $0x70, s25;
	s7 =	smul.u32 $0x271000, s1  }
0x8: {  	p0 =	sgt.u32 s25, $0xC;
	s18 =	ssub.s32 $0x2, s1;
	s1 =	smul.u32 $0x138800, s1  }
0x9: {  	s25 =	simm.s32 $0x1;
	_ =	strace $0x80000050;
	s31 =	smul.u32 $0xA000, s30  }
0xa: {  	s9 =	sshrl.u32 s18, $0x1;
	s19 =	sshrl.u32 s8, $0x2;
	s21 =	sadd.s32 $0x28000, s10  }
0xb: {  	s22 =	sadd.s32 $0x50000, s10;
	s12 =	sadd.s32 $0x78000, s10;
	s24 =	sadd.s32 $0xA0000, s10  }
0xc: {  	s26 =	sadd.s32 $0xC8000, s10;
	s17 =	sadd.s32 $0xF0000, s10;
	s5 =	sadd.s32 s6, s5  }
0xd: {  	s7 =	sadd.s32 s7, s0;
	s9 =	ssub.s32 s18, s9;
	s6 =	sadd.s32 s19, s3  }
0xe: {  	s11 =	sadd.s32 s21, s3;
	s13 =	sadd.s32 s22, s3;
	[dreg:$0x4] =	wrdreg s6  }
0xf: {  	s23 =	sadd.s32 s12, s3;
	s14 =	sadd.s32 s24, s3;
	[dreg:$0x5] =	wrdreg s11  }
0x10: {  	s16 =	sadd.s32 s26, s3;
	s10 =	sadd.s32 s10, s1;
	[dreg:$0x6] =	wrdreg s13  }
0x11: {  	s8 =	sadd.s32 s1, s21;
	s12 =	sadd.s32 s1, s12;
	[dreg:$0x7] =	wrdreg s23  }
0x12: {  	s18 =	sadd.s32 s1, s24;
	s19 =	sadd.s32 s1, s26;
	[dreg:$0x8] =	wrdreg s14  }
0x13: {  	s5 =	sshrl.u32 s5, $0x3;
	s6 =	sor.u32 $0x1C01, s20;
	[dreg:$0x9] =	wrdreg s16  }
0x14: {  	s7 =	sadd.s32 s15, s7;
	s16 =	smul.u32 $0x2800, s30;
	s11 =	sadd.s32 s1, s22  }
0x15: {  	s20 =	sadd.s32 s17, s3;
	s22 =	sshrl.u32 s31, $0x2;
	s10 =	sshrl.u32 s10, $0x3  }
0x16: {  	s8 =	sshrl.u32 s8, $0x3;
	s24 =	sshrl.u32 s12, $0x3;
	s26 =	sshrl.u32 s18, $0x3  }
0x17: {  	s30 =	sshrl.u32 s19, $0x3;
	s5 =	sadd.s32 s5, s0;
	s0 =	sadd.s32 $0x1C800, s0  }
0x18: {  	[dreg:$0xa] =	wrdreg s20;
	s13 =	sadd.s32 s22, s3;
	s23 =	sshrl.u32 s11, $0x3  }
0x19: {  	s22 =	smax.u32 s9, $0x1;
	s21 =	sadd.s32 s1, s16;
	s1 =	sadd.s32 s1, s17  }
0x1a: {  	[dreg:$0xb] =	wrdreg s13;
	s10 =	sadd.s32 s0, s10;
	s15 =	sadd.s32 s0, s8  }
0x1b: {  	s16 =	sadd.s32 s0, s23;
	s17 =	sadd.s32 s0, s24;
	s18 =	sadd.s32 s0, s26  }
0x1c: {  	s19 =	sadd.s32 s0, s30;
	s23 =	sadd.s32 $0x4FE800, s7;
	s24 =	sadd.s32 $0x12A00, s5  }
0x1d: {  	s26 =	simm.s32 $0x80;
	s1 =	sshrl.u32 s1, $0x3;
	s31 =	sshrl.u32 s21, $0x3  }
0x1e: {  	[dreg:$0xc] =	wrdreg s10;
	s20 =	sadd.s32 s0, s1;
	s21 =	sadd.s32 s0, s31  }
.LBB2_1:
0x1f: {  	s0 =	rddreg [dreg:$0x4]  }
0x20: {  	s30 =	sshrl.u32 s0, $0x3  }
0x21: {  	[spmem:s30], [sflag:s6] =	dma.local [hbm:s2], $0x500  }
0x22: {  	_ =	swait.ge [sflag:s25], $0x500  }
0x23: {  	[sflag:s25] =	ssyncset.done $0x0;
	s11 =	rddreg [dreg:$0x5]  }
0x24: {  	[sflag:s25] =	ssyncadd.s32 $0xFFFFFB00;
	s31 =	sshrl.u32 s11, $0x3  }
0x25: {  	[spmem:s31], [sflag:s6] =	dma.local [hbm:s2], $0x500  }
0x26: {  	_ =	swait.ge [sflag:s25], $0x500  }
0x27: {  	[sflag:s25] =	ssyncset.done $0x0;
	s12 =	rddreg [dreg:$0x6]  }
0x28: {  	[sflag:s25] =	ssyncadd.s32 $0xFFFFFB00;
	s1 =	sshrl.u32 s12, $0x3  }
0x29: {  	[spmem:s1], [sflag:s6] =	dma.local [hbm:s2], $0x500  }
0x2a: {  	_ =	swait.ge [sflag:s25], $0x500  }
0x2b: {  	[sflag:s25] =	ssyncset.done $0x0;
	s13 =	rddreg [dreg:$0x7]  }
0x2c: {  	[sflag:s25] =	ssyncadd.s32 $0xFFFFFB00;
	s0 =	sshrl.u32 s13, $0x3  }
0x2d: {  	[spmem:s0], [sflag:s6] =	dma.local [hbm:s2], $0x500  }
0x2e: {  	_ =	swait.ge [sflag:s25], $0x500  }
0x2f: {  	[sflag:s25] =	ssyncset.done $0x0;
	s5 =	rddreg [dreg:$0x8]  }
0x30: {  	[sflag:s25] =	ssyncadd.s32 $0xFFFFFB00;
	s5 =	sshrl.u32 s5, $0x3  }
0x31: {  	[spmem:s5], [sflag:s6] =	dma.local [hbm:s2], $0x500  }
0x32: {  	_ =	swait.ge [sflag:s25], $0x500  }
0x33: {  	[sflag:s25] =	ssyncset.done $0x0;
	s7 =	rddreg [dreg:$0x9]  }
0x34: {  	[sflag:s25] =	ssyncadd.s32 $0xFFFFFB00;
	s7 =	sshrl.u32 s7, $0x3  }
0x35: {  	[spmem:s7], [sflag:s6] =	dma.local [hbm:s2], $0x500  }
0x36: {  	_ =	swait.ge [sflag:s25], $0x500  }
0x37: {  	[sflag:s25] =	ssyncset.done $0x0;
	s8 =	rddreg [dreg:$0xa]  }
0x38: {  	[sflag:s25] =	ssyncadd.s32 $0xFFFFFB00;
	s8 =	sshrl.u32 s8, $0x3  }
0x39: {  	[spmem:s8], [sflag:s6] =	dma.local [hbm:s2], $0x500  }
0x3a: {  	_ =	swait.ge [sflag:s25], $0x500  }
0x3b: {  	[sflag:s25] =	ssyncset.done $0x0;
	s9 =	rddreg [dreg:$0xb]  }
0x3c: {  	s10 =	simm.s32 @!p0 $0x1;
	[sflag:s25] =	ssyncadd.s32 $0xFFFFFB00;
	s9 =	sshrl.u32 @!p0 s9, $0x3  }
0x3d: {  	[spmem:s9], [sflag:s6] =	dma.local @!p0 [hbm:s2], $0x500  }
0x3e: {  	_ =	swait.ge @!p0 [sflag:s10], $0x500  }
0x3f: {  	[sflag:s10] =	ssyncset.done @!p0 $0x0  }
0x40: {  	[sflag:s10] =	ssyncadd.s32 @!p0 $0xFFFFFB00  }
0x41: {  	s14 =	sadd.s32 $0x0, s24;
	[bflag:$0x0] =	sbarrier.arrive $0xFFFF  }
0x42: {  	[tilespmem:s4], [sflag:$0x1] =	stream.linear.gather [hbm4b:s14+s4], $0x50, $0x38;
	[tilespmem:$0xEBD0] =	vst v63  }
0x43: {  	_ =	swait.ge [sflag:s25], $0x50  }
0x44: {  	[sflag:s25] =	ssyncset.done $0x0  }
0x45: {  	[sflag:s25] =	ssyncadd.s32 $0xFFFFFFB0  }
0x46: {  	[tilespmem:s26], [sflag:$0x1] =	stream.linear.gather [hbm4b:s23+s4], $0x2800, $0x38;
	[tilespmem:$0xEBD0] =	vst v63  }
0x47: {  	_ =	swait.ge [sflag:s25], $0x2800  }
0x48: {  	[sflag:s25] =	ssyncset.done $0x0  }
0x49: {  	[sflag:s25] =	ssyncadd.s32 $0xFFFFD800  }
0x4a: {  	[spmem:s3] =	stream.indirect.scatter.add.f32 [tilespmem:s26], [sflag:$0x1], $0x50, s4, s28, $0xb8;
	[tilespmem:$0xEBD0] =	vst v63  }
0x4b: {  	s11 =	simm.s32 $0xA;
	_ =	swait.ge [sflag:s25], $0x1900  }
0x4c: {  	s12 =	simm.s32 $0x14;
	s10 =	sadd.s32 $0x500, s23;
	[sflag:s25] =	ssyncset.done $0x0  }
.LBB2_2:
0x4d: {  	s13 =	sadd.s32 s11, s24  }
0x4e: {  	[sflag:s25] =	ssyncadd.s32 $0xFFFFE700;
	s11 =	smov.u32 s12;
	s14 =	sadd.s32 $0xA, s12  }
0x4f: {  	[tilespmem:s4], [sflag:$0x1] =	stream.linear.gather [hbm4b:s13+s4], $0x50, $0x38;
	[tilespmem:$0xEBD0] =	vst v63  }
0x50: {  	p1 =	sne.s32 s12, $0x4D8;
	_ =	swait.ge [sflag:s25], $0x50  }
0x51: {  	[sflag:s25] =	ssyncset.done $0x0  }
0x52: {  	[sflag:s25] =	ssyncadd.s32 $0xFFFFFFB0  }
0x53: {  	[tilespmem:s26], [sflag:$0x1] =	stream.linear.gather [hbm4b:s10+s4], $0x2800, $0x38;
	[tilespmem:$0xEBD0] =	vst v63  }
0x54: {  	_ =	swait.ge [sflag:s25], $0x2800  }
.Ltmp0:
0x55: {  	[sflag:s25] =	ssyncset.done $0x0;
	(pc) =	sbr.rel @p1 .LBB2_2-.Ltmp0, $4  }
0x56: {  	[sflag:s25] =	ssyncadd.s32 $0xFFFFD800  }
0x57: {  	[spmem:s3] =	stream.indirect.scatter.add.f32 [tilespmem:s26], [sflag:$0x1], $0x50, s4, s28, $0xb8;
	[tilespmem:$0xEBD0] =	vst v63  }
0x58: {  	_ =	swait.ge [sflag:s25], $0x1900  }
0x59: {  	s12 =	smov.u32 s14;
	s10 =	sadd.s32 $0x500, s10;
	[sflag:s25] =	ssyncset.done $0x0  }
0x5a: {  	s11 =	sadd.s32 s11, s24;
	[sflag:s25] =	ssyncadd.s32 $0xFFFFE700  }
0x5b: {  	[tilespmem:s4], [sflag:$0x1] =	stream.linear.gather [hbm4b:s11+s4], $0x50, $0x38;
	[tilespmem:$0xEBD0] =	vst v63  }
0x5c: {  	_ =	swait.ge [sflag:s25], $0x50  }
0x5d: {  	[sflag:s25] =	ssyncset.done $0x0  }
0x5e: {  	[sflag:s25] =	ssyncadd.s32 $0xFFFFFFB0  }
0x5f: {  	[tilespmem:s26], [sflag:$0x1] =	stream.linear.gather [hbm4b:s10+s4], $0x2800, $0x38;
	[tilespmem:$0xEBD0] =	vst v63  }
0x60: {  	_ =	swait.ge [sflag:s25], $0x2800  }
0x61: {  	[sflag:s25] =	ssyncset.done $0x0  }
0x62: {  	[sflag:s25] =	ssyncadd.s32 $0xFFFFD800  }
0x63: {  	[spmem:s3] =	stream.indirect.scatter.add.f32 [tilespmem:s26], [sflag:$0x1], $0x50, s4, s28, $0xb8;
	[tilespmem:$0xEBD0] =	vst v63  }
0x64: {  	_ =	swait.ge [sflag:s25], $0x1900  }
0x65: {  	[sflag:s25] =	ssyncset.done $0x0  }
0x66: {  	[sflag:s25] =	ssyncadd.s32 $0xFFFFE700  }
0x67: {  	[bflag:$0x0] =	sbarrier.arrive $0xFFFF  }
0x68: {  	s14 =	rddreg [dreg:$0xc]  }
0x69: {  	[hbm:s14], [sflag:s6] =	dma.local [spmem:s30], $0x500  }
0x6a: {  	_ =	swait.ge [sflag:s25], $0x500  }
0x6b: {  	[sflag:s25] =	ssyncset.done $0x0  }
0x6c: {  	[sflag:s25] =	ssyncadd.s32 $0xFFFFFB00  }
0x6d: {  	[hbm:s15], [sflag:s6] =	dma.local [spmem:s31], $0x500  }
0x6e: {  	_ =	swait.ge [sflag:s25], $0x500  }
0x6f: {  	[sflag:s25] =	ssyncset.done $0x0  }
0x70: {  	[sflag:s25] =	ssyncadd.s32 $0xFFFFFB00  }
0x71: {  	[hbm:s16], [sflag:s6] =	dma.local [spmem:s1], $0x500  }
0x72: {  	_ =	swait.ge [sflag:s25], $0x500  }
0x73: {  	[sflag:s25] =	ssyncset.done $0x0  }
0x74: {  	[sflag:s25] =	ssyncadd.s32 $0xFFFFFB00  }
0x75: {  	[hbm:s17], [sflag:s6] =	dma.local [spmem:s0], $0x500  }
0x76: {  	_ =	swait.ge [sflag:s25], $0x500  }
0x77: {  	[sflag:s25] =	ssyncset.done $0x0  }
0x78: {  	[sflag:s25] =	ssyncadd.s32 $0xFFFFFB00  }
0x79: {  	[hbm:s18], [sflag:s6] =	dma.local [spmem:s5], $0x500  }
0x7a: {  	_ =	swait.ge [sflag:s25], $0x500  }
0x7b: {  	[sflag:s25] =	ssyncset.done $0x0  }
0x7c: {  	[sflag:s25] =	ssyncadd.s32 $0xFFFFFB00  }
0x7d: {  	[hbm:s19], [sflag:s6] =	dma.local [spmem:s7], $0x500  }
0x7e: {  	_ =	swait.ge [sflag:s25], $0x500  }
0x7f: {  	[sflag:s25] =	ssyncset.done $0x0  }
0x80: {  	[sflag:s25] =	ssyncadd.s32 $0xFFFFFB00  }
0x81: {  	[hbm:s20], [sflag:s6] =	dma.local [spmem:s8], $0x500  }
0x82: {  	s29 =	sadd.s32 $0x1, s29;
	_ =	swait.ge [sflag:s25], $0x500  }
0x83: {  	p1 =	sne.s32 s29, s22;
	[sflag:s25] =	ssyncset.done $0x0  }
.Ltmp1:
0x84: {  	s0 =	simm.s32 @!p0 $0x1;
	[sflag:s25] =	ssyncadd.s32 $0xFFFFFB00;
	(pc) =	sbr.rel @p1 .LBB2_1-.Ltmp1, $4  }
0x85: {  	[hbm:s21], [sflag:s6] =	dma.local @!p0 [spmem:s9], $0x500  }
0x86: {  	_ =	swait.ge @!p0 [sflag:s0], $0x500  }
0x87: {  	[sflag:s0] =	ssyncset.done @!p0 $0x0  }
0x88: {  	[sflag:s0] =	ssyncadd.s32 @!p0 $0xFFFFFB00  }
0x89: {  	_ =	sfence.sel $0x180000  }
0x8a: {  	[bflag:$0x0] =	sbarrier.arrive $0xFFFF  }
0x8b: {  	_ =	strace $0x90000050  }
0x8c: {  	s0 =	stileid.u32;
	[bflag:$0x2] =	sbarrier.arrive $0xFFFF  }
0x8d: {  	p0 =	sne.s32 s0, $0x0;
	s0 =	rddreg [dreg:$0x3]  }
0x8e: {  	s0 =	sadd.s32 @!p0 $0x100000, s0  }
0x8f: {  	[sflag:s0] =	ssyncadd.tile.s32 @!p0 $0x1;
	_ =	shalt  }
.Lfunc_end2:
_tile_overlayer_lowered:
.L_overlay_start_2:
0x90: {  	(tag) =	ssettag $0x2  }
0x91: {  	s0 =	rddreg [dreg:$0x0];
	s2 =	stileid.u32  }
0x92: {  	s1 =	rddreg [dreg:$0x1];
	p0 =	sne.s32 s2, $0x0  }
0x93: {  	s3 =	rddreg [dreg:$0x2];
	[bflag:$0x3] =	sbarrier.arrive $0xFFFF;
	s2 =	simm.s32 @!p0 $0x1C01  }
0x94: {  	[timem:s3], [sflag:s2] =	dma.local @!p0 [hbm:s0], s1  }
0x95: {  	s0 =	simm.s32 @!p0 $0x1  }
0x96: {  	_ =	swait.ge @!p0 [sflag:s0], s1  }
0x97: {  	s1 =	ssub.s32 @!p0 $0x0, s1;
	[sflag:s0] =	ssyncset.done @!p0 $0x0  }
0x98: {  	[sflag:s0] =	ssyncadd.s32 @!p0 s1  }
0x99: {  	[bflag:$0x3] =	sbarrier.arrive $0xFFFF  }
0x9a: {  	_ =	shalt  }

// kernel: kernel.32.cloned.1.call-start
scs
__scs_entry_jumppad:
0x0: {  	(pc) =	sbr.rel $0x88, $3  }
0x1: {  	(tag) =	ssettag $0x0;
	lr =	simm.s32 $0x1  }
0x2: {  	[smem:$0x3F94] =	sst lr;
	_ =	strace $0xD0000000  }
0x3: {  	_ = 	snop  }
0x4: {  	_ = 	snop  }
0x5: {  	_ = 	snop  }
0x6: {  	_ = 	snop  }
0x7: {  	_ = 	snop  }
__scs_overlays_trampoline_lowered:
0x8: {  	[smem:$0x3FA3] =	sst s0  }
0x9: {  	[smem:$0x3FA4] =	sst s1  }
0xa: {  	[smem:$0x3FA5] =	sst s2  }
0xb: {  	[smem:$0x3FA6] =	sst s3  }
0xc: {  	[smem:$0x3FA7] =	sst s4  }
0xd: {  	[smem:$0x3FA8] =	sst s5  }
0xe: {  	[smem:$0x3FA9] =	sst s6  }
0xf: {  	[smem:$0x3FAA] =	sst s7  }
0x10: {  	[smem:$0x3FAB] =	sst s8  }
0x11: {  	[smem:$0x3FAC] =	sst s9;
	s0 =	simm.s32 @!p0 $0x0  }
0x12: {  	s1 =	sld [smem:$0x3F92];
	s0 =	simm.s32 @p0 $0x1  }
0x13: {  	[smem:$0x3FAD] =	sst s0;
	s0 =	simm.s32 @!p1 $0x0  }
0x14: {  	s2 =	sld [smem:$0x3F91];
	s0 =	simm.s32 @p1 $0x1  }
0x15: {  	[smem:$0x3FAE] =	sst s0;
	s0 =	simm.s32 @!p2 $0x0  }
0x16: {  	s3 =	sld [smem:$0x3FDB];
	s0 =	simm.s32 @p2 $0x1  }
0x17: {  	s4 =	simm.s32 $0x1BF5;
	[smem:$0x3FB0] =	sst s0  }
0x18: {  	s0 =	sld [smem:$0x3F93];
	_ =	swait.ge [sflag:s4], $0x0  }
0x19: {  	s7 =	sld [smem:$0x3F94]  }
0x1a: {  	s8 =	sadd.s32 $0xFFFFE003, lr  }
0x1b: {  	s9 =	sadd.s32 $0xFFFFFEF7, lr;
	s5 =	simm.s32 $0xFFFFFFFF;
	p2 =	slt.u32 s8, $0xFFFFF086  }
0x1c: {  	p1 =	slt.u32 s9, $0xF7A;
	s5 =	simm.s32 @!p2 $0x0  }
0x1d: {  	s5 =	simm.s32 @p1 $0x1;
	p0 =	seq.s32 s7, s2  }
0x1e: {  	s7 =	smul.u32 @!p0 $0xF7A, s2;
	p2 =	seq.s32 @!p0 s5, $0x0  }
0x1f: {  	s9 =	smul.u32 $0xF7A, s1;
	s8 =	simm.s32 @!p0 $0x1BF5;
	p2 =	por !p2, p0  }
0x20: {  	[sflag:s8] =	ssyncset.s32 @!p0 $0xFFFFF086;
	s6 =	sadd.s32 @!p0 s3, s7;
	s7 =	simm.s32 @!p0 $0x108  }
0x21: {  	s3 =	sadd.s32 s3, s9;
	s6 =	sadd.s32 @!p0 $0x88, s6;
	s7 =	simm.s32 @p2 $0x1082  }
0x22: {  	[simem:s7], [sflag:s8] =	dma.local @!p0 [hbm:s6], $0xF7A  }
0x23: {  	s9 =	sor.u32 $0xD0000000, s2;
	s6 =	simm.s32 $0x108;
	_ =	swait.ge @!p0 [sflag:s8], $0x0  }
0x24: {  	s3 =	sadd.s32 $0x88, s3;
	s6 =	simm.s32 @!p1 $0x1082;
	[sflag:s4] =	ssyncset.s32 $0xFFFFF086  }
0x25: {  	[simem:s6], [sflag:s4] =	dma.local [hbm:s3], $0xF7A  }
0x26: {  	[smem:$0x3F94] =	sst s1;
	(tag) =	ssettag s2;
	_ =	strace s9  }
0x27: {  	s1 =	sld [smem:$0x3FA4]  }
0x28: {  	s2 =	sld [smem:$0x3FA5]  }
0x29: {  	s4 =	sld [smem:$0x3FA7]  }
0x2a: {  	p0 =	seq.s32 s5, $0x0;
	s5 =	sld [smem:$0x3FA8]  }
0x2b: {  	s6 =	sld [smem:$0x3FA9]  }
0x2c: {  	s7 =	sld [smem:$0x3FAA]  }
0x2d: {  	s3 =	simm.s32 $0x108;
	s8 =	sld [smem:$0x3FAB]  }
0x2e: {  	s3 =	simm.s32 @!p0 $0x1082;
	s9 =	sld [smem:$0x3FAC]  }
0x2f: {  	lr =	sadd.s32 s0, s3;
	s0 =	sld [smem:$0x3FA3]  }
0x30: {  	s3 =	sld [smem:$0x3FA6]  }
0x31: {  	[smem:$0x3FAF] =	sst s10  }
0x32: {  	s10 =	sld [smem:$0x3FAD];
	_ =	sdelay $0x3  }
0x33: {  	p0 =	seq.s32 s10, $0x1;
	s10 =	sld [smem:$0x3FAF];
	_ =	sdelay $0x3  }
0x34: {  	[smem:$0x3FAF] =	sst s10  }
0x35: {  	s10 =	sld [smem:$0x3FAE];
	_ =	sdelay $0x3  }
0x36: {  	p1 =	seq.s32 s10, $0x1;
	s10 =	sld [smem:$0x3FAF];
	_ =	sdelay $0x3  }
0x37: {  	[smem:$0x3FAF] =	sst s10  }
0x38: {  	s10 =	sld [smem:$0x3FB0]  }
0x39: {  	_ = 	snop;
	(pc) =	sbr.ind lr, $3  }
0x3a: {  	_ = 	snop  }
0x3b: {  	_ = 	snop  }
0x3c: {  	p2 =	seq.s32 s10, $0x1;
	s10 =	sld [smem:$0x3FAF]  }
0x3d: {  	_ =	shalt  }
0x3e: {  	_ =	shalt  }
0x3f: {  	_ =	shalt  }
0x40: {  	_ =	shalt  }
0x41: {  	_ =	shalt  }
0x42: {  	_ =	shalt  }
0x43: {  	_ =	shalt  }
0x44: {  	_ =	shalt  }
0x45: {  	_ =	shalt  }
0x46: {  	_ =	shalt  }
0x47: {  	_ =	shalt  }
0x48: {  	_ =	shalt  }
0x49: {  	_ =	shalt  }
0x4a: {  	_ =	shalt  }
0x4b: {  	_ =	shalt  }
0x4c: {  	_ =	shalt  }
0x4d: {  	_ =	shalt  }
0x4e: {  	_ =	shalt  }
0x4f: {  	_ =	shalt  }
0x50: {  	_ =	shalt  }
0x51: {  	_ =	shalt  }
0x52: {  	_ =	shalt  }
0x53: {  	_ =	shalt  }
0x54: {  	_ =	shalt  }
0x55: {  	_ =	shalt  }
0x56: {  	_ =	shalt  }
0x57: {  	_ =	shalt  }
0x58: {  	_ =	shalt  }
0x59: {  	_ =	shalt  }
0x5a: {  	_ =	shalt  }
0x5b: {  	_ =	shalt  }
0x5c: {  	_ =	shalt  }
0x5d: {  	_ =	shalt  }
0x5e: {  	_ =	shalt  }
0x5f: {  	_ =	shalt  }
0x60: {  	_ =	shalt  }
0x61: {  	_ =	shalt  }
0x62: {  	_ =	shalt  }
0x63: {  	_ =	shalt  }
0x64: {  	_ =	shalt  }
0x65: {  	_ =	shalt  }
0x66: {  	_ =	shalt  }
0x67: {  	_ =	shalt  }
0x68: {  	_ =	shalt  }
0x69: {  	_ =	shalt  }
0x6a: {  	_ =	shalt  }
0x6b: {  	_ =	shalt  }
0x6c: {  	_ =	shalt  }
0x6d: {  	_ =	shalt  }
0x6e: {  	_ =	shalt  }
0x6f: {  	_ =	shalt  }
0x70: {  	_ =	shalt  }
0x71: {  	_ =	shalt  }
0x72: {  	_ =	shalt  }
0x73: {  	_ =	shalt  }
0x74: {  	_ =	shalt  }
0x75: {  	_ =	shalt  }
0x76: {  	_ =	shalt  }
0x77: {  	_ =	shalt  }
0x78: {  	_ =	shalt  }
0x79: {  	_ =	shalt  }
0x7a: {  	_ =	shalt  }
0x7b: {  	_ =	shalt  }
0x7c: {  	_ =	shalt  }
0x7d: {  	_ =	shalt  }
0x7e: {  	_ =	shalt  }
0x7f: {  	_ =	shalt  }
0x80: {  	_ =	shalt  }
0x81: {  	_ =	shalt  }
0x82: {  	_ =	shalt  }
0x83: {  	_ =	shalt  }
0x84: {  	_ =	shalt  }
0x85: {  	_ =	shalt  }
0x86: {  	_ =	shalt  }
0x87: {  	_ =	shalt  }
.Lfunc_end0:
.L_simem_size_0:
called_computation.4_lowered:
.L_overlay_start_0:
0x88: {  	s2 =	sld [smem:$0x3FD9]  }
0x89: {  	s3 =	sld [smem:$0x3FFE];
	_ =	sdelay $0x1  }
0x8a: {  	s1 =	srdreg.scid  }
0x8b: {  	s0 =	sand.u32 $0x1, s1  }
0x8c: {  	s16 =	sshll.u32 s0, $0xA;
	s2 =	sadd.s32 s3, s2  }
0x8d: {  	s2 =	sadd.s32 s2, s16  }
0x8e: {  	[smem:$0x3FBB] =	sst s2  }
0x8f: {  	_ = 	snop  }
0x90: {  	(tm) =	ssettm $0x1  }
0x91: {  	s17 =	sld [smem:$0x3FFB];
	_ =	sdelay $0x3  }
0x92: {  	_ =	strace s17  }
0x93: {  	s2 =	sld [smem:$0x3FFC];
	_ =	sdelay $0x3  }
0x94: {  	_ =	strace s2  }
0x95: {  	s2 =	sld [smem:$0x3FFD];
	_ =	sdelay $0x3  }
0x96: {  	_ =	strace s2  }
0x97: {  	_ =	strace $0x8FFFFFFF  }
0x98: {  	s18 =	sld [smem:$0x3FDB];
	_ =	sdelay $0x1  }
0x99: {  	s19 =	simm.s32 $_scs_section_size  }
0x9a: {  	s4 =	simm.s32 $_size__tile_overlayer_lowered;
	s5 =	simm.s32 $_tile_overlayer_lowered  }
0x9b: {  	s22 =	simm.s32 $0x1BFF;
	s21 =	sshll.u32 s5, $0x1;
	s2 =	sadd.s32 s19, s18  }
0x9c: {  	s6 =	simm.s32 $0x0;
	s20 =	sshll.u32 s4, $0x1;
	s4 =	sadd.s32 s21, s2  }
0x9d: {  	[timem:s6], [sflag:s22] =	dma.local [hbm:s4], s20  }
0x9e: {  	_ =	swait.ge [sflag:s22], s20  }
0x9f: {  	s3 =	ssub.s32 $0x0, s20;
	[sflag:s22] =	ssyncset.done $0x0  }
0xa0: {  	[sflag:s22] =	ssyncadd.s32 s3;
	_ =	sdelay $0x1  }
0xa1: {  	s23 =	simm.s32 $0x1B8B  }
0xa2: {  	_ =	swait.ge [sflag:s23], $0x1  }
0xa3: {  	[sflag:s23] =	ssyncset.done $0x0  }
0xa4: {  	s25 =	simm.s32 $0x1B8E;
	s24 =	sld [smem:$0x3FFE];
	[sflag:s23] =	ssyncadd.s32 $0xFFFFFFFF  }
0xa5: {  	s26 =	simm.s32 $execute0_lowered;
	[smem:$0x3FD2] =	sst s25  }
0xa6: {  	s4 =	sshll.u32 s26, $0x1;
	_ =	strace $0x80000052;
	[dreg:$0x1] =	wrdreg $0xFFFFFFFF  }
0xa7: {  	s28 =	simm.s32 $_size_execute0_lowered;
	s2 =	sadd.s32 s2, s4;
	[dreg:$0x0] =	wrdreg $0x0  }
0xa8: {  	s4 =	sshll.u32 s28, $0x1;
	[dreg:$0x2] =	wrdreg s2  }
0xa9: {  	[dreg:$0x3] =	wrdreg s4  }
0xaa: {  	[dreg:$0x4] =	wrdreg $0xC0  }
0xab: {  	_ =	task [dreg:s6], $0x5FFFF  }
0xac: {  	[dreg:$0x1] =	wrdreg $0xFFFFFFFF  }
0xad: {  	[dreg:$0x0] =	wrdreg $0x60  }
0xae: {  	[dreg:$0x2] =	wrdreg s24  }
0xaf: {  	[dreg:$0x3] =	wrdreg $0x51000  }
0xb0: {  	[dreg:$0x4] =	wrdreg $0x9  }
0xb1: {  	_ =	task.clear_ibuf [dreg:s6], $0x5FFFF;
	_ =	strace $0x90000052  }
0xb2: {  	s29 =	simm.s32 $0x9;
	_ =	strace $0x80000054  }
0xb3: {  	_ =	swait.ge [sflag:s29], $0x1  }
0xb4: {  	[sflag:s29] =	ssyncadd.s32 $0xFFFFFFFF  }
0xb5: {  	_ =	strace $0x90000054  }
0xb6: {  	_ =	sfence  }
0xb7: {  	s30 =	sld [smem:$0x0];
	_ =	sdelay $0x2  }
0xb8: {  	s31 =	sshll.u32 s1, $0xD;
	s1 =	sshrl.u32 s1, $0x2  }
0xb9: {  	s3 =	sand.u32 $0x4000, s31;
	s1 =	sadd.s32 s1, s30  }
0xba: {  	s0 =	sor.u32 s3, s0;
	s1 =	sshll.u32 s1, $0x11  }
0xbb: {  	s0 =	sor.u32 s1, s0  }
0xbc: {  	s0 =	sadd.s32 $0x8F2B, s0  }
0xbd: {  	[sflag:s0] =	ssyncadd.remote.s32 $0x1  }
0xbe: {  	_ =	sfence.sel $0xFFFF  }
0xbf: {  	[dreg:$0x0] =	wrdreg $0xFFFFFFFF;
	(pc) =	sbr.abs _section_cstart, $3  }
0xc0: {  	[dreg:$0x1] =	wrdreg $0xFFFFFFFF  }
0xc1: {  	_ =	task.clear_ibuf [dreg:s6], $0x2FFFF;
	_ =	strace $0x9FFFFFFF  }
0xc2: {  	(tm) =	ssettm $0x7FFFFFFF  }
0xc3: {  	_ =	shalt  }
tec
execute0_lowered:
.L_overlay_start_1:
0x0: {  	(tag) =	ssettag $0x1  }
0x1: {  	s0 =	rddreg [dreg:$0x0]  }
0x2: {  	s1 =	srdreg.scid;
	s19 =	stileid.u32  }
0x3: {  	s2 =	rddreg [dreg:$0x1];
	s3 =	simm.s32 $0x0;
	s5 =	smul.u32 $0x2710, s19  }
0x4: {  	s28 =	simm.s32 $0x80;
	s29 =	simm.s32 $0x50;
	s7 =	smul.u32 $0xA000, s19  }
0x5: {  	s30 =	simm.s32 $0x100;
	s31 =	simm.s32 $0x2900;
	s8 =	smul.u32 $0x50, s19  }
0x6: {  	s1 =	sand.u32 $0x1, s1;
	[smem:$0x7FF] =	sst s3;
	s25 =	smul.u32 $0x500, s19  }
0x7: {  	s6 =	sadd.s32 $0x1C800, s0;
	s26 =	sshll.u32 s19, $0x6;
	s4 =	smul.u32 $0x27100, s1  }
0x8: {  	p0 =	sgt.u32 s19, $0xC;
	s22 =	smul.u32 $0x271000, s1;
	s1 =	ssub.s32 $0x2, s1  }
0x9: {  	_ =	strace $0x80000053;
	s23 =	sshrl.u32 s1, $0x1;
	s24 =	sshrl.u32 s7, $0x2  }
0xa: {  	s9 =	sadd.s32 $0x500, s8;
	s7 =	sadd.s32 s6, s25;
	s13 =	sadd.s32 $0xF00, s8  }
0xb: {  	s17 =	sadd.s32 $0x1900, s8;
	s4 =	sadd.s32 s5, s4;
	s1 =	ssub.s32 s1, s23  }
0xc: {  	s18 =	sadd.s32 s24, s2;
	[dreg:$0x3] =	wrdreg s7;
	s5 =	sor.u32 $0x1C02, s26  }
0xd: {  	s10 =	sshll.u32 s9, $0x7;
	s9 =	sshll.u32 s9, $0x4;
	s14 =	sshll.u32 s13, $0x7  }
0xe: {  	s23 =	sshll.u32 s17, $0x7;
	s4 =	sshrl.u32 s4, $0x3;
	s7 =	sadd.s32 s10, s2  }
0xf: {  	s10 =	sadd.s32 $0xA00, s8;
	s9 =	sadd.s32 s6, s9;
	s21 =	sadd.s32 s14, s2  }
0x10: {  	s23 =	sadd.s32 s23, s2;
	s14 =	smul.u32 $0x27100, s19;
	s18 =	sshrl.u32 s18, $0x3  }
0x11: {  	s4 =	sadd.s32 s4, s0;
	s0 =	sadd.s32 s22, s0;
	[dreg:$0x4] =	wrdreg s9  }
0x12: {  	s11 =	sshll.u32 s10, $0x7;
	s10 =	sshll.u32 s10, $0x4;
	s9 =	sshll.u32 s13, $0x4  }
0x13: {  	s21 =	sshrl.u32 s21, $0x3;
	s23 =	sshrl.u32 s23, $0x3;
	s20 =	sadd.s32 s11, s2  }
0x14: {  	s12 =	sadd.s32 s6, s10;
	s11 =	sadd.s32 $0x1400, s8;
	s9 =	sadd.s32 s6, s9  }
0x15: {  	s10 =	sshll.u32 s17, $0x4;
	s8 =	sadd.s32 $0x1E00, s8;
	[dreg:$0x5] =	wrdreg s12  }
0x16: {  	s0 =	sadd.s32 s14, s0;
	s17 =	sadd.s32 $0x8C00, s4;
	[dreg:$0x6] =	wrdreg s9  }
0x17: {  	s15 =	sshll.u32 s11, $0x7;
	s16 =	sshll.u32 s11, $0x4;
	s12 =	sor.u32 $0x70, s19  }
0x18: {  	s24 =	sadd.s32 s6, s10;
	s25 =	sshll.u32 s8, $0x7;
	s8 =	sshll.u32 s8, $0x4  }
0x19: {  	s14 =	sadd.s32 $0x43A00, s0;
	s19 =	sshrl.u32 s7, $0x3;
	s20 =	sshrl.u32 s20, $0x3  }
0x1a: {  	s22 =	sadd.s32 s15, s2;
	s9 =	sadd.s32 s6, s16;
	s13 =	smul.u32 $0xA000, s12  }
0x1b: {  	[dreg:$0x8] =	wrdreg s24;
	s12 =	smul.u32 $0x500, s12;
	s24 =	sadd.s32 s25, s2  }
0x1c: {  	s8 =	sadd.s32 s6, s8;
	s15 =	sadd.s32 $0x525A00, s0;
	[dreg:$0x7] =	wrdreg s9  }
0x1d: {  	s16 =	sadd.s32 $0x12A00, s4;
	s0 =	simm.s32 $0x1;
	[dreg:$0x9] =	wrdreg s8  }
0x1e: {  	s22 =	sshrl.u32 s22, $0x3;
	s24 =	sshrl.u32 s24, $0x3;
	s26 =	sshrl.u32 s13, $0x2  }
0x1f: {  	s12 =	sadd.s32 s6, s12;
	s13 =	smax.u32 s1, $0x1;
	s8 =	sadd.s32 s26, s2  }
0x20: {  	s1 =	simm.s32 $0x0;
	s26 =	simm.s32 $0x2;
	s25 =	sshrl.u32 @!p0 s8, $0x3  }
.LBB2_1:
0x21: {  	s4 =	rddreg [dreg:$0x3]  }
0x22: {  	[spmem:s18], [sflag:s5] =	dma.local [hbm:s4], $0x500  }
0x23: {  	_ =	swait.ge [sflag:s26], $0x500  }
0x24: {  	[sflag:s26] =	ssyncset.done $0x0  }
0x25: {  	s10 =	rddreg [dreg:$0x4];
	[sflag:s26] =	ssyncadd.s32 $0xFFFFFB00  }
0x26: {  	[spmem:s19], [sflag:s5] =	dma.local [hbm:s10], $0x500  }
0x27: {  	_ =	swait.ge [sflag:s26], $0x500  }
0x28: {  	[sflag:s26] =	ssyncset.done $0x0  }
0x29: {  	s11 =	rddreg [dreg:$0x5];
	[sflag:s26] =	ssyncadd.s32 $0xFFFFFB00  }
0x2a: {  	[spmem:s20], [sflag:s5] =	dma.local [hbm:s11], $0x500  }
0x2b: {  	_ =	swait.ge [sflag:s26], $0x500  }
0x2c: {  	[sflag:s26] =	ssyncset.done $0x0  }
0x2d: {  	s6 =	rddreg [dreg:$0x6];
	[sflag:s26] =	ssyncadd.s32 $0xFFFFFB00  }
0x2e: {  	[spmem:s21], [sflag:s5] =	dma.local [hbm:s6], $0x500  }
0x2f: {  	_ =	swait.ge [sflag:s26], $0x500  }
0x30: {  	[sflag:s26] =	ssyncset.done $0x0  }
0x31: {  	s7 =	rddreg [dreg:$0x7];
	[sflag:s26] =	ssyncadd.s32 $0xFFFFFB00  }
0x32: {  	[spmem:s22], [sflag:s5] =	dma.local [hbm:s7], $0x500  }
0x33: {  	_ =	swait.ge [sflag:s26], $0x500  }
0x34: {  	[sflag:s26] =	ssyncset.done $0x0  }
0x35: {  	s8 =	rddreg [dreg:$0x8];
	[sflag:s26] =	ssyncadd.s32 $0xFFFFFB00  }
0x36: {  	[spmem:s23], [sflag:s5] =	dma.local [hbm:s8], $0x500  }
0x37: {  	_ =	swait.ge [sflag:s26], $0x500  }
0x38: {  	[sflag:s26] =	ssyncset.done $0x0  }
0x39: {  	s9 =	rddreg [dreg:$0x9];
	[sflag:s26] =	ssyncadd.s32 $0xFFFFFB00  }
0x3a: {  	[spmem:s24], [sflag:s5] =	dma.local [hbm:s9], $0x500  }
0x3b: {  	_ =	swait.ge [sflag:s26], $0x500  }
0x3c: {  	[sflag:s26] =	ssyncset.done $0x0  }
0x3d: {  	s4 =	simm.s32 @!p0 $0x2;
	[sflag:s26] =	ssyncadd.s32 $0xFFFFFB00  }
0x3e: {  	[spmem:s25], [sflag:s5] =	dma.local @!p0 [hbm:s12], $0x500  }
0x3f: {  	_ =	swait.ge @!p0 [sflag:s4], $0x500  }
0x40: {  	[sflag:s4] =	ssyncset.done @!p0 $0x0  }
0x41: {  	[sflag:s4] =	ssyncadd.s32 @!p0 $0xFFFFFB00  }
0x42: {  	s10 =	sadd.s32 $0x0, s17;
	[bflag:$0x0] =	sbarrier.arrive $0xFFFF  }
0x43: {  	[tilespmem:s3], [sflag:$0x2] =	stream.linear.gather [hbm4b:s10+s3], $0x50, $0x38;
	[tilespmem:$0x13B60] =	vst v63  }
0x44: {  	_ =	swait.ge [sflag:s26], $0x50  }
0x45: {  	[sflag:s26] =	ssyncset.done $0x0  }
0x46: {  	s11 =	sadd.s32 $0x0, s16;
	[sflag:s26] =	ssyncadd.s32 $0xFFFFFFB0  }
0x47: {  	[tilespmem:s28], [sflag:$0x2] =	stream.linear.gather [hbm4b:s11+s3], $0x50, $0x38;
	[tilespmem:$0x13B60] =	vst v63  }
0x48: {  	_ =	swait.ge [sflag:s26], $0x50  }
0x49: {  	[sflag:s26] =	ssyncset.done $0x0  }
0x4a: {  	[sflag:s26] =	ssyncadd.s32 $0xFFFFFFB0  }
0x4b: {  	[tilespmem:s30], [sflag:$0x1] =	stream.indirect.gather [spmem:s2], $0x60, s3, s29, $0xb8;
	[tilespmem:$0x13B60] =	vst v63  }
0x4c: {  	_ = 	snop  }
0x4d: {  	[tilespmem:s31], [sflag:$0x1] =	stream.indirect.gather [spmem:s2], $0x60, s28, s29, $0xb8;
	[tilespmem:$0x13B60] =	vst v63  }
0x4e: {  	_ =	swait.ge [sflag:s0], $0x1E00  }
0x4f: {  	[sflag:s0] =	ssyncset.done $0x0  }
0x50: {  	[sflag:s0] =	ssyncadd.s32 $0xFFFFE200  }
0x51: {  	_ =	swait.ge [sflag:s0], $0x1E00  }
0x52: {  	[sflag:s0] =	ssyncset.done $0x0  }
0x53: {  	[sflag:s0] =	ssyncadd.s32 $0xFFFFE200  }
0x54: {  	[hbm4b:s14+s3] =	stream.linear.scatter [tilespmem:s30], [sflag:$0x2], $0x2800, $0x38;
	[tilespmem:$0x13B60] =	vst v63  }
0x55: {  	_ =	swait.ge [sflag:s26], $0x2800  }
0x56: {  	[sflag:s26] =	ssyncset.done $0x0  }
0x57: {  	[sflag:s26] =	ssyncadd.s32 $0xFFFFD800  }
0x58: {  	[hbm4b:s15+s3] =	stream.linear.scatter [tilespmem:s31], [sflag:$0x2], $0x2800, $0x38;
	[tilespmem:$0x13B60] =	vst v63  }
0x59: {  	s6 =	sadd.s32 $0x500, s14;
	s7 =	simm.s32 $0xA;
	_ =	swait.ge [sflag:s26], $0x2800  }
0x5a: {  	s8 =	simm.s32 $0x14;
	s4 =	sadd.s32 $0x500, s15;
	[sflag:s26] =	ssyncset.done $0x0  }
.LBB2_2:
0x5b: {  	s9 =	sadd.s32 s7, s17  }
0x5c: {  	[sflag:s26] =	ssyncadd.s32 $0xFFFFD800;
	s10 =	smov.u32 s8;
	s11 =	sadd.s32 $0xA, s8  }
0x5d: {  	[tilespmem:s3], [sflag:$0x2] =	stream.linear.gather [hbm4b:s9+s3], $0x50, $0x38;
	[tilespmem:$0x13B60] =	vst v63  }
0x5e: {  	p1 =	sne.s32 s8, $0x4D8;
	_ =	swait.ge [sflag:s26], $0x50  }
0x5f: {  	[sflag:s26] =	ssyncset.done $0x0  }
0x60: {  	s8 =	sadd.s32 s7, s16;
	s7 =	smov.u32 s10;
	[sflag:s26] =	ssyncadd.s32 $0xFFFFFFB0  }
0x61: {  	[tilespmem:s28], [sflag:$0x2] =	stream.linear.gather [hbm4b:s8+s3], $0x50, $0x38;
	[tilespmem:$0x13B60] =	vst v63  }
0x62: {  	_ =	swait.ge [sflag:s26], $0x50  }
0x63: {  	[sflag:s26] =	ssyncset.done $0x0  }
0x64: {  	[sflag:s26] =	ssyncadd.s32 $0xFFFFFFB0  }
0x65: {  	[tilespmem:s30], [sflag:$0x1] =	stream.indirect.gather [spmem:s2], $0x60, s3, s29, $0xb8;
	[tilespmem:$0x13B60] =	vst v63  }
0x66: {  	_ = 	snop  }
0x67: {  	[tilespmem:s31], [sflag:$0x1] =	stream.indirect.gather [spmem:s2], $0x60, s28, s29, $0xb8;
	[tilespmem:$0x13B60] =	vst v63  }
0x68: {  	_ =	swait.ge [sflag:s0], $0x1E00  }
0x69: {  	[sflag:s0] =	ssyncset.done $0x0  }
0x6a: {  	[sflag:s0] =	ssyncadd.s32 $0xFFFFE200  }
0x6b: {  	_ =	swait.ge [sflag:s0], $0x1E00  }
0x6c: {  	[sflag:s0] =	ssyncset.done $0x0  }
0x6d: {  	[sflag:s0] =	ssyncadd.s32 $0xFFFFE200  }
0x6e: {  	[hbm4b:s6+s3] =	stream.linear.scatter [tilespmem:s30], [sflag:$0x2], $0x2800, $0x38;
	[tilespmem:$0x13B60] =	vst v63  }
0x6f: {  	_ =	swait.ge [sflag:s26], $0x2800  }
.Ltmp0:
0x70: {  	[sflag:s26] =	ssyncset.done $0x0;
	(pc) =	sbr.rel @p1 .LBB2_2-.Ltmp0, $4  }
0x71: {  	[sflag:s26] =	ssyncadd.s32 $0xFFFFD800  }
0x72: {  	[hbm4b:s4+s3] =	stream.linear.scatter [tilespmem:s31], [sflag:$0x2], $0x2800, $0x38;
	[tilespmem:$0x13B60] =	vst v63  }
0x73: {  	s8 =	smov.u32 s11;
	_ =	swait.ge [sflag:s26], $0x2800  }
0x74: {  	s6 =	sadd.s32 $0x500, s6;
	s4 =	sadd.s32 $0x500, s4;
	[sflag:s26] =	ssyncset.done $0x0  }
0x75: {  	s8 =	sadd.s32 s7, s17;
	[sflag:s26] =	ssyncadd.s32 $0xFFFFD800  }
0x76: {  	[tilespmem:s3], [sflag:$0x2] =	stream.linear.gather [hbm4b:s8+s3], $0x50, $0x38;
	[tilespmem:$0x13B60] =	vst v63  }
0x77: {  	_ =	swait.ge [sflag:s26], $0x50  }
0x78: {  	[sflag:s26] =	ssyncset.done $0x0  }
0x79: {  	s11 =	sadd.s32 s7, s16;
	[sflag:s26] =	ssyncadd.s32 $0xFFFFFFB0  }
0x7a: {  	[tilespmem:s28], [sflag:$0x2] =	stream.linear.gather [hbm4b:s11+s3], $0x50, $0x38;
	[tilespmem:$0x13B60] =	vst v63  }
0x7b: {  	_ =	swait.ge [sflag:s26], $0x50  }
0x7c: {  	[sflag:s26] =	ssyncset.done $0x0  }
0x7d: {  	[sflag:s26] =	ssyncadd.s32 $0xFFFFFFB0  }
0x7e: {  	[tilespmem:s30], [sflag:$0x1] =	stream.indirect.gather [spmem:s2], $0x60, s3, s29, $0xb8;
	[tilespmem:$0x13B60] =	vst v63  }
0x7f: {  	_ = 	snop  }
0x80: {  	[tilespmem:s31], [sflag:$0x1] =	stream.indirect.gather [spmem:s2], $0x60, s28, s29, $0xb8;
	[tilespmem:$0x13B60] =	vst v63  }
0x81: {  	_ =	swait.ge [sflag:s0], $0x1E00  }
0x82: {  	[sflag:s0] =	ssyncset.done $0x0  }
0x83: {  	[sflag:s0] =	ssyncadd.s32 $0xFFFFE200  }
0x84: {  	_ =	swait.ge [sflag:s0], $0x1E00  }
0x85: {  	[sflag:s0] =	ssyncset.done $0x0  }
0x86: {  	[sflag:s0] =	ssyncadd.s32 $0xFFFFE200  }
0x87: {  	[hbm4b:s6+s3] =	stream.linear.scatter [tilespmem:s30], [sflag:$0x2], $0x2800, $0x38;
	[tilespmem:$0x13B60] =	vst v63  }
0x88: {  	s1 =	sadd.s32 $0x1, s1;
	_ =	swait.ge [sflag:s26], $0x2800  }
0x89: {  	p1 =	sne.s32 s1, s13;
	[sflag:s26] =	ssyncset.done $0x0  }
.Ltmp1:
0x8a: {  	[sflag:s26] =	ssyncadd.s32 $0xFFFFD800;
	(pc) =	sbr.rel @p1 .LBB2_1-.Ltmp1, $4  }
0x8b: {  	[hbm4b:s4+s3] =	stream.linear.scatter [tilespmem:s31], [sflag:$0x2], $0x2800, $0x38;
	[tilespmem:$0x13B60] =	vst v63  }
0x8c: {  	_ =	swait.ge [sflag:s26], $0x2800  }
0x8d: {  	[sflag:s26] =	ssyncset.done $0x0  }
0x8e: {  	[sflag:s26] =	ssyncadd.s32 $0xFFFFD800  }
0x8f: {  	_ =	sfence.sel $0x180000  }
0x90: {  	[bflag:$0x0] =	sbarrier.arrive $0xFFFF  }
0x91: {  	_ =	strace $0x90000053  }
0x92: {  	s0 =	stileid.u32;
	[bflag:$0x2] =	sbarrier.arrive $0xFFFF  }
0x93: {  	p0 =	sne.s32 s0, $0x0;
	s0 =	rddreg [dreg:$0x2]  }
0x94: {  	s0 =	sadd.s32 @!p0 $0x100000, s0  }
0x95: {  	[sflag:s0] =	ssyncadd.tile.s32 @!p0 $0x1;
	_ =	shalt  }
.Lfunc_end2:
_tile_overlayer_lowered:
.L_overlay_start_2:
0x96: {  	(tag) =	ssettag $0x2  }
0x97: {  	s0 =	rddreg [dreg:$0x0];
	s2 =	stileid.u32  }
0x98: {  	s1 =	rddreg [dreg:$0x1];
	p0 =	sne.s32 s2, $0x0  }
0x99: {  	s3 =	rddreg [dreg:$0x2];
	[bflag:$0x3] =	sbarrier.arrive $0xFFFF;
	s2 =	simm.s32 @!p0 $0x1C02  }
0x9a: {  	[timem:s3], [sflag:s2] =	dma.local @!p0 [hbm:s0], s1  }
0x9b: {  	s0 =	simm.s32 @!p0 $0x2  }
0x9c: {  	_ =	swait.ge @!p0 [sflag:s0], s1  }
0x9d: {  	s1 =	ssub.s32 @!p0 $0x0, s1;
	[sflag:s0] =	ssyncset.done @!p0 $0x0  }
0x9e: {  	[sflag:s0] =	ssyncadd.s32 @!p0 s1  }
0x9f: {  	[bflag:$0x3] =	sbarrier.arrive $0xFFFF  }
0xa0: {  	_ =	shalt  }

// kernel: kernel.35.cloned.1.call-start
scs
__scs_entry_jumppad:
0x0: {  	(pc) =	sbr.rel $0x88, $3  }
0x1: {  	(tag) =	ssettag $0x0;
	lr =	simm.s32 $0x1  }
0x2: {  	[smem:$0x3F94] =	sst lr;
	_ =	strace $0xD0000000  }
0x3: {  	_ = 	snop  }
0x4: {  	_ = 	snop  }
0x5: {  	_ = 	snop  }
0x6: {  	_ = 	snop  }
0x7: {  	_ = 	snop  }
__scs_overlays_trampoline_lowered:
0x8: {  	[smem:$0x3FA3] =	sst s0  }
0x9: {  	[smem:$0x3FA4] =	sst s1  }
0xa: {  	[smem:$0x3FA5] =	sst s2  }
0xb: {  	[smem:$0x3FA6] =	sst s3  }
0xc: {  	[smem:$0x3FA7] =	sst s4  }
0xd: {  	[smem:$0x3FA8] =	sst s5  }
0xe: {  	[smem:$0x3FA9] =	sst s6  }
0xf: {  	[smem:$0x3FAA] =	sst s7  }
0x10: {  	[smem:$0x3FAB] =	sst s8  }
0x11: {  	[smem:$0x3FAC] =	sst s9;
	s0 =	simm.s32 @!p0 $0x0  }
0x12: {  	s1 =	sld [smem:$0x3F92];
	s0 =	simm.s32 @p0 $0x1  }
0x13: {  	[smem:$0x3FAD] =	sst s0;
	s0 =	simm.s32 @!p1 $0x0  }
0x14: {  	s2 =	sld [smem:$0x3F91];
	s0 =	simm.s32 @p1 $0x1  }
0x15: {  	[smem:$0x3FAE] =	sst s0;
	s0 =	simm.s32 @!p2 $0x0  }
0x16: {  	s3 =	sld [smem:$0x3FDB];
	s0 =	simm.s32 @p2 $0x1  }
0x17: {  	s4 =	simm.s32 $0x1BF5;
	[smem:$0x3FB0] =	sst s0  }
0x18: {  	s0 =	sld [smem:$0x3F93];
	_ =	swait.ge [sflag:s4], $0x0  }
0x19: {  	s7 =	sld [smem:$0x3F94]  }
0x1a: {  	s8 =	sadd.s32 $0xFFFFE003, lr  }
0x1b: {  	s9 =	sadd.s32 $0xFFFFFEF7, lr;
	s5 =	simm.s32 $0xFFFFFFFF;
	p2 =	slt.u32 s8, $0xFFFFF086  }
0x1c: {  	p1 =	slt.u32 s9, $0xF7A;
	s5 =	simm.s32 @!p2 $0x0  }
0x1d: {  	s5 =	simm.s32 @p1 $0x1;
	p0 =	seq.s32 s7, s2  }
0x1e: {  	s7 =	smul.u32 @!p0 $0xF7A, s2;
	p2 =	seq.s32 @!p0 s5, $0x0  }
0x1f: {  	s9 =	smul.u32 $0xF7A, s1;
	s8 =	simm.s32 @!p0 $0x1BF5;
	p2 =	por !p2, p0  }
0x20: {  	[sflag:s8] =	ssyncset.s32 @!p0 $0xFFFFF086;
	s6 =	sadd.s32 @!p0 s3, s7;
	s7 =	simm.s32 @!p0 $0x108  }
0x21: {  	s3 =	sadd.s32 s3, s9;
	s6 =	sadd.s32 @!p0 $0x88, s6;
	s7 =	simm.s32 @p2 $0x1082  }
0x22: {  	[simem:s7], [sflag:s8] =	dma.local @!p0 [hbm:s6], $0xF7A  }
0x23: {  	s9 =	sor.u32 $0xD0000000, s2;
	s6 =	simm.s32 $0x108;
	_ =	swait.ge @!p0 [sflag:s8], $0x0  }
0x24: {  	s3 =	sadd.s32 $0x88, s3;
	s6 =	simm.s32 @!p1 $0x1082;
	[sflag:s4] =	ssyncset.s32 $0xFFFFF086  }
0x25: {  	[simem:s6], [sflag:s4] =	dma.local [hbm:s3], $0xF7A  }
0x26: {  	[smem:$0x3F94] =	sst s1;
	(tag) =	ssettag s2;
	_ =	strace s9  }
0x27: {  	s1 =	sld [smem:$0x3FA4]  }
0x28: {  	s2 =	sld [smem:$0x3FA5]  }
0x29: {  	s4 =	sld [smem:$0x3FA7]  }
0x2a: {  	p0 =	seq.s32 s5, $0x0;
	s5 =	sld [smem:$0x3FA8]  }
0x2b: {  	s6 =	sld [smem:$0x3FA9]  }
0x2c: {  	s7 =	sld [smem:$0x3FAA]  }
0x2d: {  	s3 =	simm.s32 $0x108;
	s8 =	sld [smem:$0x3FAB]  }
0x2e: {  	s3 =	simm.s32 @!p0 $0x1082;
	s9 =	sld [smem:$0x3FAC]  }
0x2f: {  	lr =	sadd.s32 s0, s3;
	s0 =	sld [smem:$0x3FA3]  }
0x30: {  	s3 =	sld [smem:$0x3FA6]  }
0x31: {  	[smem:$0x3FAF] =	sst s10  }
0x32: {  	s10 =	sld [smem:$0x3FAD];
	_ =	sdelay $0x3  }
0x33: {  	p0 =	seq.s32 s10, $0x1;
	s10 =	sld [smem:$0x3FAF];
	_ =	sdelay $0x3  }
0x34: {  	[smem:$0x3FAF] =	sst s10  }
0x35: {  	s10 =	sld [smem:$0x3FAE];
	_ =	sdelay $0x3  }
0x36: {  	p1 =	seq.s32 s10, $0x1;
	s10 =	sld [smem:$0x3FAF];
	_ =	sdelay $0x3  }
0x37: {  	[smem:$0x3FAF] =	sst s10  }
0x38: {  	s10 =	sld [smem:$0x3FB0]  }
0x39: {  	_ = 	snop;
	(pc) =	sbr.ind lr, $3  }
0x3a: {  	_ = 	snop  }
0x3b: {  	_ = 	snop  }
0x3c: {  	p2 =	seq.s32 s10, $0x1;
	s10 =	sld [smem:$0x3FAF]  }
0x3d: {  	_ =	shalt  }
0x3e: {  	_ =	shalt  }
0x3f: {  	_ =	shalt  }
0x40: {  	_ =	shalt  }
0x41: {  	_ =	shalt  }
0x42: {  	_ =	shalt  }
0x43: {  	_ =	shalt  }
0x44: {  	_ =	shalt  }
0x45: {  	_ =	shalt  }
0x46: {  	_ =	shalt  }
0x47: {  	_ =	shalt  }
0x48: {  	_ =	shalt  }
0x49: {  	_ =	shalt  }
0x4a: {  	_ =	shalt  }
0x4b: {  	_ =	shalt  }
0x4c: {  	_ =	shalt  }
0x4d: {  	_ =	shalt  }
0x4e: {  	_ =	shalt  }
0x4f: {  	_ =	shalt  }
0x50: {  	_ =	shalt  }
0x51: {  	_ =	shalt  }
0x52: {  	_ =	shalt  }
0x53: {  	_ =	shalt  }
0x54: {  	_ =	shalt  }
0x55: {  	_ =	shalt  }
0x56: {  	_ =	shalt  }
0x57: {  	_ =	shalt  }
0x58: {  	_ =	shalt  }
0x59: {  	_ =	shalt  }
0x5a: {  	_ =	shalt  }
0x5b: {  	_ =	shalt  }
0x5c: {  	_ =	shalt  }
0x5d: {  	_ =	shalt  }
0x5e: {  	_ =	shalt  }
0x5f: {  	_ =	shalt  }
0x60: {  	_ =	shalt  }
0x61: {  	_ =	shalt  }
0x62: {  	_ =	shalt  }
0x63: {  	_ =	shalt  }
0x64: {  	_ =	shalt  }
0x65: {  	_ =	shalt  }
0x66: {  	_ =	shalt  }
0x67: {  	_ =	shalt  }
0x68: {  	_ =	shalt  }
0x69: {  	_ =	shalt  }
0x6a: {  	_ =	shalt  }
0x6b: {  	_ =	shalt  }
0x6c: {  	_ =	shalt  }
0x6d: {  	_ =	shalt  }
0x6e: {  	_ =	shalt  }
0x6f: {  	_ =	shalt  }
0x70: {  	_ =	shalt  }
0x71: {  	_ =	shalt  }
0x72: {  	_ =	shalt  }
0x73: {  	_ =	shalt  }
0x74: {  	_ =	shalt  }
0x75: {  	_ =	shalt  }
0x76: {  	_ =	shalt  }
0x77: {  	_ =	shalt  }
0x78: {  	_ =	shalt  }
0x79: {  	_ =	shalt  }
0x7a: {  	_ =	shalt  }
0x7b: {  	_ =	shalt  }
0x7c: {  	_ =	shalt  }
0x7d: {  	_ =	shalt  }
0x7e: {  	_ =	shalt  }
0x7f: {  	_ =	shalt  }
0x80: {  	_ =	shalt  }
0x81: {  	_ =	shalt  }
0x82: {  	_ =	shalt  }
0x83: {  	_ =	shalt  }
0x84: {  	_ =	shalt  }
0x85: {  	_ =	shalt  }
0x86: {  	_ =	shalt  }
0x87: {  	_ =	shalt  }
.Lfunc_end0:
.L_simem_size_0:
called_computation.5_lowered:
.L_overlay_start_0:
0x88: {  	s2 =	sld [smem:$0x3FD9]  }
0x89: {  	s3 =	sld [smem:$0x3FFE];
	_ =	sdelay $0x1  }
0x8a: {  	s1 =	srdreg.scid  }
0x8b: {  	s0 =	sand.u32 $0x1, s1  }
0x8c: {  	s17 =	sshll.u32 s0, $0xA;
	s2 =	sadd.s32 s3, s2  }
0x8d: {  	s2 =	sadd.s32 s2, s17  }
0x8e: {  	[smem:$0x3FBB] =	sst s2  }
0x8f: {  	_ = 	snop  }
0x90: {  	s2 =	sld [smem:$0x3FD0];
	(tm) =	ssettm $0x1  }
0x91: {  	s18 =	sld [smem:$0x3FFB];
	_ =	sdelay $0x3  }
0x92: {  	_ =	strace s18  }
0x93: {  	s3 =	sld [smem:$0x3FFC];
	_ =	sdelay $0x3  }
0x94: {  	_ =	strace s3  }
0x95: {  	s3 =	sld [smem:$0x3FFD];
	_ =	sdelay $0x3  }
0x96: {  	_ =	strace s3  }
0x97: {  	_ =	strace $0x8FFFFFFF  }
0x98: {  	s19 =	sld [smem:$0x3FDB];
	_ =	sdelay $0x1  }
0x99: {  	s4 =	simm.s32 $_scs_section_size  }
0x9a: {  	s5 =	simm.s32 $_size__tile_overlayer_lowered;
	s6 =	simm.s32 $_tile_overlayer_lowered  }
0x9b: {  	s22 =	simm.s32 $0x1BFF;
	s21 =	sshll.u32 s6, $0x1;
	s3 =	sadd.s32 s4, s19  }
0x9c: {  	s7 =	simm.s32 $0x0;
	s20 =	sshll.u32 s5, $0x1;
	s5 =	sadd.s32 s21, s3  }
0x9d: {  	[timem:s7], [sflag:s22] =	dma.local [hbm:s5], s20  }
0x9e: {  	_ =	swait.ge [sflag:s22], s20  }
0x9f: {  	s4 =	ssub.s32 $0x0, s20;
	[sflag:s22] =	ssyncset.done $0x0  }
0xa0: {  	[sflag:s22] =	ssyncadd.s32 s4;
	_ =	sdelay $0x1  }
0xa1: {  	s23 =	simm.s32 $0x1B8B  }
0xa2: {  	_ =	swait.ge [sflag:s23], $0x1  }
0xa3: {  	[sflag:s23] =	ssyncset.done $0x0  }
0xa4: {  	s25 =	simm.s32 $0x1B8E;
	s24 =	sld [smem:$0x3FFE];
	[sflag:s23] =	ssyncadd.s32 $0xFFFFFFFF  }
0xa5: {  	s26 =	simm.s32 $execute0_lowered;
	[smem:$0x3FD2] =	sst s25  }
0xa6: {  	s5 =	sshll.u32 s26, $0x1;
	_ =	strace $0x80000055;
	[dreg:$0x1] =	wrdreg $0xFFFFFFFF  }
0xa7: {  	s28 =	simm.s32 $_size_execute0_lowered;
	s3 =	sadd.s32 s3, s5;
	[dreg:$0x0] =	wrdreg $0x0  }
0xa8: {  	s5 =	sshll.u32 s28, $0x1;
	[dreg:$0x2] =	wrdreg s3  }
0xa9: {  	[dreg:$0x3] =	wrdreg s5  }
0xaa: {  	[dreg:$0x4] =	wrdreg $0xC0  }
0xab: {  	_ =	task [dreg:s7], $0x5FFFF  }
0xac: {  	[dreg:$0x1] =	wrdreg $0xFFFFFFFF  }
0xad: {  	[dreg:$0x0] =	wrdreg $0x60  }
0xae: {  	[dreg:$0x2] =	wrdreg s24  }
0xaf: {  	[dreg:$0x3] =	wrdreg s2  }
0xb0: {  	[dreg:$0x4] =	wrdreg $0x28800  }
0xb1: {  	[dreg:$0x5] =	wrdreg $0x9  }
0xb2: {  	_ =	task.clear_ibuf [dreg:s7], $0x6FFFF;
	_ =	strace $0x90000055  }
0xb3: {  	s29 =	simm.s32 $0x9;
	_ =	strace $0x80000057  }
0xb4: {  	_ =	swait.ge [sflag:s29], $0x1  }
0xb5: {  	[sflag:s29] =	ssyncadd.s32 $0xFFFFFFFF  }
0xb6: {  	_ =	strace $0x90000057  }
0xb7: {  	_ =	sfence  }
0xb8: {  	s30 =	sld [smem:$0x0];
	_ =	sdelay $0x2  }
0xb9: {  	s31 =	sshll.u32 s1, $0xD;
	s1 =	sshrl.u32 s1, $0x2  }
0xba: {  	s3 =	sand.u32 $0x4000, s31;
	s1 =	sadd.s32 s1, s30  }
0xbb: {  	s0 =	sor.u32 s3, s0;
	s1 =	sshll.u32 s1, $0x11  }
0xbc: {  	s0 =	sor.u32 s1, s0  }
0xbd: {  	s0 =	sadd.s32 $0x8F2B, s0  }
0xbe: {  	[sflag:s0] =	ssyncadd.remote.s32 $0x1  }
0xbf: {  	_ =	sfence.sel $0xFFFF  }
0xc0: {  	[dreg:$0x0] =	wrdreg $0xFFFFFFFF;
	(pc) =	sbr.abs _section_cstart, $3  }
0xc1: {  	[dreg:$0x1] =	wrdreg $0xFFFFFFFF  }
0xc2: {  	_ =	task.clear_ibuf [dreg:s7], $0x2FFFF;
	_ =	strace $0x9FFFFFFF  }
0xc3: {  	(tm) =	ssettm $0x7FFFFFFF  }
tec
execute0_lowered:
.L_overlay_start_1:
0x0: {  	(tag) =	ssettag $0x1  }
0x1: {  	s0 =	rddreg [dreg:$0x0];
	s25 =	stileid.u32  }
0x2: {  	s1 =	srdreg.scid;
	s6 =	smul.u32 $0x2710, s25  }
0x3: {  	s2 =	rddreg [dreg:$0x1];
	s8 =	smul.u32 $0xA000, s25  }
0x4: {  	s3 =	rddreg [dreg:$0x2];
	s4 =	simm.s32 $0x0;
	s10 =	smul.u32 $0x2800, s25  }
0x5: {  	s28 =	simm.s32 $0x50;
	s1 =	sand.u32 $0x1, s1;
	s15 =	smul.u32 $0x27100, s25  }
0x6: {  	s29 =	simm.s32 $0x0;
	[smem:$0x7FF] =	sst s4;
	s5 =	smul.u32 $0x27100, s1  }
0x7: {  	s20 =	sshll.u32 s25, $0x6;
	s30 =	sor.u32 $0x70, s25;
	s7 =	smul.u32 $0x271000, s1  }
0x8: {  	p0 =	sgt.u32 s25, $0xC;
	s18 =	ssub.s32 $0x2, s1;
	s1 =	smul.u32 $0x138800, s1  }
0x9: {  	s25 =	simm.s32 $0x1;
	_ =	strace $0x80000056;
	s31 =	smul.u32 $0xA000, s30  }
0xa: {  	s9 =	sshrl.u32 s18, $0x1;
	s19 =	sshrl.u32 s8, $0x2;
	s21 =	sadd.s32 $0x28000, s10  }
0xb: {  	s22 =	sadd.s32 $0x50000, s10;
	s12 =	sadd.s32 $0x78000, s10;
	s24 =	sadd.s32 $0xA0000, s10  }
0xc: {  	s26 =	sadd.s32 $0xC8000, s10;
	s17 =	sadd.s32 $0xF0000, s10;
	s5 =	sadd.s32 s6, s5  }
0xd: {  	s7 =	sadd.s32 s7, s0;
	s9 =	ssub.s32 s18, s9;
	s6 =	sadd.s32 s19, s3  }
0xe: {  	s11 =	sadd.s32 s21, s3;
	s13 =	sadd.s32 s22, s3;
	[dreg:$0x4] =	wrdreg s6  }
0xf: {  	s23 =	sadd.s32 s12, s3;
	s14 =	sadd.s32 s24, s3;
	[dreg:$0x5] =	wrdreg s11  }
0x10: {  	s16 =	sadd.s32 s26, s3;
	s10 =	sadd.s32 s10, s1;
	[dreg:$0x6] =	wrdreg s13  }
0x11: {  	s8 =	sadd.s32 s1, s21;
	s12 =	sadd.s32 s1, s12;
	[dreg:$0x7] =	wrdreg s23  }
0x12: {  	s18 =	sadd.s32 s1, s24;
	s19 =	sadd.s32 s1, s26;
	[dreg:$0x8] =	wrdreg s14  }
0x13: {  	s5 =	sshrl.u32 s5, $0x3;
	s6 =	sor.u32 $0x1C01, s20;
	[dreg:$0x9] =	wrdreg s16  }
0x14: {  	s7 =	sadd.s32 s15, s7;
	s16 =	smul.u32 $0x2800, s30;
	s11 =	sadd.s32 s1, s22  }
0x15: {  	s20 =	sadd.s32 s17, s3;
	s22 =	sshrl.u32 s31, $0x2;
	s10 =	sshrl.u32 s10, $0x3  }
0x16: {  	s8 =	sshrl.u32 s8, $0x3;
	s24 =	sshrl.u32 s12, $0x3;
	s26 =	sshrl.u32 s18, $0x3  }
0x17: {  	s30 =	sshrl.u32 s19, $0x3;
	s5 =	sadd.s32 s5, s0;
	s0 =	sadd.s32 $0x1C800, s0  }
0x18: {  	[dreg:$0xa] =	wrdreg s20;
	s13 =	sadd.s32 s22, s3;
	s23 =	sshrl.u32 s11, $0x3  }
0x19: {  	s22 =	smax.u32 s9, $0x1;
	s21 =	sadd.s32 s1, s16;
	s1 =	sadd.s32 s1, s17  }
0x1a: {  	[dreg:$0xb] =	wrdreg s13;
	s10 =	sadd.s32 s0, s10;
	s15 =	sadd.s32 s0, s8  }
0x1b: {  	s16 =	sadd.s32 s0, s23;
	s17 =	sadd.s32 s0, s24;
	s18 =	sadd.s32 s0, s26  }
0x1c: {  	s19 =	sadd.s32 s0, s30;
	s23 =	sadd.s32 $0xA07C00, s7;
	s24 =	sadd.s32 $0x12A00, s5  }
0x1d: {  	s26 =	simm.s32 $0x80;
	s1 =	sshrl.u32 s1, $0x3;
	s31 =	sshrl.u32 s21, $0x3  }
0x1e: {  	[dreg:$0xc] =	wrdreg s10;
	s20 =	sadd.s32 s0, s1;
	s21 =	sadd.s32 s0, s31  }
.LBB2_1:
0x1f: {  	s0 =	rddreg [dreg:$0x4]  }
0x20: {  	s30 =	sshrl.u32 s0, $0x3  }
0x21: {  	[spmem:s30], [sflag:s6] =	dma.local [hbm:s2], $0x500  }
0x22: {  	_ =	swait.ge [sflag:s25], $0x500  }
0x23: {  	[sflag:s25] =	ssyncset.done $0x0;
	s11 =	rddreg [dreg:$0x5]  }
0x24: {  	[sflag:s25] =	ssyncadd.s32 $0xFFFFFB00;
	s31 =	sshrl.u32 s11, $0x3  }
0x25: {  	[spmem:s31], [sflag:s6] =	dma.local [hbm:s2], $0x500  }
0x26: {  	_ =	swait.ge [sflag:s25], $0x500  }
0x27: {  	[sflag:s25] =	ssyncset.done $0x0;
	s12 =	rddreg [dreg:$0x6]  }
0x28: {  	[sflag:s25] =	ssyncadd.s32 $0xFFFFFB00;
	s1 =	sshrl.u32 s12, $0x3  }
0x29: {  	[spmem:s1], [sflag:s6] =	dma.local [hbm:s2], $0x500  }
0x2a: {  	_ =	swait.ge [sflag:s25], $0x500  }
0x2b: {  	[sflag:s25] =	ssyncset.done $0x0;
	s13 =	rddreg [dreg:$0x7]  }
0x2c: {  	[sflag:s25] =	ssyncadd.s32 $0xFFFFFB00;
	s0 =	sshrl.u32 s13, $0x3  }
0x2d: {  	[spmem:s0], [sflag:s6] =	dma.local [hbm:s2], $0x500  }
0x2e: {  	_ =	swait.ge [sflag:s25], $0x500  }
0x2f: {  	[sflag:s25] =	ssyncset.done $0x0;
	s5 =	rddreg [dreg:$0x8]  }
0x30: {  	[sflag:s25] =	ssyncadd.s32 $0xFFFFFB00;
	s5 =	sshrl.u32 s5, $0x3  }
0x31: {  	[spmem:s5], [sflag:s6] =	dma.local [hbm:s2], $0x500  }
0x32: {  	_ =	swait.ge [sflag:s25], $0x500  }
0x33: {  	[sflag:s25] =	ssyncset.done $0x0;
	s7 =	rddreg [dreg:$0x9]  }
0x34: {  	[sflag:s25] =	ssyncadd.s32 $0xFFFFFB00;
	s7 =	sshrl.u32 s7, $0x3  }
0x35: {  	[spmem:s7], [sflag:s6] =	dma.local [hbm:s2], $0x500  }
0x36: {  	_ =	swait.ge [sflag:s25], $0x500  }
0x37: {  	[sflag:s25] =	ssyncset.done $0x0;
	s8 =	rddreg [dreg:$0xa]  }
0x38: {  	[sflag:s25] =	ssyncadd.s32 $0xFFFFFB00;
	s8 =	sshrl.u32 s8, $0x3  }
0x39: {  	[spmem:s8], [sflag:s6] =	dma.local [hbm:s2], $0x500  }
0x3a: {  	_ =	swait.ge [sflag:s25], $0x500  }
0x3b: {  	[sflag:s25] =	ssyncset.done $0x0;
	s9 =	rddreg [dreg:$0xb]  }
0x3c: {  	s10 =	simm.s32 @!p0 $0x1;
	[sflag:s25] =	ssyncadd.s32 $0xFFFFFB00;
	s9 =	sshrl.u32 @!p0 s9, $0x3  }
0x3d: {  	[spmem:s9], [sflag:s6] =	dma.local @!p0 [hbm:s2], $0x500  }
0x3e: {  	_ =	swait.ge @!p0 [sflag:s10], $0x500  }
0x3f: {  	[sflag:s10] =	ssyncset.done @!p0 $0x0  }
0x40: {  	[sflag:s10] =	ssyncadd.s32 @!p0 $0xFFFFFB00  }
0x41: {  	s14 =	sadd.s32 $0x0, s24;
	[bflag:$0x0] =	sbarrier.arrive $0xFFFF  }
0x42: {  	[tilespmem:s4], [sflag:$0x1] =	stream.linear.gather [hbm4b:s14+s4], $0x50, $0x38;
	[tilespmem:$0xEBD0] =	vst v63  }
0x43: {  	_ =	swait.ge [sflag:s25], $0x50  }
0x44: {  	[sflag:s25] =	ssyncset.done $0x0  }
0x45: {  	[sflag:s25] =	ssyncadd.s32 $0xFFFFFFB0  }
0x46: {  	[tilespmem:s26], [sflag:$0x1] =	stream.linear.gather [hbm4b:s23+s4], $0x2800, $0x38;
	[tilespmem:$0xEBD0] =	vst v63  }
0x47: {  	_ =	swait.ge [sflag:s25], $0x2800  }
0x48: {  	[sflag:s25] =	ssyncset.done $0x0  }
0x49: {  	[sflag:s25] =	ssyncadd.s32 $0xFFFFD800  }
0x4a: {  	[spmem:s3] =	stream.indirect.scatter.add.f32 [tilespmem:s26], [sflag:$0x1], $0x50, s4, s28, $0xb8;
	[tilespmem:$0xEBD0] =	vst v63  }
0x4b: {  	s11 =	simm.s32 $0xA;
	_ =	swait.ge [sflag:s25], $0x1900  }
0x4c: {  	s12 =	simm.s32 $0x14;
	s10 =	sadd.s32 $0x500, s23;
	[sflag:s25] =	ssyncset.done $0x0  }
.LBB2_2:
0x4d: {  	s13 =	sadd.s32 s11, s24  }
0x4e: {  	[sflag:s25] =	ssyncadd.s32 $0xFFFFE700;
	s11 =	smov.u32 s12;
	s14 =	sadd.s32 $0xA, s12  }
0x4f: {  	[tilespmem:s4], [sflag:$0x1] =	stream.linear.gather [hbm4b:s13+s4], $0x50, $0x38;
	[tilespmem:$0xEBD0] =	vst v63  }
0x50: {  	p1 =	sne.s32 s12, $0x4D8;
	_ =	swait.ge [sflag:s25], $0x50  }
0x51: {  	[sflag:s25] =	ssyncset.done $0x0  }
0x52: {  	[sflag:s25] =	ssyncadd.s32 $0xFFFFFFB0  }
0x53: {  	[tilespmem:s26], [sflag:$0x1] =	stream.linear.gather [hbm4b:s10+s4], $0x2800, $0x38;
	[tilespmem:$0xEBD0] =	vst v63  }
0x54: {  	_ =	swait.ge [sflag:s25], $0x2800  }
.Ltmp0:
0x55: {  	[sflag:s25] =	ssyncset.done $0x0;
	(pc) =	sbr.rel @p1 .LBB2_2-.Ltmp0, $4  }
0x56: {  	[sflag:s25] =	ssyncadd.s32 $0xFFFFD800  }
0x57: {  	[spmem:s3] =	stream.indirect.scatter.add.f32 [tilespmem:s26], [sflag:$0x1], $0x50, s4, s28, $0xb8;
	[tilespmem:$0xEBD0] =	vst v63  }
0x58: {  	_ =	swait.ge [sflag:s25], $0x1900  }
0x59: {  	s12 =	smov.u32 s14;
	s10 =	sadd.s32 $0x500, s10;
	[sflag:s25] =	ssyncset.done $0x0  }
0x5a: {  	s11 =	sadd.s32 s11, s24;
	[sflag:s25] =	ssyncadd.s32 $0xFFFFE700  }
0x5b: {  	[tilespmem:s4], [sflag:$0x1] =	stream.linear.gather [hbm4b:s11+s4], $0x50, $0x38;
	[tilespmem:$0xEBD0] =	vst v63  }
0x5c: {  	_ =	swait.ge [sflag:s25], $0x50  }
0x5d: {  	[sflag:s25] =	ssyncset.done $0x0  }
0x5e: {  	[sflag:s25] =	ssyncadd.s32 $0xFFFFFFB0  }
0x5f: {  	[tilespmem:s26], [sflag:$0x1] =	stream.linear.gather [hbm4b:s10+s4], $0x2800, $0x38;
	[tilespmem:$0xEBD0] =	vst v63  }
0x60: {  	_ =	swait.ge [sflag:s25], $0x2800  }
0x61: {  	[sflag:s25] =	ssyncset.done $0x0  }
0x62: {  	[sflag:s25] =	ssyncadd.s32 $0xFFFFD800  }
0x63: {  	[spmem:s3] =	stream.indirect.scatter.add.f32 [tilespmem:s26], [sflag:$0x1], $0x50, s4, s28, $0xb8;
	[tilespmem:$0xEBD0] =	vst v63  }
0x64: {  	_ =	swait.ge [sflag:s25], $0x1900  }
0x65: {  	[sflag:s25] =	ssyncset.done $0x0  }
0x66: {  	[sflag:s25] =	ssyncadd.s32 $0xFFFFE700  }
0x67: {  	[bflag:$0x0] =	sbarrier.arrive $0xFFFF  }
0x68: {  	s14 =	rddreg [dreg:$0xc]  }
0x69: {  	[hbm:s14], [sflag:s6] =	dma.local [spmem:s30], $0x500  }
0x6a: {  	_ =	swait.ge [sflag:s25], $0x500  }
0x6b: {  	[sflag:s25] =	ssyncset.done $0x0  }
0x6c: {  	[sflag:s25] =	ssyncadd.s32 $0xFFFFFB00  }
0x6d: {  	[hbm:s15], [sflag:s6] =	dma.local [spmem:s31], $0x500  }
0x6e: {  	_ =	swait.ge [sflag:s25], $0x500  }
0x6f: {  	[sflag:s25] =	ssyncset.done $0x0  }
0x70: {  	[sflag:s25] =	ssyncadd.s32 $0xFFFFFB00  }
0x71: {  	[hbm:s16], [sflag:s6] =	dma.local [spmem:s1], $0x500  }
0x72: {  	_ =	swait.ge [sflag:s25], $0x500  }
0x73: {  	[sflag:s25] =	ssyncset.done $0x0  }
0x74: {  	[sflag:s25] =	ssyncadd.s32 $0xFFFFFB00  }
0x75: {  	[hbm:s17], [sflag:s6] =	dma.local [spmem:s0], $0x500  }
0x76: {  	_ =	swait.ge [sflag:s25], $0x500  }
0x77: {  	[sflag:s25] =	ssyncset.done $0x0  }
0x78: {  	[sflag:s25] =	ssyncadd.s32 $0xFFFFFB00  }
0x79: {  	[hbm:s18], [sflag:s6] =	dma.local [spmem:s5], $0x500  }
0x7a: {  	_ =	swait.ge [sflag:s25], $0x500  }
0x7b: {  	[sflag:s25] =	ssyncset.done $0x0  }
0x7c: {  	[sflag:s25] =	ssyncadd.s32 $0xFFFFFB00  }
0x7d: {  	[hbm:s19], [sflag:s6] =	dma.local [spmem:s7], $0x500  }
0x7e: {  	_ =	swait.ge [sflag:s25], $0x500  }
0x7f: {  	[sflag:s25] =	ssyncset.done $0x0  }
0x80: {  	[sflag:s25] =	ssyncadd.s32 $0xFFFFFB00  }
0x81: {  	[hbm:s20], [sflag:s6] =	dma.local [spmem:s8], $0x500  }
0x82: {  	s29 =	sadd.s32 $0x1, s29;
	_ =	swait.ge [sflag:s25], $0x500  }
0x83: {  	p1 =	sne.s32 s29, s22;
	[sflag:s25] =	ssyncset.done $0x0  }
.Ltmp1:
0x84: {  	s0 =	simm.s32 @!p0 $0x1;
	[sflag:s25] =	ssyncadd.s32 $0xFFFFFB00;
	(pc) =	sbr.rel @p1 .LBB2_1-.Ltmp1, $4  }
0x85: {  	[hbm:s21], [sflag:s6] =	dma.local @!p0 [spmem:s9], $0x500  }
0x86: {  	_ =	swait.ge @!p0 [sflag:s0], $0x500  }
0x87: {  	[sflag:s0] =	ssyncset.done @!p0 $0x0  }
0x88: {  	[sflag:s0] =	ssyncadd.s32 @!p0 $0xFFFFFB00  }
0x89: {  	_ =	sfence.sel $0x180000  }
0x8a: {  	[bflag:$0x0] =	sbarrier.arrive $0xFFFF  }
0x8b: {  	_ =	strace $0x90000056  }
0x8c: {  	s0 =	stileid.u32;
	[bflag:$0x2] =	sbarrier.arrive $0xFFFF  }
0x8d: {  	p0 =	sne.s32 s0, $0x0;
	s0 =	rddreg [dreg:$0x3]  }
0x8e: {  	s0 =	sadd.s32 @!p0 $0x100000, s0  }
0x8f: {  	[sflag:s0] =	ssyncadd.tile.s32 @!p0 $0x1;
	_ =	shalt  }
.Lfunc_end2:
_tile_overlayer_lowered:
.L_overlay_start_2:
0x90: {  	(tag) =	ssettag $0x2  }
0x91: {  	s0 =	rddreg [dreg:$0x0];
	s2 =	stileid.u32  }
0x92: {  	s1 =	rddreg [dreg:$0x1];
	p0 =	sne.s32 s2, $0x0  }
0x93: {  	s3 =	rddreg [dreg:$0x2];
	[bflag:$0x3] =	sbarrier.arrive $0xFFFF;
	s2 =	simm.s32 @!p0 $0x1C01  }
0x94: {  	[timem:s3], [sflag:s2] =	dma.local @!p0 [hbm:s0], s1  }
0x95: {  	s0 =	simm.s32 @!p0 $0x1  }
0x96: {  	_ =	swait.ge @!p0 [sflag:s0], s1  }
0x97: {  	s1 =	ssub.s32 @!p0 $0x0, s1;
	[sflag:s0] =	ssyncset.done @!p0 $0x0  }
0x98: {  	[sflag:s0] =	ssyncadd.s32 @!p0 s1  }
0x99: {  	[bflag:$0x3] =	sbarrier.arrive $0xFFFF  }
0x9a: {  	_ =	shalt  }

// kernel: kernel.38.cloned.1.call-start
scs
__scs_entry_jumppad:
0x0: {  	(pc) =	sbr.rel $0x88, $3  }
0x1: {  	(tag) =	ssettag $0x0;
	lr =	simm.s32 $0x1  }
0x2: {  	[smem:$0x3F94] =	sst lr;
	_ =	strace $0xD0000000  }
0x3: {  	_ = 	snop  }
0x4: {  	_ = 	snop  }
0x5: {  	_ = 	snop  }
0x6: {  	_ = 	snop  }
0x7: {  	_ = 	snop  }
__scs_overlays_trampoline_lowered:
0x8: {  	[smem:$0x3FA3] =	sst s0  }
0x9: {  	[smem:$0x3FA4] =	sst s1  }
0xa: {  	[smem:$0x3FA5] =	sst s2  }
0xb: {  	[smem:$0x3FA6] =	sst s3  }
0xc: {  	[smem:$0x3FA7] =	sst s4  }
0xd: {  	[smem:$0x3FA8] =	sst s5  }
0xe: {  	[smem:$0x3FA9] =	sst s6  }
0xf: {  	[smem:$0x3FAA] =	sst s7  }
0x10: {  	[smem:$0x3FAB] =	sst s8  }
0x11: {  	[smem:$0x3FAC] =	sst s9;
	s0 =	simm.s32 @!p0 $0x0  }
0x12: {  	s1 =	sld [smem:$0x3F92];
	s0 =	simm.s32 @p0 $0x1  }
0x13: {  	[smem:$0x3FAD] =	sst s0;
	s0 =	simm.s32 @!p1 $0x0  }
0x14: {  	s2 =	sld [smem:$0x3F91];
	s0 =	simm.s32 @p1 $0x1  }
0x15: {  	[smem:$0x3FAE] =	sst s0;
	s0 =	simm.s32 @!p2 $0x0  }
0x16: {  	s3 =	sld [smem:$0x3FDB];
	s0 =	simm.s32 @p2 $0x1  }
0x17: {  	s4 =	simm.s32 $0x1BF5;
	[smem:$0x3FB0] =	sst s0  }
0x18: {  	s0 =	sld [smem:$0x3F93];
	_ =	swait.ge [sflag:s4], $0x0  }
0x19: {  	s7 =	sld [smem:$0x3F94]  }
0x1a: {  	s8 =	sadd.s32 $0xFFFFE003, lr  }
0x1b: {  	s9 =	sadd.s32 $0xFFFFFEF7, lr;
	s5 =	simm.s32 $0xFFFFFFFF;
	p2 =	slt.u32 s8, $0xFFFFF086  }
0x1c: {  	p1 =	slt.u32 s9, $0xF7A;
	s5 =	simm.s32 @!p2 $0x0  }
0x1d: {  	s5 =	simm.s32 @p1 $0x1;
	p0 =	seq.s32 s7, s2  }
0x1e: {  	s7 =	smul.u32 @!p0 $0xF7A, s2;
	p2 =	seq.s32 @!p0 s5, $0x0  }
0x1f: {  	s9 =	smul.u32 $0xF7A, s1;
	s8 =	simm.s32 @!p0 $0x1BF5;
	p2 =	por !p2, p0  }
0x20: {  	[sflag:s8] =	ssyncset.s32 @!p0 $0xFFFFF086;
	s6 =	sadd.s32 @!p0 s3, s7;
	s7 =	simm.s32 @!p0 $0x108  }
0x21: {  	s3 =	sadd.s32 s3, s9;
	s6 =	sadd.s32 @!p0 $0x88, s6;
	s7 =	simm.s32 @p2 $0x1082  }
0x22: {  	[simem:s7], [sflag:s8] =	dma.local @!p0 [hbm:s6], $0xF7A  }
0x23: {  	s9 =	sor.u32 $0xD0000000, s2;
	s6 =	simm.s32 $0x108;
	_ =	swait.ge @!p0 [sflag:s8], $0x0  }
0x24: {  	s3 =	sadd.s32 $0x88, s3;
	s6 =	simm.s32 @!p1 $0x1082;
	[sflag:s4] =	ssyncset.s32 $0xFFFFF086  }
0x25: {  	[simem:s6], [sflag:s4] =	dma.local [hbm:s3], $0xF7A  }
0x26: {  	[smem:$0x3F94] =	sst s1;
	(tag) =	ssettag s2;
	_ =	strace s9  }
0x27: {  	s1 =	sld [smem:$0x3FA4]  }
0x28: {  	s2 =	sld [smem:$0x3FA5]  }
0x29: {  	s4 =	sld [smem:$0x3FA7]  }
0x2a: {  	p0 =	seq.s32 s5, $0x0;
	s5 =	sld [smem:$0x3FA8]  }
0x2b: {  	s6 =	sld [smem:$0x3FA9]  }
0x2c: {  	s7 =	sld [smem:$0x3FAA]  }
0x2d: {  	s3 =	simm.s32 $0x108;
	s8 =	sld [smem:$0x3FAB]  }
0x2e: {  	s3 =	simm.s32 @!p0 $0x1082;
	s9 =	sld [smem:$0x3FAC]  }
0x2f: {  	lr =	sadd.s32 s0, s3;
	s0 =	sld [smem:$0x3FA3]  }
0x30: {  	s3 =	sld [smem:$0x3FA6]  }
0x31: {  	[smem:$0x3FAF] =	sst s10  }
0x32: {  	s10 =	sld [smem:$0x3FAD];
	_ =	sdelay $0x3  }
0x33: {  	p0 =	seq.s32 s10, $0x1;
	s10 =	sld [smem:$0x3FAF];
	_ =	sdelay $0x3  }
0x34: {  	[smem:$0x3FAF] =	sst s10  }
0x35: {  	s10 =	sld [smem:$0x3FAE];
	_ =	sdelay $0x3  }
0x36: {  	p1 =	seq.s32 s10, $0x1;
	s10 =	sld [smem:$0x3FAF];
	_ =	sdelay $0x3  }
0x37: {  	[smem:$0x3FAF] =	sst s10  }
0x38: {  	s10 =	sld [smem:$0x3FB0]  }
0x39: {  	_ = 	snop;
	(pc) =	sbr.ind lr, $3  }
0x3a: {  	_ = 	snop  }
0x3b: {  	_ = 	snop  }
0x3c: {  	p2 =	seq.s32 s10, $0x1;
	s10 =	sld [smem:$0x3FAF]  }
0x3d: {  	_ =	shalt  }
0x3e: {  	_ =	shalt  }
0x3f: {  	_ =	shalt  }
0x40: {  	_ =	shalt  }
0x41: {  	_ =	shalt  }
0x42: {  	_ =	shalt  }
0x43: {  	_ =	shalt  }
0x44: {  	_ =	shalt  }
0x45: {  	_ =	shalt  }
0x46: {  	_ =	shalt  }
0x47: {  	_ =	shalt  }
0x48: {  	_ =	shalt  }
0x49: {  	_ =	shalt  }
0x4a: {  	_ =	shalt  }
0x4b: {  	_ =	shalt  }
0x4c: {  	_ =	shalt  }
0x4d: {  	_ =	shalt  }
0x4e: {  	_ =	shalt  }
0x4f: {  	_ =	shalt  }
0x50: {  	_ =	shalt  }
0x51: {  	_ =	shalt  }
0x52: {  	_ =	shalt  }
0x53: {  	_ =	shalt  }
0x54: {  	_ =	shalt  }
0x55: {  	_ =	shalt  }
0x56: {  	_ =	shalt  }
0x57: {  	_ =	shalt  }
0x58: {  	_ =	shalt  }
0x59: {  	_ =	shalt  }
0x5a: {  	_ =	shalt  }
0x5b: {  	_ =	shalt  }
0x5c: {  	_ =	shalt  }
0x5d: {  	_ =	shalt  }
0x5e: {  	_ =	shalt  }
0x5f: {  	_ =	shalt  }
0x60: {  	_ =	shalt  }
0x61: {  	_ =	shalt  }
0x62: {  	_ =	shalt  }
0x63: {  	_ =	shalt  }
0x64: {  	_ =	shalt  }
0x65: {  	_ =	shalt  }
0x66: {  	_ =	shalt  }
0x67: {  	_ =	shalt  }
0x68: {  	_ =	shalt  }
0x69: {  	_ =	shalt  }
0x6a: {  	_ =	shalt  }
0x6b: {  	_ =	shalt  }
0x6c: {  	_ =	shalt  }
0x6d: {  	_ =	shalt  }
0x6e: {  	_ =	shalt  }
0x6f: {  	_ =	shalt  }
0x70: {  	_ =	shalt  }
0x71: {  	_ =	shalt  }
0x72: {  	_ =	shalt  }
0x73: {  	_ =	shalt  }
0x74: {  	_ =	shalt  }
0x75: {  	_ =	shalt  }
0x76: {  	_ =	shalt  }
0x77: {  	_ =	shalt  }
0x78: {  	_ =	shalt  }
0x79: {  	_ =	shalt  }
0x7a: {  	_ =	shalt  }
0x7b: {  	_ =	shalt  }
0x7c: {  	_ =	shalt  }
0x7d: {  	_ =	shalt  }
0x7e: {  	_ =	shalt  }
0x7f: {  	_ =	shalt  }
0x80: {  	_ =	shalt  }
0x81: {  	_ =	shalt  }
0x82: {  	_ =	shalt  }
0x83: {  	_ =	shalt  }
0x84: {  	_ =	shalt  }
0x85: {  	_ =	shalt  }
0x86: {  	_ =	shalt  }
0x87: {  	_ =	shalt  }
.Lfunc_end0:
.L_simem_size_0:
called_computation.6_lowered:
.L_overlay_start_0:
0x88: {  	s2 =	sld [smem:$0x3FD9]  }
0x89: {  	s3 =	sld [smem:$0x3FFE];
	_ =	sdelay $0x1  }
0x8a: {  	s1 =	srdreg.scid  }
0x8b: {  	s0 =	sand.u32 $0x1, s1  }
0x8c: {  	s16 =	sshll.u32 s0, $0xA;
	s2 =	sadd.s32 s3, s2  }
0x8d: {  	s2 =	sadd.s32 s2, s16  }
0x8e: {  	[smem:$0x3FBB] =	sst s2  }
0x8f: {  	_ = 	snop  }
0x90: {  	(tm) =	ssettm $0x1  }
0x91: {  	s17 =	sld [smem:$0x3FFB];
	_ =	sdelay $0x3  }
0x92: {  	_ =	strace s17  }
0x93: {  	s2 =	sld [smem:$0x3FFC];
	_ =	sdelay $0x3  }
0x94: {  	_ =	strace s2  }
0x95: {  	s2 =	sld [smem:$0x3FFD];
	_ =	sdelay $0x3  }
0x96: {  	_ =	strace s2  }
0x97: {  	_ =	strace $0x8FFFFFFF  }
0x98: {  	s18 =	sld [smem:$0x3FDB];
	_ =	sdelay $0x1  }
0x99: {  	s19 =	simm.s32 $_scs_section_size  }
0x9a: {  	s4 =	simm.s32 $_size__tile_overlayer_lowered;
	s5 =	simm.s32 $_tile_overlayer_lowered  }
0x9b: {  	s22 =	simm.s32 $0x1BFF;
	s21 =	sshll.u32 s5, $0x1;
	s2 =	sadd.s32 s19, s18  }
0x9c: {  	s6 =	simm.s32 $0x0;
	s20 =	sshll.u32 s4, $0x1;
	s4 =	sadd.s32 s21, s2  }
0x9d: {  	[timem:s6], [sflag:s22] =	dma.local [hbm:s4], s20  }
0x9e: {  	_ =	swait.ge [sflag:s22], s20  }
0x9f: {  	s3 =	ssub.s32 $0x0, s20;
	[sflag:s22] =	ssyncset.done $0x0  }
0xa0: {  	[sflag:s22] =	ssyncadd.s32 s3;
	_ =	sdelay $0x1  }
0xa1: {  	s23 =	simm.s32 $0x1B8B  }
0xa2: {  	_ =	swait.ge [sflag:s23], $0x1  }
0xa3: {  	[sflag:s23] =	ssyncset.done $0x0  }
0xa4: {  	s25 =	simm.s32 $0x1B8E;
	s24 =	sld [smem:$0x3FFE];
	[sflag:s23] =	ssyncadd.s32 $0xFFFFFFFF  }
0xa5: {  	s26 =	simm.s32 $execute0_lowered;
	[smem:$0x3FD2] =	sst s25  }
0xa6: {  	s4 =	sshll.u32 s26, $0x1;
	_ =	strace $0x80000058;
	[dreg:$0x1] =	wrdreg $0xFFFFFFFF  }
0xa7: {  	s28 =	simm.s32 $_size_execute0_lowered;
	s2 =	sadd.s32 s2, s4;
	[dreg:$0x0] =	wrdreg $0x0  }
0xa8: {  	s4 =	sshll.u32 s28, $0x1;
	[dreg:$0x2] =	wrdreg s2  }
0xa9: {  	[dreg:$0x3] =	wrdreg s4  }
0xaa: {  	[dreg:$0x4] =	wrdreg $0xC0  }
0xab: {  	_ =	task [dreg:s6], $0x5FFFF  }
0xac: {  	[dreg:$0x1] =	wrdreg $0xFFFFFFFF  }
0xad: {  	[dreg:$0x0] =	wrdreg $0x60  }
0xae: {  	[dreg:$0x2] =	wrdreg s24  }
0xaf: {  	[dreg:$0x3] =	wrdreg $0x51000  }
0xb0: {  	[dreg:$0x4] =	wrdreg $0x9  }
0xb1: {  	_ =	task.clear_ibuf [dreg:s6], $0x5FFFF;
	_ =	strace $0x90000058  }
0xb2: {  	s29 =	simm.s32 $0x9;
	_ =	strace $0x8000005A  }
0xb3: {  	_ =	swait.ge [sflag:s29], $0x1  }
0xb4: {  	[sflag:s29] =	ssyncadd.s32 $0xFFFFFFFF  }
0xb5: {  	_ =	strace $0x9000005A  }
0xb6: {  	_ =	sfence  }
0xb7: {  	s30 =	sld [smem:$0x0];
	_ =	sdelay $0x2  }
0xb8: {  	s31 =	sshll.u32 s1, $0xD;
	s1 =	sshrl.u32 s1, $0x2  }
0xb9: {  	s3 =	sand.u32 $0x4000, s31;
	s1 =	sadd.s32 s1, s30  }
0xba: {  	s0 =	sor.u32 s3, s0;
	s1 =	sshll.u32 s1, $0x11  }
0xbb: {  	s0 =	sor.u32 s1, s0  }
0xbc: {  	s0 =	sadd.s32 $0x8F2B, s0  }
0xbd: {  	[sflag:s0] =	ssyncadd.remote.s32 $0x1  }
0xbe: {  	_ =	sfence.sel $0xFFFF  }
0xbf: {  	[dreg:$0x0] =	wrdreg $0xFFFFFFFF;
	(pc) =	sbr.abs _section_cstart, $3  }
0xc0: {  	[dreg:$0x1] =	wrdreg $0xFFFFFFFF  }
0xc1: {  	_ =	task.clear_ibuf [dreg:s6], $0x2FFFF;
	_ =	strace $0x9FFFFFFF  }
0xc2: {  	(tm) =	ssettm $0x7FFFFFFF  }
0xc3: {  	_ =	shalt  }
tec
execute0_lowered:
.L_overlay_start_1:
0x0: {  	(tag) =	ssettag $0x1  }
0x1: {  	s0 =	rddreg [dreg:$0x0]  }
0x2: {  	s1 =	srdreg.scid;
	s19 =	stileid.u32  }
0x3: {  	s2 =	rddreg [dreg:$0x1];
	s3 =	simm.s32 $0x0;
	s5 =	smul.u32 $0x2710, s19  }
0x4: {  	s28 =	simm.s32 $0x80;
	s29 =	simm.s32 $0x50;
	s7 =	smul.u32 $0xA000, s19  }
0x5: {  	s30 =	simm.s32 $0x100;
	s31 =	simm.s32 $0x2900;
	s8 =	smul.u32 $0x50, s19  }
0x6: {  	s1 =	sand.u32 $0x1, s1;
	[smem:$0x7FF] =	sst s3;
	s25 =	smul.u32 $0x500, s19  }
0x7: {  	s6 =	sadd.s32 $0x1C800, s0;
	s26 =	sshll.u32 s19, $0x6;
	s4 =	smul.u32 $0x27100, s1  }
0x8: {  	p0 =	sgt.u32 s19, $0xC;
	s22 =	smul.u32 $0x271000, s1;
	s1 =	ssub.s32 $0x2, s1  }
0x9: {  	_ =	strace $0x80000059;
	s23 =	sshrl.u32 s1, $0x1;
	s24 =	sshrl.u32 s7, $0x2  }
0xa: {  	s9 =	sadd.s32 $0x500, s8;
	s7 =	sadd.s32 s6, s25;
	s13 =	sadd.s32 $0xF00, s8  }
0xb: {  	s17 =	sadd.s32 $0x1900, s8;
	s4 =	sadd.s32 s5, s4;
	s1 =	ssub.s32 s1, s23  }
0xc: {  	s18 =	sadd.s32 s24, s2;
	[dreg:$0x3] =	wrdreg s7;
	s5 =	sor.u32 $0x1C02, s26  }
0xd: {  	s10 =	sshll.u32 s9, $0x7;
	s9 =	sshll.u32 s9, $0x4;
	s14 =	sshll.u32 s13, $0x7  }
0xe: {  	s23 =	sshll.u32 s17, $0x7;
	s4 =	sshrl.u32 s4, $0x3;
	s7 =	sadd.s32 s10, s2  }
0xf: {  	s10 =	sadd.s32 $0xA00, s8;
	s9 =	sadd.s32 s6, s9;
	s21 =	sadd.s32 s14, s2  }
0x10: {  	s23 =	sadd.s32 s23, s2;
	s14 =	smul.u32 $0x27100, s19;
	s18 =	sshrl.u32 s18, $0x3  }
0x11: {  	s4 =	sadd.s32 s4, s0;
	s0 =	sadd.s32 s22, s0;
	[dreg:$0x4] =	wrdreg s9  }
0x12: {  	s11 =	sshll.u32 s10, $0x7;
	s10 =	sshll.u32 s10, $0x4;
	s9 =	sshll.u32 s13, $0x4  }
0x13: {  	s21 =	sshrl.u32 s21, $0x3;
	s23 =	sshrl.u32 s23, $0x3;
	s20 =	sadd.s32 s11, s2  }
0x14: {  	s12 =	sadd.s32 s6, s10;
	s11 =	sadd.s32 $0x1400, s8;
	s9 =	sadd.s32 s6, s9  }
0x15: {  	s10 =	sshll.u32 s17, $0x4;
	s8 =	sadd.s32 $0x1E00, s8;
	[dreg:$0x5] =	wrdreg s12  }
0x16: {  	s0 =	sadd.s32 s14, s0;
	s17 =	sadd.s32 $0x8C00, s4;
	[dreg:$0x6] =	wrdreg s9  }
0x17: {  	s15 =	sshll.u32 s11, $0x7;
	s16 =	sshll.u32 s11, $0x4;
	s12 =	sor.u32 $0x70, s19  }
0x18: {  	s24 =	sadd.s32 s6, s10;
	s25 =	sshll.u32 s8, $0x7;
	s8 =	sshll.u32 s8, $0x4  }
0x19: {  	s14 =	sadd.s32 $0x43A00, s0;
	s19 =	sshrl.u32 s7, $0x3;
	s20 =	sshrl.u32 s20, $0x3  }
0x1a: {  	s22 =	sadd.s32 s15, s2;
	s9 =	sadd.s32 s6, s16;
	s13 =	smul.u32 $0xA000, s12  }
0x1b: {  	[dreg:$0x8] =	wrdreg s24;
	s12 =	smul.u32 $0x500, s12;
	s24 =	sadd.s32 s25, s2  }
0x1c: {  	s8 =	sadd.s32 s6, s8;
	s15 =	sadd.s32 $0x525A00, s0;
	[dreg:$0x7] =	wrdreg s9  }
0x1d: {  	s16 =	sadd.s32 $0x12A00, s4;
	s0 =	simm.s32 $0x1;
	[dreg:$0x9] =	wrdreg s8  }
0x1e: {  	s22 =	sshrl.u32 s22, $0x3;
	s24 =	sshrl.u32 s24, $0x3;
	s26 =	sshrl.u32 s13, $0x2  }
0x1f: {  	s12 =	sadd.s32 s6, s12;
	s13 =	smax.u32 s1, $0x1;
	s8 =	sadd.s32 s26, s2  }
0x20: {  	s1 =	simm.s32 $0x0;
	s26 =	simm.s32 $0x2;
	s25 =	sshrl.u32 @!p0 s8, $0x3  }
.LBB2_1:
0x21: {  	s4 =	rddreg [dreg:$0x3]  }
0x22: {  	[spmem:s18], [sflag:s5] =	dma.local [hbm:s4], $0x500  }
0x23: {  	_ =	swait.ge [sflag:s26], $0x500  }
0x24: {  	[sflag:s26] =	ssyncset.done $0x0  }
0x25: {  	s10 =	rddreg [dreg:$0x4];
	[sflag:s26] =	ssyncadd.s32 $0xFFFFFB00  }
0x26: {  	[spmem:s19], [sflag:s5] =	dma.local [hbm:s10], $0x500  }
0x27: {  	_ =	swait.ge [sflag:s26], $0x500  }
0x28: {  	[sflag:s26] =	ssyncset.done $0x0  }
0x29: {  	s11 =	rddreg [dreg:$0x5];
	[sflag:s26] =	ssyncadd.s32 $0xFFFFFB00  }
0x2a: {  	[spmem:s20], [sflag:s5] =	dma.local [hbm:s11], $0x500  }
0x2b: {  	_ =	swait.ge [sflag:s26], $0x500  }
0x2c: {  	[sflag:s26] =	ssyncset.done $0x0  }
0x2d: {  	s6 =	rddreg [dreg:$0x6];
	[sflag:s26] =	ssyncadd.s32 $0xFFFFFB00  }
0x2e: {  	[spmem:s21], [sflag:s5] =	dma.local [hbm:s6], $0x500  }
0x2f: {  	_ =	swait.ge [sflag:s26], $0x500  }
0x30: {  	[sflag:s26] =	ssyncset.done $0x0  }
0x31: {  	s7 =	rddreg [dreg:$0x7];
	[sflag:s26] =	ssyncadd.s32 $0xFFFFFB00  }
0x32: {  	[spmem:s22], [sflag:s5] =	dma.local [hbm:s7], $0x500  }
0x33: {  	_ =	swait.ge [sflag:s26], $0x500  }
0x34: {  	[sflag:s26] =	ssyncset.done $0x0  }
0x35: {  	s8 =	rddreg [dreg:$0x8];
	[sflag:s26] =	ssyncadd.s32 $0xFFFFFB00  }
0x36: {  	[spmem:s23], [sflag:s5] =	dma.local [hbm:s8], $0x500  }
0x37: {  	_ =	swait.ge [sflag:s26], $0x500  }
0x38: {  	[sflag:s26] =	ssyncset.done $0x0  }
0x39: {  	s9 =	rddreg [dreg:$0x9];
	[sflag:s26] =	ssyncadd.s32 $0xFFFFFB00  }
0x3a: {  	[spmem:s24], [sflag:s5] =	dma.local [hbm:s9], $0x500  }
0x3b: {  	_ =	swait.ge [sflag:s26], $0x500  }
0x3c: {  	[sflag:s26] =	ssyncset.done $0x0  }
0x3d: {  	s4 =	simm.s32 @!p0 $0x2;
	[sflag:s26] =	ssyncadd.s32 $0xFFFFFB00  }
0x3e: {  	[spmem:s25], [sflag:s5] =	dma.local @!p0 [hbm:s12], $0x500  }
0x3f: {  	_ =	swait.ge @!p0 [sflag:s4], $0x500  }
0x40: {  	[sflag:s4] =	ssyncset.done @!p0 $0x0  }
0x41: {  	[sflag:s4] =	ssyncadd.s32 @!p0 $0xFFFFFB00  }
0x42: {  	s10 =	sadd.s32 $0x0, s17;
	[bflag:$0x0] =	sbarrier.arrive $0xFFFF  }
0x43: {  	[tilespmem:s3], [sflag:$0x2] =	stream.linear.gather [hbm4b:s10+s3], $0x50, $0x38;
	[tilespmem:$0x13B60] =	vst v63  }
0x44: {  	_ =	swait.ge [sflag:s26], $0x50  }
0x45: {  	[sflag:s26] =	ssyncset.done $0x0  }
0x46: {  	s11 =	sadd.s32 $0x0, s16;
	[sflag:s26] =	ssyncadd.s32 $0xFFFFFFB0  }
0x47: {  	[tilespmem:s28], [sflag:$0x2] =	stream.linear.gather [hbm4b:s11+s3], $0x50, $0x38;
	[tilespmem:$0x13B60] =	vst v63  }
0x48: {  	_ =	swait.ge [sflag:s26], $0x50  }
0x49: {  	[sflag:s26] =	ssyncset.done $0x0  }
0x4a: {  	[sflag:s26] =	ssyncadd.s32 $0xFFFFFFB0  }
0x4b: {  	[tilespmem:s30], [sflag:$0x1] =	stream.indirect.gather [spmem:s2], $0x60, s3, s29, $0xb8;
	[tilespmem:$0x13B60] =	vst v63  }
0x4c: {  	_ = 	snop  }
0x4d: {  	[tilespmem:s31], [sflag:$0x1] =	stream.indirect.gather [spmem:s2], $0x60, s28, s29, $0xb8;
	[tilespmem:$0x13B60] =	vst v63  }
0x4e: {  	_ =	swait.ge [sflag:s0], $0x1E00  }
0x4f: {  	[sflag:s0] =	ssyncset.done $0x0  }
0x50: {  	[sflag:s0] =	ssyncadd.s32 $0xFFFFE200  }
0x51: {  	_ =	swait.ge [sflag:s0], $0x1E00  }
0x52: {  	[sflag:s0] =	ssyncset.done $0x0  }
0x53: {  	[sflag:s0] =	ssyncadd.s32 $0xFFFFE200  }
0x54: {  	[hbm4b:s14+s3] =	stream.linear.scatter [tilespmem:s30], [sflag:$0x2], $0x2800, $0x38;
	[tilespmem:$0x13B60] =	vst v63  }
0x55: {  	_ =	swait.ge [sflag:s26], $0x2800  }
0x56: {  	[sflag:s26] =	ssyncset.done $0x0  }
0x57: {  	[sflag:s26] =	ssyncadd.s32 $0xFFFFD800  }
0x58: {  	[hbm4b:s15+s3] =	stream.linear.scatter [tilespmem:s31], [sflag:$0x2], $0x2800, $0x38;
	[tilespmem:$0x13B60] =	vst v63  }
0x59: {  	s6 =	sadd.s32 $0x500, s14;
	s7 =	simm.s32 $0xA;
	_ =	swait.ge [sflag:s26], $0x2800  }
0x5a: {  	s8 =	simm.s32 $0x14;
	s4 =	sadd.s32 $0x500, s15;
	[sflag:s26] =	ssyncset.done $0x0  }
.LBB2_2:
0x5b: {  	s9 =	sadd.s32 s7, s17  }
0x5c: {  	[sflag:s26] =	ssyncadd.s32 $0xFFFFD800;
	s10 =	smov.u32 s8;
	s11 =	sadd.s32 $0xA, s8  }
0x5d: {  	[tilespmem:s3], [sflag:$0x2] =	stream.linear.gather [hbm4b:s9+s3], $0x50, $0x38;
	[tilespmem:$0x13B60] =	vst v63  }
0x5e: {  	p1 =	sne.s32 s8, $0x4D8;
	_ =	swait.ge [sflag:s26], $0x50  }
0x5f: {  	[sflag:s26] =	ssyncset.done $0x0  }
0x60: {  	s8 =	sadd.s32 s7, s16;
	s7 =	smov.u32 s10;
	[sflag:s26] =	ssyncadd.s32 $0xFFFFFFB0  }
0x61: {  	[tilespmem:s28], [sflag:$0x2] =	stream.linear.gather [hbm4b:s8+s3], $0x50, $0x38;
	[tilespmem:$0x13B60] =	vst v63  }
0x62: {  	_ =	swait.ge [sflag:s26], $0x50  }
0x63: {  	[sflag:s26] =	ssyncset.done $0x0  }
0x64: {  	[sflag:s26] =	ssyncadd.s32 $0xFFFFFFB0  }
0x65: {  	[tilespmem:s30], [sflag:$0x1] =	stream.indirect.gather [spmem:s2], $0x60, s3, s29, $0xb8;
	[tilespmem:$0x13B60] =	vst v63  }
0x66: {  	_ = 	snop  }
0x67: {  	[tilespmem:s31], [sflag:$0x1] =	stream.indirect.gather [spmem:s2], $0x60, s28, s29, $0xb8;
	[tilespmem:$0x13B60] =	vst v63  }
0x68: {  	_ =	swait.ge [sflag:s0], $0x1E00  }
0x69: {  	[sflag:s0] =	ssyncset.done $0x0  }
0x6a: {  	[sflag:s0] =	ssyncadd.s32 $0xFFFFE200  }
0x6b: {  	_ =	swait.ge [sflag:s0], $0x1E00  }
0x6c: {  	[sflag:s0] =	ssyncset.done $0x0  }
0x6d: {  	[sflag:s0] =	ssyncadd.s32 $0xFFFFE200  }
0x6e: {  	[hbm4b:s6+s3] =	stream.linear.scatter [tilespmem:s30], [sflag:$0x2], $0x2800, $0x38;
	[tilespmem:$0x13B60] =	vst v63  }
0x6f: {  	_ =	swait.ge [sflag:s26], $0x2800  }
.Ltmp0:
0x70: {  	[sflag:s26] =	ssyncset.done $0x0;
	(pc) =	sbr.rel @p1 .LBB2_2-.Ltmp0, $4  }
0x71: {  	[sflag:s26] =	ssyncadd.s32 $0xFFFFD800  }
0x72: {  	[hbm4b:s4+s3] =	stream.linear.scatter [tilespmem:s31], [sflag:$0x2], $0x2800, $0x38;
	[tilespmem:$0x13B60] =	vst v63  }
0x73: {  	s8 =	smov.u32 s11;
	_ =	swait.ge [sflag:s26], $0x2800  }
0x74: {  	s6 =	sadd.s32 $0x500, s6;
	s4 =	sadd.s32 $0x500, s4;
	[sflag:s26] =	ssyncset.done $0x0  }
0x75: {  	s8 =	sadd.s32 s7, s17;
	[sflag:s26] =	ssyncadd.s32 $0xFFFFD800  }
0x76: {  	[tilespmem:s3], [sflag:$0x2] =	stream.linear.gather [hbm4b:s8+s3], $0x50, $0x38;
	[tilespmem:$0x13B60] =	vst v63  }
0x77: {  	_ =	swait.ge [sflag:s26], $0x50  }
0x78: {  	[sflag:s26] =	ssyncset.done $0x0  }
0x79: {  	s11 =	sadd.s32 s7, s16;
	[sflag:s26] =	ssyncadd.s32 $0xFFFFFFB0  }
0x7a: {  	[tilespmem:s28], [sflag:$0x2] =	stream.linear.gather [hbm4b:s11+s3], $0x50, $0x38;
	[tilespmem:$0x13B60] =	vst v63  }
0x7b: {  	_ =	swait.ge [sflag:s26], $0x50  }
0x7c: {  	[sflag:s26] =	ssyncset.done $0x0  }
0x7d: {  	[sflag:s26] =	ssyncadd.s32 $0xFFFFFFB0  }
0x7e: {  	[tilespmem:s30], [sflag:$0x1] =	stream.indirect.gather [spmem:s2], $0x60, s3, s29, $0xb8;
	[tilespmem:$0x13B60] =	vst v63  }
0x7f: {  	_ = 	snop  }
0x80: {  	[tilespmem:s31], [sflag:$0x1] =	stream.indirect.gather [spmem:s2], $0x60, s28, s29, $0xb8;
	[tilespmem:$0x13B60] =	vst v63  }
0x81: {  	_ =	swait.ge [sflag:s0], $0x1E00  }
0x82: {  	[sflag:s0] =	ssyncset.done $0x0  }
0x83: {  	[sflag:s0] =	ssyncadd.s32 $0xFFFFE200  }
0x84: {  	_ =	swait.ge [sflag:s0], $0x1E00  }
0x85: {  	[sflag:s0] =	ssyncset.done $0x0  }
0x86: {  	[sflag:s0] =	ssyncadd.s32 $0xFFFFE200  }
0x87: {  	[hbm4b:s6+s3] =	stream.linear.scatter [tilespmem:s30], [sflag:$0x2], $0x2800, $0x38;
	[tilespmem:$0x13B60] =	vst v63  }
0x88: {  	s1 =	sadd.s32 $0x1, s1;
	_ =	swait.ge [sflag:s26], $0x2800  }
0x89: {  	p1 =	sne.s32 s1, s13;
	[sflag:s26] =	ssyncset.done $0x0  }
.Ltmp1:
0x8a: {  	[sflag:s26] =	ssyncadd.s32 $0xFFFFD800;
	(pc) =	sbr.rel @p1 .LBB2_1-.Ltmp1, $4  }
0x8b: {  	[hbm4b:s4+s3] =	stream.linear.scatter [tilespmem:s31], [sflag:$0x2], $0x2800, $0x38;
	[tilespmem:$0x13B60] =	vst v63  }
0x8c: {  	_ =	swait.ge [sflag:s26], $0x2800  }
0x8d: {  	[sflag:s26] =	ssyncset.done $0x0  }
0x8e: {  	[sflag:s26] =	ssyncadd.s32 $0xFFFFD800  }
0x8f: {  	_ =	sfence.sel $0x180000  }
0x90: {  	[bflag:$0x0] =	sbarrier.arrive $0xFFFF  }
0x91: {  	_ =	strace $0x90000059  }
0x92: {  	s0 =	stileid.u32;
	[bflag:$0x2] =	sbarrier.arrive $0xFFFF  }
0x93: {  	p0 =	sne.s32 s0, $0x0;
	s0 =	rddreg [dreg:$0x2]  }
0x94: {  	s0 =	sadd.s32 @!p0 $0x100000, s0  }
0x95: {  	[sflag:s0] =	ssyncadd.tile.s32 @!p0 $0x1;
	_ =	shalt  }
.Lfunc_end2:
_tile_overlayer_lowered:
.L_overlay_start_2:
0x96: {  	(tag) =	ssettag $0x2  }
0x97: {  	s0 =	rddreg [dreg:$0x0];
	s2 =	stileid.u32  }
0x98: {  	s1 =	rddreg [dreg:$0x1];
	p0 =	sne.s32 s2, $0x0  }
0x99: {  	s3 =	rddreg [dreg:$0x2];
	[bflag:$0x3] =	sbarrier.arrive $0xFFFF;
	s2 =	simm.s32 @!p0 $0x1C02  }
0x9a: {  	[timem:s3], [sflag:s2] =	dma.local @!p0 [hbm:s0], s1  }
0x9b: {  	s0 =	simm.s32 @!p0 $0x2  }
0x9c: {  	_ =	swait.ge @!p0 [sflag:s0], s1  }
0x9d: {  	s1 =	ssub.s32 @!p0 $0x0, s1;
	[sflag:s0] =	ssyncset.done @!p0 $0x0  }
0x9e: {  	[sflag:s0] =	ssyncadd.s32 @!p0 s1  }
0x9f: {  	[bflag:$0x3] =	sbarrier.arrive $0xFFFF  }
0xa0: {  	_ =	shalt  }

// kernel: kernel.41.cloned.1.call-start
scs
__scs_entry_jumppad:
0x0: {  	(pc) =	sbr.rel $0x88, $3  }
0x1: {  	(tag) =	ssettag $0x0;
	lr =	simm.s32 $0x1  }
0x2: {  	[smem:$0x3F94] =	sst lr;
	_ =	strace $0xD0000000  }
0x3: {  	_ = 	snop  }
0x4: {  	_ = 	snop  }
0x5: {  	_ = 	snop  }
0x6: {  	_ = 	snop  }
0x7: {  	_ = 	snop  }
__scs_overlays_trampoline_lowered:
0x8: {  	[smem:$0x3FA3] =	sst s0  }
0x9: {  	[smem:$0x3FA4] =	sst s1  }
0xa: {  	[smem:$0x3FA5] =	sst s2  }
0xb: {  	[smem:$0x3FA6] =	sst s3  }
0xc: {  	[smem:$0x3FA7] =	sst s4  }
0xd: {  	[smem:$0x3FA8] =	sst s5  }
0xe: {  	[smem:$0x3FA9] =	sst s6  }
0xf: {  	[smem:$0x3FAA] =	sst s7  }
0x10: {  	[smem:$0x3FAB] =	sst s8  }
0x11: {  	[smem:$0x3FAC] =	sst s9;
	s0 =	simm.s32 @!p0 $0x0  }
0x12: {  	s1 =	sld [smem:$0x3F92];
	s0 =	simm.s32 @p0 $0x1  }
0x13: {  	[smem:$0x3FAD] =	sst s0;
	s0 =	simm.s32 @!p1 $0x0  }
0x14: {  	s2 =	sld [smem:$0x3F91];
	s0 =	simm.s32 @p1 $0x1  }
0x15: {  	[smem:$0x3FAE] =	sst s0;
	s0 =	simm.s32 @!p2 $0x0  }
0x16: {  	s3 =	sld [smem:$0x3FDB];
	s0 =	simm.s32 @p2 $0x1  }
0x17: {  	s4 =	simm.s32 $0x1BF5;
	[smem:$0x3FB0] =	sst s0  }
0x18: {  	s0 =	sld [smem:$0x3F93];
	_ =	swait.ge [sflag:s4], $0x0  }
0x19: {  	s7 =	sld [smem:$0x3F94]  }
0x1a: {  	s8 =	sadd.s32 $0xFFFFE003, lr  }
0x1b: {  	s9 =	sadd.s32 $0xFFFFFEF7, lr;
	s5 =	simm.s32 $0xFFFFFFFF;
	p2 =	slt.u32 s8, $0xFFFFF086  }
0x1c: {  	p1 =	slt.u32 s9, $0xF7A;
	s5 =	simm.s32 @!p2 $0x0  }
0x1d: {  	s5 =	simm.s32 @p1 $0x1;
	p0 =	seq.s32 s7, s2  }
0x1e: {  	s7 =	smul.u32 @!p0 $0xF7A, s2;
	p2 =	seq.s32 @!p0 s5, $0x0  }
0x1f: {  	s9 =	smul.u32 $0xF7A, s1;
	s8 =	simm.s32 @!p0 $0x1BF5;
	p2 =	por !p2, p0  }
0x20: {  	[sflag:s8] =	ssyncset.s32 @!p0 $0xFFFFF086;
	s6 =	sadd.s32 @!p0 s3, s7;
	s7 =	simm.s32 @!p0 $0x108  }
0x21: {  	s3 =	sadd.s32 s3, s9;
	s6 =	sadd.s32 @!p0 $0x88, s6;
	s7 =	simm.s32 @p2 $0x1082  }
0x22: {  	[simem:s7], [sflag:s8] =	dma.local @!p0 [hbm:s6], $0xF7A  }
0x23: {  	s9 =	sor.u32 $0xD0000000, s2;
	s6 =	simm.s32 $0x108;
	_ =	swait.ge @!p0 [sflag:s8], $0x0  }
0x24: {  	s3 =	sadd.s32 $0x88, s3;
	s6 =	simm.s32 @!p1 $0x1082;
	[sflag:s4] =	ssyncset.s32 $0xFFFFF086  }
0x25: {  	[simem:s6], [sflag:s4] =	dma.local [hbm:s3], $0xF7A  }
0x26: {  	[smem:$0x3F94] =	sst s1;
	(tag) =	ssettag s2;
	_ =	strace s9  }
0x27: {  	s1 =	sld [smem:$0x3FA4]  }
0x28: {  	s2 =	sld [smem:$0x3FA5]  }
0x29: {  	s4 =	sld [smem:$0x3FA7]  }
0x2a: {  	p0 =	seq.s32 s5, $0x0;
	s5 =	sld [smem:$0x3FA8]  }
0x2b: {  	s6 =	sld [smem:$0x3FA9]  }
0x2c: {  	s7 =	sld [smem:$0x3FAA]  }
0x2d: {  	s3 =	simm.s32 $0x108;
	s8 =	sld [smem:$0x3FAB]  }
0x2e: {  	s3 =	simm.s32 @!p0 $0x1082;
	s9 =	sld [smem:$0x3FAC]  }
0x2f: {  	lr =	sadd.s32 s0, s3;
	s0 =	sld [smem:$0x3FA3]  }
0x30: {  	s3 =	sld [smem:$0x3FA6]  }
0x31: {  	[smem:$0x3FAF] =	sst s10  }
0x32: {  	s10 =	sld [smem:$0x3FAD];
	_ =	sdelay $0x3  }
0x33: {  	p0 =	seq.s32 s10, $0x1;
	s10 =	sld [smem:$0x3FAF];
	_ =	sdelay $0x3  }
0x34: {  	[smem:$0x3FAF] =	sst s10  }
0x35: {  	s10 =	sld [smem:$0x3FAE];
	_ =	sdelay $0x3  }
0x36: {  	p1 =	seq.s32 s10, $0x1;
	s10 =	sld [smem:$0x3FAF];
	_ =	sdelay $0x3  }
0x37: {  	[smem:$0x3FAF] =	sst s10  }
0x38: {  	s10 =	sld [smem:$0x3FB0]  }
0x39: {  	_ = 	snop;
	(pc) =	sbr.ind lr, $3  }
0x3a: {  	_ = 	snop  }
0x3b: {  	_ = 	snop  }
0x3c: {  	p2 =	seq.s32 s10, $0x1;
	s10 =	sld [smem:$0x3FAF]  }
0x3d: {  	_ =	shalt  }
0x3e: {  	_ =	shalt  }
0x3f: {  	_ =	shalt  }
0x40: {  	_ =	shalt  }
0x41: {  	_ =	shalt  }
0x42: {  	_ =	shalt  }
0x43: {  	_ =	shalt  }
0x44: {  	_ =	shalt  }
0x45: {  	_ =	shalt  }
0x46: {  	_ =	shalt  }
0x47: {  	_ =	shalt  }
0x48: {  	_ =	shalt  }
0x49: {  	_ =	shalt  }
0x4a: {  	_ =	shalt  }
0x4b: {  	_ =	shalt  }
0x4c: {  	_ =	shalt  }
0x4d: {  	_ =	shalt  }
0x4e: {  	_ =	shalt  }
0x4f: {  	_ =	shalt  }
0x50: {  	_ =	shalt  }
0x51: {  	_ =	shalt  }
0x52: {  	_ =	shalt  }
0x53: {  	_ =	shalt  }
0x54: {  	_ =	shalt  }
0x55: {  	_ =	shalt  }
0x56: {  	_ =	shalt  }
0x57: {  	_ =	shalt  }
0x58: {  	_ =	shalt  }
0x59: {  	_ =	shalt  }
0x5a: {  	_ =	shalt  }
0x5b: {  	_ =	shalt  }
0x5c: {  	_ =	shalt  }
0x5d: {  	_ =	shalt  }
0x5e: {  	_ =	shalt  }
0x5f: {  	_ =	shalt  }
0x60: {  	_ =	shalt  }
0x61: {  	_ =	shalt  }
0x62: {  	_ =	shalt  }
0x63: {  	_ =	shalt  }
0x64: {  	_ =	shalt  }
0x65: {  	_ =	shalt  }
0x66: {  	_ =	shalt  }
0x67: {  	_ =	shalt  }
0x68: {  	_ =	shalt  }
0x69: {  	_ =	shalt  }
0x6a: {  	_ =	shalt  }
0x6b: {  	_ =	shalt  }
0x6c: {  	_ =	shalt  }
0x6d: {  	_ =	shalt  }
0x6e: {  	_ =	shalt  }
0x6f: {  	_ =	shalt  }
0x70: {  	_ =	shalt  }
0x71: {  	_ =	shalt  }
0x72: {  	_ =	shalt  }
0x73: {  	_ =	shalt  }
0x74: {  	_ =	shalt  }
0x75: {  	_ =	shalt  }
0x76: {  	_ =	shalt  }
0x77: {  	_ =	shalt  }
0x78: {  	_ =	shalt  }
0x79: {  	_ =	shalt  }
0x7a: {  	_ =	shalt  }
0x7b: {  	_ =	shalt  }
0x7c: {  	_ =	shalt  }
0x7d: {  	_ =	shalt  }
0x7e: {  	_ =	shalt  }
0x7f: {  	_ =	shalt  }
0x80: {  	_ =	shalt  }
0x81: {  	_ =	shalt  }
0x82: {  	_ =	shalt  }
0x83: {  	_ =	shalt  }
0x84: {  	_ =	shalt  }
0x85: {  	_ =	shalt  }
0x86: {  	_ =	shalt  }
0x87: {  	_ =	shalt  }
.Lfunc_end0:
.L_simem_size_0:
called_computation.7_lowered:
.L_overlay_start_0:
0x88: {  	s2 =	sld [smem:$0x3FD9]  }
0x89: {  	s3 =	sld [smem:$0x3FFE];
	_ =	sdelay $0x1  }
0x8a: {  	s1 =	srdreg.scid  }
0x8b: {  	s0 =	sand.u32 $0x1, s1  }
0x8c: {  	s17 =	sshll.u32 s0, $0xA;
	s2 =	sadd.s32 s3, s2  }
0x8d: {  	s2 =	sadd.s32 s2, s17  }
0x8e: {  	[smem:$0x3FBB] =	sst s2  }
0x8f: {  	_ = 	snop  }
0x90: {  	s2 =	sld [smem:$0x3FD0];
	(tm) =	ssettm $0x1  }
0x91: {  	s18 =	sld [smem:$0x3FFB];
	_ =	sdelay $0x3  }
0x92: {  	_ =	strace s18  }
0x93: {  	s3 =	sld [smem:$0x3FFC];
	_ =	sdelay $0x3  }
0x94: {  	_ =	strace s3  }
0x95: {  	s3 =	sld [smem:$0x3FFD];
	_ =	sdelay $0x3  }
0x96: {  	_ =	strace s3  }
0x97: {  	_ =	strace $0x8FFFFFFF  }
0x98: {  	s19 =	sld [smem:$0x3FDB];
	_ =	sdelay $0x1  }
0x99: {  	s4 =	simm.s32 $_scs_section_size  }
0x9a: {  	s5 =	simm.s32 $_size__tile_overlayer_lowered;
	s6 =	simm.s32 $_tile_overlayer_lowered  }
0x9b: {  	s22 =	simm.s32 $0x1BFF;
	s21 =	sshll.u32 s6, $0x1;
	s3 =	sadd.s32 s4, s19  }
0x9c: {  	s7 =	simm.s32 $0x0;
	s20 =	sshll.u32 s5, $0x1;
	s5 =	sadd.s32 s21, s3  }
0x9d: {  	[timem:s7], [sflag:s22] =	dma.local [hbm:s5], s20  }
0x9e: {  	_ =	swait.ge [sflag:s22], s20  }
0x9f: {  	s4 =	ssub.s32 $0x0, s20;
	[sflag:s22] =	ssyncset.done $0x0  }
0xa0: {  	[sflag:s22] =	ssyncadd.s32 s4;
	_ =	sdelay $0x1  }
0xa1: {  	s23 =	simm.s32 $0x1B8B  }
0xa2: {  	_ =	swait.ge [sflag:s23], $0x1  }
0xa3: {  	[sflag:s23] =	ssyncset.done $0x0  }
0xa4: {  	s25 =	simm.s32 $0x1B8E;
	s24 =	sld [smem:$0x3FFE];
	[sflag:s23] =	ssyncadd.s32 $0xFFFFFFFF  }
0xa5: {  	s26 =	simm.s32 $execute0_lowered;
	[smem:$0x3FD2] =	sst s25  }
0xa6: {  	s5 =	sshll.u32 s26, $0x1;
	_ =	strace $0x8000005B;
	[dreg:$0x1] =	wrdreg $0xFFFFFFFF  }
0xa7: {  	s28 =	simm.s32 $_size_execute0_lowered;
	s3 =	sadd.s32 s3, s5;
	[dreg:$0x0] =	wrdreg $0x0  }
0xa8: {  	s5 =	sshll.u32 s28, $0x1;
	[dreg:$0x2] =	wrdreg s3  }
0xa9: {  	[dreg:$0x3] =	wrdreg s5  }
0xaa: {  	[dreg:$0x4] =	wrdreg $0xC0  }
0xab: {  	_ =	task [dreg:s7], $0x5FFFF  }
0xac: {  	[dreg:$0x1] =	wrdreg $0xFFFFFFFF  }
0xad: {  	[dreg:$0x0] =	wrdreg $0x60  }
0xae: {  	[dreg:$0x2] =	wrdreg s24  }
0xaf: {  	[dreg:$0x3] =	wrdreg s2  }
0xb0: {  	[dreg:$0x4] =	wrdreg $0x28800  }
0xb1: {  	[dreg:$0x5] =	wrdreg $0x9  }
0xb2: {  	_ =	task.clear_ibuf [dreg:s7], $0x6FFFF;
	_ =	strace $0x9000005B  }
0xb3: {  	s29 =	simm.s32 $0x9;
	_ =	strace $0x8000005D  }
0xb4: {  	_ =	swait.ge [sflag:s29], $0x1  }
0xb5: {  	[sflag:s29] =	ssyncadd.s32 $0xFFFFFFFF  }
0xb6: {  	_ =	strace $0x9000005D  }
0xb7: {  	_ =	sfence  }
0xb8: {  	s30 =	sld [smem:$0x0];
	_ =	sdelay $0x2  }
0xb9: {  	s31 =	sshll.u32 s1, $0xD;
	s1 =	sshrl.u32 s1, $0x2  }
0xba: {  	s3 =	sand.u32 $0x4000, s31;
	s1 =	sadd.s32 s1, s30  }
0xbb: {  	s0 =	sor.u32 s3, s0;
	s1 =	sshll.u32 s1, $0x11  }
0xbc: {  	s0 =	sor.u32 s1, s0  }
0xbd: {  	s0 =	sadd.s32 $0x8F2B, s0  }
0xbe: {  	[sflag:s0] =	ssyncadd.remote.s32 $0x1  }
0xbf: {  	_ =	sfence.sel $0xFFFF  }
0xc0: {  	[dreg:$0x0] =	wrdreg $0xFFFFFFFF;
	(pc) =	sbr.abs _section_cstart, $3  }
0xc1: {  	[dreg:$0x1] =	wrdreg $0xFFFFFFFF  }
0xc2: {  	_ =	task.clear_ibuf [dreg:s7], $0x2FFFF;
	_ =	strace $0x9FFFFFFF  }
0xc3: {  	(tm) =	ssettm $0x7FFFFFFF  }
tec
execute0_lowered:
.L_overlay_start_1:
0x0: {  	(tag) =	ssettag $0x1  }
0x1: {  	s0 =	rddreg [dreg:$0x0];
	s25 =	stileid.u32  }
0x2: {  	s1 =	srdreg.scid;
	s6 =	smul.u32 $0x2710, s25  }
0x3: {  	s2 =	rddreg [dreg:$0x1];
	s8 =	smul.u32 $0xA000, s25  }
0x4: {  	s3 =	rddreg [dreg:$0x2];
	s4 =	simm.s32 $0x0;
	s10 =	smul.u32 $0x2800, s25  }
0x5: {  	s28 =	simm.s32 $0x50;
	s1 =	sand.u32 $0x1, s1;
	s15 =	smul.u32 $0x27100, s25  }
0x6: {  	s29 =	simm.s32 $0x0;
	[smem:$0x7FF] =	sst s4;
	s5 =	smul.u32 $0x27100, s1  }
0x7: {  	s20 =	sshll.u32 s25, $0x6;
	s30 =	sor.u32 $0x70, s25;
	s7 =	smul.u32 $0x271000, s1  }
0x8: {  	p0 =	sgt.u32 s25, $0xC;
	s18 =	ssub.s32 $0x2, s1;
	s1 =	smul.u32 $0x138800, s1  }
0x9: {  	s25 =	simm.s32 $0x1;
	_ =	strace $0x8000005C;
	s31 =	smul.u32 $0xA000, s30  }
0xa: {  	s9 =	sshrl.u32 s18, $0x1;
	s19 =	sshrl.u32 s8, $0x2;
	s21 =	sadd.s32 $0x28000, s10  }
0xb: {  	s22 =	sadd.s32 $0x50000, s10;
	s12 =	sadd.s32 $0x78000, s10;
	s24 =	sadd.s32 $0xA0000, s10  }
0xc: {  	s26 =	sadd.s32 $0xC8000, s10;
	s17 =	sadd.s32 $0xF0000, s10;
	s5 =	sadd.s32 s6, s5  }
0xd: {  	s7 =	sadd.s32 s7, s0;
	s9 =	ssub.s32 s18, s9;
	s6 =	sadd.s32 s19, s3  }
0xe: {  	s11 =	sadd.s32 s21, s3;
	s13 =	sadd.s32 s22, s3;
	[dreg:$0x4] =	wrdreg s6  }
0xf: {  	s23 =	sadd.s32 s12, s3;
	s14 =	sadd.s32 s24, s3;
	[dreg:$0x5] =	wrdreg s11  }
0x10: {  	s16 =	sadd.s32 s26, s3;
	s10 =	sadd.s32 s10, s1;
	[dreg:$0x6] =	wrdreg s13  }
0x11: {  	s8 =	sadd.s32 s1, s21;
	s12 =	sadd.s32 s1, s12;
	[dreg:$0x7] =	wrdreg s23  }
0x12: {  	s18 =	sadd.s32 s1, s24;
	s19 =	sadd.s32 s1, s26;
	[dreg:$0x8] =	wrdreg s14  }
0x13: {  	s5 =	sshrl.u32 s5, $0x3;
	s6 =	sor.u32 $0x1C01, s20;
	[dreg:$0x9] =	wrdreg s16  }
0x14: {  	s7 =	sadd.s32 s15, s7;
	s16 =	smul.u32 $0x2800, s30;
	s11 =	sadd.s32 s1, s22  }
0x15: {  	s20 =	sadd.s32 s17, s3;
	s22 =	sshrl.u32 s31, $0x2;
	s10 =	sshrl.u32 s10, $0x3  }
0x16: {  	s8 =	sshrl.u32 s8, $0x3;
	s24 =	sshrl.u32 s12, $0x3;
	s26 =	sshrl.u32 s18, $0x3  }
0x17: {  	s30 =	sshrl.u32 s19, $0x3;
	s5 =	sadd.s32 s5, s0;
	s0 =	sadd.s32 $0x1C800, s0  }
0x18: {  	[dreg:$0xa] =	wrdreg s20;
	s13 =	sadd.s32 s22, s3;
	s23 =	sshrl.u32 s11, $0x3  }
0x19: {  	s22 =	smax.u32 s9, $0x1;
	s21 =	sadd.s32 s1, s16;
	s1 =	sadd.s32 s1, s17  }
0x1a: {  	[dreg:$0xb] =	wrdreg s13;
	s10 =	sadd.s32 s0, s10;
	s15 =	sadd.s32 s0, s8  }
0x1b: {  	s16 =	sadd.s32 s0, s23;
	s17 =	sadd.s32 s0, s24;
	s18 =	sadd.s32 s0, s26  }
0x1c: {  	s19 =	sadd.s32 s0, s30;
	s23 =	sadd.s32 $0xA07C00, s7;
	s24 =	sadd.s32 $0x12A00, s5  }
0x1d: {  	s26 =	simm.s32 $0x80;
	s1 =	sshrl.u32 s1, $0x3;
	s31 =	sshrl.u32 s21, $0x3  }
0x1e: {  	[dreg:$0xc] =	wrdreg s10;
	s20 =	sadd.s32 s0, s1;
	s21 =	sadd.s32 s0, s31  }
.LBB2_1:
0x1f: {  	s0 =	rddreg [dreg:$0x4]  }
0x20: {  	s30 =	sshrl.u32 s0, $0x3  }
0x21: {  	[spmem:s30], [sflag:s6] =	dma.local [hbm:s2], $0x500  }
0x22: {  	_ =	swait.ge [sflag:s25], $0x500  }
0x23: {  	[sflag:s25] =	ssyncset.done $0x0;
	s11 =	rddreg [dreg:$0x5]  }
0x24: {  	[sflag:s25] =	ssyncadd.s32 $0xFFFFFB00;
	s31 =	sshrl.u32 s11, $0x3  }
0x25: {  	[spmem:s31], [sflag:s6] =	dma.local [hbm:s2], $0x500  }
0x26: {  	_ =	swait.ge [sflag:s25], $0x500  }
0x27: {  	[sflag:s25] =	ssyncset.done $0x0;
	s12 =	rddreg [dreg:$0x6]  }
0x28: {  	[sflag:s25] =	ssyncadd.s32 $0xFFFFFB00;
	s1 =	sshrl.u32 s12, $0x3  }
0x29: {  	[spmem:s1], [sflag:s6] =	dma.local [hbm:s2], $0x500  }
0x2a: {  	_ =	swait.ge [sflag:s25], $0x500  }
0x2b: {  	[sflag:s25] =	ssyncset.done $0x0;
	s13 =	rddreg [dreg:$0x7]  }
0x2c: {  	[sflag:s25] =	ssyncadd.s32 $0xFFFFFB00;
	s0 =	sshrl.u32 s13, $0x3  }
0x2d: {  	[spmem:s0], [sflag:s6] =	dma.local [hbm:s2], $0x500  }
0x2e: {  	_ =	swait.ge [sflag:s25], $0x500  }
0x2f: {  	[sflag:s25] =	ssyncset.done $0x0;
	s5 =	rddreg [dreg:$0x8]  }
0x30: {  	[sflag:s25] =	ssyncadd.s32 $0xFFFFFB00;
	s5 =	sshrl.u32 s5, $0x3  }
0x31: {  	[spmem:s5], [sflag:s6] =	dma.local [hbm:s2], $0x500  }
0x32: {  	_ =	swait.ge [sflag:s25], $0x500  }
0x33: {  	[sflag:s25] =	ssyncset.done $0x0;
	s7 =	rddreg [dreg:$0x9]  }
0x34: {  	[sflag:s25] =	ssyncadd.s32 $0xFFFFFB00;
	s7 =	sshrl.u32 s7, $0x3  }
0x35: {  	[spmem:s7], [sflag:s6] =	dma.local [hbm:s2], $0x500  }
0x36: {  	_ =	swait.ge [sflag:s25], $0x500  }
0x37: {  	[sflag:s25] =	ssyncset.done $0x0;
	s8 =	rddreg [dreg:$0xa]  }
0x38: {  	[sflag:s25] =	ssyncadd.s32 $0xFFFFFB00;
	s8 =	sshrl.u32 s8, $0x3  }
0x39: {  	[spmem:s8], [sflag:s6] =	dma.local [hbm:s2], $0x500  }
0x3a: {  	_ =	swait.ge [sflag:s25], $0x500  }
0x3b: {  	[sflag:s25] =	ssyncset.done $0x0;
	s9 =	rddreg [dreg:$0xb]  }
0x3c: {  	s10 =	simm.s32 @!p0 $0x1;
	[sflag:s25] =	ssyncadd.s32 $0xFFFFFB00;
	s9 =	sshrl.u32 @!p0 s9, $0x3  }
0x3d: {  	[spmem:s9], [sflag:s6] =	dma.local @!p0 [hbm:s2], $0x500  }
0x3e: {  	_ =	swait.ge @!p0 [sflag:s10], $0x500  }
0x3f: {  	[sflag:s10] =	ssyncset.done @!p0 $0x0  }
0x40: {  	[sflag:s10] =	ssyncadd.s32 @!p0 $0xFFFFFB00  }
0x41: {  	s14 =	sadd.s32 $0x0, s24;
	[bflag:$0x0] =	sbarrier.arrive $0xFFFF  }
0x42: {  	[tilespmem:s4], [sflag:$0x1] =	stream.linear.gather [hbm4b:s14+s4], $0x50, $0x38;
	[tilespmem:$0xEBD0] =	vst v63  }
0x43: {  	_ =	swait.ge [sflag:s25], $0x50  }
0x44: {  	[sflag:s25] =	ssyncset.done $0x0  }
0x45: {  	[sflag:s25] =	ssyncadd.s32 $0xFFFFFFB0  }
0x46: {  	[tilespmem:s26], [sflag:$0x1] =	stream.linear.gather [hbm4b:s23+s4], $0x2800, $0x38;
	[tilespmem:$0xEBD0] =	vst v63  }
0x47: {  	_ =	swait.ge [sflag:s25], $0x2800  }
0x48: {  	[sflag:s25] =	ssyncset.done $0x0  }
0x49: {  	[sflag:s25] =	ssyncadd.s32 $0xFFFFD800  }
0x4a: {  	[spmem:s3] =	stream.indirect.scatter.add.f32 [tilespmem:s26], [sflag:$0x1], $0x50, s4, s28, $0xb8;
	[tilespmem:$0xEBD0] =	vst v63  }
0x4b: {  	s11 =	simm.s32 $0xA;
	_ =	swait.ge [sflag:s25], $0x1900  }
0x4c: {  	s12 =	simm.s32 $0x14;
	s10 =	sadd.s32 $0x500, s23;
	[sflag:s25] =	ssyncset.done $0x0  }
.LBB2_2:
0x4d: {  	s13 =	sadd.s32 s11, s24  }
0x4e: {  	[sflag:s25] =	ssyncadd.s32 $0xFFFFE700;
	s11 =	smov.u32 s12;
	s14 =	sadd.s32 $0xA, s12  }
0x4f: {  	[tilespmem:s4], [sflag:$0x1] =	stream.linear.gather [hbm4b:s13+s4], $0x50, $0x38;
	[tilespmem:$0xEBD0] =	vst v63  }
0x50: {  	p1 =	sne.s32 s12, $0x4D8;
	_ =	swait.ge [sflag:s25], $0x50  }
0x51: {  	[sflag:s25] =	ssyncset.done $0x0  }
0x52: {  	[sflag:s25] =	ssyncadd.s32 $0xFFFFFFB0  }
0x53: {  	[tilespmem:s26], [sflag:$0x1] =	stream.linear.gather [hbm4b:s10+s4], $0x2800, $0x38;
	[tilespmem:$0xEBD0] =	vst v63  }
0x54: {  	_ =	swait.ge [sflag:s25], $0x2800  }
.Ltmp0:
0x55: {  	[sflag:s25] =	ssyncset.done $0x0;
	(pc) =	sbr.rel @p1 .LBB2_2-.Ltmp0, $4  }
0x56: {  	[sflag:s25] =	ssyncadd.s32 $0xFFFFD800  }
0x57: {  	[spmem:s3] =	stream.indirect.scatter.add.f32 [tilespmem:s26], [sflag:$0x1], $0x50, s4, s28, $0xb8;
	[tilespmem:$0xEBD0] =	vst v63  }
0x58: {  	_ =	swait.ge [sflag:s25], $0x1900  }
0x59: {  	s12 =	smov.u32 s14;
	s10 =	sadd.s32 $0x500, s10;
	[sflag:s25] =	ssyncset.done $0x0  }
0x5a: {  	s11 =	sadd.s32 s11, s24;
	[sflag:s25] =	ssyncadd.s32 $0xFFFFE700  }
0x5b: {  	[tilespmem:s4], [sflag:$0x1] =	stream.linear.gather [hbm4b:s11+s4], $0x50, $0x38;
	[tilespmem:$0xEBD0] =	vst v63  }
0x5c: {  	_ =	swait.ge [sflag:s25], $0x50  }
0x5d: {  	[sflag:s25] =	ssyncset.done $0x0  }
0x5e: {  	[sflag:s25] =	ssyncadd.s32 $0xFFFFFFB0  }
0x5f: {  	[tilespmem:s26], [sflag:$0x1] =	stream.linear.gather [hbm4b:s10+s4], $0x2800, $0x38;
	[tilespmem:$0xEBD0] =	vst v63  }
0x60: {  	_ =	swait.ge [sflag:s25], $0x2800  }
0x61: {  	[sflag:s25] =	ssyncset.done $0x0  }
0x62: {  	[sflag:s25] =	ssyncadd.s32 $0xFFFFD800  }
0x63: {  	[spmem:s3] =	stream.indirect.scatter.add.f32 [tilespmem:s26], [sflag:$0x1], $0x50, s4, s28, $0xb8;
	[tilespmem:$0xEBD0] =	vst v63  }
0x64: {  	_ =	swait.ge [sflag:s25], $0x1900  }
0x65: {  	[sflag:s25] =	ssyncset.done $0x0  }
0x66: {  	[sflag:s25] =	ssyncadd.s32 $0xFFFFE700  }
0x67: {  	[bflag:$0x0] =	sbarrier.arrive $0xFFFF  }
0x68: {  	s14 =	rddreg [dreg:$0xc]  }
0x69: {  	[hbm:s14], [sflag:s6] =	dma.local [spmem:s30], $0x500  }
0x6a: {  	_ =	swait.ge [sflag:s25], $0x500  }
0x6b: {  	[sflag:s25] =	ssyncset.done $0x0  }
0x6c: {  	[sflag:s25] =	ssyncadd.s32 $0xFFFFFB00  }
0x6d: {  	[hbm:s15], [sflag:s6] =	dma.local [spmem:s31], $0x500  }
0x6e: {  	_ =	swait.ge [sflag:s25], $0x500  }
0x6f: {  	[sflag:s25] =	ssyncset.done $0x0  }
0x70: {  	[sflag:s25] =	ssyncadd.s32 $0xFFFFFB00  }
0x71: {  	[hbm:s16], [sflag:s6] =	dma.local [spmem:s1], $0x500  }
0x72: {  	_ =	swait.ge [sflag:s25], $0x500  }
0x73: {  	[sflag:s25] =	ssyncset.done $0x0  }
0x74: {  	[sflag:s25] =	ssyncadd.s32 $0xFFFFFB00  }
0x75: {  	[hbm:s17], [sflag:s6] =	dma.local [spmem:s0], $0x500  }
0x76: {  	_ =	swait.ge [sflag:s25], $0x500  }
0x77: {  	[sflag:s25] =	ssyncset.done $0x0  }
0x78: {  	[sflag:s25] =	ssyncadd.s32 $0xFFFFFB00  }
0x79: {  	[hbm:s18], [sflag:s6] =	dma.local [spmem:s5], $0x500  }
0x7a: {  	_ =	swait.ge [sflag:s25], $0x500  }
0x7b: {  	[sflag:s25] =	ssyncset.done $0x0  }
0x7c: {  	[sflag:s25] =	ssyncadd.s32 $0xFFFFFB00  }
0x7d: {  	[hbm:s19], [sflag:s6] =	dma.local [spmem:s7], $0x500  }
0x7e: {  	_ =	swait.ge [sflag:s25], $0x500  }
0x7f: {  	[sflag:s25] =	ssyncset.done $0x0  }
0x80: {  	[sflag:s25] =	ssyncadd.s32 $0xFFFFFB00  }
0x81: {  	[hbm:s20], [sflag:s6] =	dma.local [spmem:s8], $0x500  }
0x82: {  	s29 =	sadd.s32 $0x1, s29;
	_ =	swait.ge [sflag:s25], $0x500  }
0x83: {  	p1 =	sne.s32 s29, s22;
	[sflag:s25] =	ssyncset.done $0x0  }
.Ltmp1:
0x84: {  	s0 =	simm.s32 @!p0 $0x1;
	[sflag:s25] =	ssyncadd.s32 $0xFFFFFB00;
	(pc) =	sbr.rel @p1 .LBB2_1-.Ltmp1, $4  }
0x85: {  	[hbm:s21], [sflag:s6] =	dma.local @!p0 [spmem:s9], $0x500  }
0x86: {  	_ =	swait.ge @!p0 [sflag:s0], $0x500  }
0x87: {  	[sflag:s0] =	ssyncset.done @!p0 $0x0  }
0x88: {  	[sflag:s0] =	ssyncadd.s32 @!p0 $0xFFFFFB00  }
0x89: {  	_ =	sfence.sel $0x180000  }
0x8a: {  	[bflag:$0x0] =	sbarrier.arrive $0xFFFF  }
0x8b: {  	_ =	strace $0x9000005C  }
0x8c: {  	s0 =	stileid.u32;
	[bflag:$0x2] =	sbarrier.arrive $0xFFFF  }
0x8d: {  	p0 =	sne.s32 s0, $0x0;
	s0 =	rddreg [dreg:$0x3]  }
0x8e: {  	s0 =	sadd.s32 @!p0 $0x100000, s0  }
0x8f: {  	[sflag:s0] =	ssyncadd.tile.s32 @!p0 $0x1;
	_ =	shalt  }
.Lfunc_end2:
_tile_overlayer_lowered:
.L_overlay_start_2:
0x90: {  	(tag) =	ssettag $0x2  }
0x91: {  	s0 =	rddreg [dreg:$0x0];
	s2 =	stileid.u32  }
0x92: {  	s1 =	rddreg [dreg:$0x1];
	p0 =	sne.s32 s2, $0x0  }
0x93: {  	s3 =	rddreg [dreg:$0x2];
	[bflag:$0x3] =	sbarrier.arrive $0xFFFF;
	s2 =	simm.s32 @!p0 $0x1C01  }
0x94: {  	[timem:s3], [sflag:s2] =	dma.local @!p0 [hbm:s0], s1  }
0x95: {  	s0 =	simm.s32 @!p0 $0x1  }
0x96: {  	_ =	swait.ge @!p0 [sflag:s0], s1  }
0x97: {  	s1 =	ssub.s32 @!p0 $0x0, s1;
	[sflag:s0] =	ssyncset.done @!p0 $0x0  }
0x98: {  	[sflag:s0] =	ssyncadd.s32 @!p0 s1  }
0x99: {  	[bflag:$0x3] =	sbarrier.arrive $0xFFFF  }
0x9a: {  	_ =	shalt  }

</sc_bundles>
